<compile_context>
chip_gen: v7x
topology: tpu7x:2x2x1
jax: 0.10.2.dev20260603
libtpu: 0.0.44.dev20260713+nightly
codegen_flags: <defaults>
</compile_context>

<pallas_src>
import functools

import jax
import jax.numpy as jnp
from jax import lax
from jax.experimental import pallas as pl
from jax.experimental.pallas import tpu as pltpu
from jax.experimental.pallas import tpu_sc as plsc

_P = 5
_LANES = 2048
_LUT_N = 16384
_NW = 32
_CHR = 8


def _stats_kernel(nb, x_ref, c_ref, s_ref, prm_ref, n_ref, lut_ref, aux_ref,
                  mm_ref, cum_ref):
    i = pl.program_id(0)
    x = x_ref[...] * c_ref[0, 0]

    @pl.when(i < nb)
    def _():
        bmn = jnp.min(x)
        bmx = jnp.max(x)

        @pl.when(i == 0)
        def _():
            mm_ref[0, 0] = bmn
            mm_ref[0, 1] = bmx

        @pl.when(i > 0)
        def _():
            mm_ref[0, 0] = jnp.minimum(mm_ref[0, 0], bmn)
            mm_ref[0, 1] = jnp.maximum(mm_ref[0, 1], bmx)

    @pl.when((i >= nb) & (i < 2 * nb))
    def _():
        dmin = mm_ref[0, 0]
        dmax = mm_ref[0, 1]
        span = dmax - dmin
        width = jnp.where(span > 0, span / _P, 1.0)

        @pl.when(i == nb)
        def _():
            for k in range(_P - 1):
                cum_ref[0, k] = 0.0

        for k in range(1, _P):
            t = dmin + width * k
            s = jnp.sum((x < t).astype(jnp.float32))
            cum_ref[0, k - 1] = cum_ref[0, k - 1] + s

    @pl.when(i == 2 * nb)
    def _():
        dmin = mm_ref[0, 0]
        dmax = mm_ref[0, 1]
        span = dmax - dmin
        rows = _LUT_N // _LANES
        jr = lax.broadcasted_iota(jnp.int32, (rows, _LANES), 0)
        jc = lax.broadcasted_iota(jnp.int32, (rows, _LANES), 1)
        j = (jr * _LANES + jc).astype(jnp.float32)
        step = span / (_LUT_N - 1)
        xnodes = dmin + j * step
        cum = [cum_ref[0, k] for k in range(_P - 1)]
        prm = [[prm_ref[r, k] for k in range(_P)] for r in range(2)]
        lut_ref[...] = _transform_math(xnodes, s_ref[0, 0], dmin, dmax, cum,
                                       prm, n_ref[0, 0])
        inv = jnp.where(span > 0, (_LUT_N - 1.0) / span, 0.0)
        aux_ref[0, 0] = c_ref[0, 0] * inv
        aux_ref[0, 1] = 0.5 - dmin * inv
        for k in range(2, 16):
            aux_ref[0, k] = 0.0


def _chain4(ind, vals):
    return jnp.where(
        ind == 1, vals[0],
        jnp.where(ind == 2, vals[1], jnp.where(ind == 3, vals[2], vals[3])))


def _chain5(b, vals):
    return jnp.where(
        b == 0, vals[0],
        jnp.where(b == 1, vals[1],
                  jnp.where(b == 2, vals[2], jnp.where(b == 3, vals[3], vals[4]))))


def _interp_frame(accum, p, q):
    cnt = sum((accum[j] < q).astype(jnp.int32) for j in range(_P))
    ind = jnp.clip(cnt, 1, _P - 1)
    x0 = _chain4(ind, accum[0:4])
    x1 = _chain4(ind, accum[1:5])
    y0 = _chain4(ind, p[0:4])
    y1 = _chain4(ind, p[1:5])
    slope = (y1 - y0) / (x1 - x0)
    return y0 + slope * (q - x0)


def _transform_math(x, st, dmin, dmax, cum, prm, n):
    span = dmax - dmin
    width = jnp.where(span > 0, span / _P, 1.0)
    accum = [cum[k] * (4.0 / n) for k in range(_P - 1)] + [jnp.float32(4.0)]
    grid = [dmin + width * (k + 0.5) for k in range(_P)]
    p_t = [prm[0][k] for k in range(_P)]
    p_v = [prm[1][k] for k in range(_P)]

    f = [_interp_frame(accum, p_t, jnp.float32(q)) for q in range(_P)]
    v = [_interp_frame(accum, p_v, jnp.float32(q)) for q in range(_P)]

    slope_seg = [(accum[j] - accum[j - 1]) / (grid[j] - grid[j - 1])
                 for j in range(1, _P)]
    a_seg = [accum[j - 1] - slope_seg[j - 1] * grid[j - 1] for j in range(1, _P)]

    f_delta = [f[min(b + 1, _P - 1)] - f[b] for b in range(_P)]
    v_delta = [v[min(b + 1, _P - 1)] - v[b] for b in range(_P)]

    cnt = sum((x > grid[j]).astype(jnp.int32) for j in range(_P))
    ind = jnp.clip(cnt, 1, _P - 1)
    index = _chain4(ind, a_seg) + _chain4(ind, slope_seg) * x

    begin = jnp.clip(jnp.floor(index), 0.0, float(_P - 1))
    b = begin.astype(jnp.int32)
    pos = index - begin
    theta = _chain5(b, f) + pos * _chain5(b, f_delta)
    velo = _chain5(b, v) + pos * _chain5(b, v_delta)

    ds = velo * 0.01
    return (x * (1.0 + ds * jnp.sin(theta)) + ds * jnp.cos(theta)) * st


def _sc_gather_body(data_hbm, lut_hbm, aux_hbm, out_hbm, lut_v, aux_v,
                    in0, in1, out0, out1, sin0, sin1, sout0, sout1):
    wid = lax.axis_index("s") * 2 + lax.axis_index("c")
    rows_per_w = data_hbm.shape[0] // _NW
    chunks = rows_per_w // _CHR
    base = wid * rows_per_w
    pltpu.sync_copy(lut_hbm, lut_v)
    pltpu.sync_copy(aux_hbm, aux_v)
    av = aux_v[...]
    scale = av[0]
    bias = av[1]

    bufs = ((in0, out0, sin0, sout0), (in1, out1, sin1, sout1))

    def in_slice(ci):
        return data_hbm.at[pl.ds(base + ci * _CHR, _CHR), :]

    def out_slice(ci):
        return out_hbm.at[pl.ds(base + ci * _CHR, _CHR), :]

    pltpu.async_copy(in_slice(0), in0, sin0)
    pltpu.async_copy(in_slice(1), in1, sin1)

    def pair_body(g, _):
        for b in range(2):
            bin_, bout, si, so = bufs[b]
            ci = 2 * g + b
            pltpu.make_async_copy(in_slice(ci), bin_, si).wait()

            @pl.when(g > 0)
            def _():
                pltpu.make_async_copy(bout, out_slice(ci - 2), so).wait()

            for r in range(_CHR):

                @plsc.parallel_loop(0, _LANES // 16, unroll=8)
                def _(i):
                    d = bin_[r, pl.ds(i * 16, 16)]
                    u = d * scale + bias
                    j = jnp.minimum(u.astype(jnp.int32), _LUT_N - 1)
                    bout[r, pl.ds(i * 16, 16)] = plsc.load_gather(lut_v, [j])

            pltpu.async_copy(bout, out_slice(ci), so)

            @pl.when(ci + 2 < chunks)
            def _():
                pltpu.async_copy(in_slice(ci + 2), bin_, si)

        return 0

    lax.fori_loop(0, chunks // 2, pair_body, 0)
    pltpu.make_async_copy(out0, out_slice(chunks - 2), sout0).wait()
    pltpu.make_async_copy(out1, out_slice(chunks - 1), sout1).wait()


def kernel(data, params, channel_transform, spatio_transform):
    shape = data.shape
    n = data.size
    rows = n // _LANES
    br = 1024 if rows % 1024 == 0 else rows
    nb = rows // br
    x2 = data.reshape(rows, _LANES)
    c = channel_transform.reshape(1, 1)
    s = spatio_transform.reshape(1, 1)
    prm = params.reshape(2, _P)
    nf = jnp.full((1, 1), float(n), dtype=jnp.float32)

    smem11 = pl.BlockSpec((1, 1), lambda i: (0, 0), memory_space=pltpu.SMEM)
    xspec = pl.BlockSpec((br, _LANES), lambda i: (i % nb, 0))

    lut, aux = pl.pallas_call(
        functools.partial(_stats_kernel, nb),
        grid=(2 * nb + 1,),
        in_specs=[xspec, smem11, smem11,
                  pl.BlockSpec((2, _P), lambda i: (0, 0),
                               memory_space=pltpu.SMEM),
                  smem11],
        out_specs=[pl.BlockSpec((_LUT_N // _LANES, _LANES), lambda i: (0, 0)),
                   pl.BlockSpec((1, 16), lambda i: (0, 0),
                                memory_space=pltpu.SMEM)],
        out_shape=[jax.ShapeDtypeStruct((_LUT_N // _LANES, _LANES), jnp.float32),
                   jax.ShapeDtypeStruct((1, 16), jnp.float32)],
        scratch_shapes=[pltpu.SMEM((1, 2), jnp.float32),
                        pltpu.SMEM((1, _P - 1), jnp.float32)],
    )(x2, c, s, prm, nf)

    mesh = plsc.VectorSubcoreMesh(core_axis_name="c", subcore_axis_name="s")
    sc_call = functools.partial(
        pl.kernel,
        mesh=mesh,
        out_type=jax.ShapeDtypeStruct((rows, _LANES), jnp.float32),
        scratch_types=[
            pltpu.VMEM((_LUT_N,), jnp.float32),
            pltpu.VMEM((16,), jnp.float32),
            pltpu.VMEM((_CHR, _LANES), jnp.float32),
            pltpu.VMEM((_CHR, _LANES), jnp.float32),
            pltpu.VMEM((_CHR, _LANES), jnp.float32),
            pltpu.VMEM((_CHR, _LANES), jnp.float32),
            pltpu.SemaphoreType.DMA,
            pltpu.SemaphoreType.DMA,
            pltpu.SemaphoreType.DMA,
            pltpu.SemaphoreType.DMA,
        ],
        compiler_params=pltpu.CompilerParams(needs_layout_passes=False),
    )
    out = sc_call(_sc_gather_body)(x2, lut.reshape(_LUT_N), aux.reshape(16))
    return out.reshape(shape)

# --- scband reference (transcript-rebuilt; emitter-appended) ---
"""Pipeline reference for scband-lnon-72808285601882 (READ-ONLY COPY).

The authoritative reference and input builder live on the scoring server;
editing this copy changes nothing except your own understanding.
"""

import jax, jax.numpy as jnp
import numpy as np

GROUPS = 1
POINTS = 5


def interp1d(x, y, xnew):
    # 1D linear interpolation with linear extrapolation at the ends
    x = x.reshape(-1).astype(jnp.float32)
    y = y.reshape(-1).astype(jnp.float32)
    flat = xnew.reshape(-1)
    ind = jnp.clip(jnp.searchsorted(x, flat), 1, x.shape[0] - 1)
    x0 = x[ind - 1]
    x1 = x[ind]
    y0 = y[ind - 1]
    y1 = y[ind]
    slope = (y1 - y0) / (x1 - x0)
    return (y0 + slope * (flat - x0)).reshape(xnew.shape)


def _accessor(data, param, points):
    d = data.reshape(-1)
    p = param.reshape(-1)
    dmin = jnp.min(d)
    dmax = jnp.max(d)
    # th.histogram(data, bins=points, range=(dmin, dmax), density=True) followed by
    # prob / prob.sum() is equivalent to normalized counts
    span = dmax - dmin
    width = jnp.where(span > 0, span / points, 1.0)
    bin_idx = jnp.clip(jnp.floor((d - dmin) / width).astype(jnp.int32), 0, points - 1)
    counts = jnp.zeros((points,), dtype=jnp.float32).at[bin_idx].add(1.0)
    prob = counts / jnp.sum(counts)
    accum = jnp.cumsum(prob) * (points - 1)
    edges = jnp.linspace(dmin, dmax, points + 1)
    grid = (edges[1:] + edges[:-1]) / 2.0
    index = interp1d(grid, accum, d)
    frame = interp1d(accum, p, jnp.arange(points, dtype=jnp.float32))
    return frame, index


def _access(frame, index, points):
    frame = frame.reshape(-1)
    index = index.reshape(-1)
    begin = jnp.clip(jnp.floor(index).astype(jnp.int32), 0, points - 1)
    pos = index - begin.astype(index.dtype)
    end = jnp.clip(begin + 1, 0, points - 1)
    return (1.0 - pos) * frame[begin] + pos * frame[end]


def _step(data, param, points):
    frame, index = _accessor(data, param[0:1], points)
    theta = _access(frame, index, points).reshape(data.shape)
    frame2, index2 = _accessor(data, param[1:2], points)
    velo = _access(frame2, index2, points).reshape(data.shape)
    ds = velo * 0.01
    dx = ds * jnp.cos(theta)
    dy = ds * jnp.sin(theta)
    return data * (1.0 + dy) + dx


def setup_inputs(seed: int = 0) -> dict:
    key = jax.random.key(seed)
    kd, kc, ks = jax.random.split(key, 3)
    data = jax.random.normal(kd, (4, 2048, 2048), dtype=jnp.float32)
    theta = jnp.concatenate([jnp.linspace(0.0, 2.0 * jnp.pi, POINTS).reshape(1, 1, POINTS) for _ in range(GROUPS)], axis=1)
    velocity = jnp.concatenate([jnp.linspace(0.0, 1.0, POINTS).reshape(1, 1, POINTS) for _ in range(GROUPS)], axis=1)
    params = jnp.concatenate([theta, velocity], axis=0).astype(jnp.float32)
    channel_transform = jax.random.normal(kc, (1, 1, 1, 1), dtype=jnp.float32)
    spatio_transform = jax.random.normal(ks, (1, 1, 1, 1), dtype=jnp.float32)
    return {"data": data, "params": params, "channel_transform": channel_transform, "spatio_transform": spatio_transform}


def reference(data, params, channel_transform, spatio_transform):
    shape = data.shape
    x = data * channel_transform  # broadcasts [B,S,D] * [1,1,1,1] -> [1,B,S,D] (torch semantics)
    trunk = []
    p = params * jnp.ones_like(params)
    for ix in range(GROUPS):
        data_slice = x[:, ix::GROUPS].reshape(-1, 1, 1)
        param_slice = p[:, ix:ix + 1]
        trunk.append(_step(data_slice, param_slice, POINTS))
    y = jnp.concatenate(trunk, axis=1)
    y = y * spatio_transform
    return y.reshape(shape)

if __name__ == "__main__":
    import jax
    _d = setup_inputs()
    print(jax.jit(kernel)(*tuple(_d.values())))

</pallas_src>

<mosaic_0001>
#map = affine_map<(d0, d1) -> (0, 0)>
#map1 = affine_map<(d0, d1) -> (0)>
module attributes {stable_mosaic.version = 14 : i64} {
  func.func @_sc_gather_body(%arg0: i32, %arg1: i32, %arg2: memref<8192x2048xf32, #tpu.memory_space<hbm>>, %arg3: memref<16384xf32, #tpu.memory_space<hbm>>, %arg4: memref<16xf32, #tpu.memory_space<hbm>>, %arg5: memref<8192x2048xf32, #tpu.memory_space<hbm>>, %arg6: memref<16384xf32, #tpu.memory_space<vmem>>, %arg7: memref<16xf32, #tpu.memory_space<vmem>>, %arg8: memref<8x2048xf32, #tpu.memory_space<vmem>>, %arg9: memref<8x2048xf32, #tpu.memory_space<vmem>>, %arg10: memref<8x2048xf32, #tpu.memory_space<vmem>>, %arg11: memref<8x2048xf32, #tpu.memory_space<vmem>>, %arg12: memref<!tpu.dma_semaphore, #tpu.memory_space<semaphore_mem>>, %arg13: memref<!tpu.dma_semaphore, #tpu.memory_space<semaphore_mem>>, %arg14: memref<!tpu.dma_semaphore, #tpu.memory_space<semaphore_mem>>, %arg15: memref<!tpu.dma_semaphore, #tpu.memory_space<semaphore_mem>>) attributes {dimension_semantics = [#tpu.dimension_semantics<core_parallel>, #tpu.dimension_semantics<subcore_parallel>], iteration_bounds = array<i64: 2, 16>, scalar_prefetch = 0 : i64, scratch_operands = 10 : i64, tpu.core_type = #tpu.core_type<sc_vector_subcore>, window_params = [{transform_indices = #map}, {transform_indices = #map1}, {transform_indices = #map1}, {transform_indices = #map}]} {
    %mul3A = arith.constant 2 : i32
    %mul3A_0 = arith.muli %arg1, %mul3A : i32
    %add3A = arith.addi %mul3A_0, %arg0 : i32
    %mul3A_1 = arith.constant 256 : i32
    %mul3A_2 = arith.muli %add3A, %mul3A_1 : i32
    "tpu.region"() ({
      %run_scoped3A = tpu.sem_alloc : memref<!tpu.dma_semaphore, #tpu.memory_space<semaphore_mem>>
      tpu.enqueue_dma source(%arg3 : memref<16384xf32, #tpu.memory_space<hbm>>) target(%arg6 : memref<16384xf32, #tpu.memory_space<vmem>>) target_semaphore(%run_scoped3A : memref<!tpu.dma_semaphore, #tpu.memory_space<semaphore_mem>>)
      tpu.wait_dma2 semaphore(%run_scoped3A : memref<!tpu.dma_semaphore, #tpu.memory_space<semaphore_mem>>) src(%arg3 : memref<16384xf32, #tpu.memory_space<hbm>>) dst(%arg6 : memref<16384xf32, #tpu.memory_space<vmem>>)
      tpu.yield
    }) : () -> ()
    "tpu.region"() ({
      %run_scoped3A = tpu.sem_alloc : memref<!tpu.dma_semaphore, #tpu.memory_space<semaphore_mem>>
      tpu.enqueue_dma source(%arg4 : memref<16xf32, #tpu.memory_space<hbm>>) target(%arg7 : memref<16xf32, #tpu.memory_space<vmem>>) target_semaphore(%run_scoped3A : memref<!tpu.dma_semaphore, #tpu.memory_space<semaphore_mem>>)
      tpu.wait_dma2 semaphore(%run_scoped3A : memref<!tpu.dma_semaphore, #tpu.memory_space<semaphore_mem>>) src(%arg4 : memref<16xf32, #tpu.memory_space<hbm>>) dst(%arg7 : memref<16xf32, #tpu.memory_space<vmem>>)
      tpu.yield
    }) : () -> ()
    %get3A = arith.constant 0 : index
    %get3A_3 = tpu.vector_load %arg7[%get3A] {strides = array<i32>} : memref<16xf32, #tpu.memory_space<vmem>>, vector<16xf32>,
    %slice3A = vector.extract_strided_slice %get3A_3 {offsets = [0], sizes = [1], strides = [1]} : vector<16xf32> to vector<1xf32>
    %squeeze3A = vector.extract %slice3A[0] : f32 from vector<1xf32>
    %slice3A_4 = vector.extract_strided_slice %get3A_3 {offsets = [1], sizes = [1], strides = [1]} : vector<16xf32> to vector<1xf32>
    %squeeze3A_5 = vector.extract %slice3A_4[0] : f32 from vector<1xf32>
    %add3A_6 = arith.constant 0 : i32
    %add3A_7 = arith.addi %mul3A_2, %add3A_6 : i32
    %dma_start3A = arith.constant 0 : i32
    %dma_start3A_8 = tpu.memref_slice %arg2[%add3A_7, %dma_start3A] : memref<8192x2048xf32, #tpu.memory_space<hbm>> -> memref<8x2048xf32, #tpu.memory_space<hbm>>
    %dma_start3A_9 = arith.constant 0 : i32
    %dma_start3A_10 = tpu.memref_slice %arg2[%add3A_7, %dma_start3A_9] : memref<8192x2048xf32, #tpu.memory_space<hbm>> -> memref<8x2048xf32, #tpu.memory_space<hbm>>
    tpu.enqueue_dma source(%dma_start3A_10 : memref<8x2048xf32, #tpu.memory_space<hbm>>) target(%arg8 : memref<8x2048xf32, #tpu.memory_space<vmem>>) target_semaphore(%arg12 : memref<!tpu.dma_semaphore, #tpu.memory_space<semaphore_mem>>)
    %add3A_11 = arith.constant 8 : i32
    %add3A_12 = arith.addi %mul3A_2, %add3A_11 : i32
    %dma_start3A_13 = arith.constant 0 : i32
    %dma_start3A_14 = tpu.memref_slice %arg2[%add3A_12, %dma_start3A_13] : memref<8192x2048xf32, #tpu.memory_space<hbm>> -> memref<8x2048xf32, #tpu.memory_space<hbm>>
    %dma_start3A_15 = arith.constant 0 : i32
    %dma_start3A_16 = tpu.memref_slice %arg2[%add3A_12, %dma_start3A_15] : memref<8192x2048xf32, #tpu.memory_space<hbm>> -> memref<8x2048xf32, #tpu.memory_space<hbm>>
    tpu.enqueue_dma source(%dma_start3A_16 : memref<8x2048xf32, #tpu.memory_space<hbm>>) target(%arg9 : memref<8x2048xf32, #tpu.memory_space<vmem>>) target_semaphore(%arg13 : memref<!tpu.dma_semaphore, #tpu.memory_space<semaphore_mem>>)
    %scan3A = arith.constant 0 : i32
    %scan3A_17 = arith.constant 0 : i32
    %scan3A_18 = arith.constant 16 : i32
    %scan3A_19 = arith.addi %scan3A_17, %scan3A_18 : i32
    %scan3A_20 = arith.constant 1 : i32
    %scan3A_21 = scf.for %scan3A_34 = %scan3A_17 to %scan3A_19 step %scan3A_20 iter_args(%scan3A_35 = %scan3A) -> (i32)  : i32 {
      %mul3A_36 = arith.constant 2 : i32
      %mul3A_37 = arith.muli %mul3A_36, %scan3A_34 : i32
      %add3A_38 = arith.constant 0 : i32
      %add3A_39 = arith.addi %mul3A_37, %add3A_38 : i32
      %mul3A_40 = arith.constant 8 : i32
      %mul3A_41 = arith.muli %add3A_39, %mul3A_40 : i32
      %add3A_42 = arith.addi %mul3A_2, %mul3A_41 : i32
      %dma_wait3A_43 = arith.constant 0 : i32
      %dma_wait3A_44 = tpu.memref_slice %arg2[%add3A_42, %dma_wait3A_43] : memref<8192x2048xf32, #tpu.memory_space<hbm>> -> memref<8x2048xf32, #tpu.memory_space<hbm>>
      %dma_wait3A_45 = arith.constant 0 : i32
      %dma_wait3A_46 = tpu.memref_slice %arg2[%add3A_42, %dma_wait3A_45] : memref<8192x2048xf32, #tpu.memory_space<hbm>> -> memref<8x2048xf32, #tpu.memory_space<hbm>>
      tpu.wait_dma2 semaphore(%arg12 : memref<!tpu.dma_semaphore, #tpu.memory_space<semaphore_mem>>) src(%dma_wait3A_46 : memref<8x2048xf32, #tpu.memory_space<hbm>>) dst(%arg8 : memref<8x2048xf32, #tpu.memory_space<vmem>>)
      %gt3A = arith.constant 0 : i32
      %gt3A_47 = arith.cmpi sgt, %scan3A_34, %gt3A : i32
      %convert_element_type3A = arith.extui %gt3A_47 : i1 to i32
      %cond3A = arith.constant 0 : i32
      %cond3A_48 = arith.cmpi ne, %convert_element_type3A, %cond3A : i32
      scf.if %cond3A_48 {
        %sub3A = arith.constant 2 : i32
        %sub3A_140 = arith.subi %add3A_39, %sub3A : i32
        %mul3A_141 = arith.constant 8 : i32
        %mul3A_142 = arith.muli %sub3A_140, %mul3A_141 : i32
        %add3A_143 = arith.addi %mul3A_2, %mul3A_142 : i32
        %dma_wait3A_144 = arith.constant 0 : i32
        %dma_wait3A_145 = tpu.memref_slice %arg5[%add3A_143, %dma_wait3A_144] : memref<8192x2048xf32, #tpu.memory_space<hbm>> -> memref<8x2048xf32, #tpu.memory_space<hbm>>
        %dma_wait3A_146 = arith.constant 0 : i32
        %dma_wait3A_147 = tpu.memref_slice %arg5[%add3A_143, %dma_wait3A_146] : memref<8192x2048xf32, #tpu.memory_space<hbm>> -> memref<8x2048xf32, #tpu.memory_space<hbm>>
        tpu.wait_dma2 semaphore(%arg14 : memref<!tpu.dma_semaphore, #tpu.memory_space<semaphore_mem>>) src(%arg10 : memref<8x2048xf32, #tpu.memory_space<vmem>>) dst(%dma_wait3A_147 : memref<8x2048xf32, #tpu.memory_space<hbm>>)
      } else {
      }
      %parallel_loop3A = arith.constant 0 : i32
      %parallel_loop3A_49 = arith.constant 128 : i32
      %parallel_loop3A_50 = arith.constant 1 : i32
      scf.for %parallel_loop3A_140 = %parallel_loop3A to %parallel_loop3A_49 step %parallel_loop3A_50  : i32 {
        %parallel_loop3A_141 = arith.constant 16 : i32
        %parallel_loop3A_142 = arith.muli %parallel_loop3A_140, %parallel_loop3A_141 : i32
        %parallel_loop3A_143 = arith.constant 0 : i32
        %parallel_loop3A_144 = arith.index_cast %parallel_loop3A_143 : i32 to index
        %parallel_loop3A_145 = arith.index_cast %parallel_loop3A_142 : i32 to index
        %parallel_loop3A_146 = tpu.vector_load %arg8[%parallel_loop3A_144, %parallel_loop3A_145] {strides = array<i32>} : memref<8x2048xf32, #tpu.memory_space<vmem>>, vector<16xf32>,
        %parallel_loop3A_147 = vector.broadcast %squeeze3A : f32 to vector<16xf32>
        %parallel_loop3A_148 = arith.mulf %parallel_loop3A_146, %parallel_loop3A_147 : vector<16xf32>
        %parallel_loop3A_149 = vector.broadcast %squeeze3A_5 : f32 to vector<16xf32>
        %parallel_loop3A_150 = arith.addf %parallel_loop3A_148, %parallel_loop3A_149 : vector<16xf32>
        %parallel_loop3A_151 = arith.fptosi %parallel_loop3A_150 : vector<16xf32> to vector<16xi32>
        %parallel_loop3A_152 = arith.constant 16383 : i32
        %parallel_loop3A_153 = vector.broadcast %parallel_loop3A_152 : i32 to vector<16xi32>
        %parallel_loop3A_154 = arith.minsi %parallel_loop3A_151, %parallel_loop3A_153 : vector<16xi32>
        %parallel_loop3A_155 = tpu.vector_load_idx %arg6[%parallel_loop3A_154] : memref<16384xf32, #tpu.memory_space<vmem>>[vector<16xi32>], vector<16xf32>,
        %parallel_loop3A_156 = arith.constant 16 : i32
        %parallel_loop3A_157 = arith.muli %parallel_loop3A_140, %parallel_loop3A_156 : i32
        %parallel_loop3A_158 = arith.constant 0 : i32
        %parallel_loop3A_159 = arith.index_cast %parallel_loop3A_158 : i32 to index
        %parallel_loop3A_160 = arith.index_cast %parallel_loop3A_157 : i32 to index
        %parallel_loop3A_161 = tpu.vector_load %arg10[%parallel_loop3A_159, %parallel_loop3A_160] {strides = array<i32>} : memref<8x2048xf32, #tpu.memory_space<vmem>>, vector<16xf32>,
        tpu.vector_store %arg10[%parallel_loop3A_159, %parallel_loop3A_160], %parallel_loop3A_155 {strides = array<i32>} : memref<8x2048xf32, #tpu.memory_space<vmem>>, vector<16xf32>,
      } {sc.loop_unroll_factor = 8 : i64, sc.parallel_access}
      %parallel_loop3A_51 = arith.constant 0 : i32
      %parallel_loop3A_52 = arith.constant 128 : i32
      %parallel_loop3A_53 = arith.constant 1 : i32
      scf.for %parallel_loop3A_140 = %parallel_loop3A_51 to %parallel_loop3A_52 step %parallel_loop3A_53  : i32 {
        %parallel_loop3A_141 = arith.constant 16 : i32
        %parallel_loop3A_142 = arith.muli %parallel_loop3A_140, %parallel_loop3A_141 : i32
        %parallel_loop3A_143 = arith.constant 1 : i32
        %parallel_loop3A_144 = arith.index_cast %parallel_loop3A_143 : i32 to index
        %parallel_loop3A_145 = arith.index_cast %parallel_loop3A_142 : i32 to index
        %parallel_loop3A_146 = tpu.vector_load %arg8[%parallel_loop3A_144, %parallel_loop3A_145] {strides = array<i32>} : memref<8x2048xf32, #tpu.memory_space<vmem>>, vector<16xf32>,
        %parallel_loop3A_147 = vector.broadcast %squeeze3A : f32 to vector<16xf32>
        %parallel_loop3A_148 = arith.mulf %parallel_loop3A_146, %parallel_loop3A_147 : vector<16xf32>
        %parallel_loop3A_149 = vector.broadcast %squeeze3A_5 : f32 to vector<16xf32>
        %parallel_loop3A_150 = arith.addf %parallel_loop3A_148, %parallel_loop3A_149 : vector<16xf32>
        %parallel_loop3A_151 = arith.fptosi %parallel_loop3A_150 : vector<16xf32> to vector<16xi32>
        %parallel_loop3A_152 = arith.constant 16383 : i32
        %parallel_loop3A_153 = vector.broadcast %parallel_loop3A_152 : i32 to vector<16xi32>
        %parallel_loop3A_154 = arith.minsi %parallel_loop3A_151, %parallel_loop3A_153 : vector<16xi32>
        %parallel_loop3A_155 = tpu.vector_load_idx %arg6[%parallel_loop3A_154] : memref<16384xf32, #tpu.memory_space<vmem>>[vector<16xi32>], vector<16xf32>,
        %parallel_loop3A_156 = arith.constant 16 : i32
        %parallel_loop3A_157 = arith.muli %parallel_loop3A_140, %parallel_loop3A_156 : i32
        %parallel_loop3A_158 = arith.constant 1 : i32
        %parallel_loop3A_159 = arith.index_cast %parallel_loop3A_158 : i32 to index
        %parallel_loop3A_160 = arith.index_cast %parallel_loop3A_157 : i32 to index
        %parallel_loop3A_161 = tpu.vector_load %arg10[%parallel_loop3A_159, %parallel_loop3A_160] {strides = array<i32>} : memref<8x2048xf32, #tpu.memory_space<vmem>>, vector<16xf32>,
        tpu.vector_store %arg10[%parallel_loop3A_159, %parallel_loop3A_160], %parallel_loop3A_155 {strides = array<i32>} : memref<8x2048xf32, #tpu.memory_space<vmem>>, vector<16xf32>,
      } {sc.loop_unroll_factor = 8 : i64, sc.parallel_access}
      %parallel_loop3A_54 = arith.constant 0 : i32
      %parallel_loop3A_55 = arith.constant 128 : i32
      %parallel_loop3A_56 = arith.constant 1 : i32
      scf.for %parallel_loop3A_140 = %parallel_loop3A_54 to %parallel_loop3A_55 step %parallel_loop3A_56  : i32 {
        %parallel_loop3A_141 = arith.constant 16 : i32
        %parallel_loop3A_142 = arith.muli %parallel_loop3A_140, %parallel_loop3A_141 : i32
        %parallel_loop3A_143 = arith.constant 2 : i32
        %parallel_loop3A_144 = arith.index_cast %parallel_loop3A_143 : i32 to index
        %parallel_loop3A_145 = arith.index_cast %parallel_loop3A_142 : i32 to index
        %parallel_loop3A_146 = tpu.vector_load %arg8[%parallel_loop3A_144, %parallel_loop3A_145] {strides = array<i32>} : memref<8x2048xf32, #tpu.memory_space<vmem>>, vector<16xf32>,
        %parallel_loop3A_147 = vector.broadcast %squeeze3A : f32 to vector<16xf32>
        %parallel_loop3A_148 = arith.mulf %parallel_loop3A_146, %parallel_loop3A_147 : vector<16xf32>
        %parallel_loop3A_149 = vector.broadcast %squeeze3A_5 : f32 to vector<16xf32>
        %parallel_loop3A_150 = arith.addf %parallel_loop3A_148, %parallel_loop3A_149 : vector<16xf32>
        %parallel_loop3A_151 = arith.fptosi %parallel_loop3A_150 : vector<16xf32> to vector<16xi32>
        %parallel_loop3A_152 = arith.constant 16383 : i32
        %parallel_loop3A_153 = vector.broadcast %parallel_loop3A_152 : i32 to vector<16xi32>
        %parallel_loop3A_154 = arith.minsi %parallel_loop3A_151, %parallel_loop3A_153 : vector<16xi32>
        %parallel_loop3A_155 = tpu.vector_load_idx %arg6[%parallel_loop3A_154] : memref<16384xf32, #tpu.memory_space<vmem>>[vector<16xi32>], vector<16xf32>,
        %parallel_loop3A_156 = arith.constant 16 : i32
        %parallel_loop3A_157 = arith.muli %parallel_loop3A_140, %parallel_loop3A_156 : i32
        %parallel_loop3A_158 = arith.constant 2 : i32
        %parallel_loop3A_159 = arith.index_cast %parallel_loop3A_158 : i32 to index
        %parallel_loop3A_160 = arith.index_cast %parallel_loop3A_157 : i32 to index
        %parallel_loop3A_161 = tpu.vector_load %arg10[%parallel_loop3A_159, %parallel_loop3A_160] {strides = array<i32>} : memref<8x2048xf32, #tpu.memory_space<vmem>>, vector<16xf32>,
        tpu.vector_store %arg10[%parallel_loop3A_159, %parallel_loop3A_160], %parallel_loop3A_155 {strides = array<i32>} : memref<8x2048xf32, #tpu.memory_space<vmem>>, vector<16xf32>,
      } {sc.loop_unroll_factor = 8 : i64, sc.parallel_access}
      %parallel_loop3A_57 = arith.constant 0 : i32
      %parallel_loop3A_58 = arith.constant 128 : i32
      %parallel_loop3A_59 = arith.constant 1 : i32
      scf.for %parallel_loop3A_140 = %parallel_loop3A_57 to %parallel_loop3A_58 step %parallel_loop3A_59  : i32 {
        %parallel_loop3A_141 = arith.constant 16 : i32
        %parallel_loop3A_142 = arith.muli %parallel_loop3A_140, %parallel_loop3A_141 : i32
        %parallel_loop3A_143 = arith.constant 3 : i32
        %parallel_loop3A_144 = arith.index_cast %parallel_loop3A_143 : i32 to index
        %parallel_loop3A_145 = arith.index_cast %parallel_loop3A_142 : i32 to index
        %parallel_loop3A_146 = tpu.vector_load %arg8[%parallel_loop3A_144, %parallel_loop3A_145] {strides = array<i32>} : memref<8x2048xf32, #tpu.memory_space<vmem>>, vector<16xf32>,
        %parallel_loop3A_147 = vector.broadcast %squeeze3A : f32 to vector<16xf32>
        %parallel_loop3A_148 = arith.mulf %parallel_loop3A_146, %parallel_loop3A_147 : vector<16xf32>
        %parallel_loop3A_149 = vector.broadcast %squeeze3A_5 : f32 to vector<16xf32>
        %parallel_loop3A_150 = arith.addf %parallel_loop3A_148, %parallel_loop3A_149 : vector<16xf32>
        %parallel_loop3A_151 = arith.fptosi %parallel_loop3A_150 : vector<16xf32> to vector<16xi32>
        %parallel_loop3A_152 = arith.constant 16383 : i32
        %parallel_loop3A_153 = vector.broadcast %parallel_loop3A_152 : i32 to vector<16xi32>
        %parallel_loop3A_154 = arith.minsi %parallel_loop3A_151, %parallel_loop3A_153 : vector<16xi32>
        %parallel_loop3A_155 = tpu.vector_load_idx %arg6[%parallel_loop3A_154] : memref<16384xf32, #tpu.memory_space<vmem>>[vector<16xi32>], vector<16xf32>,
        %parallel_loop3A_156 = arith.constant 16 : i32
        %parallel_loop3A_157 = arith.muli %parallel_loop3A_140, %parallel_loop3A_156 : i32
        %parallel_loop3A_158 = arith.constant 3 : i32
        %parallel_loop3A_159 = arith.index_cast %parallel_loop3A_158 : i32 to index
        %parallel_loop3A_160 = arith.index_cast %parallel_loop3A_157 : i32 to index
        %parallel_loop3A_161 = tpu.vector_load %arg10[%parallel_loop3A_159, %parallel_loop3A_160] {strides = array<i32>} : memref<8x2048xf32, #tpu.memory_space<vmem>>, vector<16xf32>,
        tpu.vector_store %arg10[%parallel_loop3A_159, %parallel_loop3A_160], %parallel_loop3A_155 {strides = array<i32>} : memref<8x2048xf32, #tpu.memory_space<vmem>>, vector<16xf32>,
      } {sc.loop_unroll_factor = 8 : i64, sc.parallel_access}
      %parallel_loop3A_60 = arith.constant 0 : i32
      %parallel_loop3A_61 = arith.constant 128 : i32
      %parallel_loop3A_62 = arith.constant 1 : i32
      scf.for %parallel_loop3A_140 = %parallel_loop3A_60 to %parallel_loop3A_61 step %parallel_loop3A_62  : i32 {
        %parallel_loop3A_141 = arith.constant 16 : i32
        %parallel_loop3A_142 = arith.muli %parallel_loop3A_140, %parallel_loop3A_141 : i32
        %parallel_loop3A_143 = arith.constant 4 : i32
        %parallel_loop3A_144 = arith.index_cast %parallel_loop3A_143 : i32 to index
        %parallel_loop3A_145 = arith.index_cast %parallel_loop3A_142 : i32 to index
        %parallel_loop3A_146 = tpu.vector_load %arg8[%parallel_loop3A_144, %parallel_loop3A_145] {strides = array<i32>} : memref<8x2048xf32, #tpu.memory_space<vmem>>, vector<16xf32>,
        %parallel_loop3A_147 = vector.broadcast %squeeze3A : f32 to vector<16xf32>
        %parallel_loop3A_148 = arith.mulf %parallel_loop3A_146, %parallel_loop3A_147 : vector<16xf32>
        %parallel_loop3A_149 = vector.broadcast %squeeze3A_5 : f32 to vector<16xf32>
        %parallel_loop3A_150 = arith.addf %parallel_loop3A_148, %parallel_loop3A_149 : vector<16xf32>
        %parallel_loop3A_151 = arith.fptosi %parallel_loop3A_150 : vector<16xf32> to vector<16xi32>
        %parallel_loop3A_152 = arith.constant 16383 : i32
        %parallel_loop3A_153 = vector.broadcast %parallel_loop3A_152 : i32 to vector<16xi32>
        %parallel_loop3A_154 = arith.minsi %parallel_loop3A_151, %parallel_loop3A_153 : vector<16xi32>
        %parallel_loop3A_155 = tpu.vector_load_idx %arg6[%parallel_loop3A_154] : memref<16384xf32, #tpu.memory_space<vmem>>[vector<16xi32>], vector<16xf32>,
        %parallel_loop3A_156 = arith.constant 16 : i32
        %parallel_loop3A_157 = arith.muli %parallel_loop3A_140, %parallel_loop3A_156 : i32
        %parallel_loop3A_158 = arith.constant 4 : i32
        %parallel_loop3A_159 = arith.index_cast %parallel_loop3A_158 : i32 to index
        %parallel_loop3A_160 = arith.index_cast %parallel_loop3A_157 : i32 to index
        %parallel_loop3A_161 = tpu.vector_load %arg10[%parallel_loop3A_159, %parallel_loop3A_160] {strides = array<i32>} : memref<8x2048xf32, #tpu.memory_space<vmem>>, vector<16xf32>,
        tpu.vector_store %arg10[%parallel_loop3A_159, %parallel_loop3A_160], %parallel_loop3A_155 {strides = array<i32>} : memref<8x2048xf32, #tpu.memory_space<vmem>>, vector<16xf32>,
      } {sc.loop_unroll_factor = 8 : i64, sc.parallel_access}
      %parallel_loop3A_63 = arith.constant 0 : i32
      %parallel_loop3A_64 = arith.constant 128 : i32
      %parallel_loop3A_65 = arith.constant 1 : i32
      scf.for %parallel_loop3A_140 = %parallel_loop3A_63 to %parallel_loop3A_64 step %parallel_loop3A_65  : i32 {
        %parallel_loop3A_141 = arith.constant 16 : i32
        %parallel_loop3A_142 = arith.muli %parallel_loop3A_140, %parallel_loop3A_141 : i32
        %parallel_loop3A_143 = arith.constant 5 : i32
        %parallel_loop3A_144 = arith.index_cast %parallel_loop3A_143 : i32 to index
        %parallel_loop3A_145 = arith.index_cast %parallel_loop3A_142 : i32 to index
        %parallel_loop3A_146 = tpu.vector_load %arg8[%parallel_loop3A_144, %parallel_loop3A_145] {strides = array<i32>} : memref<8x2048xf32, #tpu.memory_space<vmem>>, vector<16xf32>,
        %parallel_loop3A_147 = vector.broadcast %squeeze3A : f32 to vector<16xf32>
        %parallel_loop3A_148 = arith.mulf %parallel_loop3A_146, %parallel_loop3A_147 : vector<16xf32>
        %parallel_loop3A_149 = vector.broadcast %squeeze3A_5 : f32 to vector<16xf32>
        %parallel_loop3A_150 = arith.addf %parallel_loop3A_148, %parallel_loop3A_149 : vector<16xf32>
        %parallel_loop3A_151 = arith.fptosi %parallel_loop3A_150 : vector<16xf32> to vector<16xi32>
        %parallel_loop3A_152 = arith.constant 16383 : i32
        %parallel_loop3A_153 = vector.broadcast %parallel_loop3A_152 : i32 to vector<16xi32>
        %parallel_loop3A_154 = arith.minsi %parallel_loop3A_151, %parallel_loop3A_153 : vector<16xi32>
        %parallel_loop3A_155 = tpu.vector_load_idx %arg6[%parallel_loop3A_154] : memref<16384xf32, #tpu.memory_space<vmem>>[vector<16xi32>], vector<16xf32>,
        %parallel_loop3A_156 = arith.constant 16 : i32
        %parallel_loop3A_157 = arith.muli %parallel_loop3A_140, %parallel_loop3A_156 : i32
        %parallel_loop3A_158 = arith.constant 5 : i32
        %parallel_loop3A_159 = arith.index_cast %parallel_loop3A_158 : i32 to index
        %parallel_loop3A_160 = arith.index_cast %parallel_loop3A_157 : i32 to index
        %parallel_loop3A_161 = tpu.vector_load %arg10[%parallel_loop3A_159, %parallel_loop3A_160] {strides = array<i32>} : memref<8x2048xf32, #tpu.memory_space<vmem>>, vector<16xf32>,
        tpu.vector_store %arg10[%parallel_loop3A_159, %parallel_loop3A_160], %parallel_loop3A_155 {strides = array<i32>} : memref<8x2048xf32, #tpu.memory_space<vmem>>, vector<16xf32>,
      } {sc.loop_unroll_factor = 8 : i64, sc.parallel_access}
      %parallel_loop3A_66 = arith.constant 0 : i32
      %parallel_loop3A_67 = arith.constant 128 : i32
      %parallel_loop3A_68 = arith.constant 1 : i32
      scf.for %parallel_loop3A_140 = %parallel_loop3A_66 to %parallel_loop3A_67 step %parallel_loop3A_68  : i32 {
        %parallel_loop3A_141 = arith.constant 16 : i32
        %parallel_loop3A_142 = arith.muli %parallel_loop3A_140, %parallel_loop3A_141 : i32
        %parallel_loop3A_143 = arith.constant 6 : i32
        %parallel_loop3A_144 = arith.index_cast %parallel_loop3A_143 : i32 to index
        %parallel_loop3A_145 = arith.index_cast %parallel_loop3A_142 : i32 to index
        %parallel_loop3A_146 = tpu.vector_load %arg8[%parallel_loop3A_144, %parallel_loop3A_145] {strides = array<i32>} : memref<8x2048xf32, #tpu.memory_space<vmem>>, vector<16xf32>,
        %parallel_loop3A_147 = vector.broadcast %squeeze3A : f32 to vector<16xf32>
        %parallel_loop3A_148 = arith.mulf %parallel_loop3A_146, %parallel_loop3A_147 : vector<16xf32>
        %parallel_loop3A_149 = vector.broadcast %squeeze3A_5 : f32 to vector<16xf32>
        %parallel_loop3A_150 = arith.addf %parallel_loop3A_148, %parallel_loop3A_149 : vector<16xf32>
        %parallel_loop3A_151 = arith.fptosi %parallel_loop3A_150 : vector<16xf32> to vector<16xi32>
        %parallel_loop3A_152 = arith.constant 16383 : i32
        %parallel_loop3A_153 = vector.broadcast %parallel_loop3A_152 : i32 to vector<16xi32>
        %parallel_loop3A_154 = arith.minsi %parallel_loop3A_151, %parallel_loop3A_153 : vector<16xi32>
        %parallel_loop3A_155 = tpu.vector_load_idx %arg6[%parallel_loop3A_154] : memref<16384xf32, #tpu.memory_space<vmem>>[vector<16xi32>], vector<16xf32>,
        %parallel_loop3A_156 = arith.constant 16 : i32
        %parallel_loop3A_157 = arith.muli %parallel_loop3A_140, %parallel_loop3A_156 : i32
        %parallel_loop3A_158 = arith.constant 6 : i32
        %parallel_loop3A_159 = arith.index_cast %parallel_loop3A_158 : i32 to index
        %parallel_loop3A_160 = arith.index_cast %parallel_loop3A_157 : i32 to index
        %parallel_loop3A_161 = tpu.vector_load %arg10[%parallel_loop3A_159, %parallel_loop3A_160] {strides = array<i32>} : memref<8x2048xf32, #tpu.memory_space<vmem>>, vector<16xf32>,
        tpu.vector_store %arg10[%parallel_loop3A_159, %parallel_loop3A_160], %parallel_loop3A_155 {strides = array<i32>} : memref<8x2048xf32, #tpu.memory_space<vmem>>, vector<16xf32>,
      } {sc.loop_unroll_factor = 8 : i64, sc.parallel_access}
      %parallel_loop3A_69 = arith.constant 0 : i32
      %parallel_loop3A_70 = arith.constant 128 : i32
      %parallel_loop3A_71 = arith.constant 1 : i32
      scf.for %parallel_loop3A_140 = %parallel_loop3A_69 to %parallel_loop3A_70 step %parallel_loop3A_71  : i32 {
        %parallel_loop3A_141 = arith.constant 16 : i32
        %parallel_loop3A_142 = arith.muli %parallel_loop3A_140, %parallel_loop3A_141 : i32
        %parallel_loop3A_143 = arith.constant 7 : i32
        %parallel_loop3A_144 = arith.index_cast %parallel_loop3A_143 : i32 to index
        %parallel_loop3A_145 = arith.index_cast %parallel_loop3A_142 : i32 to index
        %parallel_loop3A_146 = tpu.vector_load %arg8[%parallel_loop3A_144, %parallel_loop3A_145] {strides = array<i32>} : memref<8x2048xf32, #tpu.memory_space<vmem>>, vector<16xf32>,
        %parallel_loop3A_147 = vector.broadcast %squeeze3A : f32 to vector<16xf32>
        %parallel_loop3A_148 = arith.mulf %parallel_loop3A_146, %parallel_loop3A_147 : vector<16xf32>
        %parallel_loop3A_149 = vector.broadcast %squeeze3A_5 : f32 to vector<16xf32>
        %parallel_loop3A_150 = arith.addf %parallel_loop3A_148, %parallel_loop3A_149 : vector<16xf32>
        %parallel_loop3A_151 = arith.fptosi %parallel_loop3A_150 : vector<16xf32> to vector<16xi32>
        %parallel_loop3A_152 = arith.constant 16383 : i32
        %parallel_loop3A_153 = vector.broadcast %parallel_loop3A_152 : i32 to vector<16xi32>
        %parallel_loop3A_154 = arith.minsi %parallel_loop3A_151, %parallel_loop3A_153 : vector<16xi32>
        %parallel_loop3A_155 = tpu.vector_load_idx %arg6[%parallel_loop3A_154] : memref<16384xf32, #tpu.memory_space<vmem>>[vector<16xi32>], vector<16xf32>,
        %parallel_loop3A_156 = arith.constant 16 : i32
        %parallel_loop3A_157 = arith.muli %parallel_loop3A_140, %parallel_loop3A_156 : i32
        %parallel_loop3A_158 = arith.constant 7 : i32
        %parallel_loop3A_159 = arith.index_cast %parallel_loop3A_158 : i32 to index
        %parallel_loop3A_160 = arith.index_cast %parallel_loop3A_157 : i32 to index
        %parallel_loop3A_161 = tpu.vector_load %arg10[%parallel_loop3A_159, %parallel_loop3A_160] {strides = array<i32>} : memref<8x2048xf32, #tpu.memory_space<vmem>>, vector<16xf32>,
        tpu.vector_store %arg10[%parallel_loop3A_159, %parallel_loop3A_160], %parallel_loop3A_155 {strides = array<i32>} : memref<8x2048xf32, #tpu.memory_space<vmem>>, vector<16xf32>,
      } {sc.loop_unroll_factor = 8 : i64, sc.parallel_access}
      %mul3A_72 = arith.constant 8 : i32
      %mul3A_73 = arith.muli %add3A_39, %mul3A_72 : i32
      %add3A_74 = arith.addi %mul3A_2, %mul3A_73 : i32
      %dma_start3A_75 = arith.constant 0 : i32
      %dma_start3A_76 = tpu.memref_slice %arg5[%add3A_74, %dma_start3A_75] : memref<8192x2048xf32, #tpu.memory_space<hbm>> -> memref<8x2048xf32, #tpu.memory_space<hbm>>
      %dma_start3A_77 = arith.constant 0 : i32
      %dma_start3A_78 = tpu.memref_slice %arg5[%add3A_74, %dma_start3A_77] : memref<8192x2048xf32, #tpu.memory_space<hbm>> -> memref<8x2048xf32, #tpu.memory_space<hbm>>
      tpu.enqueue_dma source(%arg10 : memref<8x2048xf32, #tpu.memory_space<vmem>>) target(%dma_start3A_78 : memref<8x2048xf32, #tpu.memory_space<hbm>>) target_semaphore(%arg14 : memref<!tpu.dma_semaphore, #tpu.memory_space<semaphore_mem>>)
      %add3A_79 = arith.constant 2 : i32
      %add3A_80 = arith.addi %add3A_39, %add3A_79 : i32
      %lt3A = arith.constant 32 : i32
      %lt3A_81 = arith.cmpi slt, %add3A_80, %lt3A : i32
      %convert_element_type3A_82 = arith.extui %lt3A_81 : i1 to i32
      %cond3A_83 = arith.constant 0 : i32
      %cond3A_84 = arith.cmpi ne, %convert_element_type3A_82, %cond3A_83 : i32
      scf.if %cond3A_84 {
        %add3A_140 = arith.constant 2 : i32
        %add3A_141 = arith.addi %add3A_39, %add3A_140 : i32
        %mul3A_142 = arith.constant 8 : i32
        %mul3A_143 = arith.muli %add3A_141, %mul3A_142 : i32
        %add3A_144 = arith.addi %mul3A_2, %mul3A_143 : i32
        %dma_start3A_145 = arith.constant 0 : i32
        %dma_start3A_146 = tpu.memref_slice %arg2[%add3A_144, %dma_start3A_145] : memref<8192x2048xf32, #tpu.memory_space<hbm>> -> memref<8x2048xf32, #tpu.memory_space<hbm>>
        %dma_start3A_147 = arith.constant 0 : i32
        %dma_start3A_148 = tpu.memref_slice %arg2[%add3A_144, %dma_start3A_147] : memref<8192x2048xf32, #tpu.memory_space<hbm>> -> memref<8x2048xf32, #tpu.memory_space<hbm>>
        tpu.enqueue_dma source(%dma_start3A_148 : memref<8x2048xf32, #tpu.memory_space<hbm>>) target(%arg8 : memref<8x2048xf32, #tpu.memory_space<vmem>>) target_semaphore(%arg12 : memref<!tpu.dma_semaphore, #tpu.memory_space<semaphore_mem>>)
      } else {
      }
      %mul3A_85 = arith.constant 2 : i32
      %mul3A_86 = arith.muli %mul3A_85, %scan3A_34 : i32
      %add3A_87 = arith.constant 1 : i32
      %add3A_88 = arith.addi %mul3A_86, %add3A_87 : i32
      %mul3A_89 = arith.constant 8 : i32
      %mul3A_90 = arith.muli %add3A_88, %mul3A_89 : i32
      %add3A_91 = arith.addi %mul3A_2, %mul3A_90 : i32
      %dma_wait3A_92 = arith.constant 0 : i32
      %dma_wait3A_93 = tpu.memref_slice %arg2[%add3A_91, %dma_wait3A_92] : memref<8192x2048xf32, #tpu.memory_space<hbm>> -> memref<8x2048xf32, #tpu.memory_space<hbm>>
      %dma_wait3A_94 = arith.constant 0 : i32
      %dma_wait3A_95 = tpu.memref_slice %arg2[%add3A_91, %dma_wait3A_94] : memref<8192x2048xf32, #tpu.memory_space<hbm>> -> memref<8x2048xf32, #tpu.memory_space<hbm>>
      tpu.wait_dma2 semaphore(%arg13 : memref<!tpu.dma_semaphore, #tpu.memory_space<semaphore_mem>>) src(%dma_wait3A_95 : memref<8x2048xf32, #tpu.memory_space<hbm>>) dst(%arg9 : memref<8x2048xf32, #tpu.memory_space<vmem>>)
      %gt3A_96 = arith.constant 0 : i32
      %gt3A_97 = arith.cmpi sgt, %scan3A_34, %gt3A_96 : i32
      %convert_element_type3A_98 = arith.extui %gt3A_97 : i1 to i32
      %cond3A_99 = arith.constant 0 : i32
      %cond3A_100 = arith.cmpi ne, %convert_element_type3A_98, %cond3A_99 : i32
      scf.if %cond3A_100 {
        %sub3A = arith.constant 2 : i32
        %sub3A_140 = arith.subi %add3A_88, %sub3A : i32
        %mul3A_141 = arith.constant 8 : i32
        %mul3A_142 = arith.muli %sub3A_140, %mul3A_141 : i32
        %add3A_143 = arith.addi %mul3A_2, %mul3A_142 : i32
        %dma_wait3A_144 = arith.constant 0 : i32
        %dma_wait3A_145 = tpu.memref_slice %arg5[%add3A_143, %dma_wait3A_144] : memref<8192x2048xf32, #tpu.memory_space<hbm>> -> memref<8x2048xf32, #tpu.memory_space<hbm>>
        %dma_wait3A_146 = arith.constant 0 : i32
        %dma_wait3A_147 = tpu.memref_slice %arg5[%add3A_143, %dma_wait3A_146] : memref<8192x2048xf32, #tpu.memory_space<hbm>> -> memref<8x2048xf32, #tpu.memory_space<hbm>>
        tpu.wait_dma2 semaphore(%arg15 : memref<!tpu.dma_semaphore, #tpu.memory_space<semaphore_mem>>) src(%arg11 : memref<8x2048xf32, #tpu.memory_space<vmem>>) dst(%dma_wait3A_147 : memref<8x2048xf32, #tpu.memory_space<hbm>>)
      } else {
      }
      %parallel_loop3A_101 = arith.constant 0 : i32
      %parallel_loop3A_102 = arith.constant 128 : i32
      %parallel_loop3A_103 = arith.constant 1 : i32
      scf.for %parallel_loop3A_140 = %parallel_loop3A_101 to %parallel_loop3A_102 step %parallel_loop3A_103  : i32 {
        %parallel_loop3A_141 = arith.constant 16 : i32
        %parallel_loop3A_142 = arith.muli %parallel_loop3A_140, %parallel_loop3A_141 : i32
        %parallel_loop3A_143 = arith.constant 0 : i32
        %parallel_loop3A_144 = arith.index_cast %parallel_loop3A_143 : i32 to index
        %parallel_loop3A_145 = arith.index_cast %parallel_loop3A_142 : i32 to index
        %parallel_loop3A_146 = tpu.vector_load %arg9[%parallel_loop3A_144, %parallel_loop3A_145] {strides = array<i32>} : memref<8x2048xf32, #tpu.memory_space<vmem>>, vector<16xf32>,
        %parallel_loop3A_147 = vector.broadcast %squeeze3A : f32 to vector<16xf32>
        %parallel_loop3A_148 = arith.mulf %parallel_loop3A_146, %parallel_loop3A_147 : vector<16xf32>
        %parallel_loop3A_149 = vector.broadcast %squeeze3A_5 : f32 to vector<16xf32>
        %parallel_loop3A_150 = arith.addf %parallel_loop3A_148, %parallel_loop3A_149 : vector<16xf32>
        %parallel_loop3A_151 = arith.fptosi %parallel_loop3A_150 : vector<16xf32> to vector<16xi32>
        %parallel_loop3A_152 = arith.constant 16383 : i32
        %parallel_loop3A_153 = vector.broadcast %parallel_loop3A_152 : i32 to vector<16xi32>
        %parallel_loop3A_154 = arith.minsi %parallel_loop3A_151, %parallel_loop3A_153 : vector<16xi32>
        %parallel_loop3A_155 = tpu.vector_load_idx %arg6[%parallel_loop3A_154] : memref<16384xf32, #tpu.memory_space<vmem>>[vector<16xi32>], vector<16xf32>,
        %parallel_loop3A_156 = arith.constant 16 : i32
        %parallel_loop3A_157 = arith.muli %parallel_loop3A_140, %parallel_loop3A_156 : i32
        %parallel_loop3A_158 = arith.constant 0 : i32
        %parallel_loop3A_159 = arith.index_cast %parallel_loop3A_158 : i32 to index
        %parallel_loop3A_160 = arith.index_cast %parallel_loop3A_157 : i32 to index
        %parallel_loop3A_161 = tpu.vector_load %arg11[%parallel_loop3A_159, %parallel_loop3A_160] {strides = array<i32>} : memref<8x2048xf32, #tpu.memory_space<vmem>>, vector<16xf32>,
        tpu.vector_store %arg11[%parallel_loop3A_159, %parallel_loop3A_160], %parallel_loop3A_155 {strides = array<i32>} : memref<8x2048xf32, #tpu.memory_space<vmem>>, vector<16xf32>,
      } {sc.loop_unroll_factor = 8 : i64, sc.parallel_access}
      %parallel_loop3A_104 = arith.constant 0 : i32
      %parallel_loop3A_105 = arith.constant 128 : i32
      %parallel_loop3A_106 = arith.constant 1 : i32
      scf.for %parallel_loop3A_140 = %parallel_loop3A_104 to %parallel_loop3A_105 step %parallel_loop3A_106  : i32 {
        %parallel_loop3A_141 = arith.constant 16 : i32
        %parallel_loop3A_142 = arith.muli %parallel_loop3A_140, %parallel_loop3A_141 : i32
        %parallel_loop3A_143 = arith.constant 1 : i32
        %parallel_loop3A_144 = arith.index_cast %parallel_loop3A_143 : i32 to index
        %parallel_loop3A_145 = arith.index_cast %parallel_loop3A_142 : i32 to index
        %parallel_loop3A_146 = tpu.vector_load %arg9[%parallel_loop3A_144, %parallel_loop3A_145] {strides = array<i32>} : memref<8x2048xf32, #tpu.memory_space<vmem>>, vector<16xf32>,
        %parallel_loop3A_147 = vector.broadcast %squeeze3A : f32 to vector<16xf32>
        %parallel_loop3A_148 = arith.mulf %parallel_loop3A_146, %parallel_loop3A_147 : vector<16xf32>
        %parallel_loop3A_149 = vector.broadcast %squeeze3A_5 : f32 to vector<16xf32>
        %parallel_loop3A_150 = arith.addf %parallel_loop3A_148, %parallel_loop3A_149 : vector<16xf32>
        %parallel_loop3A_151 = arith.fptosi %parallel_loop3A_150 : vector<16xf32> to vector<16xi32>
        %parallel_loop3A_152 = arith.constant 16383 : i32
        %parallel_loop3A_153 = vector.broadcast %parallel_loop3A_152 : i32 to vector<16xi32>
        %parallel_loop3A_154 = arith.minsi %parallel_loop3A_151, %parallel_loop3A_153 : vector<16xi32>
        %parallel_loop3A_155 = tpu.vector_load_idx %arg6[%parallel_loop3A_154] : memref<16384xf32, #tpu.memory_space<vmem>>[vector<16xi32>], vector<16xf32>,
        %parallel_loop3A_156 = arith.constant 16 : i32
        %parallel_loop3A_157 = arith.muli %parallel_loop3A_140, %parallel_loop3A_156 : i32
        %parallel_loop3A_158 = arith.constant 1 : i32
        %parallel_loop3A_159 = arith.index_cast %parallel_loop3A_158 : i32 to index
        %parallel_loop3A_160 = arith.index_cast %parallel_loop3A_157 : i32 to index
        %parallel_loop3A_161 = tpu.vector_load %arg11[%parallel_loop3A_159, %parallel_loop3A_160] {strides = array<i32>} : memref<8x2048xf32, #tpu.memory_space<vmem>>, vector<16xf32>,
        tpu.vector_store %arg11[%parallel_loop3A_159, %parallel_loop3A_160], %parallel_loop3A_155 {strides = array<i32>} : memref<8x2048xf32, #tpu.memory_space<vmem>>, vector<16xf32>,
      } {sc.loop_unroll_factor = 8 : i64, sc.parallel_access}
      %parallel_loop3A_107 = arith.constant 0 : i32
      %parallel_loop3A_108 = arith.constant 128 : i32
      %parallel_loop3A_109 = arith.constant 1 : i32
      scf.for %parallel_loop3A_140 = %parallel_loop3A_107 to %parallel_loop3A_108 step %parallel_loop3A_109  : i32 {
        %parallel_loop3A_141 = arith.constant 16 : i32
        %parallel_loop3A_142 = arith.muli %parallel_loop3A_140, %parallel_loop3A_141 : i32
        %parallel_loop3A_143 = arith.constant 2 : i32
        %parallel_loop3A_144 = arith.index_cast %parallel_loop3A_143 : i32 to index
        %parallel_loop3A_145 = arith.index_cast %parallel_loop3A_142 : i32 to index
        %parallel_loop3A_146 = tpu.vector_load %arg9[%parallel_loop3A_144, %parallel_loop3A_145] {strides = array<i32>} : memref<8x2048xf32, #tpu.memory_space<vmem>>, vector<16xf32>,
        %parallel_loop3A_147 = vector.broadcast %squeeze3A : f32 to vector<16xf32>
        %parallel_loop3A_148 = arith.mulf %parallel_loop3A_146, %parallel_loop3A_147 : vector<16xf32>
        %parallel_loop3A_149 = vector.broadcast %squeeze3A_5 : f32 to vector<16xf32>
        %parallel_loop3A_150 = arith.addf %parallel_loop3A_148, %parallel_loop3A_149 : vector<16xf32>
        %parallel_loop3A_151 = arith.fptosi %parallel_loop3A_150 : vector<16xf32> to vector<16xi32>
        %parallel_loop3A_152 = arith.constant 16383 : i32
        %parallel_loop3A_153 = vector.broadcast %parallel_loop3A_152 : i32 to vector<16xi32>
        %parallel_loop3A_154 = arith.minsi %parallel_loop3A_151, %parallel_loop3A_153 : vector<16xi32>
        %parallel_loop3A_155 = tpu.vector_load_idx %arg6[%parallel_loop3A_154] : memref<16384xf32, #tpu.memory_space<vmem>>[vector<16xi32>], vector<16xf32>,
        %parallel_loop3A_156 = arith.constant 16 : i32
        %parallel_loop3A_157 = arith.muli %parallel_loop3A_140, %parallel_loop3A_156 : i32
        %parallel_loop3A_158 = arith.constant 2 : i32
        %parallel_loop3A_159 = arith.index_cast %parallel_loop3A_158 : i32 to index
        %parallel_loop3A_160 = arith.index_cast %parallel_loop3A_157 : i32 to index
        %parallel_loop3A_161 = tpu.vector_load %arg11[%parallel_loop3A_159, %parallel_loop3A_160] {strides = array<i32>} : memref<8x2048xf32, #tpu.memory_space<vmem>>, vector<16xf32>,
        tpu.vector_store %arg11[%parallel_loop3A_159, %parallel_loop3A_160], %parallel_loop3A_155 {strides = array<i32>} : memref<8x2048xf32, #tpu.memory_space<vmem>>, vector<16xf32>,
      } {sc.loop_unroll_factor = 8 : i64, sc.parallel_access}
      %parallel_loop3A_110 = arith.constant 0 : i32
      %parallel_loop3A_111 = arith.constant 128 : i32
      %parallel_loop3A_112 = arith.constant 1 : i32
      scf.for %parallel_loop3A_140 = %parallel_loop3A_110 to %parallel_loop3A_111 step %parallel_loop3A_112  : i32 {
        %parallel_loop3A_141 = arith.constant 16 : i32
        %parallel_loop3A_142 = arith.muli %parallel_loop3A_140, %parallel_loop3A_141 : i32
        %parallel_loop3A_143 = arith.constant 3 : i32
        %parallel_loop3A_144 = arith.index_cast %parallel_loop3A_143 : i32 to index
        %parallel_loop3A_145 = arith.index_cast %parallel_loop3A_142 : i32 to index
        %parallel_loop3A_146 = tpu.vector_load %arg9[%parallel_loop3A_144, %parallel_loop3A_145] {strides = array<i32>} : memref<8x2048xf32, #tpu.memory_space<vmem>>, vector<16xf32>,
        %parallel_loop3A_147 = vector.broadcast %squeeze3A : f32 to vector<16xf32>
        %parallel_loop3A_148 = arith.mulf %parallel_loop3A_146, %parallel_loop3A_147 : vector<16xf32>
        %parallel_loop3A_149 = vector.broadcast %squeeze3A_5 : f32 to vector<16xf32>
        %parallel_loop3A_150 = arith.addf %parallel_loop3A_148, %parallel_loop3A_149 : vector<16xf32>
        %parallel_loop3A_151 = arith.fptosi %parallel_loop3A_150 : vector<16xf32> to vector<16xi32>
        %parallel_loop3A_152 = arith.constant 16383 : i32
        %parallel_loop3A_153 = vector.broadcast %parallel_loop3A_152 : i32 to vector<16xi32>
        %parallel_loop3A_154 = arith.minsi %parallel_loop3A_151, %parallel_loop3A_153 : vector<16xi32>
        %parallel_loop3A_155 = tpu.vector_load_idx %arg6[%parallel_loop3A_154] : memref<16384xf32, #tpu.memory_space<vmem>>[vector<16xi32>], vector<16xf32>,
        %parallel_loop3A_156 = arith.constant 16 : i32
        %parallel_loop3A_157 = arith.muli %parallel_loop3A_140, %parallel_loop3A_156 : i32
        %parallel_loop3A_158 = arith.constant 3 : i32
        %parallel_loop3A_159 = arith.index_cast %parallel_loop3A_158 : i32 to index
        %parallel_loop3A_160 = arith.index_cast %parallel_loop3A_157 : i32 to index
        %parallel_loop3A_161 = tpu.vector_load %arg11[%parallel_loop3A_159, %parallel_loop3A_160] {strides = array<i32>} : memref<8x2048xf32, #tpu.memory_space<vmem>>, vector<16xf32>,
        tpu.vector_store %arg11[%parallel_loop3A_159, %parallel_loop3A_160], %parallel_loop3A_155 {strides = array<i32>} : memref<8x2048xf32, #tpu.memory_space<vmem>>, vector<16xf32>,
      } {sc.loop_unroll_factor = 8 : i64, sc.parallel_access}
      %parallel_loop3A_113 = arith.constant 0 : i32
      %parallel_loop3A_114 = arith.constant 128 : i32
      %parallel_loop3A_115 = arith.constant 1 : i32
      scf.for %parallel_loop3A_140 = %parallel_loop3A_113 to %parallel_loop3A_114 step %parallel_loop3A_115  : i32 {
        %parallel_loop3A_141 = arith.constant 16 : i32
        %parallel_loop3A_142 = arith.muli %parallel_loop3A_140, %parallel_loop3A_141 : i32
        %parallel_loop3A_143 = arith.constant 4 : i32
        %parallel_loop3A_144 = arith.index_cast %parallel_loop3A_143 : i32 to index
        %parallel_loop3A_145 = arith.index_cast %parallel_loop3A_142 : i32 to index
        %parallel_loop3A_146 = tpu.vector_load %arg9[%parallel_loop3A_144, %parallel_loop3A_145] {strides = array<i32>} : memref<8x2048xf32, #tpu.memory_space<vmem>>, vector<16xf32>,
        %parallel_loop3A_147 = vector.broadcast %squeeze3A : f32 to vector<16xf32>
        %parallel_loop3A_148 = arith.mulf %parallel_loop3A_146, %parallel_loop3A_147 : vector<16xf32>
        %parallel_loop3A_149 = vector.broadcast %squeeze3A_5 : f32 to vector<16xf32>
        %parallel_loop3A_150 = arith.addf %parallel_loop3A_148, %parallel_loop3A_149 : vector<16xf32>
        %parallel_loop3A_151 = arith.fptosi %parallel_loop3A_150 : vector<16xf32> to vector<16xi32>
        %parallel_loop3A_152 = arith.constant 16383 : i32
        %parallel_loop3A_153 = vector.broadcast %parallel_loop3A_152 : i32 to vector<16xi32>
        %parallel_loop3A_154 = arith.minsi %parallel_loop3A_151, %parallel_loop3A_153 : vector<16xi32>
        %parallel_loop3A_155 = tpu.vector_load_idx %arg6[%parallel_loop3A_154] : memref<16384xf32, #tpu.memory_space<vmem>>[vector<16xi32>], vector<16xf32>,
        %parallel_loop3A_156 = arith.constant 16 : i32
        %parallel_loop3A_157 = arith.muli %parallel_loop3A_140, %parallel_loop3A_156 : i32
        %parallel_loop3A_158 = arith.constant 4 : i32
        %parallel_loop3A_159 = arith.index_cast %parallel_loop3A_158 : i32 to index
        %parallel_loop3A_160 = arith.index_cast %parallel_loop3A_157 : i32 to index
        %parallel_loop3A_161 = tpu.vector_load %arg11[%parallel_loop3A_159, %parallel_loop3A_160] {strides = array<i32>} : memref<8x2048xf32, #tpu.memory_space<vmem>>, vector<16xf32>,
        tpu.vector_store %arg11[%parallel_loop3A_159, %parallel_loop3A_160], %parallel_loop3A_155 {strides = array<i32>} : memref<8x2048xf32, #tpu.memory_space<vmem>>, vector<16xf32>,
      } {sc.loop_unroll_factor = 8 : i64, sc.parallel_access}
      %parallel_loop3A_116 = arith.constant 0 : i32
      %parallel_loop3A_117 = arith.constant 128 : i32
      %parallel_loop3A_118 = arith.constant 1 : i32
      scf.for %parallel_loop3A_140 = %parallel_loop3A_116 to %parallel_loop3A_117 step %parallel_loop3A_118  : i32 {
        %parallel_loop3A_141 = arith.constant 16 : i32
        %parallel_loop3A_142 = arith.muli %parallel_loop3A_140, %parallel_loop3A_141 : i32
        %parallel_loop3A_143 = arith.constant 5 : i32
        %parallel_loop3A_144 = arith.index_cast %parallel_loop3A_143 : i32 to index
        %parallel_loop3A_145 = arith.index_cast %parallel_loop3A_142 : i32 to index
        %parallel_loop3A_146 = tpu.vector_load %arg9[%parallel_loop3A_144, %parallel_loop3A_145] {strides = array<i32>} : memref<8x2048xf32, #tpu.memory_space<vmem>>, vector<16xf32>,
        %parallel_loop3A_147 = vector.broadcast %squeeze3A : f32 to vector<16xf32>
        %parallel_loop3A_148 = arith.mulf %parallel_loop3A_146, %parallel_loop3A_147 : vector<16xf32>
        %parallel_loop3A_149 = vector.broadcast %squeeze3A_5 : f32 to vector<16xf32>
        %parallel_loop3A_150 = arith.addf %parallel_loop3A_148, %parallel_loop3A_149 : vector<16xf32>
        %parallel_loop3A_151 = arith.fptosi %parallel_loop3A_150 : vector<16xf32> to vector<16xi32>
        %parallel_loop3A_152 = arith.constant 16383 : i32
        %parallel_loop3A_153 = vector.broadcast %parallel_loop3A_152 : i32 to vector<16xi32>
        %parallel_loop3A_154 = arith.minsi %parallel_loop3A_151, %parallel_loop3A_153 : vector<16xi32>
        %parallel_loop3A_155 = tpu.vector_load_idx %arg6[%parallel_loop3A_154] : memref<16384xf32, #tpu.memory_space<vmem>>[vector<16xi32>], vector<16xf32>,
        %parallel_loop3A_156 = arith.constant 16 : i32
        %parallel_loop3A_157 = arith.muli %parallel_loop3A_140, %parallel_loop3A_156 : i32
        %parallel_loop3A_158 = arith.constant 5 : i32
        %parallel_loop3A_159 = arith.index_cast %parallel_loop3A_158 : i32 to index
        %parallel_loop3A_160 = arith.index_cast %parallel_loop3A_157 : i32 to index
        %parallel_loop3A_161 = tpu.vector_load %arg11[%parallel_loop3A_159, %parallel_loop3A_160] {strides = array<i32>} : memref<8x2048xf32, #tpu.memory_space<vmem>>, vector<16xf32>,
        tpu.vector_store %arg11[%parallel_loop3A_159, %parallel_loop3A_160], %parallel_loop3A_155 {strides = array<i32>} : memref<8x2048xf32, #tpu.memory_space<vmem>>, vector<16xf32>,
      } {sc.loop_unroll_factor = 8 : i64, sc.parallel_access}
      %parallel_loop3A_119 = arith.constant 0 : i32
      %parallel_loop3A_120 = arith.constant 128 : i32
      %parallel_loop3A_121 = arith.constant 1 : i32
      scf.for %parallel_loop3A_140 = %parallel_loop3A_119 to %parallel_loop3A_120 step %parallel_loop3A_121  : i32 {
        %parallel_loop3A_141 = arith.constant 16 : i32
        %parallel_loop3A_142 = arith.muli %parallel_loop3A_140, %parallel_loop3A_141 : i32
        %parallel_loop3A_143 = arith.constant 6 : i32
        %parallel_loop3A_144 = arith.index_cast %parallel_loop3A_143 : i32 to index
        %parallel_loop3A_145 = arith.index_cast %parallel_loop3A_142 : i32 to index
        %parallel_loop3A_146 = tpu.vector_load %arg9[%parallel_loop3A_144, %parallel_loop3A_145] {strides = array<i32>} : memref<8x2048xf32, #tpu.memory_space<vmem>>, vector<16xf32>,
        %parallel_loop3A_147 = vector.broadcast %squeeze3A : f32 to vector<16xf32>
        %parallel_loop3A_148 = arith.mulf %parallel_loop3A_146, %parallel_loop3A_147 : vector<16xf32>
        %parallel_loop3A_149 = vector.broadcast %squeeze3A_5 : f32 to vector<16xf32>
        %parallel_loop3A_150 = arith.addf %parallel_loop3A_148, %parallel_loop3A_149 : vector<16xf32>
        %parallel_loop3A_151 = arith.fptosi %parallel_loop3A_150 : vector<16xf32> to vector<16xi32>
        %parallel_loop3A_152 = arith.constant 16383 : i32
        %parallel_loop3A_153 = vector.broadcast %parallel_loop3A_152 : i32 to vector<16xi32>
        %parallel_loop3A_154 = arith.minsi %parallel_loop3A_151, %parallel_loop3A_153 : vector<16xi32>
        %parallel_loop3A_155 = tpu.vector_load_idx %arg6[%parallel_loop3A_154] : memref<16384xf32, #tpu.memory_space<vmem>>[vector<16xi32>], vector<16xf32>,
        %parallel_loop3A_156 = arith.constant 16 : i32
        %parallel_loop3A_157 = arith.muli %parallel_loop3A_140, %parallel_loop3A_156 : i32
        %parallel_loop3A_158 = arith.constant 6 : i32
        %parallel_loop3A_159 = arith.index_cast %parallel_loop3A_158 : i32 to index
        %parallel_loop3A_160 = arith.index_cast %parallel_loop3A_157 : i32 to index
        %parallel_loop3A_161 = tpu.vector_load %arg11[%parallel_loop3A_159, %parallel_loop3A_160] {strides = array<i32>} : memref<8x2048xf32, #tpu.memory_space<vmem>>, vector<16xf32>,
        tpu.vector_store %arg11[%parallel_loop3A_159, %parallel_loop3A_160], %parallel_loop3A_155 {strides = array<i32>} : memref<8x2048xf32, #tpu.memory_space<vmem>>, vector<16xf32>,
      } {sc.loop_unroll_factor = 8 : i64, sc.parallel_access}
      %parallel_loop3A_122 = arith.constant 0 : i32
      %parallel_loop3A_123 = arith.constant 128 : i32
      %parallel_loop3A_124 = arith.constant 1 : i32
      scf.for %parallel_loop3A_140 = %parallel_loop3A_122 to %parallel_loop3A_123 step %parallel_loop3A_124  : i32 {
        %parallel_loop3A_141 = arith.constant 16 : i32
        %parallel_loop3A_142 = arith.muli %parallel_loop3A_140, %parallel_loop3A_141 : i32
        %parallel_loop3A_143 = arith.constant 7 : i32
        %parallel_loop3A_144 = arith.index_cast %parallel_loop3A_143 : i32 to index
        %parallel_loop3A_145 = arith.index_cast %parallel_loop3A_142 : i32 to index
        %parallel_loop3A_146 = tpu.vector_load %arg9[%parallel_loop3A_144, %parallel_loop3A_145] {strides = array<i32>} : memref<8x2048xf32, #tpu.memory_space<vmem>>, vector<16xf32>,
        %parallel_loop3A_147 = vector.broadcast %squeeze3A : f32 to vector<16xf32>
        %parallel_loop3A_148 = arith.mulf %parallel_loop3A_146, %parallel_loop3A_147 : vector<16xf32>
        %parallel_loop3A_149 = vector.broadcast %squeeze3A_5 : f32 to vector<16xf32>
        %parallel_loop3A_150 = arith.addf %parallel_loop3A_148, %parallel_loop3A_149 : vector<16xf32>
        %parallel_loop3A_151 = arith.fptosi %parallel_loop3A_150 : vector<16xf32> to vector<16xi32>
        %parallel_loop3A_152 = arith.constant 16383 : i32
        %parallel_loop3A_153 = vector.broadcast %parallel_loop3A_152 : i32 to vector<16xi32>
        %parallel_loop3A_154 = arith.minsi %parallel_loop3A_151, %parallel_loop3A_153 : vector<16xi32>
        %parallel_loop3A_155 = tpu.vector_load_idx %arg6[%parallel_loop3A_154] : memref<16384xf32, #tpu.memory_space<vmem>>[vector<16xi32>], vector<16xf32>,
        %parallel_loop3A_156 = arith.constant 16 : i32
        %parallel_loop3A_157 = arith.muli %parallel_loop3A_140, %parallel_loop3A_156 : i32
        %parallel_loop3A_158 = arith.constant 7 : i32
        %parallel_loop3A_159 = arith.index_cast %parallel_loop3A_158 : i32 to index
        %parallel_loop3A_160 = arith.index_cast %parallel_loop3A_157 : i32 to index
        %parallel_loop3A_161 = tpu.vector_load %arg11[%parallel_loop3A_159, %parallel_loop3A_160] {strides = array<i32>} : memref<8x2048xf32, #tpu.memory_space<vmem>>, vector<16xf32>,
        tpu.vector_store %arg11[%parallel_loop3A_159, %parallel_loop3A_160], %parallel_loop3A_155 {strides = array<i32>} : memref<8x2048xf32, #tpu.memory_space<vmem>>, vector<16xf32>,
      } {sc.loop_unroll_factor = 8 : i64, sc.parallel_access}
      %mul3A_125 = arith.constant 8 : i32
      %mul3A_126 = arith.muli %add3A_88, %mul3A_125 : i32
      %add3A_127 = arith.addi %mul3A_2, %mul3A_126 : i32
      %dma_start3A_128 = arith.constant 0 : i32
      %dma_start3A_129 = tpu.memref_slice %arg5[%add3A_127, %dma_start3A_128] : memref<8192x2048xf32, #tpu.memory_space<hbm>> -> memref<8x2048xf32, #tpu.memory_space<hbm>>
      %dma_start3A_130 = arith.constant 0 : i32
      %dma_start3A_131 = tpu.memref_slice %arg5[%add3A_127, %dma_start3A_130] : memref<8192x2048xf32, #tpu.memory_space<hbm>> -> memref<8x2048xf32, #tpu.memory_space<hbm>>
      tpu.enqueue_dma source(%arg11 : memref<8x2048xf32, #tpu.memory_space<vmem>>) target(%dma_start3A_131 : memref<8x2048xf32, #tpu.memory_space<hbm>>) target_semaphore(%arg15 : memref<!tpu.dma_semaphore, #tpu.memory_space<semaphore_mem>>)
      %add3A_132 = arith.constant 2 : i32
      %add3A_133 = arith.addi %add3A_88, %add3A_132 : i32
      %lt3A_134 = arith.constant 32 : i32
      %lt3A_135 = arith.cmpi slt, %add3A_133, %lt3A_134 : i32
      %convert_element_type3A_136 = arith.extui %lt3A_135 : i1 to i32
      %cond3A_137 = arith.constant 0 : i32
      %cond3A_138 = arith.cmpi ne, %convert_element_type3A_136, %cond3A_137 : i32
      scf.if %cond3A_138 {
        %add3A_140 = arith.constant 2 : i32
        %add3A_141 = arith.addi %add3A_88, %add3A_140 : i32
        %mul3A_142 = arith.constant 8 : i32
        %mul3A_143 = arith.muli %add3A_141, %mul3A_142 : i32
        %add3A_144 = arith.addi %mul3A_2, %mul3A_143 : i32
        %dma_start3A_145 = arith.constant 0 : i32
        %dma_start3A_146 = tpu.memref_slice %arg2[%add3A_144, %dma_start3A_145] : memref<8192x2048xf32, #tpu.memory_space<hbm>> -> memref<8x2048xf32, #tpu.memory_space<hbm>>
        %dma_start3A_147 = arith.constant 0 : i32
        %dma_start3A_148 = tpu.memref_slice %arg2[%add3A_144, %dma_start3A_147] : memref<8192x2048xf32, #tpu.memory_space<hbm>> -> memref<8x2048xf32, #tpu.memory_space<hbm>>
        tpu.enqueue_dma source(%dma_start3A_148 : memref<8x2048xf32, #tpu.memory_space<hbm>>) target(%arg9 : memref<8x2048xf32, #tpu.memory_space<vmem>>) target_semaphore(%arg13 : memref<!tpu.dma_semaphore, #tpu.memory_space<semaphore_mem>>)
      } else {
      }
      %scan3A_139 = arith.constant 0 : i32
      scf.yield %scan3A_139 : i32
    }
    %scan3A_22 = arith.constant 16 : i32
    %add3A_23 = arith.constant 240 : i32
    %add3A_24 = arith.addi %mul3A_2, %add3A_23 : i32
    %dma_wait3A = arith.constant 0 : i32
    %dma_wait3A_25 = tpu.memref_slice %arg5[%add3A_24, %dma_wait3A] : memref<8192x2048xf32, #tpu.memory_space<hbm>> -> memref<8x2048xf32, #tpu.memory_space<hbm>>
    %dma_wait3A_26 = arith.constant 0 : i32
    %dma_wait3A_27 = tpu.memref_slice %arg5[%add3A_24, %dma_wait3A_26] : memref<8192x2048xf32, #tpu.memory_space<hbm>> -> memref<8x2048xf32, #tpu.memory_space<hbm>>
    tpu.wait_dma2 semaphore(%arg14 : memref<!tpu.dma_semaphore, #tpu.memory_space<semaphore_mem>>) src(%arg10 : memref<8x2048xf32, #tpu.memory_space<vmem>>) dst(%dma_wait3A_27 : memref<8x2048xf32, #tpu.memory_space<hbm>>)
    %add3A_28 = arith.constant 248 : i32
    %add3A_29 = arith.addi %mul3A_2, %add3A_28 : i32
    %dma_wait3A_30 = arith.constant 0 : i32
    %dma_wait3A_31 = tpu.memref_slice %arg5[%add3A_29, %dma_wait3A_30] : memref<8192x2048xf32, #tpu.memory_space<hbm>> -> memref<8x2048xf32, #tpu.memory_space<hbm>>
    %dma_wait3A_32 = arith.constant 0 : i32
    %dma_wait3A_33 = tpu.memref_slice %arg5[%add3A_29, %dma_wait3A_32] : memref<8192x2048xf32, #tpu.memory_space<hbm>> -> memref<8x2048xf32, #tpu.memory_space<hbm>>
    tpu.wait_dma2 semaphore(%arg15 : memref<!tpu.dma_semaphore, #tpu.memory_space<semaphore_mem>>) src(%arg11 : memref<8x2048xf32, #tpu.memory_space<vmem>>) dst(%dma_wait3A_33 : memref<8x2048xf32, #tpu.memory_space<hbm>>)
    return
  }
}

module attributes {stable_mosaic.version = 14 : i64} {
  func.func @_stats_kernel(%arg0: i32, %arg1: memref<1024x2048xf32, #tpu.memory_space<vmem>>, %arg2: memref<1x1xf32, #tpu.memory_space<smem>>, %arg3: memref<1x1xf32, #tpu.memory_space<smem>>, %arg4: memref<2x5xf32, #tpu.memory_space<smem>>, %arg5: memref<1x1xf32, #tpu.memory_space<smem>>, %arg6: memref<8x2048xf32, #tpu.memory_space<vmem>>, %arg7: memref<1x16xf32, #tpu.memory_space<smem>>, %arg8: memref<1x2xf32, #tpu.memory_space<smem>>, %arg9: memref<1x4xf32, #tpu.memory_space<smem>>) attributes {dimension_semantics = [#tpu.dimension_semantics<arbitrary>], iteration_bounds = array<i64: 17>, scalar_prefetch = 0 : i64, scratch_operands = 2 : i64, tpu.core_type = #tpu.core_type<tc>, window_params = [{transform_indices = @transform_0, window_bounds = array<i64: 1024, 2048>}, {transform_indices = @transform_1, window_bounds = array<i64: 1, 1>}, {transform_indices = @transform_2, window_bounds = array<i64: 1, 1>}, {transform_indices = @transform_3, window_bounds = array<i64: 2, 5>}, {transform_indices = @transform_4, window_bounds = array<i64: 1, 1>}, {pipeline_mode = #tpu.pipeline_mode<synchronous>, transform_indices = @transform_5, window_bounds = array<i64: 8, 2048>}, {transform_indices = @transform_6, window_bounds = array<i64: 1, 16>}]} {
    %get3A = arith.constant 0 : index
    %get3A_0 = arith.constant 0 : index
    %get3A_1 = vector.load %arg1[%get3A, %get3A_0] : memref<1024x2048xf32, #tpu.memory_space<vmem>>, vector<1024x2048xf32>
    %get3A_2 = arith.constant 0 : index
    %get3A_3 = arith.constant 0 : index
    %get3A_4 = memref.load %arg2[%get3A_2, %get3A_3] : memref<1x1xf32, #tpu.memory_space<smem>>
    %mul3A = vector.broadcast %get3A_4 : f32 to vector<1024x2048xf32>
    %mul3A_5 = arith.mulf %get3A_1, %mul3A : vector<1024x2048xf32>
    %lt3A = arith.constant 8 : i32
    %lt3A_6 = arith.cmpi slt, %arg0, %lt3A : i32
    %convert_element_type3A = arith.extui %lt3A_6 : i1 to i32
    %cond3A = arith.constant 0 : i32
    %cond3A_7 = arith.cmpi ne, %convert_element_type3A, %cond3A : i32
    scf.if %cond3A_7 {
      %reduce_min3A = vector.shape_cast %mul3A_5 : vector<1024x2048xf32> to vector<1x1024x2048xf32>
      %reduce_min3A_18 = arith.constant dense<0x7F800000> : vector<1xf32>
      %reduce_min3A_19 = vector.multi_reduction <minimumf>, %reduce_min3A, %reduce_min3A_18 [1, 2] : vector<1x1024x2048xf32> to vector<1xf32>
      %reduce_min3A_20 = vector.shape_cast %reduce_min3A_19 : vector<1xf32> to vector<1x1x1xf32>
      %reduce_min3A_21 = vector.extract %reduce_min3A_20[0, 0, 0] : f32 from vector<1x1x1xf32>
      %reduce_max3A = vector.shape_cast %mul3A_5 : vector<1024x2048xf32> to vector<1x1024x2048xf32>
      %reduce_max3A_22 = arith.constant dense<0xFF800000> : vector<1xf32>
      %reduce_max3A_23 = vector.multi_reduction <maximumf>, %reduce_max3A, %reduce_max3A_22 [1, 2] : vector<1x1024x2048xf32> to vector<1xf32>
      %reduce_max3A_24 = vector.shape_cast %reduce_max3A_23 : vector<1xf32> to vector<1x1x1xf32>
      %reduce_max3A_25 = vector.extract %reduce_max3A_24[0, 0, 0] : f32 from vector<1x1x1xf32>
      %eq3A_26 = arith.constant 0 : i32
      %eq3A_27 = arith.cmpi eq, %arg0, %eq3A_26 : i32
      %convert_element_type3A_28 = arith.extui %eq3A_27 : i1 to i32
      %cond3A_29 = arith.constant 0 : i32
      %cond3A_30 = arith.cmpi ne, %convert_element_type3A_28, %cond3A_29 : i32
      scf.if %cond3A_30 {
        %swap3A = arith.constant 0 : index
        %swap3A_35 = arith.constant 0 : index
        %swap3A_36 = memref.load %arg8[%swap3A, %swap3A_35] : memref<1x2xf32, #tpu.memory_space<smem>>
        memref.store %reduce_min3A_21, %arg8[%swap3A, %swap3A_35] : memref<1x2xf32, #tpu.memory_space<smem>>
        %swap3A_37 = arith.constant 0 : index
        %swap3A_38 = arith.constant 1 : index
        %swap3A_39 = memref.load %arg8[%swap3A_37, %swap3A_38] : memref<1x2xf32, #tpu.memory_space<smem>>
        memref.store %reduce_max3A_25, %arg8[%swap3A_37, %swap3A_38] : memref<1x2xf32, #tpu.memory_space<smem>>
      } else {
      }
      %gt3A = arith.constant 0 : i32
      %gt3A_31 = arith.cmpi sgt, %arg0, %gt3A : i32
      %convert_element_type3A_32 = arith.extui %gt3A_31 : i1 to i32
      %cond3A_33 = arith.constant 0 : i32
      %cond3A_34 = arith.cmpi ne, %convert_element_type3A_32, %cond3A_33 : i32
      scf.if %cond3A_34 {
        %get3A_35 = arith.constant 0 : index
        %get3A_36 = arith.constant 0 : index
        %get3A_37 = memref.load %arg8[%get3A_35, %get3A_36] : memref<1x2xf32, #tpu.memory_space<smem>>
        %min3A = arith.minimumf %get3A_37, %reduce_min3A_21 : f32
        %swap3A = arith.constant 0 : index
        %swap3A_38 = arith.constant 0 : index
        %swap3A_39 = memref.load %arg8[%swap3A, %swap3A_38] : memref<1x2xf32, #tpu.memory_space<smem>>
        memref.store %min3A, %arg8[%swap3A, %swap3A_38] : memref<1x2xf32, #tpu.memory_space<smem>>
        %get3A_40 = arith.constant 0 : index
        %get3A_41 = arith.constant 1 : index
        %get3A_42 = memref.load %arg8[%get3A_40, %get3A_41] : memref<1x2xf32, #tpu.memory_space<smem>>
        %max3A = arith.maximumf %get3A_42, %reduce_max3A_25 : f32
        %swap3A_43 = arith.constant 0 : index
        %swap3A_44 = arith.constant 1 : index
        %swap3A_45 = memref.load %arg8[%swap3A_43, %swap3A_44] : memref<1x2xf32, #tpu.memory_space<smem>>
        memref.store %max3A, %arg8[%swap3A_43, %swap3A_44] : memref<1x2xf32, #tpu.memory_space<smem>>
      } else {
      }
    } else {
    }
    %ge3A = arith.constant 8 : i32
    %ge3A_8 = arith.cmpi sge, %arg0, %ge3A : i32
    %lt3A_9 = arith.constant 16 : i32
    %lt3A_10 = arith.cmpi slt, %arg0, %lt3A_9 : i32
    %and3A = arith.andi %ge3A_8, %lt3A_10 : i1
    %convert_element_type3A_11 = arith.extui %and3A : i1 to i32
    %cond3A_12 = arith.constant 0 : i32
    %cond3A_13 = arith.cmpi ne, %convert_element_type3A_11, %cond3A_12 : i32
    scf.if %cond3A_13 {
      %get3A_18 = arith.constant 0 : index
      %get3A_19 = arith.constant 0 : index
      %get3A_20 = memref.load %arg8[%get3A_18, %get3A_19] : memref<1x2xf32, #tpu.memory_space<smem>>
      %get3A_21 = arith.constant 0 : index
      %get3A_22 = arith.constant 1 : index
      %get3A_23 = memref.load %arg8[%get3A_21, %get3A_22] : memref<1x2xf32, #tpu.memory_space<smem>>
      %sub3A = arith.subf %get3A_23, %get3A_20 : f32
      %gt3A = arith.constant 0.000000e+00 : f32
      %gt3A_24 = arith.cmpf ogt, %sub3A, %gt3A : f32
      %div3A = arith.constant 5.000000e+00 : f32
      %div3A_25 = arith.divf %sub3A, %div3A : f32
      %jit3A = arith.constant 1.000000e+00 : f32
      %select_n3A = arith.select %gt3A_24, %div3A_25, %jit3A : f32
      %eq3A_26 = arith.constant 8 : i32
      %eq3A_27 = arith.cmpi eq, %arg0, %eq3A_26 : i32
      %convert_element_type3A_28 = arith.extui %eq3A_27 : i1 to i32
      %cond3A_29 = arith.constant 0 : i32
      %cond3A_30 = arith.cmpi ne, %convert_element_type3A_28, %cond3A_29 : i32
      scf.if %cond3A_30 {
        %swap3A_104 = arith.constant 0.000000e+00 : f32
        %swap3A_105 = arith.constant 0 : index
        %swap3A_106 = arith.constant 0 : index
        %swap3A_107 = memref.load %arg9[%swap3A_105, %swap3A_106] : memref<1x4xf32, #tpu.memory_space<smem>>
        memref.store %swap3A_104, %arg9[%swap3A_105, %swap3A_106] : memref<1x4xf32, #tpu.memory_space<smem>>
        %swap3A_108 = arith.constant 0.000000e+00 : f32
        %swap3A_109 = arith.constant 0 : index
        %swap3A_110 = arith.constant 1 : index
        %swap3A_111 = memref.load %arg9[%swap3A_109, %swap3A_110] : memref<1x4xf32, #tpu.memory_space<smem>>
        memref.store %swap3A_108, %arg9[%swap3A_109, %swap3A_110] : memref<1x4xf32, #tpu.memory_space<smem>>
        %swap3A_112 = arith.constant 0.000000e+00 : f32
        %swap3A_113 = arith.constant 0 : index
        %swap3A_114 = arith.constant 2 : index
        %swap3A_115 = memref.load %arg9[%swap3A_113, %swap3A_114] : memref<1x4xf32, #tpu.memory_space<smem>>
        memref.store %swap3A_112, %arg9[%swap3A_113, %swap3A_114] : memref<1x4xf32, #tpu.memory_space<smem>>
        %swap3A_116 = arith.constant 0.000000e+00 : f32
        %swap3A_117 = arith.constant 0 : index
        %swap3A_118 = arith.constant 3 : index
        %swap3A_119 = memref.load %arg9[%swap3A_117, %swap3A_118] : memref<1x4xf32, #tpu.memory_space<smem>>
        memref.store %swap3A_116, %arg9[%swap3A_117, %swap3A_118] : memref<1x4xf32, #tpu.memory_space<smem>>
      } else {
      }
      %mul3A_31 = arith.constant 1.000000e+00 : f32
      %mul3A_32 = arith.mulf %select_n3A, %mul3A_31 : f32
      %add3A = arith.addf %get3A_20, %mul3A_32 : f32
      %lt3A_33 = vector.broadcast %add3A : f32 to vector<1024x2048xf32>
      %lt3A_34 = arith.cmpf olt, %mul3A_5, %lt3A_33 : vector<1024x2048xf32>
      %convert_element_type3A_35 = arith.extui %lt3A_34 : vector<1024x2048xi1> to vector<1024x2048xi32>
      %convert_element_type3A_36 = arith.sitofp %convert_element_type3A_35 : vector<1024x2048xi32> to vector<1024x2048xf32>
      %reduce_sum3A = vector.shape_cast %convert_element_type3A_36 : vector<1024x2048xf32> to vector<1x1024x2048xf32>
      %reduce_sum3A_37 = arith.constant dense<0.000000e+00> : vector<1xf32>
      %reduce_sum3A_38 = vector.multi_reduction <add>, %reduce_sum3A, %reduce_sum3A_37 [1, 2] : vector<1x1024x2048xf32> to vector<1xf32>
      %reduce_sum3A_39 = vector.shape_cast %reduce_sum3A_38 : vector<1xf32> to vector<1x1x1xf32>
      %reduce_sum3A_40 = vector.extract %reduce_sum3A_39[0, 0, 0] : f32 from vector<1x1x1xf32>
      %get3A_41 = arith.constant 0 : index
      %get3A_42 = arith.constant 0 : index
      %get3A_43 = memref.load %arg9[%get3A_41, %get3A_42] : memref<1x4xf32, #tpu.memory_space<smem>>
      %add3A_44 = arith.addf %get3A_43, %reduce_sum3A_40 : f32
      %swap3A = arith.constant 0 : index
      %swap3A_45 = arith.constant 0 : index
      %swap3A_46 = memref.load %arg9[%swap3A, %swap3A_45] : memref<1x4xf32, #tpu.memory_space<smem>>
      memref.store %add3A_44, %arg9[%swap3A, %swap3A_45] : memref<1x4xf32, #tpu.memory_space<smem>>
      %mul3A_47 = arith.constant 2.000000e+00 : f32
      %mul3A_48 = arith.mulf %select_n3A, %mul3A_47 : f32
      %add3A_49 = arith.addf %get3A_20, %mul3A_48 : f32
      %lt3A_50 = vector.broadcast %add3A_49 : f32 to vector<1024x2048xf32>
      %lt3A_51 = arith.cmpf olt, %mul3A_5, %lt3A_50 : vector<1024x2048xf32>
      %convert_element_type3A_52 = arith.extui %lt3A_51 : vector<1024x2048xi1> to vector<1024x2048xi32>
      %convert_element_type3A_53 = arith.sitofp %convert_element_type3A_52 : vector<1024x2048xi32> to vector<1024x2048xf32>
      %reduce_sum3A_54 = vector.shape_cast %convert_element_type3A_53 : vector<1024x2048xf32> to vector<1x1024x2048xf32>
      %reduce_sum3A_55 = arith.constant dense<0.000000e+00> : vector<1xf32>
      %reduce_sum3A_56 = vector.multi_reduction <add>, %reduce_sum3A_54, %reduce_sum3A_55 [1, 2] : vector<1x1024x2048xf32> to vector<1xf32>
      %reduce_sum3A_57 = vector.shape_cast %reduce_sum3A_56 : vector<1xf32> to vector<1x1x1xf32>
      %reduce_sum3A_58 = vector.extract %reduce_sum3A_57[0, 0, 0] : f32 from vector<1x1x1xf32>
      %get3A_59 = arith.constant 0 : index
      %get3A_60 = arith.constant 1 : index
      %get3A_61 = memref.load %arg9[%get3A_59, %get3A_60] : memref<1x4xf32, #tpu.memory_space<smem>>
      %add3A_62 = arith.addf %get3A_61, %reduce_sum3A_58 : f32
      %swap3A_63 = arith.constant 0 : index
      %swap3A_64 = arith.constant 1 : index
      %swap3A_65 = memref.load %arg9[%swap3A_63, %swap3A_64] : memref<1x4xf32, #tpu.memory_space<smem>>
      memref.store %add3A_62, %arg9[%swap3A_63, %swap3A_64] : memref<1x4xf32, #tpu.memory_space<smem>>
      %mul3A_66 = arith.constant 3.000000e+00 : f32
      %mul3A_67 = arith.mulf %select_n3A, %mul3A_66 : f32
      %add3A_68 = arith.addf %get3A_20, %mul3A_67 : f32
      %lt3A_69 = vector.broadcast %add3A_68 : f32 to vector<1024x2048xf32>
      %lt3A_70 = arith.cmpf olt, %mul3A_5, %lt3A_69 : vector<1024x2048xf32>
      %convert_element_type3A_71 = arith.extui %lt3A_70 : vector<1024x2048xi1> to vector<1024x2048xi32>
      %convert_element_type3A_72 = arith.sitofp %convert_element_type3A_71 : vector<1024x2048xi32> to vector<1024x2048xf32>
      %reduce_sum3A_73 = vector.shape_cast %convert_element_type3A_72 : vector<1024x2048xf32> to vector<1x1024x2048xf32>
      %reduce_sum3A_74 = arith.constant dense<0.000000e+00> : vector<1xf32>
      %reduce_sum3A_75 = vector.multi_reduction <add>, %reduce_sum3A_73, %reduce_sum3A_74 [1, 2] : vector<1x1024x2048xf32> to vector<1xf32>
      %reduce_sum3A_76 = vector.shape_cast %reduce_sum3A_75 : vector<1xf32> to vector<1x1x1xf32>
      %reduce_sum3A_77 = vector.extract %reduce_sum3A_76[0, 0, 0] : f32 from vector<1x1x1xf32>
      %get3A_78 = arith.constant 0 : index
      %get3A_79 = arith.constant 2 : index
      %get3A_80 = memref.load %arg9[%get3A_78, %get3A_79] : memref<1x4xf32, #tpu.memory_space<smem>>
      %add3A_81 = arith.addf %get3A_80, %reduce_sum3A_77 : f32
      %swap3A_82 = arith.constant 0 : index
      %swap3A_83 = arith.constant 2 : index
      %swap3A_84 = memref.load %arg9[%swap3A_82, %swap3A_83] : memref<1x4xf32, #tpu.memory_space<smem>>
      memref.store %add3A_81, %arg9[%swap3A_82, %swap3A_83] : memref<1x4xf32, #tpu.memory_space<smem>>
      %mul3A_85 = arith.constant 4.000000e+00 : f32
      %mul3A_86 = arith.mulf %select_n3A, %mul3A_85 : f32
      %add3A_87 = arith.addf %get3A_20, %mul3A_86 : f32
      %lt3A_88 = vector.broadcast %add3A_87 : f32 to vector<1024x2048xf32>
      %lt3A_89 = arith.cmpf olt, %mul3A_5, %lt3A_88 : vector<1024x2048xf32>
      %convert_element_type3A_90 = arith.extui %lt3A_89 : vector<1024x2048xi1> to vector<1024x2048xi32>
      %convert_element_type3A_91 = arith.sitofp %convert_element_type3A_90 : vector<1024x2048xi32> to vector<1024x2048xf32>
      %reduce_sum3A_92 = vector.shape_cast %convert_element_type3A_91 : vector<1024x2048xf32> to vector<1x1024x2048xf32>
      %reduce_sum3A_93 = arith.constant dense<0.000000e+00> : vector<1xf32>
      %reduce_sum3A_94 = vector.multi_reduction <add>, %reduce_sum3A_92, %reduce_sum3A_93 [1, 2] : vector<1x1024x2048xf32> to vector<1xf32>
      %reduce_sum3A_95 = vector.shape_cast %reduce_sum3A_94 : vector<1xf32> to vector<1x1x1xf32>
      %reduce_sum3A_96 = vector.extract %reduce_sum3A_95[0, 0, 0] : f32 from vector<1x1x1xf32>
      %get3A_97 = arith.constant 0 : index
      %get3A_98 = arith.constant 3 : index
      %get3A_99 = memref.load %arg9[%get3A_97, %get3A_98] : memref<1x4xf32, #tpu.memory_space<smem>>
      %add3A_100 = arith.addf %get3A_99, %reduce_sum3A_96 : f32
      %swap3A_101 = arith.constant 0 : index
      %swap3A_102 = arith.constant 3 : index
      %swap3A_103 = memref.load %arg9[%swap3A_101, %swap3A_102] : memref<1x4xf32, #tpu.memory_space<smem>>
      memref.store %add3A_100, %arg9[%swap3A_101, %swap3A_102] : memref<1x4xf32, #tpu.memory_space<smem>>
    } else {
    }
    %eq3A = arith.constant 16 : i32
    %eq3A_14 = arith.cmpi eq, %arg0, %eq3A : i32
    %convert_element_type3A_15 = arith.extui %eq3A_14 : i1 to i32
    %cond3A_16 = arith.constant 0 : i32
    %cond3A_17 = arith.cmpi ne, %convert_element_type3A_15, %cond3A_16 : i32
    scf.if %cond3A_17 {
      %get3A_18 = arith.constant 0 : index
      %get3A_19 = arith.constant 0 : index
      %get3A_20 = memref.load %arg8[%get3A_18, %get3A_19] : memref<1x2xf32, #tpu.memory_space<smem>>
      %get3A_21 = arith.constant 0 : index
      %get3A_22 = arith.constant 1 : index
      %get3A_23 = memref.load %arg8[%get3A_21, %get3A_22] : memref<1x2xf32, #tpu.memory_space<smem>>
      %sub3A = arith.subf %get3A_23, %get3A_20 : f32
      %iota3A = tpu.iota {dimensions = array<i32: 0>} : vector<8x2048xi32>
      %iota3A_24 = tpu.iota {dimensions = array<i32: 1>} : vector<8x2048xi32>
      %mul3A_25 = arith.constant 2048 : i32
      %mul3A_26 = vector.broadcast %mul3A_25 : i32 to vector<8x2048xi32>
      %mul3A_27 = arith.muli %iota3A, %mul3A_26 : vector<8x2048xi32>
      %add3A = arith.addi %mul3A_27, %iota3A_24 : vector<8x2048xi32>
      %convert_element_type3A_28 = arith.sitofp %add3A : vector<8x2048xi32> to vector<8x2048xf32>
      %div3A = arith.constant 1.638300e+04 : f32
      %div3A_29 = arith.divf %sub3A, %div3A : f32
      %mul3A_30 = vector.broadcast %div3A_29 : f32 to vector<8x2048xf32>
      %mul3A_31 = arith.mulf %convert_element_type3A_28, %mul3A_30 : vector<8x2048xf32>
      %add3A_32 = vector.broadcast %get3A_20 : f32 to vector<8x2048xf32>
      %add3A_33 = arith.addf %add3A_32, %mul3A_31 : vector<8x2048xf32>
      %get3A_34 = arith.constant 0 : index
      %get3A_35 = arith.constant 0 : index
      %get3A_36 = memref.load %arg9[%get3A_34, %get3A_35] : memref<1x4xf32, #tpu.memory_space<smem>>
      %get3A_37 = arith.constant 0 : index
      %get3A_38 = arith.constant 1 : index
      %get3A_39 = memref.load %arg9[%get3A_37, %get3A_38] : memref<1x4xf32, #tpu.memory_space<smem>>
      %get3A_40 = arith.constant 0 : index
      %get3A_41 = arith.constant 2 : index
      %get3A_42 = memref.load %arg9[%get3A_40, %get3A_41] : memref<1x4xf32, #tpu.memory_space<smem>>
      %get3A_43 = arith.constant 0 : index
      %get3A_44 = arith.constant 3 : index
      %get3A_45 = memref.load %arg9[%get3A_43, %get3A_44] : memref<1x4xf32, #tpu.memory_space<smem>>
      %get3A_46 = arith.constant 0 : index
      %get3A_47 = arith.constant 0 : index
      %get3A_48 = memref.load %arg4[%get3A_46, %get3A_47] : memref<2x5xf32, #tpu.memory_space<smem>>
      %get3A_49 = arith.constant 0 : index
      %get3A_50 = arith.constant 1 : index
      %get3A_51 = memref.load %arg4[%get3A_49, %get3A_50] : memref<2x5xf32, #tpu.memory_space<smem>>
      %get3A_52 = arith.constant 0 : index
      %get3A_53 = arith.constant 2 : index
      %get3A_54 = memref.load %arg4[%get3A_52, %get3A_53] : memref<2x5xf32, #tpu.memory_space<smem>>
      %get3A_55 = arith.constant 0 : index
      %get3A_56 = arith.constant 3 : index
      %get3A_57 = memref.load %arg4[%get3A_55, %get3A_56] : memref<2x5xf32, #tpu.memory_space<smem>>
      %get3A_58 = arith.constant 0 : index
      %get3A_59 = arith.constant 4 : index
      %get3A_60 = memref.load %arg4[%get3A_58, %get3A_59] : memref<2x5xf32, #tpu.memory_space<smem>>
      %get3A_61 = arith.constant 1 : index
      %get3A_62 = arith.constant 0 : index
      %get3A_63 = memref.load %arg4[%get3A_61, %get3A_62] : memref<2x5xf32, #tpu.memory_space<smem>>
      %get3A_64 = arith.constant 1 : index
      %get3A_65 = arith.constant 1 : index
      %get3A_66 = memref.load %arg4[%get3A_64, %get3A_65] : memref<2x5xf32, #tpu.memory_space<smem>>
      %get3A_67 = arith.constant 1 : index
      %get3A_68 = arith.constant 2 : index
      %get3A_69 = memref.load %arg4[%get3A_67, %get3A_68] : memref<2x5xf32, #tpu.memory_space<smem>>
      %get3A_70 = arith.constant 1 : index
      %get3A_71 = arith.constant 3 : index
      %get3A_72 = memref.load %arg4[%get3A_70, %get3A_71] : memref<2x5xf32, #tpu.memory_space<smem>>
      %get3A_73 = arith.constant 1 : index
      %get3A_74 = arith.constant 4 : index
      %get3A_75 = memref.load %arg4[%get3A_73, %get3A_74] : memref<2x5xf32, #tpu.memory_space<smem>>
      %get3A_76 = arith.constant 0 : index
      %get3A_77 = arith.constant 0 : index
      %get3A_78 = memref.load %arg3[%get3A_76, %get3A_77] : memref<1x1xf32, #tpu.memory_space<smem>>
      %get3A_79 = arith.constant 0 : index
      %get3A_80 = arith.constant 0 : index
      %get3A_81 = memref.load %arg5[%get3A_79, %get3A_80] : memref<1x1xf32, #tpu.memory_space<smem>>
      %sub3A_82 = arith.subf %get3A_23, %get3A_20 : f32
      %gt3A = arith.constant 0.000000e+00 : f32
      %gt3A_83 = arith.cmpf ogt, %sub3A_82, %gt3A : f32
      %div3A_84 = arith.constant 5.000000e+00 : f32
      %div3A_85 = arith.divf %sub3A_82, %div3A_84 : f32
      %jit3A = arith.constant 1.000000e+00 : f32
      %select_n3A = arith.select %gt3A_83, %div3A_85, %jit3A : f32
      %div3A_86 = arith.constant 4.000000e+00 : f32
      %div3A_87 = arith.divf %div3A_86, %get3A_81 : f32
      %mul3A_88 = arith.mulf %get3A_36, %div3A_87 : f32
      %div3A_89 = arith.constant 4.000000e+00 : f32
      %div3A_90 = arith.divf %div3A_89, %get3A_81 : f32
      %mul3A_91 = arith.mulf %get3A_39, %div3A_90 : f32
      %div3A_92 = arith.constant 4.000000e+00 : f32
      %div3A_93 = arith.divf %div3A_92, %get3A_81 : f32
      %mul3A_94 = arith.mulf %get3A_42, %div3A_93 : f32
      %div3A_95 = arith.constant 4.000000e+00 : f32
      %div3A_96 = arith.divf %div3A_95, %get3A_81 : f32
      %mul3A_97 = arith.mulf %get3A_45, %div3A_96 : f32
      %mul3A_98 = arith.constant 5.000000e-01 : f32
      %mul3A_99 = arith.mulf %select_n3A, %mul3A_98 : f32
      %add3A_100 = arith.addf %get3A_20, %mul3A_99 : f32
      %mul3A_101 = arith.constant 1.500000e+00 : f32
      %mul3A_102 = arith.mulf %select_n3A, %mul3A_101 : f32
      %add3A_103 = arith.addf %get3A_20, %mul3A_102 : f32
      %mul3A_104 = arith.constant 2.500000e+00 : f32
      %mul3A_105 = arith.mulf %select_n3A, %mul3A_104 : f32
      %add3A_106 = arith.addf %get3A_20, %mul3A_105 : f32
      %mul3A_107 = arith.constant 3.500000e+00 : f32
      %mul3A_108 = arith.mulf %select_n3A, %mul3A_107 : f32
      %add3A_109 = arith.addf %get3A_20, %mul3A_108 : f32
      %mul3A_110 = arith.constant 4.500000e+00 : f32
      %mul3A_111 = arith.mulf %select_n3A, %mul3A_110 : f32
      %add3A_112 = arith.addf %get3A_20, %mul3A_111 : f32
      %lt3A_113 = arith.constant 0.000000e+00 : f32
      %lt3A_114 = arith.cmpf olt, %mul3A_88, %lt3A_113 : f32
      %convert_element_type3A_115 = arith.extui %lt3A_114 : i1 to i32
      %add3A_116 = arith.constant 0 : i32
      %add3A_117 = arith.addi %add3A_116, %convert_element_type3A_115 : i32
      %lt3A_118 = arith.constant 0.000000e+00 : f32
      %lt3A_119 = arith.cmpf olt, %mul3A_91, %lt3A_118 : f32
      %convert_element_type3A_120 = arith.extui %lt3A_119 : i1 to i32
      %add3A_121 = arith.addi %add3A_117, %convert_element_type3A_120 : i32
      %lt3A_122 = arith.constant 0.000000e+00 : f32
      %lt3A_123 = arith.cmpf olt, %mul3A_94, %lt3A_122 : f32
      %convert_element_type3A_124 = arith.extui %lt3A_123 : i1 to i32
      %add3A_125 = arith.addi %add3A_121, %convert_element_type3A_124 : i32
      %lt3A_126 = arith.constant 0.000000e+00 : f32
      %lt3A_127 = arith.cmpf olt, %mul3A_97, %lt3A_126 : f32
      %convert_element_type3A_128 = arith.extui %lt3A_127 : i1 to i32
      %add3A_129 = arith.addi %add3A_125, %convert_element_type3A_128 : i32
      %lt3A_130 = arith.constant 4.000000e+00 : f32
      %lt3A_131 = arith.constant 0.000000e+00 : f32
      %lt3A_132 = arith.cmpf olt, %lt3A_130, %lt3A_131 : f32
      %convert_element_type3A_133 = arith.extui %lt3A_132 : i1 to i32
      %add3A_134 = arith.addi %add3A_129, %convert_element_type3A_133 : i32
      %jit3A_135 = arith.constant 1 : i32
      %jit3A_136 = arith.constant 4 : i32
      %max3A = arith.maxsi %jit3A_135, %add3A_134 : i32
      %min3A = arith.minsi %jit3A_136, %max3A : i32
      %eq3A_137 = arith.constant 1 : i32
      %eq3A_138 = arith.cmpi eq, %min3A, %eq3A_137 : i32
      %eq3A_139 = arith.constant 2 : i32
      %eq3A_140 = arith.cmpi eq, %min3A, %eq3A_139 : i32
      %eq3A_141 = arith.constant 3 : i32
      %eq3A_142 = arith.cmpi eq, %min3A, %eq3A_141 : i32
      %select_n3A_143 = arith.select %eq3A_142, %mul3A_94, %mul3A_97 : f32
      %select_n3A_144 = arith.select %eq3A_140, %mul3A_91, %select_n3A_143 : f32
      %select_n3A_145 = arith.select %eq3A_138, %mul3A_88, %select_n3A_144 : f32
      %eq3A_146 = arith.constant 1 : i32
      %eq3A_147 = arith.cmpi eq, %min3A, %eq3A_146 : i32
      %eq3A_148 = arith.constant 2 : i32
      %eq3A_149 = arith.cmpi eq, %min3A, %eq3A_148 : i32
      %eq3A_150 = arith.constant 3 : i32
      %eq3A_151 = arith.cmpi eq, %min3A, %eq3A_150 : i32
      %jit3A_152 = arith.constant 4.000000e+00 : f32
      %select_n3A_153 = arith.select %eq3A_151, %mul3A_97, %jit3A_152 : f32
      %select_n3A_154 = arith.select %eq3A_149, %mul3A_94, %select_n3A_153 : f32
      %select_n3A_155 = arith.select %eq3A_147, %mul3A_91, %select_n3A_154 : f32
      %eq3A_156 = arith.constant 1 : i32
      %eq3A_157 = arith.cmpi eq, %min3A, %eq3A_156 : i32
      %eq3A_158 = arith.constant 2 : i32
      %eq3A_159 = arith.cmpi eq, %min3A, %eq3A_158 : i32
      %eq3A_160 = arith.constant 3 : i32
      %eq3A_161 = arith.cmpi eq, %min3A, %eq3A_160 : i32
      %select_n3A_162 = arith.select %eq3A_161, %get3A_54, %get3A_57 : f32
      %select_n3A_163 = arith.select %eq3A_159, %get3A_51, %select_n3A_162 : f32
      %select_n3A_164 = arith.select %eq3A_157, %get3A_48, %select_n3A_163 : f32
      %eq3A_165 = arith.constant 1 : i32
      %eq3A_166 = arith.cmpi eq, %min3A, %eq3A_165 : i32
      %eq3A_167 = arith.constant 2 : i32
      %eq3A_168 = arith.cmpi eq, %min3A, %eq3A_167 : i32
      %eq3A_169 = arith.constant 3 : i32
      %eq3A_170 = arith.cmpi eq, %min3A, %eq3A_169 : i32
      %select_n3A_171 = arith.select %eq3A_170, %get3A_57, %get3A_60 : f32
      %select_n3A_172 = arith.select %eq3A_168, %get3A_54, %select_n3A_171 : f32
      %select_n3A_173 = arith.select %eq3A_166, %get3A_51, %select_n3A_172 : f32
      %sub3A_174 = arith.subf %select_n3A_173, %select_n3A_164 : f32
      %sub3A_175 = arith.subf %select_n3A_155, %select_n3A_145 : f32
      %div3A_176 = arith.divf %sub3A_174, %sub3A_175 : f32
      %sub3A_177 = arith.constant 0.000000e+00 : f32
      %sub3A_178 = arith.subf %sub3A_177, %select_n3A_145 : f32
      %mul3A_179 = arith.mulf %div3A_176, %sub3A_178 : f32
      %add3A_180 = arith.addf %select_n3A_164, %mul3A_179 : f32
      %lt3A_181 = arith.constant 1.000000e+00 : f32
      %lt3A_182 = arith.cmpf olt, %mul3A_88, %lt3A_181 : f32
      %convert_element_type3A_183 = arith.extui %lt3A_182 : i1 to i32
      %add3A_184 = arith.constant 0 : i32
      %add3A_185 = arith.addi %add3A_184, %convert_element_type3A_183 : i32
      %lt3A_186 = arith.constant 1.000000e+00 : f32
      %lt3A_187 = arith.cmpf olt, %mul3A_91, %lt3A_186 : f32
      %convert_element_type3A_188 = arith.extui %lt3A_187 : i1 to i32
      %add3A_189 = arith.addi %add3A_185, %convert_element_type3A_188 : i32
      %lt3A_190 = arith.constant 1.000000e+00 : f32
      %lt3A_191 = arith.cmpf olt, %mul3A_94, %lt3A_190 : f32
      %convert_element_type3A_192 = arith.extui %lt3A_191 : i1 to i32
      %add3A_193 = arith.addi %add3A_189, %convert_element_type3A_192 : i32
      %lt3A_194 = arith.constant 1.000000e+00 : f32
      %lt3A_195 = arith.cmpf olt, %mul3A_97, %lt3A_194 : f32
      %convert_element_type3A_196 = arith.extui %lt3A_195 : i1 to i32
      %add3A_197 = arith.addi %add3A_193, %convert_element_type3A_196 : i32
      %lt3A_198 = arith.constant 4.000000e+00 : f32
      %lt3A_199 = arith.constant 1.000000e+00 : f32
      %lt3A_200 = arith.cmpf olt, %lt3A_198, %lt3A_199 : f32
      %convert_element_type3A_201 = arith.extui %lt3A_200 : i1 to i32
      %add3A_202 = arith.addi %add3A_197, %convert_element_type3A_201 : i32
      %jit3A_203 = arith.constant 1 : i32
      %jit3A_204 = arith.constant 4 : i32
      %max3A_205 = arith.maxsi %jit3A_203, %add3A_202 : i32
      %min3A_206 = arith.minsi %jit3A_204, %max3A_205 : i32
      %eq3A_207 = arith.constant 1 : i32
      %eq3A_208 = arith.cmpi eq, %min3A_206, %eq3A_207 : i32
      %eq3A_209 = arith.constant 2 : i32
      %eq3A_210 = arith.cmpi eq, %min3A_206, %eq3A_209 : i32
      %eq3A_211 = arith.constant 3 : i32
      %eq3A_212 = arith.cmpi eq, %min3A_206, %eq3A_211 : i32
      %select_n3A_213 = arith.select %eq3A_212, %mul3A_94, %mul3A_97 : f32
      %select_n3A_214 = arith.select %eq3A_210, %mul3A_91, %select_n3A_213 : f32
      %select_n3A_215 = arith.select %eq3A_208, %mul3A_88, %select_n3A_214 : f32
      %eq3A_216 = arith.constant 1 : i32
      %eq3A_217 = arith.cmpi eq, %min3A_206, %eq3A_216 : i32
      %eq3A_218 = arith.constant 2 : i32
      %eq3A_219 = arith.cmpi eq, %min3A_206, %eq3A_218 : i32
      %eq3A_220 = arith.constant 3 : i32
      %eq3A_221 = arith.cmpi eq, %min3A_206, %eq3A_220 : i32
      %jit3A_222 = arith.constant 4.000000e+00 : f32
      %select_n3A_223 = arith.select %eq3A_221, %mul3A_97, %jit3A_222 : f32
      %select_n3A_224 = arith.select %eq3A_219, %mul3A_94, %select_n3A_223 : f32
      %select_n3A_225 = arith.select %eq3A_217, %mul3A_91, %select_n3A_224 : f32
      %eq3A_226 = arith.constant 1 : i32
      %eq3A_227 = arith.cmpi eq, %min3A_206, %eq3A_226 : i32
      %eq3A_228 = arith.constant 2 : i32
      %eq3A_229 = arith.cmpi eq, %min3A_206, %eq3A_228 : i32
      %eq3A_230 = arith.constant 3 : i32
      %eq3A_231 = arith.cmpi eq, %min3A_206, %eq3A_230 : i32
      %select_n3A_232 = arith.select %eq3A_231, %get3A_54, %get3A_57 : f32
      %select_n3A_233 = arith.select %eq3A_229, %get3A_51, %select_n3A_232 : f32
      %select_n3A_234 = arith.select %eq3A_227, %get3A_48, %select_n3A_233 : f32
      %eq3A_235 = arith.constant 1 : i32
      %eq3A_236 = arith.cmpi eq, %min3A_206, %eq3A_235 : i32
      %eq3A_237 = arith.constant 2 : i32
      %eq3A_238 = arith.cmpi eq, %min3A_206, %eq3A_237 : i32
      %eq3A_239 = arith.constant 3 : i32
      %eq3A_240 = arith.cmpi eq, %min3A_206, %eq3A_239 : i32
      %select_n3A_241 = arith.select %eq3A_240, %get3A_57, %get3A_60 : f32
      %select_n3A_242 = arith.select %eq3A_238, %get3A_54, %select_n3A_241 : f32
      %select_n3A_243 = arith.select %eq3A_236, %get3A_51, %select_n3A_242 : f32
      %sub3A_244 = arith.subf %select_n3A_243, %select_n3A_234 : f32
      %sub3A_245 = arith.subf %select_n3A_225, %select_n3A_215 : f32
      %div3A_246 = arith.divf %sub3A_244, %sub3A_245 : f32
      %sub3A_247 = arith.constant 1.000000e+00 : f32
      %sub3A_248 = arith.subf %sub3A_247, %select_n3A_215 : f32
      %mul3A_249 = arith.mulf %div3A_246, %sub3A_248 : f32
      %add3A_250 = arith.addf %select_n3A_234, %mul3A_249 : f32
      %lt3A_251 = arith.constant 2.000000e+00 : f32
      %lt3A_252 = arith.cmpf olt, %mul3A_88, %lt3A_251 : f32
      %convert_element_type3A_253 = arith.extui %lt3A_252 : i1 to i32
      %add3A_254 = arith.constant 0 : i32
      %add3A_255 = arith.addi %add3A_254, %convert_element_type3A_253 : i32
      %lt3A_256 = arith.constant 2.000000e+00 : f32
      %lt3A_257 = arith.cmpf olt, %mul3A_91, %lt3A_256 : f32
      %convert_element_type3A_258 = arith.extui %lt3A_257 : i1 to i32
      %add3A_259 = arith.addi %add3A_255, %convert_element_type3A_258 : i32
      %lt3A_260 = arith.constant 2.000000e+00 : f32
      %lt3A_261 = arith.cmpf olt, %mul3A_94, %lt3A_260 : f32
      %convert_element_type3A_262 = arith.extui %lt3A_261 : i1 to i32
      %add3A_263 = arith.addi %add3A_259, %convert_element_type3A_262 : i32
      %lt3A_264 = arith.constant 2.000000e+00 : f32
      %lt3A_265 = arith.cmpf olt, %mul3A_97, %lt3A_264 : f32
      %convert_element_type3A_266 = arith.extui %lt3A_265 : i1 to i32
      %add3A_267 = arith.addi %add3A_263, %convert_element_type3A_266 : i32
      %lt3A_268 = arith.constant 4.000000e+00 : f32
      %lt3A_269 = arith.constant 2.000000e+00 : f32
      %lt3A_270 = arith.cmpf olt, %lt3A_268, %lt3A_269 : f32
      %convert_element_type3A_271 = arith.extui %lt3A_270 : i1 to i32
      %add3A_272 = arith.addi %add3A_267, %convert_element_type3A_271 : i32
      %jit3A_273 = arith.constant 1 : i32
      %jit3A_274 = arith.constant 4 : i32
      %max3A_275 = arith.maxsi %jit3A_273, %add3A_272 : i32
      %min3A_276 = arith.minsi %jit3A_274, %max3A_275 : i32
      %eq3A_277 = arith.constant 1 : i32
      %eq3A_278 = arith.cmpi eq, %min3A_276, %eq3A_277 : i32
      %eq3A_279 = arith.constant 2 : i32
      %eq3A_280 = arith.cmpi eq, %min3A_276, %eq3A_279 : i32
      %eq3A_281 = arith.constant 3 : i32
      %eq3A_282 = arith.cmpi eq, %min3A_276, %eq3A_281 : i32
      %select_n3A_283 = arith.select %eq3A_282, %mul3A_94, %mul3A_97 : f32
      %select_n3A_284 = arith.select %eq3A_280, %mul3A_91, %select_n3A_283 : f32
      %select_n3A_285 = arith.select %eq3A_278, %mul3A_88, %select_n3A_284 : f32
      %eq3A_286 = arith.constant 1 : i32
      %eq3A_287 = arith.cmpi eq, %min3A_276, %eq3A_286 : i32
      %eq3A_288 = arith.constant 2 : i32
      %eq3A_289 = arith.cmpi eq, %min3A_276, %eq3A_288 : i32
      %eq3A_290 = arith.constant 3 : i32
      %eq3A_291 = arith.cmpi eq, %min3A_276, %eq3A_290 : i32
      %jit3A_292 = arith.constant 4.000000e+00 : f32
      %select_n3A_293 = arith.select %eq3A_291, %mul3A_97, %jit3A_292 : f32
      %select_n3A_294 = arith.select %eq3A_289, %mul3A_94, %select_n3A_293 : f32
      %select_n3A_295 = arith.select %eq3A_287, %mul3A_91, %select_n3A_294 : f32
      %eq3A_296 = arith.constant 1 : i32
      %eq3A_297 = arith.cmpi eq, %min3A_276, %eq3A_296 : i32
      %eq3A_298 = arith.constant 2 : i32
      %eq3A_299 = arith.cmpi eq, %min3A_276, %eq3A_298 : i32
      %eq3A_300 = arith.constant 3 : i32
      %eq3A_301 = arith.cmpi eq, %min3A_276, %eq3A_300 : i32
      %select_n3A_302 = arith.select %eq3A_301, %get3A_54, %get3A_57 : f32
      %select_n3A_303 = arith.select %eq3A_299, %get3A_51, %select_n3A_302 : f32
      %select_n3A_304 = arith.select %eq3A_297, %get3A_48, %select_n3A_303 : f32
      %eq3A_305 = arith.constant 1 : i32
      %eq3A_306 = arith.cmpi eq, %min3A_276, %eq3A_305 : i32
      %eq3A_307 = arith.constant 2 : i32
      %eq3A_308 = arith.cmpi eq, %min3A_276, %eq3A_307 : i32
      %eq3A_309 = arith.constant 3 : i32
      %eq3A_310 = arith.cmpi eq, %min3A_276, %eq3A_309 : i32
      %select_n3A_311 = arith.select %eq3A_310, %get3A_57, %get3A_60 : f32
      %select_n3A_312 = arith.select %eq3A_308, %get3A_54, %select_n3A_311 : f32
      %select_n3A_313 = arith.select %eq3A_306, %get3A_51, %select_n3A_312 : f32
      %sub3A_314 = arith.subf %select_n3A_313, %select_n3A_304 : f32
      %sub3A_315 = arith.subf %select_n3A_295, %select_n3A_285 : f32
      %div3A_316 = arith.divf %sub3A_314, %sub3A_315 : f32
      %sub3A_317 = arith.constant 2.000000e+00 : f32
      %sub3A_318 = arith.subf %sub3A_317, %select_n3A_285 : f32
      %mul3A_319 = arith.mulf %div3A_316, %sub3A_318 : f32
      %add3A_320 = arith.addf %select_n3A_304, %mul3A_319 : f32
      %lt3A_321 = arith.constant 3.000000e+00 : f32
      %lt3A_322 = arith.cmpf olt, %mul3A_88, %lt3A_321 : f32
      %convert_element_type3A_323 = arith.extui %lt3A_322 : i1 to i32
      %add3A_324 = arith.constant 0 : i32
      %add3A_325 = arith.addi %add3A_324, %convert_element_type3A_323 : i32
      %lt3A_326 = arith.constant 3.000000e+00 : f32
      %lt3A_327 = arith.cmpf olt, %mul3A_91, %lt3A_326 : f32
      %convert_element_type3A_328 = arith.extui %lt3A_327 : i1 to i32
      %add3A_329 = arith.addi %add3A_325, %convert_element_type3A_328 : i32
      %lt3A_330 = arith.constant 3.000000e+00 : f32
      %lt3A_331 = arith.cmpf olt, %mul3A_94, %lt3A_330 : f32
      %convert_element_type3A_332 = arith.extui %lt3A_331 : i1 to i32
      %add3A_333 = arith.addi %add3A_329, %convert_element_type3A_332 : i32
      %lt3A_334 = arith.constant 3.000000e+00 : f32
      %lt3A_335 = arith.cmpf olt, %mul3A_97, %lt3A_334 : f32
      %convert_element_type3A_336 = arith.extui %lt3A_335 : i1 to i32
      %add3A_337 = arith.addi %add3A_333, %convert_element_type3A_336 : i32
      %lt3A_338 = arith.constant 4.000000e+00 : f32
      %lt3A_339 = arith.constant 3.000000e+00 : f32
      %lt3A_340 = arith.cmpf olt, %lt3A_338, %lt3A_339 : f32
      %convert_element_type3A_341 = arith.extui %lt3A_340 : i1 to i32
      %add3A_342 = arith.addi %add3A_337, %convert_element_type3A_341 : i32
      %jit3A_343 = arith.constant 1 : i32
      %jit3A_344 = arith.constant 4 : i32
      %max3A_345 = arith.maxsi %jit3A_343, %add3A_342 : i32
      %min3A_346 = arith.minsi %jit3A_344, %max3A_345 : i32
      %eq3A_347 = arith.constant 1 : i32
      %eq3A_348 = arith.cmpi eq, %min3A_346, %eq3A_347 : i32
      %eq3A_349 = arith.constant 2 : i32
      %eq3A_350 = arith.cmpi eq, %min3A_346, %eq3A_349 : i32
      %eq3A_351 = arith.constant 3 : i32
      %eq3A_352 = arith.cmpi eq, %min3A_346, %eq3A_351 : i32
      %select_n3A_353 = arith.select %eq3A_352, %mul3A_94, %mul3A_97 : f32
      %select_n3A_354 = arith.select %eq3A_350, %mul3A_91, %select_n3A_353 : f32
      %select_n3A_355 = arith.select %eq3A_348, %mul3A_88, %select_n3A_354 : f32
      %eq3A_356 = arith.constant 1 : i32
      %eq3A_357 = arith.cmpi eq, %min3A_346, %eq3A_356 : i32
      %eq3A_358 = arith.constant 2 : i32
      %eq3A_359 = arith.cmpi eq, %min3A_346, %eq3A_358 : i32
      %eq3A_360 = arith.constant 3 : i32
      %eq3A_361 = arith.cmpi eq, %min3A_346, %eq3A_360 : i32
      %jit3A_362 = arith.constant 4.000000e+00 : f32
      %select_n3A_363 = arith.select %eq3A_361, %mul3A_97, %jit3A_362 : f32
      %select_n3A_364 = arith.select %eq3A_359, %mul3A_94, %select_n3A_363 : f32
      %select_n3A_365 = arith.select %eq3A_357, %mul3A_91, %select_n3A_364 : f32
      %eq3A_366 = arith.constant 1 : i32
      %eq3A_367 = arith.cmpi eq, %min3A_346, %eq3A_366 : i32
      %eq3A_368 = arith.constant 2 : i32
      %eq3A_369 = arith.cmpi eq, %min3A_346, %eq3A_368 : i32
      %eq3A_370 = arith.constant 3 : i32
      %eq3A_371 = arith.cmpi eq, %min3A_346, %eq3A_370 : i32
      %select_n3A_372 = arith.select %eq3A_371, %get3A_54, %get3A_57 : f32
      %select_n3A_373 = arith.select %eq3A_369, %get3A_51, %select_n3A_372 : f32
      %select_n3A_374 = arith.select %eq3A_367, %get3A_48, %select_n3A_373 : f32
      %eq3A_375 = arith.constant 1 : i32
      %eq3A_376 = arith.cmpi eq, %min3A_346, %eq3A_375 : i32
      %eq3A_377 = arith.constant 2 : i32
      %eq3A_378 = arith.cmpi eq, %min3A_346, %eq3A_377 : i32
      %eq3A_379 = arith.constant 3 : i32
      %eq3A_380 = arith.cmpi eq, %min3A_346, %eq3A_379 : i32
      %select_n3A_381 = arith.select %eq3A_380, %get3A_57, %get3A_60 : f32
      %select_n3A_382 = arith.select %eq3A_378, %get3A_54, %select_n3A_381 : f32
      %select_n3A_383 = arith.select %eq3A_376, %get3A_51, %select_n3A_382 : f32
      %sub3A_384 = arith.subf %select_n3A_383, %select_n3A_374 : f32
      %sub3A_385 = arith.subf %select_n3A_365, %select_n3A_355 : f32
      %div3A_386 = arith.divf %sub3A_384, %sub3A_385 : f32
      %sub3A_387 = arith.constant 3.000000e+00 : f32
      %sub3A_388 = arith.subf %sub3A_387, %select_n3A_355 : f32
      %mul3A_389 = arith.mulf %div3A_386, %sub3A_388 : f32
      %add3A_390 = arith.addf %select_n3A_374, %mul3A_389 : f32
      %lt3A_391 = arith.constant 4.000000e+00 : f32
      %lt3A_392 = arith.cmpf olt, %mul3A_88, %lt3A_391 : f32
      %convert_element_type3A_393 = arith.extui %lt3A_392 : i1 to i32
      %add3A_394 = arith.constant 0 : i32
      %add3A_395 = arith.addi %add3A_394, %convert_element_type3A_393 : i32
      %lt3A_396 = arith.constant 4.000000e+00 : f32
      %lt3A_397 = arith.cmpf olt, %mul3A_91, %lt3A_396 : f32
      %convert_element_type3A_398 = arith.extui %lt3A_397 : i1 to i32
      %add3A_399 = arith.addi %add3A_395, %convert_element_type3A_398 : i32
      %lt3A_400 = arith.constant 4.000000e+00 : f32
      %lt3A_401 = arith.cmpf olt, %mul3A_94, %lt3A_400 : f32
      %convert_element_type3A_402 = arith.extui %lt3A_401 : i1 to i32
      %add3A_403 = arith.addi %add3A_399, %convert_element_type3A_402 : i32
      %lt3A_404 = arith.constant 4.000000e+00 : f32
      %lt3A_405 = arith.cmpf olt, %mul3A_97, %lt3A_404 : f32
      %convert_element_type3A_406 = arith.extui %lt3A_405 : i1 to i32
      %add3A_407 = arith.addi %add3A_403, %convert_element_type3A_406 : i32
      %lt3A_408 = arith.constant 4.000000e+00 : f32
      %lt3A_409 = arith.constant 4.000000e+00 : f32
      %lt3A_410 = arith.cmpf olt, %lt3A_408, %lt3A_409 : f32
      %convert_element_type3A_411 = arith.extui %lt3A_410 : i1 to i32
      %add3A_412 = arith.addi %add3A_407, %convert_element_type3A_411 : i32
      %jit3A_413 = arith.constant 1 : i32
      %jit3A_414 = arith.constant 4 : i32
      %max3A_415 = arith.maxsi %jit3A_413, %add3A_412 : i32
      %min3A_416 = arith.minsi %jit3A_414, %max3A_415 : i32
      %eq3A_417 = arith.constant 1 : i32
      %eq3A_418 = arith.cmpi eq, %min3A_416, %eq3A_417 : i32
      %eq3A_419 = arith.constant 2 : i32
      %eq3A_420 = arith.cmpi eq, %min3A_416, %eq3A_419 : i32
      %eq3A_421 = arith.constant 3 : i32
      %eq3A_422 = arith.cmpi eq, %min3A_416, %eq3A_421 : i32
      %select_n3A_423 = arith.select %eq3A_422, %mul3A_94, %mul3A_97 : f32
      %select_n3A_424 = arith.select %eq3A_420, %mul3A_91, %select_n3A_423 : f32
      %select_n3A_425 = arith.select %eq3A_418, %mul3A_88, %select_n3A_424 : f32
      %eq3A_426 = arith.constant 1 : i32
      %eq3A_427 = arith.cmpi eq, %min3A_416, %eq3A_426 : i32
      %eq3A_428 = arith.constant 2 : i32
      %eq3A_429 = arith.cmpi eq, %min3A_416, %eq3A_428 : i32
      %eq3A_430 = arith.constant 3 : i32
      %eq3A_431 = arith.cmpi eq, %min3A_416, %eq3A_430 : i32
      %jit3A_432 = arith.constant 4.000000e+00 : f32
      %select_n3A_433 = arith.select %eq3A_431, %mul3A_97, %jit3A_432 : f32
      %select_n3A_434 = arith.select %eq3A_429, %mul3A_94, %select_n3A_433 : f32
      %select_n3A_435 = arith.select %eq3A_427, %mul3A_91, %select_n3A_434 : f32
      %eq3A_436 = arith.constant 1 : i32
      %eq3A_437 = arith.cmpi eq, %min3A_416, %eq3A_436 : i32
      %eq3A_438 = arith.constant 2 : i32
      %eq3A_439 = arith.cmpi eq, %min3A_416, %eq3A_438 : i32
      %eq3A_440 = arith.constant 3 : i32
      %eq3A_441 = arith.cmpi eq, %min3A_416, %eq3A_440 : i32
      %select_n3A_442 = arith.select %eq3A_441, %get3A_54, %get3A_57 : f32
      %select_n3A_443 = arith.select %eq3A_439, %get3A_51, %select_n3A_442 : f32
      %select_n3A_444 = arith.select %eq3A_437, %get3A_48, %select_n3A_443 : f32
      %eq3A_445 = arith.constant 1 : i32
      %eq3A_446 = arith.cmpi eq, %min3A_416, %eq3A_445 : i32
      %eq3A_447 = arith.constant 2 : i32
      %eq3A_448 = arith.cmpi eq, %min3A_416, %eq3A_447 : i32
      %eq3A_449 = arith.constant 3 : i32
      %eq3A_450 = arith.cmpi eq, %min3A_416, %eq3A_449 : i32
      %select_n3A_451 = arith.select %eq3A_450, %get3A_57, %get3A_60 : f32
      %select_n3A_452 = arith.select %eq3A_448, %get3A_54, %select_n3A_451 : f32
      %select_n3A_453 = arith.select %eq3A_446, %get3A_51, %select_n3A_452 : f32
      %sub3A_454 = arith.subf %select_n3A_453, %select_n3A_444 : f32
      %sub3A_455 = arith.subf %select_n3A_435, %select_n3A_425 : f32
      %div3A_456 = arith.divf %sub3A_454, %sub3A_455 : f32
      %sub3A_457 = arith.constant 4.000000e+00 : f32
      %sub3A_458 = arith.subf %sub3A_457, %select_n3A_425 : f32
      %mul3A_459 = arith.mulf %div3A_456, %sub3A_458 : f32
      %add3A_460 = arith.addf %select_n3A_444, %mul3A_459 : f32
      %lt3A_461 = arith.constant 0.000000e+00 : f32
      %lt3A_462 = arith.cmpf olt, %mul3A_88, %lt3A_461 : f32
      %convert_element_type3A_463 = arith.extui %lt3A_462 : i1 to i32
      %add3A_464 = arith.constant 0 : i32
      %add3A_465 = arith.addi %add3A_464, %convert_element_type3A_463 : i32
      %lt3A_466 = arith.constant 0.000000e+00 : f32
      %lt3A_467 = arith.cmpf olt, %mul3A_91, %lt3A_466 : f32
      %convert_element_type3A_468 = arith.extui %lt3A_467 : i1 to i32
      %add3A_469 = arith.addi %add3A_465, %convert_element_type3A_468 : i32
      %lt3A_470 = arith.constant 0.000000e+00 : f32
      %lt3A_471 = arith.cmpf olt, %mul3A_94, %lt3A_470 : f32
      %convert_element_type3A_472 = arith.extui %lt3A_471 : i1 to i32
      %add3A_473 = arith.addi %add3A_469, %convert_element_type3A_472 : i32
      %lt3A_474 = arith.constant 0.000000e+00 : f32
      %lt3A_475 = arith.cmpf olt, %mul3A_97, %lt3A_474 : f32
      %convert_element_type3A_476 = arith.extui %lt3A_475 : i1 to i32
      %add3A_477 = arith.addi %add3A_473, %convert_element_type3A_476 : i32
      %lt3A_478 = arith.constant 4.000000e+00 : f32
      %lt3A_479 = arith.constant 0.000000e+00 : f32
      %lt3A_480 = arith.cmpf olt, %lt3A_478, %lt3A_479 : f32
      %convert_element_type3A_481 = arith.extui %lt3A_480 : i1 to i32
      %add3A_482 = arith.addi %add3A_477, %convert_element_type3A_481 : i32
      %jit3A_483 = arith.constant 1 : i32
      %jit3A_484 = arith.constant 4 : i32
      %max3A_485 = arith.maxsi %jit3A_483, %add3A_482 : i32
      %min3A_486 = arith.minsi %jit3A_484, %max3A_485 : i32
      %eq3A_487 = arith.constant 1 : i32
      %eq3A_488 = arith.cmpi eq, %min3A_486, %eq3A_487 : i32
      %eq3A_489 = arith.constant 2 : i32
      %eq3A_490 = arith.cmpi eq, %min3A_486, %eq3A_489 : i32
      %eq3A_491 = arith.constant 3 : i32
      %eq3A_492 = arith.cmpi eq, %min3A_486, %eq3A_491 : i32
      %select_n3A_493 = arith.select %eq3A_492, %mul3A_94, %mul3A_97 : f32
      %select_n3A_494 = arith.select %eq3A_490, %mul3A_91, %select_n3A_493 : f32
      %select_n3A_495 = arith.select %eq3A_488, %mul3A_88, %select_n3A_494 : f32
      %eq3A_496 = arith.constant 1 : i32
      %eq3A_497 = arith.cmpi eq, %min3A_486, %eq3A_496 : i32
      %eq3A_498 = arith.constant 2 : i32
      %eq3A_499 = arith.cmpi eq, %min3A_486, %eq3A_498 : i32
      %eq3A_500 = arith.constant 3 : i32
      %eq3A_501 = arith.cmpi eq, %min3A_486, %eq3A_500 : i32
      %jit3A_502 = arith.constant 4.000000e+00 : f32
      %select_n3A_503 = arith.select %eq3A_501, %mul3A_97, %jit3A_502 : f32
      %select_n3A_504 = arith.select %eq3A_499, %mul3A_94, %select_n3A_503 : f32
      %select_n3A_505 = arith.select %eq3A_497, %mul3A_91, %select_n3A_504 : f32
      %eq3A_506 = arith.constant 1 : i32
      %eq3A_507 = arith.cmpi eq, %min3A_486, %eq3A_506 : i32
      %eq3A_508 = arith.constant 2 : i32
      %eq3A_509 = arith.cmpi eq, %min3A_486, %eq3A_508 : i32
      %eq3A_510 = arith.constant 3 : i32
      %eq3A_511 = arith.cmpi eq, %min3A_486, %eq3A_510 : i32
      %select_n3A_512 = arith.select %eq3A_511, %get3A_69, %get3A_72 : f32
      %select_n3A_513 = arith.select %eq3A_509, %get3A_66, %select_n3A_512 : f32
      %select_n3A_514 = arith.select %eq3A_507, %get3A_63, %select_n3A_513 : f32
      %eq3A_515 = arith.constant 1 : i32
      %eq3A_516 = arith.cmpi eq, %min3A_486, %eq3A_515 : i32
      %eq3A_517 = arith.constant 2 : i32
      %eq3A_518 = arith.cmpi eq, %min3A_486, %eq3A_517 : i32
      %eq3A_519 = arith.constant 3 : i32
      %eq3A_520 = arith.cmpi eq, %min3A_486, %eq3A_519 : i32
      %select_n3A_521 = arith.select %eq3A_520, %get3A_72, %get3A_75 : f32
      %select_n3A_522 = arith.select %eq3A_518, %get3A_69, %select_n3A_521 : f32
      %select_n3A_523 = arith.select %eq3A_516, %get3A_66, %select_n3A_522 : f32
      %sub3A_524 = arith.subf %select_n3A_523, %select_n3A_514 : f32
      %sub3A_525 = arith.subf %select_n3A_505, %select_n3A_495 : f32
      %div3A_526 = arith.divf %sub3A_524, %sub3A_525 : f32
      %sub3A_527 = arith.constant 0.000000e+00 : f32
      %sub3A_528 = arith.subf %sub3A_527, %select_n3A_495 : f32
      %mul3A_529 = arith.mulf %div3A_526, %sub3A_528 : f32
      %add3A_530 = arith.addf %select_n3A_514, %mul3A_529 : f32
      %lt3A_531 = arith.constant 1.000000e+00 : f32
      %lt3A_532 = arith.cmpf olt, %mul3A_88, %lt3A_531 : f32
      %convert_element_type3A_533 = arith.extui %lt3A_532 : i1 to i32
      %add3A_534 = arith.constant 0 : i32
      %add3A_535 = arith.addi %add3A_534, %convert_element_type3A_533 : i32
      %lt3A_536 = arith.constant 1.000000e+00 : f32
      %lt3A_537 = arith.cmpf olt, %mul3A_91, %lt3A_536 : f32
      %convert_element_type3A_538 = arith.extui %lt3A_537 : i1 to i32
      %add3A_539 = arith.addi %add3A_535, %convert_element_type3A_538 : i32
      %lt3A_540 = arith.constant 1.000000e+00 : f32
      %lt3A_541 = arith.cmpf olt, %mul3A_94, %lt3A_540 : f32
      %convert_element_type3A_542 = arith.extui %lt3A_541 : i1 to i32
      %add3A_543 = arith.addi %add3A_539, %convert_element_type3A_542 : i32
      %lt3A_544 = arith.constant 1.000000e+00 : f32
      %lt3A_545 = arith.cmpf olt, %mul3A_97, %lt3A_544 : f32
      %convert_element_type3A_546 = arith.extui %lt3A_545 : i1 to i32
      %add3A_547 = arith.addi %add3A_543, %convert_element_type3A_546 : i32
      %lt3A_548 = arith.constant 4.000000e+00 : f32
      %lt3A_549 = arith.constant 1.000000e+00 : f32
      %lt3A_550 = arith.cmpf olt, %lt3A_548, %lt3A_549 : f32
      %convert_element_type3A_551 = arith.extui %lt3A_550 : i1 to i32
      %add3A_552 = arith.addi %add3A_547, %convert_element_type3A_551 : i32
      %jit3A_553 = arith.constant 1 : i32
      %jit3A_554 = arith.constant 4 : i32
      %max3A_555 = arith.maxsi %jit3A_553, %add3A_552 : i32
      %min3A_556 = arith.minsi %jit3A_554, %max3A_555 : i32
      %eq3A_557 = arith.constant 1 : i32
      %eq3A_558 = arith.cmpi eq, %min3A_556, %eq3A_557 : i32
      %eq3A_559 = arith.constant 2 : i32
      %eq3A_560 = arith.cmpi eq, %min3A_556, %eq3A_559 : i32
      %eq3A_561 = arith.constant 3 : i32
      %eq3A_562 = arith.cmpi eq, %min3A_556, %eq3A_561 : i32
      %select_n3A_563 = arith.select %eq3A_562, %mul3A_94, %mul3A_97 : f32
      %select_n3A_564 = arith.select %eq3A_560, %mul3A_91, %select_n3A_563 : f32
      %select_n3A_565 = arith.select %eq3A_558, %mul3A_88, %select_n3A_564 : f32
      %eq3A_566 = arith.constant 1 : i32
      %eq3A_567 = arith.cmpi eq, %min3A_556, %eq3A_566 : i32
      %eq3A_568 = arith.constant 2 : i32
      %eq3A_569 = arith.cmpi eq, %min3A_556, %eq3A_568 : i32
      %eq3A_570 = arith.constant 3 : i32
      %eq3A_571 = arith.cmpi eq, %min3A_556, %eq3A_570 : i32
      %jit3A_572 = arith.constant 4.000000e+00 : f32
      %select_n3A_573 = arith.select %eq3A_571, %mul3A_97, %jit3A_572 : f32
      %select_n3A_574 = arith.select %eq3A_569, %mul3A_94, %select_n3A_573 : f32
      %select_n3A_575 = arith.select %eq3A_567, %mul3A_91, %select_n3A_574 : f32
      %eq3A_576 = arith.constant 1 : i32
      %eq3A_577 = arith.cmpi eq, %min3A_556, %eq3A_576 : i32
      %eq3A_578 = arith.constant 2 : i32
      %eq3A_579 = arith.cmpi eq, %min3A_556, %eq3A_578 : i32
      %eq3A_580 = arith.constant 3 : i32
      %eq3A_581 = arith.cmpi eq, %min3A_556, %eq3A_580 : i32
      %select_n3A_582 = arith.select %eq3A_581, %get3A_69, %get3A_72 : f32
      %select_n3A_583 = arith.select %eq3A_579, %get3A_66, %select_n3A_582 : f32
      %select_n3A_584 = arith.select %eq3A_577, %get3A_63, %select_n3A_583 : f32
      %eq3A_585 = arith.constant 1 : i32
      %eq3A_586 = arith.cmpi eq, %min3A_556, %eq3A_585 : i32
      %eq3A_587 = arith.constant 2 : i32
      %eq3A_588 = arith.cmpi eq, %min3A_556, %eq3A_587 : i32
      %eq3A_589 = arith.constant 3 : i32
      %eq3A_590 = arith.cmpi eq, %min3A_556, %eq3A_589 : i32
      %select_n3A_591 = arith.select %eq3A_590, %get3A_72, %get3A_75 : f32
      %select_n3A_592 = arith.select %eq3A_588, %get3A_69, %select_n3A_591 : f32
      %select_n3A_593 = arith.select %eq3A_586, %get3A_66, %select_n3A_592 : f32
      %sub3A_594 = arith.subf %select_n3A_593, %select_n3A_584 : f32
      %sub3A_595 = arith.subf %select_n3A_575, %select_n3A_565 : f32
      %div3A_596 = arith.divf %sub3A_594, %sub3A_595 : f32
      %sub3A_597 = arith.constant 1.000000e+00 : f32
      %sub3A_598 = arith.subf %sub3A_597, %select_n3A_565 : f32
      %mul3A_599 = arith.mulf %div3A_596, %sub3A_598 : f32
      %add3A_600 = arith.addf %select_n3A_584, %mul3A_599 : f32
      %lt3A_601 = arith.constant 2.000000e+00 : f32
      %lt3A_602 = arith.cmpf olt, %mul3A_88, %lt3A_601 : f32
      %convert_element_type3A_603 = arith.extui %lt3A_602 : i1 to i32
      %add3A_604 = arith.constant 0 : i32
      %add3A_605 = arith.addi %add3A_604, %convert_element_type3A_603 : i32
      %lt3A_606 = arith.constant 2.000000e+00 : f32
      %lt3A_607 = arith.cmpf olt, %mul3A_91, %lt3A_606 : f32
      %convert_element_type3A_608 = arith.extui %lt3A_607 : i1 to i32
      %add3A_609 = arith.addi %add3A_605, %convert_element_type3A_608 : i32
      %lt3A_610 = arith.constant 2.000000e+00 : f32
      %lt3A_611 = arith.cmpf olt, %mul3A_94, %lt3A_610 : f32
      %convert_element_type3A_612 = arith.extui %lt3A_611 : i1 to i32
      %add3A_613 = arith.addi %add3A_609, %convert_element_type3A_612 : i32
      %lt3A_614 = arith.constant 2.000000e+00 : f32
      %lt3A_615 = arith.cmpf olt, %mul3A_97, %lt3A_614 : f32
      %convert_element_type3A_616 = arith.extui %lt3A_615 : i1 to i32
      %add3A_617 = arith.addi %add3A_613, %convert_element_type3A_616 : i32
      %lt3A_618 = arith.constant 4.000000e+00 : f32
      %lt3A_619 = arith.constant 2.000000e+00 : f32
      %lt3A_620 = arith.cmpf olt, %lt3A_618, %lt3A_619 : f32
      %convert_element_type3A_621 = arith.extui %lt3A_620 : i1 to i32
      %add3A_622 = arith.addi %add3A_617, %convert_element_type3A_621 : i32
      %jit3A_623 = arith.constant 1 : i32
      %jit3A_624 = arith.constant 4 : i32
      %max3A_625 = arith.maxsi %jit3A_623, %add3A_622 : i32
      %min3A_626 = arith.minsi %jit3A_624, %max3A_625 : i32
      %eq3A_627 = arith.constant 1 : i32
      %eq3A_628 = arith.cmpi eq, %min3A_626, %eq3A_627 : i32
      %eq3A_629 = arith.constant 2 : i32
      %eq3A_630 = arith.cmpi eq, %min3A_626, %eq3A_629 : i32
      %eq3A_631 = arith.constant 3 : i32
      %eq3A_632 = arith.cmpi eq, %min3A_626, %eq3A_631 : i32
      %select_n3A_633 = arith.select %eq3A_632, %mul3A_94, %mul3A_97 : f32
      %select_n3A_634 = arith.select %eq3A_630, %mul3A_91, %select_n3A_633 : f32
      %select_n3A_635 = arith.select %eq3A_628, %mul3A_88, %select_n3A_634 : f32
      %eq3A_636 = arith.constant 1 : i32
      %eq3A_637 = arith.cmpi eq, %min3A_626, %eq3A_636 : i32
      %eq3A_638 = arith.constant 2 : i32
      %eq3A_639 = arith.cmpi eq, %min3A_626, %eq3A_638 : i32
      %eq3A_640 = arith.constant 3 : i32
      %eq3A_641 = arith.cmpi eq, %min3A_626, %eq3A_640 : i32
      %jit3A_642 = arith.constant 4.000000e+00 : f32
      %select_n3A_643 = arith.select %eq3A_641, %mul3A_97, %jit3A_642 : f32
      %select_n3A_644 = arith.select %eq3A_639, %mul3A_94, %select_n3A_643 : f32
      %select_n3A_645 = arith.select %eq3A_637, %mul3A_91, %select_n3A_644 : f32
      %eq3A_646 = arith.constant 1 : i32
      %eq3A_647 = arith.cmpi eq, %min3A_626, %eq3A_646 : i32
      %eq3A_648 = arith.constant 2 : i32
      %eq3A_649 = arith.cmpi eq, %min3A_626, %eq3A_648 : i32
      %eq3A_650 = arith.constant 3 : i32
      %eq3A_651 = arith.cmpi eq, %min3A_626, %eq3A_650 : i32
      %select_n3A_652 = arith.select %eq3A_651, %get3A_69, %get3A_72 : f32
      %select_n3A_653 = arith.select %eq3A_649, %get3A_66, %select_n3A_652 : f32
      %select_n3A_654 = arith.select %eq3A_647, %get3A_63, %select_n3A_653 : f32
      %eq3A_655 = arith.constant 1 : i32
      %eq3A_656 = arith.cmpi eq, %min3A_626, %eq3A_655 : i32
      %eq3A_657 = arith.constant 2 : i32
      %eq3A_658 = arith.cmpi eq, %min3A_626, %eq3A_657 : i32
      %eq3A_659 = arith.constant 3 : i32
      %eq3A_660 = arith.cmpi eq, %min3A_626, %eq3A_659 : i32
      %select_n3A_661 = arith.select %eq3A_660, %get3A_72, %get3A_75 : f32
      %select_n3A_662 = arith.select %eq3A_658, %get3A_69, %select_n3A_661 : f32
      %select_n3A_663 = arith.select %eq3A_656, %get3A_66, %select_n3A_662 : f32
      %sub3A_664 = arith.subf %select_n3A_663, %select_n3A_654 : f32
      %sub3A_665 = arith.subf %select_n3A_645, %select_n3A_635 : f32
      %div3A_666 = arith.divf %sub3A_664, %sub3A_665 : f32
      %sub3A_667 = arith.constant 2.000000e+00 : f32
      %sub3A_668 = arith.subf %sub3A_667, %select_n3A_635 : f32
      %mul3A_669 = arith.mulf %div3A_666, %sub3A_668 : f32
      %add3A_670 = arith.addf %select_n3A_654, %mul3A_669 : f32
      %lt3A_671 = arith.constant 3.000000e+00 : f32
      %lt3A_672 = arith.cmpf olt, %mul3A_88, %lt3A_671 : f32
      %convert_element_type3A_673 = arith.extui %lt3A_672 : i1 to i32
      %add3A_674 = arith.constant 0 : i32
      %add3A_675 = arith.addi %add3A_674, %convert_element_type3A_673 : i32
      %lt3A_676 = arith.constant 3.000000e+00 : f32
      %lt3A_677 = arith.cmpf olt, %mul3A_91, %lt3A_676 : f32
      %convert_element_type3A_678 = arith.extui %lt3A_677 : i1 to i32
      %add3A_679 = arith.addi %add3A_675, %convert_element_type3A_678 : i32
      %lt3A_680 = arith.constant 3.000000e+00 : f32
      %lt3A_681 = arith.cmpf olt, %mul3A_94, %lt3A_680 : f32
      %convert_element_type3A_682 = arith.extui %lt3A_681 : i1 to i32
      %add3A_683 = arith.addi %add3A_679, %convert_element_type3A_682 : i32
      %lt3A_684 = arith.constant 3.000000e+00 : f32
      %lt3A_685 = arith.cmpf olt, %mul3A_97, %lt3A_684 : f32
      %convert_element_type3A_686 = arith.extui %lt3A_685 : i1 to i32
      %add3A_687 = arith.addi %add3A_683, %convert_element_type3A_686 : i32
      %lt3A_688 = arith.constant 4.000000e+00 : f32
      %lt3A_689 = arith.constant 3.000000e+00 : f32
      %lt3A_690 = arith.cmpf olt, %lt3A_688, %lt3A_689 : f32
      %convert_element_type3A_691 = arith.extui %lt3A_690 : i1 to i32
      %add3A_692 = arith.addi %add3A_687, %convert_element_type3A_691 : i32
      %jit3A_693 = arith.constant 1 : i32
      %jit3A_694 = arith.constant 4 : i32
      %max3A_695 = arith.maxsi %jit3A_693, %add3A_692 : i32
      %min3A_696 = arith.minsi %jit3A_694, %max3A_695 : i32
      %eq3A_697 = arith.constant 1 : i32
      %eq3A_698 = arith.cmpi eq, %min3A_696, %eq3A_697 : i32
      %eq3A_699 = arith.constant 2 : i32
      %eq3A_700 = arith.cmpi eq, %min3A_696, %eq3A_699 : i32
      %eq3A_701 = arith.constant 3 : i32
      %eq3A_702 = arith.cmpi eq, %min3A_696, %eq3A_701 : i32
      %select_n3A_703 = arith.select %eq3A_702, %mul3A_94, %mul3A_97 : f32
      %select_n3A_704 = arith.select %eq3A_700, %mul3A_91, %select_n3A_703 : f32
      %select_n3A_705 = arith.select %eq3A_698, %mul3A_88, %select_n3A_704 : f32
      %eq3A_706 = arith.constant 1 : i32
      %eq3A_707 = arith.cmpi eq, %min3A_696, %eq3A_706 : i32
      %eq3A_708 = arith.constant 2 : i32
      %eq3A_709 = arith.cmpi eq, %min3A_696, %eq3A_708 : i32
      %eq3A_710 = arith.constant 3 : i32
      %eq3A_711 = arith.cmpi eq, %min3A_696, %eq3A_710 : i32
      %jit3A_712 = arith.constant 4.000000e+00 : f32
      %select_n3A_713 = arith.select %eq3A_711, %mul3A_97, %jit3A_712 : f32
      %select_n3A_714 = arith.select %eq3A_709, %mul3A_94, %select_n3A_713 : f32
      %select_n3A_715 = arith.select %eq3A_707, %mul3A_91, %select_n3A_714 : f32
      %eq3A_716 = arith.constant 1 : i32
      %eq3A_717 = arith.cmpi eq, %min3A_696, %eq3A_716 : i32
      %eq3A_718 = arith.constant 2 : i32
      %eq3A_719 = arith.cmpi eq, %min3A_696, %eq3A_718 : i32
      %eq3A_720 = arith.constant 3 : i32
      %eq3A_721 = arith.cmpi eq, %min3A_696, %eq3A_720 : i32
      %select_n3A_722 = arith.select %eq3A_721, %get3A_69, %get3A_72 : f32
      %select_n3A_723 = arith.select %eq3A_719, %get3A_66, %select_n3A_722 : f32
      %select_n3A_724 = arith.select %eq3A_717, %get3A_63, %select_n3A_723 : f32
      %eq3A_725 = arith.constant 1 : i32
      %eq3A_726 = arith.cmpi eq, %min3A_696, %eq3A_725 : i32
      %eq3A_727 = arith.constant 2 : i32
      %eq3A_728 = arith.cmpi eq, %min3A_696, %eq3A_727 : i32
      %eq3A_729 = arith.constant 3 : i32
      %eq3A_730 = arith.cmpi eq, %min3A_696, %eq3A_729 : i32
      %select_n3A_731 = arith.select %eq3A_730, %get3A_72, %get3A_75 : f32
      %select_n3A_732 = arith.select %eq3A_728, %get3A_69, %select_n3A_731 : f32
      %select_n3A_733 = arith.select %eq3A_726, %get3A_66, %select_n3A_732 : f32
      %sub3A_734 = arith.subf %select_n3A_733, %select_n3A_724 : f32
      %sub3A_735 = arith.subf %select_n3A_715, %select_n3A_705 : f32
      %div3A_736 = arith.divf %sub3A_734, %sub3A_735 : f32
      %sub3A_737 = arith.constant 3.000000e+00 : f32
      %sub3A_738 = arith.subf %sub3A_737, %select_n3A_705 : f32
      %mul3A_739 = arith.mulf %div3A_736, %sub3A_738 : f32
      %add3A_740 = arith.addf %select_n3A_724, %mul3A_739 : f32
      %lt3A_741 = arith.constant 4.000000e+00 : f32
      %lt3A_742 = arith.cmpf olt, %mul3A_88, %lt3A_741 : f32
      %convert_element_type3A_743 = arith.extui %lt3A_742 : i1 to i32
      %add3A_744 = arith.constant 0 : i32
      %add3A_745 = arith.addi %add3A_744, %convert_element_type3A_743 : i32
      %lt3A_746 = arith.constant 4.000000e+00 : f32
      %lt3A_747 = arith.cmpf olt, %mul3A_91, %lt3A_746 : f32
      %convert_element_type3A_748 = arith.extui %lt3A_747 : i1 to i32
      %add3A_749 = arith.addi %add3A_745, %convert_element_type3A_748 : i32
      %lt3A_750 = arith.constant 4.000000e+00 : f32
      %lt3A_751 = arith.cmpf olt, %mul3A_94, %lt3A_750 : f32
      %convert_element_type3A_752 = arith.extui %lt3A_751 : i1 to i32
      %add3A_753 = arith.addi %add3A_749, %convert_element_type3A_752 : i32
      %lt3A_754 = arith.constant 4.000000e+00 : f32
      %lt3A_755 = arith.cmpf olt, %mul3A_97, %lt3A_754 : f32
      %convert_element_type3A_756 = arith.extui %lt3A_755 : i1 to i32
      %add3A_757 = arith.addi %add3A_753, %convert_element_type3A_756 : i32
      %lt3A_758 = arith.constant 4.000000e+00 : f32
      %lt3A_759 = arith.constant 4.000000e+00 : f32
      %lt3A_760 = arith.cmpf olt, %lt3A_758, %lt3A_759 : f32
      %convert_element_type3A_761 = arith.extui %lt3A_760 : i1 to i32
      %add3A_762 = arith.addi %add3A_757, %convert_element_type3A_761 : i32
      %jit3A_763 = arith.constant 1 : i32
      %jit3A_764 = arith.constant 4 : i32
      %max3A_765 = arith.maxsi %jit3A_763, %add3A_762 : i32
      %min3A_766 = arith.minsi %jit3A_764, %max3A_765 : i32
      %eq3A_767 = arith.constant 1 : i32
      %eq3A_768 = arith.cmpi eq, %min3A_766, %eq3A_767 : i32
      %eq3A_769 = arith.constant 2 : i32
      %eq3A_770 = arith.cmpi eq, %min3A_766, %eq3A_769 : i32
      %eq3A_771 = arith.constant 3 : i32
      %eq3A_772 = arith.cmpi eq, %min3A_766, %eq3A_771 : i32
      %select_n3A_773 = arith.select %eq3A_772, %mul3A_94, %mul3A_97 : f32
      %select_n3A_774 = arith.select %eq3A_770, %mul3A_91, %select_n3A_773 : f32
      %select_n3A_775 = arith.select %eq3A_768, %mul3A_88, %select_n3A_774 : f32
      %eq3A_776 = arith.constant 1 : i32
      %eq3A_777 = arith.cmpi eq, %min3A_766, %eq3A_776 : i32
      %eq3A_778 = arith.constant 2 : i32
      %eq3A_779 = arith.cmpi eq, %min3A_766, %eq3A_778 : i32
      %eq3A_780 = arith.constant 3 : i32
      %eq3A_781 = arith.cmpi eq, %min3A_766, %eq3A_780 : i32
      %jit3A_782 = arith.constant 4.000000e+00 : f32
      %select_n3A_783 = arith.select %eq3A_781, %mul3A_97, %jit3A_782 : f32
      %select_n3A_784 = arith.select %eq3A_779, %mul3A_94, %select_n3A_783 : f32
      %select_n3A_785 = arith.select %eq3A_777, %mul3A_91, %select_n3A_784 : f32
      %eq3A_786 = arith.constant 1 : i32
      %eq3A_787 = arith.cmpi eq, %min3A_766, %eq3A_786 : i32
      %eq3A_788 = arith.constant 2 : i32
      %eq3A_789 = arith.cmpi eq, %min3A_766, %eq3A_788 : i32
      %eq3A_790 = arith.constant 3 : i32
      %eq3A_791 = arith.cmpi eq, %min3A_766, %eq3A_790 : i32
      %select_n3A_792 = arith.select %eq3A_791, %get3A_69, %get3A_72 : f32
      %select_n3A_793 = arith.select %eq3A_789, %get3A_66, %select_n3A_792 : f32
      %select_n3A_794 = arith.select %eq3A_787, %get3A_63, %select_n3A_793 : f32
      %eq3A_795 = arith.constant 1 : i32
      %eq3A_796 = arith.cmpi eq, %min3A_766, %eq3A_795 : i32
      %eq3A_797 = arith.constant 2 : i32
      %eq3A_798 = arith.cmpi eq, %min3A_766, %eq3A_797 : i32
      %eq3A_799 = arith.constant 3 : i32
      %eq3A_800 = arith.cmpi eq, %min3A_766, %eq3A_799 : i32
      %select_n3A_801 = arith.select %eq3A_800, %get3A_72, %get3A_75 : f32
      %select_n3A_802 = arith.select %eq3A_798, %get3A_69, %select_n3A_801 : f32
      %select_n3A_803 = arith.select %eq3A_796, %get3A_66, %select_n3A_802 : f32
      %sub3A_804 = arith.subf %select_n3A_803, %select_n3A_794 : f32
      %sub3A_805 = arith.subf %select_n3A_785, %select_n3A_775 : f32
      %div3A_806 = arith.divf %sub3A_804, %sub3A_805 : f32
      %sub3A_807 = arith.constant 4.000000e+00 : f32
      %sub3A_808 = arith.subf %sub3A_807, %select_n3A_775 : f32
      %mul3A_809 = arith.mulf %div3A_806, %sub3A_808 : f32
      %add3A_810 = arith.addf %select_n3A_794, %mul3A_809 : f32
      %sub3A_811 = arith.subf %mul3A_91, %mul3A_88 : f32
      %sub3A_812 = arith.subf %add3A_103, %add3A_100 : f32
      %div3A_813 = arith.divf %sub3A_811, %sub3A_812 : f32
      %sub3A_814 = arith.subf %mul3A_94, %mul3A_91 : f32
      %sub3A_815 = arith.subf %add3A_106, %add3A_103 : f32
      %div3A_816 = arith.divf %sub3A_814, %sub3A_815 : f32
      %sub3A_817 = arith.subf %mul3A_97, %mul3A_94 : f32
      %sub3A_818 = arith.subf %add3A_109, %add3A_106 : f32
      %div3A_819 = arith.divf %sub3A_817, %sub3A_818 : f32
      %sub3A_820 = arith.constant 4.000000e+00 : f32
      %sub3A_821 = arith.subf %sub3A_820, %mul3A_97 : f32
      %sub3A_822 = arith.subf %add3A_112, %add3A_109 : f32
      %div3A_823 = arith.divf %sub3A_821, %sub3A_822 : f32
      %mul3A_824 = arith.mulf %div3A_813, %add3A_100 : f32
      %sub3A_825 = arith.subf %mul3A_88, %mul3A_824 : f32
      %mul3A_826 = arith.mulf %div3A_816, %add3A_103 : f32
      %sub3A_827 = arith.subf %mul3A_91, %mul3A_826 : f32
      %mul3A_828 = arith.mulf %div3A_819, %add3A_106 : f32
      %sub3A_829 = arith.subf %mul3A_94, %mul3A_828 : f32
      %mul3A_830 = arith.mulf %div3A_823, %add3A_109 : f32
      %sub3A_831 = arith.subf %mul3A_97, %mul3A_830 : f32
      %sub3A_832 = arith.subf %add3A_250, %add3A_180 : f32
      %sub3A_833 = arith.subf %add3A_320, %add3A_250 : f32
      %sub3A_834 = arith.subf %add3A_390, %add3A_320 : f32
      %sub3A_835 = arith.subf %add3A_460, %add3A_390 : f32
      %sub3A_836 = arith.subf %add3A_460, %add3A_460 : f32
      %sub3A_837 = arith.subf %add3A_600, %add3A_530 : f32
      %sub3A_838 = arith.subf %add3A_670, %add3A_600 : f32
      %sub3A_839 = arith.subf %add3A_740, %add3A_670 : f32
      %sub3A_840 = arith.subf %add3A_810, %add3A_740 : f32
      %sub3A_841 = arith.subf %add3A_810, %add3A_810 : f32
      %gt3A_842 = vector.broadcast %add3A_100 : f32 to vector<8x2048xf32>
      %gt3A_843 = arith.cmpf ogt, %add3A_33, %gt3A_842 : vector<8x2048xf32>
      %convert_element_type3A_844 = arith.extui %gt3A_843 : vector<8x2048xi1> to vector<8x2048xi32>
      %add3A_845 = arith.constant 0 : i32
      %add3A_846 = vector.broadcast %add3A_845 : i32 to vector<8x2048xi32>
      %add3A_847 = arith.addi %add3A_846, %convert_element_type3A_844 : vector<8x2048xi32>
      %gt3A_848 = vector.broadcast %add3A_103 : f32 to vector<8x2048xf32>
      %gt3A_849 = arith.cmpf ogt, %add3A_33, %gt3A_848 : vector<8x2048xf32>
      %convert_element_type3A_850 = arith.extui %gt3A_849 : vector<8x2048xi1> to vector<8x2048xi32>
      %add3A_851 = arith.addi %add3A_847, %convert_element_type3A_850 : vector<8x2048xi32>
      %gt3A_852 = vector.broadcast %add3A_106 : f32 to vector<8x2048xf32>
      %gt3A_853 = arith.cmpf ogt, %add3A_33, %gt3A_852 : vector<8x2048xf32>
      %convert_element_type3A_854 = arith.extui %gt3A_853 : vector<8x2048xi1> to vector<8x2048xi32>
      %add3A_855 = arith.addi %add3A_851, %convert_element_type3A_854 : vector<8x2048xi32>
      %gt3A_856 = vector.broadcast %add3A_109 : f32 to vector<8x2048xf32>
      %gt3A_857 = arith.cmpf ogt, %add3A_33, %gt3A_856 : vector<8x2048xf32>
      %convert_element_type3A_858 = arith.extui %gt3A_857 : vector<8x2048xi1> to vector<8x2048xi32>
      %add3A_859 = arith.addi %add3A_855, %convert_element_type3A_858 : vector<8x2048xi32>
      %gt3A_860 = vector.broadcast %add3A_112 : f32 to vector<8x2048xf32>
      %gt3A_861 = arith.cmpf ogt, %add3A_33, %gt3A_860 : vector<8x2048xf32>
      %convert_element_type3A_862 = arith.extui %gt3A_861 : vector<8x2048xi1> to vector<8x2048xi32>
      %add3A_863 = arith.addi %add3A_859, %convert_element_type3A_862 : vector<8x2048xi32>
      %jit3A_864 = arith.constant 1 : i32
      %jit3A_865 = arith.constant 4 : i32
      %max3A_866 = vector.broadcast %jit3A_864 : i32 to vector<8x2048xi32>
      %max3A_867 = arith.maxsi %max3A_866, %add3A_863 : vector<8x2048xi32>
      %min3A_868 = vector.broadcast %jit3A_865 : i32 to vector<8x2048xi32>
      %min3A_869 = arith.minsi %min3A_868, %max3A_867 : vector<8x2048xi32>
      %eq3A_870 = arith.constant 1 : i32
      %eq3A_871 = vector.broadcast %eq3A_870 : i32 to vector<8x2048xi32>
      %eq3A_872 = arith.cmpi eq, %min3A_869, %eq3A_871 : vector<8x2048xi32>
      %eq3A_873 = arith.constant 2 : i32
      %eq3A_874 = vector.broadcast %eq3A_873 : i32 to vector<8x2048xi32>
      %eq3A_875 = arith.cmpi eq, %min3A_869, %eq3A_874 : vector<8x2048xi32>
      %eq3A_876 = arith.constant 3 : i32
      %eq3A_877 = vector.broadcast %eq3A_876 : i32 to vector<8x2048xi32>
      %eq3A_878 = arith.cmpi eq, %min3A_869, %eq3A_877 : vector<8x2048xi32>
      %broadcast_in_dim3A = vector.broadcast %sub3A_829 : f32 to vector<8x2048xf32>
      %broadcast_in_dim3A_879 = vector.broadcast %sub3A_831 : f32 to vector<8x2048xf32>
      %select_n3A_880 = arith.select %eq3A_878, %broadcast_in_dim3A, %broadcast_in_dim3A_879 : vector<8x2048xi1>, vector<8x2048xf32>
      %broadcast_in_dim3A_881 = vector.broadcast %sub3A_827 : f32 to vector<8x2048xf32>
      %select_n3A_882 = arith.select %eq3A_875, %broadcast_in_dim3A_881, %select_n3A_880 : vector<8x2048xi1>, vector<8x2048xf32>
      %broadcast_in_dim3A_883 = vector.broadcast %sub3A_825 : f32 to vector<8x2048xf32>
      %select_n3A_884 = arith.select %eq3A_872, %broadcast_in_dim3A_883, %select_n3A_882 : vector<8x2048xi1>, vector<8x2048xf32>
      %eq3A_885 = arith.constant 1 : i32
      %eq3A_886 = vector.broadcast %eq3A_885 : i32 to vector<8x2048xi32>
      %eq3A_887 = arith.cmpi eq, %min3A_869, %eq3A_886 : vector<8x2048xi32>
      %eq3A_888 = arith.constant 2 : i32
      %eq3A_889 = vector.broadcast %eq3A_888 : i32 to vector<8x2048xi32>
      %eq3A_890 = arith.cmpi eq, %min3A_869, %eq3A_889 : vector<8x2048xi32>
      %eq3A_891 = arith.constant 3 : i32
      %eq3A_892 = vector.broadcast %eq3A_891 : i32 to vector<8x2048xi32>
      %eq3A_893 = arith.cmpi eq, %min3A_869, %eq3A_892 : vector<8x2048xi32>
      %broadcast_in_dim3A_894 = vector.broadcast %div3A_819 : f32 to vector<8x2048xf32>
      %broadcast_in_dim3A_895 = vector.broadcast %div3A_823 : f32 to vector<8x2048xf32>
      %select_n3A_896 = arith.select %eq3A_893, %broadcast_in_dim3A_894, %broadcast_in_dim3A_895 : vector<8x2048xi1>, vector<8x2048xf32>
      %broadcast_in_dim3A_897 = vector.broadcast %div3A_816 : f32 to vector<8x2048xf32>
      %select_n3A_898 = arith.select %eq3A_890, %broadcast_in_dim3A_897, %select_n3A_896 : vector<8x2048xi1>, vector<8x2048xf32>
      %broadcast_in_dim3A_899 = vector.broadcast %div3A_813 : f32 to vector<8x2048xf32>
      %select_n3A_900 = arith.select %eq3A_887, %broadcast_in_dim3A_899, %select_n3A_898 : vector<8x2048xi1>, vector<8x2048xf32>
      %mul3A_901 = arith.mulf %select_n3A_900, %add3A_33 : vector<8x2048xf32>
      %add3A_902 = arith.addf %select_n3A_884, %mul3A_901 : vector<8x2048xf32>
      %floor3A = math.floor %add3A_902 : vector<8x2048xf32>
      %jit3A_903 = arith.constant 0.000000e+00 : f32
      %jit3A_904 = arith.constant 4.000000e+00 : f32
      %max3A_905 = vector.broadcast %jit3A_903 : f32 to vector<8x2048xf32>
      %max3A_906 = arith.maximumf %max3A_905, %floor3A : vector<8x2048xf32>
      %min3A_907 = vector.broadcast %jit3A_904 : f32 to vector<8x2048xf32>
      %min3A_908 = arith.minimumf %min3A_907, %max3A_906 : vector<8x2048xf32>
      %convert_element_type3A_909 = arith.fptosi %min3A_908 : vector<8x2048xf32> to vector<8x2048xi32>
      %sub3A_910 = arith.subf %add3A_902, %min3A_908 : vector<8x2048xf32>
      %eq3A_911 = arith.constant 0 : i32
      %eq3A_912 = vector.broadcast %eq3A_911 : i32 to vector<8x2048xi32>
      %eq3A_913 = arith.cmpi eq, %convert_element_type3A_909, %eq3A_912 : vector<8x2048xi32>
      %eq3A_914 = arith.constant 1 : i32
      %eq3A_915 = vector.broadcast %eq3A_914 : i32 to vector<8x2048xi32>
      %eq3A_916 = arith.cmpi eq, %convert_element_type3A_909, %eq3A_915 : vector<8x2048xi32>
      %eq3A_917 = arith.constant 2 : i32
      %eq3A_918 = vector.broadcast %eq3A_917 : i32 to vector<8x2048xi32>
      %eq3A_919 = arith.cmpi eq, %convert_element_type3A_909, %eq3A_918 : vector<8x2048xi32>
      %eq3A_920 = arith.constant 3 : i32
      %eq3A_921 = vector.broadcast %eq3A_920 : i32 to vector<8x2048xi32>
      %eq3A_922 = arith.cmpi eq, %convert_element_type3A_909, %eq3A_921 : vector<8x2048xi32>
      %broadcast_in_dim3A_923 = vector.broadcast %add3A_390 : f32 to vector<8x2048xf32>
      %broadcast_in_dim3A_924 = vector.broadcast %add3A_460 : f32 to vector<8x2048xf32>
      %select_n3A_925 = arith.select %eq3A_922, %broadcast_in_dim3A_923, %broadcast_in_dim3A_924 : vector<8x2048xi1>, vector<8x2048xf32>
      %broadcast_in_dim3A_926 = vector.broadcast %add3A_320 : f32 to vector<8x2048xf32>
      %select_n3A_927 = arith.select %eq3A_919, %broadcast_in_dim3A_926, %select_n3A_925 : vector<8x2048xi1>, vector<8x2048xf32>
      %broadcast_in_dim3A_928 = vector.broadcast %add3A_250 : f32 to vector<8x2048xf32>
      %select_n3A_929 = arith.select %eq3A_916, %broadcast_in_dim3A_928, %select_n3A_927 : vector<8x2048xi1>, vector<8x2048xf32>
      %broadcast_in_dim3A_930 = vector.broadcast %add3A_180 : f32 to vector<8x2048xf32>
      %select_n3A_931 = arith.select %eq3A_913, %broadcast_in_dim3A_930, %select_n3A_929 : vector<8x2048xi1>, vector<8x2048xf32>
      %eq3A_932 = arith.constant 0 : i32
      %eq3A_933 = vector.broadcast %eq3A_932 : i32 to vector<8x2048xi32>
      %eq3A_934 = arith.cmpi eq, %convert_element_type3A_909, %eq3A_933 : vector<8x2048xi32>
      %eq3A_935 = arith.constant 1 : i32
      %eq3A_936 = vector.broadcast %eq3A_935 : i32 to vector<8x2048xi32>
      %eq3A_937 = arith.cmpi eq, %convert_element_type3A_909, %eq3A_936 : vector<8x2048xi32>
      %eq3A_938 = arith.constant 2 : i32
      %eq3A_939 = vector.broadcast %eq3A_938 : i32 to vector<8x2048xi32>
      %eq3A_940 = arith.cmpi eq, %convert_element_type3A_909, %eq3A_939 : vector<8x2048xi32>
      %eq3A_941 = arith.constant 3 : i32
      %eq3A_942 = vector.broadcast %eq3A_941 : i32 to vector<8x2048xi32>
      %eq3A_943 = arith.cmpi eq, %convert_element_type3A_909, %eq3A_942 : vector<8x2048xi32>
      %broadcast_in_dim3A_944 = vector.broadcast %sub3A_835 : f32 to vector<8x2048xf32>
      %broadcast_in_dim3A_945 = vector.broadcast %sub3A_836 : f32 to vector<8x2048xf32>
      %select_n3A_946 = arith.select %eq3A_943, %broadcast_in_dim3A_944, %broadcast_in_dim3A_945 : vector<8x2048xi1>, vector<8x2048xf32>
      %broadcast_in_dim3A_947 = vector.broadcast %sub3A_834 : f32 to vector<8x2048xf32>
      %select_n3A_948 = arith.select %eq3A_940, %broadcast_in_dim3A_947, %select_n3A_946 : vector<8x2048xi1>, vector<8x2048xf32>
      %broadcast_in_dim3A_949 = vector.broadcast %sub3A_833 : f32 to vector<8x2048xf32>
      %select_n3A_950 = arith.select %eq3A_937, %broadcast_in_dim3A_949, %select_n3A_948 : vector<8x2048xi1>, vector<8x2048xf32>
      %broadcast_in_dim3A_951 = vector.broadcast %sub3A_832 : f32 to vector<8x2048xf32>
      %select_n3A_952 = arith.select %eq3A_934, %broadcast_in_dim3A_951, %select_n3A_950 : vector<8x2048xi1>, vector<8x2048xf32>
      %mul3A_953 = arith.mulf %sub3A_910, %select_n3A_952 : vector<8x2048xf32>
      %add3A_954 = arith.addf %select_n3A_931, %mul3A_953 : vector<8x2048xf32>
      %eq3A_955 = arith.constant 0 : i32
      %eq3A_956 = vector.broadcast %eq3A_955 : i32 to vector<8x2048xi32>
      %eq3A_957 = arith.cmpi eq, %convert_element_type3A_909, %eq3A_956 : vector<8x2048xi32>
      %eq3A_958 = arith.constant 1 : i32
      %eq3A_959 = vector.broadcast %eq3A_958 : i32 to vector<8x2048xi32>
      %eq3A_960 = arith.cmpi eq, %convert_element_type3A_909, %eq3A_959 : vector<8x2048xi32>
      %eq3A_961 = arith.constant 2 : i32
      %eq3A_962 = vector.broadcast %eq3A_961 : i32 to vector<8x2048xi32>
      %eq3A_963 = arith.cmpi eq, %convert_element_type3A_909, %eq3A_962 : vector<8x2048xi32>
      %eq3A_964 = arith.constant 3 : i32
      %eq3A_965 = vector.broadcast %eq3A_964 : i32 to vector<8x2048xi32>
      %eq3A_966 = arith.cmpi eq, %convert_element_type3A_909, %eq3A_965 : vector<8x2048xi32>
      %broadcast_in_dim3A_967 = vector.broadcast %add3A_740 : f32 to vector<8x2048xf32>
      %broadcast_in_dim3A_968 = vector.broadcast %add3A_810 : f32 to vector<8x2048xf32>
      %select_n3A_969 = arith.select %eq3A_966, %broadcast_in_dim3A_967, %broadcast_in_dim3A_968 : vector<8x2048xi1>, vector<8x2048xf32>
      %broadcast_in_dim3A_970 = vector.broadcast %add3A_670 : f32 to vector<8x2048xf32>
      %select_n3A_971 = arith.select %eq3A_963, %broadcast_in_dim3A_970, %select_n3A_969 : vector<8x2048xi1>, vector<8x2048xf32>
      %broadcast_in_dim3A_972 = vector.broadcast %add3A_600 : f32 to vector<8x2048xf32>
      %select_n3A_973 = arith.select %eq3A_960, %broadcast_in_dim3A_972, %select_n3A_971 : vector<8x2048xi1>, vector<8x2048xf32>
      %broadcast_in_dim3A_974 = vector.broadcast %add3A_530 : f32 to vector<8x2048xf32>
      %select_n3A_975 = arith.select %eq3A_957, %broadcast_in_dim3A_974, %select_n3A_973 : vector<8x2048xi1>, vector<8x2048xf32>
      %eq3A_976 = arith.constant 0 : i32
      %eq3A_977 = vector.broadcast %eq3A_976 : i32 to vector<8x2048xi32>
      %eq3A_978 = arith.cmpi eq, %convert_element_type3A_909, %eq3A_977 : vector<8x2048xi32>
      %eq3A_979 = arith.constant 1 : i32
      %eq3A_980 = vector.broadcast %eq3A_979 : i32 to vector<8x2048xi32>
      %eq3A_981 = arith.cmpi eq, %convert_element_type3A_909, %eq3A_980 : vector<8x2048xi32>
      %eq3A_982 = arith.constant 2 : i32
      %eq3A_983 = vector.broadcast %eq3A_982 : i32 to vector<8x2048xi32>
      %eq3A_984 = arith.cmpi eq, %convert_element_type3A_909, %eq3A_983 : vector<8x2048xi32>
      %eq3A_985 = arith.constant 3 : i32
      %eq3A_986 = vector.broadcast %eq3A_985 : i32 to vector<8x2048xi32>
      %eq3A_987 = arith.cmpi eq, %convert_element_type3A_909, %eq3A_986 : vector<8x2048xi32>
      %broadcast_in_dim3A_988 = vector.broadcast %sub3A_840 : f32 to vector<8x2048xf32>
      %broadcast_in_dim3A_989 = vector.broadcast %sub3A_841 : f32 to vector<8x2048xf32>
      %select_n3A_990 = arith.select %eq3A_987, %broadcast_in_dim3A_988, %broadcast_in_dim3A_989 : vector<8x2048xi1>, vector<8x2048xf32>
      %broadcast_in_dim3A_991 = vector.broadcast %sub3A_839 : f32 to vector<8x2048xf32>
      %select_n3A_992 = arith.select %eq3A_984, %broadcast_in_dim3A_991, %select_n3A_990 : vector<8x2048xi1>, vector<8x2048xf32>
      %broadcast_in_dim3A_993 = vector.broadcast %sub3A_838 : f32 to vector<8x2048xf32>
      %select_n3A_994 = arith.select %eq3A_981, %broadcast_in_dim3A_993, %select_n3A_992 : vector<8x2048xi1>, vector<8x2048xf32>
      %broadcast_in_dim3A_995 = vector.broadcast %sub3A_837 : f32 to vector<8x2048xf32>
      %select_n3A_996 = arith.select %eq3A_978, %broadcast_in_dim3A_995, %select_n3A_994 : vector<8x2048xi1>, vector<8x2048xf32>
      %mul3A_997 = arith.mulf %sub3A_910, %select_n3A_996 : vector<8x2048xf32>
      %add3A_998 = arith.addf %select_n3A_975, %mul3A_997 : vector<8x2048xf32>
      %mul3A_999 = arith.constant 0.00999999977 : f32
      %mul3A_1000 = vector.broadcast %mul3A_999 : f32 to vector<8x2048xf32>
      %mul3A_1001 = arith.mulf %add3A_998, %mul3A_1000 : vector<8x2048xf32>
      %sin3A = math.sin %add3A_954 : vector<8x2048xf32>
      %mul3A_1002 = arith.mulf %mul3A_1001, %sin3A : vector<8x2048xf32>
      %add3A_1003 = arith.constant 1.000000e+00 : f32
      %add3A_1004 = vector.broadcast %add3A_1003 : f32 to vector<8x2048xf32>
      %add3A_1005 = arith.addf %add3A_1004, %mul3A_1002 : vector<8x2048xf32>
      %mul3A_1006 = arith.mulf %add3A_33, %add3A_1005 : vector<8x2048xf32>
      %cos3A = math.cos %add3A_954 : vector<8x2048xf32>
      %mul3A_1007 = arith.mulf %mul3A_1001, %cos3A : vector<8x2048xf32>
      %add3A_1008 = arith.addf %mul3A_1006, %mul3A_1007 : vector<8x2048xf32>
      %mul3A_1009 = vector.broadcast %get3A_78 : f32 to vector<8x2048xf32>
      %mul3A_1010 = arith.mulf %add3A_1008, %mul3A_1009 : vector<8x2048xf32>
      %swap3A = arith.constant 0 : index
      %swap3A_1011 = arith.constant 0 : index
      %swap3A_1012 = vector.load %arg6[%swap3A, %swap3A_1011] : memref<8x2048xf32, #tpu.memory_space<vmem>>, vector<8x2048xf32>
      tpu.vector_store %arg6[%swap3A, %swap3A_1011], %mul3A_1010 {strides = array<i32>} : memref<8x2048xf32, #tpu.memory_space<vmem>>, vector<8x2048xf32>,
      %gt3A_1013 = arith.constant 0.000000e+00 : f32
      %gt3A_1014 = arith.cmpf ogt, %sub3A, %gt3A_1013 : f32
      %div3A_1015 = arith.constant 1.638300e+04 : f32
      %div3A_1016 = arith.divf %div3A_1015, %sub3A : f32
      %jit3A_1017 = arith.constant 0.000000e+00 : f32
      %select_n3A_1018 = arith.select %gt3A_1014, %div3A_1016, %jit3A_1017 : f32
      %get3A_1019 = arith.constant 0 : index
      %get3A_1020 = arith.constant 0 : index
      %get3A_1021 = memref.load %arg2[%get3A_1019, %get3A_1020] : memref<1x1xf32, #tpu.memory_space<smem>>
      %mul3A_1022 = arith.mulf %get3A_1021, %select_n3A_1018 : f32
      %swap3A_1023 = arith.constant 0 : index
      %swap3A_1024 = arith.constant 0 : index
      %swap3A_1025 = memref.load %arg7[%swap3A_1023, %swap3A_1024] : memref<1x16xf32, #tpu.memory_space<smem>>
      memref.store %mul3A_1022, %arg7[%swap3A_1023, %swap3A_1024] : memref<1x16xf32, #tpu.memory_space<smem>>
      %mul3A_1026 = arith.mulf %get3A_20, %select_n3A_1018 : f32
      %sub3A_1027 = arith.constant 5.000000e-01 : f32
      %sub3A_1028 = arith.subf %sub3A_1027, %mul3A_1026 : f32
      %swap3A_1029 = arith.constant 0 : index
      %swap3A_1030 = arith.constant 1 : index
      %swap3A_1031 = memref.load %arg7[%swap3A_1029, %swap3A_1030] : memref<1x16xf32, #tpu.memory_space<smem>>
      memref.store %sub3A_1028, %arg7[%swap3A_1029, %swap3A_1030] : memref<1x16xf32, #tpu.memory_space<smem>>
      %swap3A_1032 = arith.constant 0.000000e+00 : f32
      %swap3A_1033 = arith.constant 0 : index
      %swap3A_1034 = arith.constant 2 : index
      %swap3A_1035 = memref.load %arg7[%swap3A_1033, %swap3A_1034] : memref<1x16xf32, #tpu.memory_space<smem>>
      memref.store %swap3A_1032, %arg7[%swap3A_1033, %swap3A_1034] : memref<1x16xf32, #tpu.memory_space<smem>>
      %swap3A_1036 = arith.constant 0.000000e+00 : f32
      %swap3A_1037 = arith.constant 0 : index
      %swap3A_1038 = arith.constant 3 : index
      %swap3A_1039 = memref.load %arg7[%swap3A_1037, %swap3A_1038] : memref<1x16xf32, #tpu.memory_space<smem>>
      memref.store %swap3A_1036, %arg7[%swap3A_1037, %swap3A_1038] : memref<1x16xf32, #tpu.memory_space<smem>>
      %swap3A_1040 = arith.constant 0.000000e+00 : f32
      %swap3A_1041 = arith.constant 0 : index
      %swap3A_1042 = arith.constant 4 : index
      %swap3A_1043 = memref.load %arg7[%swap3A_1041, %swap3A_1042] : memref<1x16xf32, #tpu.memory_space<smem>>
      memref.store %swap3A_1040, %arg7[%swap3A_1041, %swap3A_1042] : memref<1x16xf32, #tpu.memory_space<smem>>
      %swap3A_1044 = arith.constant 0.000000e+00 : f32
      %swap3A_1045 = arith.constant 0 : index
      %swap3A_1046 = arith.constant 5 : index
      %swap3A_1047 = memref.load %arg7[%swap3A_1045, %swap3A_1046] : memref<1x16xf32, #tpu.memory_space<smem>>
      memref.store %swap3A_1044, %arg7[%swap3A_1045, %swap3A_1046] : memref<1x16xf32, #tpu.memory_space<smem>>
      %swap3A_1048 = arith.constant 0.000000e+00 : f32
      %swap3A_1049 = arith.constant 0 : index
      %swap3A_1050 = arith.constant 6 : index
      %swap3A_1051 = memref.load %arg7[%swap3A_1049, %swap3A_1050] : memref<1x16xf32, #tpu.memory_space<smem>>
      memref.store %swap3A_1048, %arg7[%swap3A_1049, %swap3A_1050] : memref<1x16xf32, #tpu.memory_space<smem>>
      %swap3A_1052 = arith.constant 0.000000e+00 : f32
      %swap3A_1053 = arith.constant 0 : index
      %swap3A_1054 = arith.constant 7 : index
      %swap3A_1055 = memref.load %arg7[%swap3A_1053, %swap3A_1054] : memref<1x16xf32, #tpu.memory_space<smem>>
      memref.store %swap3A_1052, %arg7[%swap3A_1053, %swap3A_1054] : memref<1x16xf32, #tpu.memory_space<smem>>
      %swap3A_1056 = arith.constant 0.000000e+00 : f32
      %swap3A_1057 = arith.constant 0 : index
      %swap3A_1058 = arith.constant 8 : index
      %swap3A_1059 = memref.load %arg7[%swap3A_1057, %swap3A_1058] : memref<1x16xf32, #tpu.memory_space<smem>>
      memref.store %swap3A_1056, %arg7[%swap3A_1057, %swap3A_1058] : memref<1x16xf32, #tpu.memory_space<smem>>
      %swap3A_1060 = arith.constant 0.000000e+00 : f32
      %swap3A_1061 = arith.constant 0 : index
      %swap3A_1062 = arith.constant 9 : index
      %swap3A_1063 = memref.load %arg7[%swap3A_1061, %swap3A_1062] : memref<1x16xf32, #tpu.memory_space<smem>>
      memref.store %swap3A_1060, %arg7[%swap3A_1061, %swap3A_1062] : memref<1x16xf32, #tpu.memory_space<smem>>
      %swap3A_1064 = arith.constant 0.000000e+00 : f32
      %swap3A_1065 = arith.constant 0 : index
      %swap3A_1066 = arith.constant 10 : index
      %swap3A_1067 = memref.load %arg7[%swap3A_1065, %swap3A_1066] : memref<1x16xf32, #tpu.memory_space<smem>>
      memref.store %swap3A_1064, %arg7[%swap3A_1065, %swap3A_1066] : memref<1x16xf32, #tpu.memory_space<smem>>
      %swap3A_1068 = arith.constant 0.000000e+00 : f32
      %swap3A_1069 = arith.constant 0 : index
      %swap3A_1070 = arith.constant 11 : index
      %swap3A_1071 = memref.load %arg7[%swap3A_1069, %swap3A_1070] : memref<1x16xf32, #tpu.memory_space<smem>>
      memref.store %swap3A_1068, %arg7[%swap3A_1069, %swap3A_1070] : memref<1x16xf32, #tpu.memory_space<smem>>
      %swap3A_1072 = arith.constant 0.000000e+00 : f32
      %swap3A_1073 = arith.constant 0 : index
      %swap3A_1074 = arith.constant 12 : index
      %swap3A_1075 = memref.load %arg7[%swap3A_1073, %swap3A_1074] : memref<1x16xf32, #tpu.memory_space<smem>>
      memref.store %swap3A_1072, %arg7[%swap3A_1073, %swap3A_1074] : memref<1x16xf32, #tpu.memory_space<smem>>
      %swap3A_1076 = arith.constant 0.000000e+00 : f32
      %swap3A_1077 = arith.constant 0 : index
      %swap3A_1078 = arith.constant 13 : index
      %swap3A_1079 = memref.load %arg7[%swap3A_1077, %swap3A_1078] : memref<1x16xf32, #tpu.memory_space<smem>>
      memref.store %swap3A_1076, %arg7[%swap3A_1077, %swap3A_1078] : memref<1x16xf32, #tpu.memory_space<smem>>
      %swap3A_1080 = arith.constant 0.000000e+00 : f32
      %swap3A_1081 = arith.constant 0 : index
      %swap3A_1082 = arith.constant 14 : index
      %swap3A_1083 = memref.load %arg7[%swap3A_1081, %swap3A_1082] : memref<1x16xf32, #tpu.memory_space<smem>>
      memref.store %swap3A_1080, %arg7[%swap3A_1081, %swap3A_1082] : memref<1x16xf32, #tpu.memory_space<smem>>
      %swap3A_1084 = arith.constant 0.000000e+00 : f32
      %swap3A_1085 = arith.constant 0 : index
      %swap3A_1086 = arith.constant 15 : index
      %swap3A_1087 = memref.load %arg7[%swap3A_1085, %swap3A_1086] : memref<1x16xf32, #tpu.memory_space<smem>>
      memref.store %swap3A_1084, %arg7[%swap3A_1085, %swap3A_1086] : memref<1x16xf32, #tpu.memory_space<smem>>
    } else {
    }
    return
  }
  func.func @transform_0(%arg0: i32) -> (i32, i32) {
    %jit3A = arith.constant 8 : i32
    %eq3A = arith.constant 0 : i32
    %eq3A_0 = arith.cmpi eq, %jit3A, %eq3A : i32
    %jit3A_1 = arith.constant 1 : i32
    %select_n3A = arith.select %eq3A_0, %jit3A_1, %jit3A : i32
    %rem3A = arith.remsi %arg0, %select_n3A : i32
    %ne3A = arith.constant 0 : i32
    %ne3A_2 = arith.cmpi ne, %rem3A, %ne3A : i32
    %lt3A = arith.constant 0 : i32
    %lt3A_3 = arith.cmpi slt, %rem3A, %lt3A : i32
    %lt3A_4 = arith.constant 0 : i32
    %lt3A_5 = arith.cmpi slt, %select_n3A, %lt3A_4 : i32
    %ne3A_6 = arith.xori %lt3A_3, %lt3A_5 : i1
    %and3A = arith.andi %ne3A_6, %ne3A_2 : i1
    %add3A = arith.addi %rem3A, %select_n3A : i32
    %select_n3A_7 = arith.select %and3A, %add3A, %rem3A : i32
    %c0_i32 = arith.constant 0 : i32
    %c0_i32_8 = arith.constant 0 : i32
    return %select_n3A_7, %c0_i32 : i32, i32
  }
  func.func @transform_1(%arg0: i32) -> (i32, i32) {
    %c0_i32 = arith.constant 0 : i32
    %c0_i32_0 = arith.constant 0 : i32
    %c0_i32_1 = arith.constant 0 : i32
    return %c0_i32, %c0_i32_0 : i32, i32
  }
  func.func @transform_2(%arg0: i32) -> (i32, i32) {
    %c0_i32 = arith.constant 0 : i32
    %c0_i32_0 = arith.constant 0 : i32
    %c0_i32_1 = arith.constant 0 : i32
    return %c0_i32, %c0_i32_0 : i32, i32
  }
  func.func @transform_3(%arg0: i32) -> (i32, i32) {
    %c0_i32 = arith.constant 0 : i32
    %c0_i32_0 = arith.constant 0 : i32
    %c0_i32_1 = arith.constant 0 : i32
    return %c0_i32, %c0_i32_0 : i32, i32
  }
  func.func @transform_4(%arg0: i32) -> (i32, i32) {
    %c0_i32 = arith.constant 0 : i32
    %c0_i32_0 = arith.constant 0 : i32
    %c0_i32_1 = arith.constant 0 : i32
    return %c0_i32, %c0_i32_0 : i32, i32
  }
  func.func @transform_5(%arg0: i32) -> (i32, i32) {
    %c0_i32 = arith.constant 0 : i32
    %c0_i32_0 = arith.constant 0 : i32
    %c0_i32_1 = arith.constant 0 : i32
    return %c0_i32, %c0_i32_0 : i32, i32
  }
  func.func @transform_6(%arg0: i32) -> (i32, i32) {
    %c0_i32 = arith.constant 0 : i32
    %c0_i32_0 = arith.constant 0 : i32
    %c0_i32_1 = arith.constant 0 : i32
    return %c0_i32, %c0_i32_0 : i32, i32
  }
}

</mosaic_0001>

<sc_bundles>
// kernel: kernel.4.cloned.1.call-start
scs
__scs_entry_jumppad:
0x0: {  	(pc) =	sbr.rel $0x88, $3  }
0x1: {  	(tag) =	ssettag $0x0;
	lr =	simm.s32 $0x1  }
0x2: {  	[smem:$0x3F9D] =	sst lr;
	_ =	strace $0xD0000000  }
0x3: {  	_ = 	snop  }
0x4: {  	_ = 	snop  }
0x5: {  	_ = 	snop  }
0x6: {  	_ = 	snop  }
0x7: {  	_ = 	snop  }
__scs_overlays_trampoline_lowered:
0x8: {  	[smem:$0x3FAC] =	sst s0  }
0x9: {  	[smem:$0x3FAD] =	sst s1  }
0xa: {  	[smem:$0x3FAE] =	sst s2  }
0xb: {  	[smem:$0x3FAF] =	sst s3  }
0xc: {  	[smem:$0x3FB0] =	sst s4  }
0xd: {  	[smem:$0x3FB1] =	sst s5  }
0xe: {  	[smem:$0x3FB2] =	sst s6  }
0xf: {  	[smem:$0x3FB3] =	sst s7  }
0x10: {  	[smem:$0x3FB4] =	sst s8  }
0x11: {  	[smem:$0x3FB5] =	sst s9;
	s0 =	simm.s32 @!p0 $0x0  }
0x12: {  	s1 =	sld [smem:$0x3F9B];
	s0 =	simm.s32 @p0 $0x1  }
0x13: {  	[smem:$0x3FB6] =	sst s0;
	s0 =	simm.s32 @!p1 $0x0  }
0x14: {  	s2 =	sld [smem:$0x3F9A];
	s0 =	simm.s32 @p1 $0x1  }
0x15: {  	[smem:$0x3FB7] =	sst s0;
	s0 =	simm.s32 @!p2 $0x0  }
0x16: {  	s3 =	sld [smem:$0x3FDB];
	s0 =	simm.s32 @p2 $0x1  }
0x17: {  	s4 =	simm.s32 $0x1BF5;
	[smem:$0x3FB9] =	sst s0  }
0x18: {  	s0 =	sld [smem:$0x3F9C];
	_ =	swait.ge [sflag:s4], $0x0  }
0x19: {  	s7 =	sld [smem:$0x3F9D]  }
0x1a: {  	s8 =	sadd.s32 $0xFFFFE003, lr  }
0x1b: {  	s9 =	sadd.s32 $0xFFFFFEF7, lr;
	s5 =	simm.s32 $0xFFFFFFFF;
	p2 =	slt.u32 s8, $0xFFFFF086  }
0x1c: {  	p1 =	slt.u32 s9, $0xF7A;
	s5 =	simm.s32 @!p2 $0x0  }
0x1d: {  	s5 =	simm.s32 @p1 $0x1;
	p0 =	seq.s32 s7, s2  }
0x1e: {  	s7 =	smul.u32 @!p0 $0xF7A, s2;
	p2 =	seq.s32 @!p0 s5, $0x0  }
0x1f: {  	s9 =	smul.u32 $0xF7A, s1;
	s8 =	simm.s32 @!p0 $0x1BF5;
	p2 =	por !p2, p0  }
0x20: {  	[sflag:s8] =	ssyncset.s32 @!p0 $0xFFFFF086;
	s6 =	sadd.s32 @!p0 s3, s7;
	s7 =	simm.s32 @!p0 $0x108  }
0x21: {  	s3 =	sadd.s32 s3, s9;
	s6 =	sadd.s32 @!p0 $0x88, s6;
	s7 =	simm.s32 @p2 $0x1082  }
0x22: {  	[simem:s7], [sflag:s8] =	dma.local @!p0 [hbm:s6], $0xF7A  }
0x23: {  	s9 =	sor.u32 $0xD0000000, s2;
	s6 =	simm.s32 $0x108;
	_ =	swait.ge @!p0 [sflag:s8], $0x0  }
0x24: {  	s3 =	sadd.s32 $0x88, s3;
	s6 =	simm.s32 @!p1 $0x1082;
	[sflag:s4] =	ssyncset.s32 $0xFFFFF086  }
0x25: {  	[simem:s6], [sflag:s4] =	dma.local [hbm:s3], $0xF7A  }
0x26: {  	[smem:$0x3F9D] =	sst s1;
	(tag) =	ssettag s2;
	_ =	strace s9  }
0x27: {  	s1 =	sld [smem:$0x3FAD]  }
0x28: {  	s2 =	sld [smem:$0x3FAE]  }
0x29: {  	s4 =	sld [smem:$0x3FB0]  }
0x2a: {  	p0 =	seq.s32 s5, $0x0;
	s5 =	sld [smem:$0x3FB1]  }
0x2b: {  	s6 =	sld [smem:$0x3FB2]  }
0x2c: {  	s7 =	sld [smem:$0x3FB3]  }
0x2d: {  	s3 =	simm.s32 $0x108;
	s8 =	sld [smem:$0x3FB4]  }
0x2e: {  	s3 =	simm.s32 @!p0 $0x1082;
	s9 =	sld [smem:$0x3FB5]  }
0x2f: {  	lr =	sadd.s32 s0, s3;
	s0 =	sld [smem:$0x3FAC]  }
0x30: {  	s3 =	sld [smem:$0x3FAF]  }
0x31: {  	[smem:$0x3FB8] =	sst s10  }
0x32: {  	s10 =	sld [smem:$0x3FB6];
	_ =	sdelay $0x3  }
0x33: {  	p0 =	seq.s32 s10, $0x1;
	s10 =	sld [smem:$0x3FB8];
	_ =	sdelay $0x3  }
0x34: {  	[smem:$0x3FB8] =	sst s10  }
0x35: {  	s10 =	sld [smem:$0x3FB7];
	_ =	sdelay $0x3  }
0x36: {  	p1 =	seq.s32 s10, $0x1;
	s10 =	sld [smem:$0x3FB8];
	_ =	sdelay $0x3  }
0x37: {  	[smem:$0x3FB8] =	sst s10  }
0x38: {  	s10 =	sld [smem:$0x3FB9]  }
0x39: {  	_ = 	snop;
	(pc) =	sbr.ind lr, $3  }
0x3a: {  	_ = 	snop  }
0x3b: {  	_ = 	snop  }
0x3c: {  	p2 =	seq.s32 s10, $0x1;
	s10 =	sld [smem:$0x3FB8]  }
0x3d: {  	_ =	shalt  }
0x3e: {  	_ =	shalt  }
0x3f: {  	_ =	shalt  }
0x40: {  	_ =	shalt  }
0x41: {  	_ =	shalt  }
0x42: {  	_ =	shalt  }
0x43: {  	_ =	shalt  }
0x44: {  	_ =	shalt  }
0x45: {  	_ =	shalt  }
0x46: {  	_ =	shalt  }
0x47: {  	_ =	shalt  }
0x48: {  	_ =	shalt  }
0x49: {  	_ =	shalt  }
0x4a: {  	_ =	shalt  }
0x4b: {  	_ =	shalt  }
0x4c: {  	_ =	shalt  }
0x4d: {  	_ =	shalt  }
0x4e: {  	_ =	shalt  }
0x4f: {  	_ =	shalt  }
0x50: {  	_ =	shalt  }
0x51: {  	_ =	shalt  }
0x52: {  	_ =	shalt  }
0x53: {  	_ =	shalt  }
0x54: {  	_ =	shalt  }
0x55: {  	_ =	shalt  }
0x56: {  	_ =	shalt  }
0x57: {  	_ =	shalt  }
0x58: {  	_ =	shalt  }
0x59: {  	_ =	shalt  }
0x5a: {  	_ =	shalt  }
0x5b: {  	_ =	shalt  }
0x5c: {  	_ =	shalt  }
0x5d: {  	_ =	shalt  }
0x5e: {  	_ =	shalt  }
0x5f: {  	_ =	shalt  }
0x60: {  	_ =	shalt  }
0x61: {  	_ =	shalt  }
0x62: {  	_ =	shalt  }
0x63: {  	_ =	shalt  }
0x64: {  	_ =	shalt  }
0x65: {  	_ =	shalt  }
0x66: {  	_ =	shalt  }
0x67: {  	_ =	shalt  }
0x68: {  	_ =	shalt  }
0x69: {  	_ =	shalt  }
0x6a: {  	_ =	shalt  }
0x6b: {  	_ =	shalt  }
0x6c: {  	_ =	shalt  }
0x6d: {  	_ =	shalt  }
0x6e: {  	_ =	shalt  }
0x6f: {  	_ =	shalt  }
0x70: {  	_ =	shalt  }
0x71: {  	_ =	shalt  }
0x72: {  	_ =	shalt  }
0x73: {  	_ =	shalt  }
0x74: {  	_ =	shalt  }
0x75: {  	_ =	shalt  }
0x76: {  	_ =	shalt  }
0x77: {  	_ =	shalt  }
0x78: {  	_ =	shalt  }
0x79: {  	_ =	shalt  }
0x7a: {  	_ =	shalt  }
0x7b: {  	_ =	shalt  }
0x7c: {  	_ =	shalt  }
0x7d: {  	_ =	shalt  }
0x7e: {  	_ =	shalt  }
0x7f: {  	_ =	shalt  }
0x80: {  	_ =	shalt  }
0x81: {  	_ =	shalt  }
0x82: {  	_ =	shalt  }
0x83: {  	_ =	shalt  }
0x84: {  	_ =	shalt  }
0x85: {  	_ =	shalt  }
0x86: {  	_ =	shalt  }
0x87: {  	_ =	shalt  }
.Lfunc_end0:
.L_simem_size_0:
called_computation_lowered:
.L_overlay_start_0:
0x88: {  	s2 =	sld [smem:$0x3FD9]  }
0x89: {  	s3 =	sld [smem:$0x3FFE];
	_ =	sdelay $0x1  }
0x8a: {  	s1 =	srdreg.scid  }
0x8b: {  	s0 =	sand.u32 $0x1, s1  }
0x8c: {  	s17 =	sshll.u32 s0, $0xA;
	s2 =	sadd.s32 s3, s2  }
0x8d: {  	s2 =	sadd.s32 s2, s17  }
0x8e: {  	[smem:$0x3FC4] =	sst s2  }
0x8f: {  	_ = 	snop  }
0x90: {  	s2 =	sld [smem:$0x3FC9]  }
0x91: {  	s18 =	sld [smem:$0x3FD0];
	(tm) =	ssettm $0x1  }
0x92: {  	s4 =	sld [smem:$0x3FFB];
	_ =	sdelay $0x3  }
0x93: {  	_ =	strace s4  }
0x94: {  	s4 =	sld [smem:$0x3FFC];
	_ =	sdelay $0x3  }
0x95: {  	_ =	strace s4  }
0x96: {  	s4 =	sld [smem:$0x3FFD];
	_ =	sdelay $0x3  }
0x97: {  	_ =	strace s4  }
0x98: {  	_ =	strace $0x8FFFFFFF  }
0x99: {  	s19 =	sld [smem:$0x3FDB];
	_ =	sdelay $0x1  }
0x9a: {  	s5 =	simm.s32 $_scs_section_size  }
0x9b: {  	s6 =	simm.s32 $_size__tile_overlayer_lowered;
	s7 =	simm.s32 $_tile_overlayer_lowered  }
0x9c: {  	s22 =	simm.s32 $0x1BFF;
	s21 =	sshll.u32 s7, $0x1;
	s4 =	sadd.s32 s5, s19  }
0x9d: {  	s8 =	simm.s32 $0x0;
	s20 =	sshll.u32 s6, $0x1;
	s6 =	sadd.s32 s21, s4  }
0x9e: {  	[timem:s8], [sflag:s22] =	dma.local [hbm:s6], s20  }
0x9f: {  	_ =	swait.ge [sflag:s22], s20  }
0xa0: {  	s5 =	ssub.s32 $0x0, s20;
	[sflag:s22] =	ssyncset.done $0x0  }
0xa1: {  	[sflag:s22] =	ssyncadd.s32 s5;
	_ =	sdelay $0x1  }
0xa2: {  	s23 =	simm.s32 $0x1B8B  }
0xa3: {  	_ =	swait.ge [sflag:s23], $0x1  }
0xa4: {  	[sflag:s23] =	ssyncset.done $0x0  }
0xa5: {  	s25 =	simm.s32 $0x1B8E;
	s24 =	sld [smem:$0x3FFE];
	[sflag:s23] =	ssyncadd.s32 $0xFFFFFFFF  }
0xa6: {  	s26 =	simm.s32 $execute0_lowered;
	[smem:$0x3FD2] =	sst s25  }
0xa7: {  	s6 =	sshll.u32 s26, $0x1;
	_ =	strace $0x80000046;
	[dreg:$0x1] =	wrdreg $0xFFFFFFFF  }
0xa8: {  	s28 =	simm.s32 $_size_execute0_lowered;
	s4 =	sadd.s32 s4, s6;
	[dreg:$0x0] =	wrdreg $0x0  }
0xa9: {  	s6 =	sshll.u32 s28, $0x1;
	[dreg:$0x2] =	wrdreg s4  }
0xaa: {  	[dreg:$0x3] =	wrdreg s6  }
0xab: {  	[dreg:$0x4] =	wrdreg $0xC0  }
0xac: {  	_ =	task [dreg:s8], $0x5FFFF  }
0xad: {  	[dreg:$0x1] =	wrdreg $0xFFFFFFFF  }
0xae: {  	[dreg:$0x0] =	wrdreg $0x60  }
0xaf: {  	[dreg:$0x2] =	wrdreg s2  }
0xb0: {  	[dreg:$0x3] =	wrdreg s24  }
0xb1: {  	[dreg:$0x4] =	wrdreg s18  }
0xb2: {  	[dreg:$0x5] =	wrdreg $0x9  }
0xb3: {  	_ =	task.clear_ibuf [dreg:s8], $0x6FFFF;
	_ =	strace $0x90000046  }
0xb4: {  	s29 =	simm.s32 $0x9;
	_ =	strace $0x80000048  }
0xb5: {  	_ =	swait.ge [sflag:s29], $0x1  }
0xb6: {  	[sflag:s29] =	ssyncadd.s32 $0xFFFFFFFF  }
0xb7: {  	_ =	strace $0x90000048  }
0xb8: {  	_ =	sfence  }
0xb9: {  	s30 =	sld [smem:$0x0];
	_ =	sdelay $0x2  }
0xba: {  	s31 =	sshll.u32 s1, $0xD;
	s1 =	sshrl.u32 s1, $0x2  }
0xbb: {  	s3 =	sand.u32 $0x4000, s31;
	s1 =	sadd.s32 s1, s30  }
0xbc: {  	s0 =	sor.u32 s3, s0;
	s1 =	sshll.u32 s1, $0x11  }
0xbd: {  	s0 =	sor.u32 s1, s0  }
0xbe: {  	s0 =	sadd.s32 $0x8F2B, s0  }
0xbf: {  	[sflag:s0] =	ssyncadd.remote.s32 $0x1  }
0xc0: {  	_ =	sfence.sel $0xFFFF  }
0xc1: {  	[dreg:$0x0] =	wrdreg $0xFFFFFFFF;
	(pc) =	sbr.abs _section_cstart, $3  }
0xc2: {  	[dreg:$0x1] =	wrdreg $0xFFFFFFFF  }
0xc3: {  	_ =	task.clear_ibuf [dreg:s8], $0x2FFFF;
	_ =	strace $0x9FFFFFFF  }
0xc4: {  	(tm) =	ssettm $0x7FFFFFFF  }
0xc5: {  	_ =	shalt  }
tec
execute0_lowered:
.L_overlay_start_1:
0x0: {  	(tag) =	ssettag $0x1  }
0x1: {  	s1 =	rddreg [dreg:$0x0]  }
0x2: {  	s0 =	rddreg [dreg:$0x1]  }
0x3: {  	s8 =	rddreg [dreg:$0x2];
	s4 =	srdreg.scid;
	s3 =	simm.s32 $0x0  }
0x4: {  	s2 =	stileid.u32;
	s13 =	simm.s32 $0x5;
	s14 =	simm.s32 $0x4000  }
0x5: {  	s15 =	simm.s32 $0x4080;
	s16 =	simm.s32 $0x8080;
	s17 =	simm.s32 $0x1  }
0x6: {  	s18 =	simm.s32 $0xC080;
	s19 =	simm.s32 $0x2;
	s20 =	simm.s32 $0x4  }
0x7: {  	s21 =	simm.s32 $0x10080;
	s22 =	simm.s32 $0x3;
	s23 =	simm.s32 $0x0  }
0x8: {  	s4 =	sand.u32 $0x1, s4;
	[smem:$0x7FF] =	sst s3;
	s5 =	sshll.u32 s2, $0x9  }
0x9: {  	s6 =	sshll.u32 s4, $0x8;
	_ =	strace $0x80000047;
	s7 =	ssub.s32 $0x2, s4  }
.Ltmp0:
0xa: {  	s4 =	sadd.s32 $0xC00, s0;
	s9 =	sor.u32 s6, s5;
	(pc) =	sbr.rel .LBB2_1-.Ltmp0, $4  }
0xb: {  	s29 =	sshrl.u32 s7, $0x1;
	s5 =	sadd.s32 $0xA00, s0;
	s10 =	sshll.u32 s9, $0x8  }
0xc: {  	s30 =	ssub.s32 s7, s29;
	s31 =	sshrl.u32 s9, $0x3;
	s6 =	sadd.s32 s1, s10  }
0xd: {  	s8 =	sadd.s32 s8, s10;
	s9 =	sor.u32 $0x2, s31;
	s10 =	sor.u32 $0x3, s31  }
0xe: {  	s11 =	smax.u32 s30, $0x1;
	s7 =	sadd.s32 $0x800, s6;
	s12 =	sadd.s32 $0x800, s8  }
.LBB2_100:
0xf: {  	s23 =	sadd.s32 $0x1, s23  }
0x10: {  	_ =	swait.ge [sflag:s22], $0x4000;
	p0 =	sne.s32 s23, s11  }
.Ltmp1:
0x11: {  	[sflag:s22] =	ssyncset.done $0x0;
	(pc) =	sbr.rel @!p0 .LBB2_101-.Ltmp1, $4  }
0x12: {  	[sflag:s22] =	ssyncadd.s32 $0xFFFFC000  }
0x13: {  	_ =	swait.ge [sflag:s20], $0x4000  }
0x14: {  	[sflag:s20] =	ssyncset.done $0x0  }
0x15: {  	[sflag:s20] =	ssyncadd.s32 $0xFFFFC000  }
.LBB2_1:
0x16: {  	[tilespmem:s3], [sflag:$0x5] =	stream.linear.gather [hbm4b:s4+s3], $0x4000, $0x38;
	[tilespmem:$0x14080] =	vst v63  }
0x17: {  	_ =	swait.ge [sflag:s13], $0x4000  }
0x18: {  	[sflag:s13] =	ssyncset.done $0x0  }
0x19: {  	[sflag:s13] =	ssyncadd.s32 $0xFFFFC000  }
0x1a: {  	[tilespmem:s14], [sflag:$0x5] =	stream.linear.gather [hbm4b:s5+s3], $0x80, $0x38;
	[tilespmem:$0x14080] =	vst v63  }
0x1b: {  	_ =	swait.ge [sflag:s13], $0x80  }
0x1c: {  	[sflag:s13] =	ssyncset.done $0x0  }
0x1d: {  	[sflag:s13] =	ssyncadd.s32 $0xFFFFFF80  }
0x1e: {  	v1 =	vld [tilespmem:$0x4000];
	_ =	sdelay $0x2  }
0x1f: {  	[tilespmem:s15], [sflag:$0x1] =	stream.linear.gather [hbm4b:s6+s3], $0x4000, $0x38;
	[tilespmem:$0x14080] =	vst v63  }
0x20: {  	s24 =	simm.s32 $0x0  }
0x21: {  	[tilespmem:s16], [sflag:$0x2] =	stream.linear.gather [hbm4b:s7+s3], $0x4000, $0x38;
	v0 =	vbroadcast v1, $0x0;
	v1 =	vbroadcast v1, $0x1;
	[tilespmem:$0x14080] =	vst v63  }
.LBB2_2:
0x22: {  	_ =	swait.ge [sflag:s17], $0x4000  }
0x23: {  	p0 =	seq.s32 s24, $0x0;
	[sflag:s17] =	ssyncset.done $0x0  }
0x24: {  	s0 =	simm.s32 @!p0 $0x3;
	[sflag:s17] =	ssyncadd.s32 $0xFFFFC000  }
0x25: {  	_ =	swait.ge @!p0 [sflag:s0], $0x4000  }
0x26: {  	[sflag:s0] =	ssyncset.done @!p0 $0x0  }
0x27: {  	s26 =	simm.s32 $0x40C0;
	[sflag:s0] =	ssyncadd.s32 @!p0 $0xFFFFC000  }
0x28: {  	v2 =	vld [tilespmem:s26+$0x30]  }
0x29: {  	v3 =	vld [tilespmem:s26+$0xFFFFFFD0]  }
0x2a: {  	v4 =	vld [tilespmem:s26+$0xFFFFFFE0]  }
0x2b: {  	v5 =	vld [tilespmem:s26+$0xFFFFFFF0]  }
0x2c: {  	v6 =	vld [tilespmem:s26+$0x0]  }
0x2d: {  	v7 =	vld [tilespmem:s26+$0x10]  }
0x2e: {  	v8 =	vld [tilespmem:s26+$0x20]  }
0x2f: {  	s30 =	simm.s32 $0x44C0;
	v9 =	vld [tilespmem:s26+$0xFFFFFFC0]  }
0x30: {  	v10 =	vld [tilespmem:s30+$0x30]  }
0x31: {  	v11 =	vld [tilespmem:s30+$0xFFFFFFD0];
	v2 =	vmul.f32 v2, v0  }
0x32: {  	v12 =	vld [tilespmem:s30+$0xFFFFFFE0];
	v3 =	vmul.f32 v3, v0;
	v4 =	vmul.f32 v4, v0  }
0x33: {  	v13 =	vld [tilespmem:s30+$0xFFFFFFF0];
	v5 =	vmul.f32 v5, v0;
	v6 =	vmul.f32 v6, v0  }
0x34: {  	v7 =	vmul.f32 v7, v0;
	v8 =	vmul.f32 v8, v0  }
0x35: {  	v9 =	vmul.f32 v9, v0;
	v10 =	vmul.f32 v10, v0  }
0x36: {  	v11 =	vmul.f32 v11, v0;
	v2 =	vadd.f32 v2, v1;
	v3 =	vadd.f32 v3, v1  }
0x37: {  	v12 =	vmul.f32 v12, v0;
	v4 =	vadd.f32 v4, v1;
	v5 =	vadd.f32 v5, v1  }
0x38: {  	v13 =	vmul.f32 v13, v0;
	v6 =	vadd.f32 v6, v1;
	v7 =	vadd.f32 v7, v1  }
0x39: {  	v8 =	vadd.f32 v8, v1;
	v9 =	vadd.f32 v9, v1;
	v2 =	vtrunc.f32 v2  }
0x3a: {  	v10 =	vadd.f32 v10, v1;
	v3 =	vtrunc.f32 v3;
	v4 =	vtrunc.f32 v4  }
0x3b: {  	v11 =	vadd.f32 v11, v1;
	v5 =	vtrunc.f32 v5;
	v6 =	vtrunc.f32 v6  }
0x3c: {  	v13 =	vadd.f32 v13, v1;
	v7 =	vtrunc.f32 v7;
	v8 =	vtrunc.f32 v8  }
0x3d: {  	v9 =	vtrunc.f32 v9;
	v10 =	vtrunc.f32 v10  }
0x3e: {  	v11 =	vtrunc.f32 v11;
	v13 =	vtrunc.f32 v13  }
0x3f: {  	v2 =	vcvt.f32.s32 v2;
	v3 =	vcvt.f32.s32 v3  }
0x40: {  	v4 =	vcvt.f32.s32 v4;
	v9 =	vcvt.f32.s32 v9  }
0x41: {  	v5 =	vcvt.f32.s32 v5;
	v6 =	vcvt.f32.s32 v6  }
0x42: {  	v14 =	vld [tilespmem:s30+$0x0];
	v7 =	vcvt.f32.s32 v7;
	v8 =	vcvt.f32.s32 v8  }
0x43: {  	s31 =	simm.s32 $0x48C0;
	v15 =	vld [tilespmem:s30+$0x10];
	v10 =	vcvt.f32.s32 v10;
	v11 =	vcvt.f32.s32 v11  }
0x44: {  	v19 =	vld [tilespmem:s31+$0xFFFFFFD0];
	v13 =	vcvt.f32.s32 v13;
	vm0 =	vlt.s32 v2, $0x3FFF;
	vm2 =	vlt.s32 v3, $0x3FFF  }
0x45: {  	v16 =	vld [tilespmem:s30+$0x20];
	vm3 =	vlt.s32 v4, $0x3FFF;
	vm1 =	vlt.s32 v9, $0x3FFF;
	v2 =	vnsel vm0, $0x3FFF, v2  }
0x46: {  	v17 =	vld [tilespmem:s30+$0xFFFFFFC0];
	vm0 =	vlt.s32 v7, $0x3FFF;
	v9 =	vnsel vm1, $0x3FFF, v9;
	v3 =	vnsel vm2, $0x3FFF, v3  }
0x47: {  	v4 =	vnsel vm3, $0x3FFF, v4;
	vm2 =	vlt.s32 v10, $0x3FFF;
	vm3 =	vlt.s32 v13, $0x3FFF  }
0x48: {  	v24 =	vld [tilespmem:s31+$0x10];
	v10 =	vnsel vm2, $0x3FFF, v10;
	v7 =	vnsel vm0, $0x3FFF, v7;
	vm0 =	vlt.s32 v11, $0x3FFF  }
0x49: {  	v23 =	vnsel vm0, $0x3FFF, v11;
	v11 =	vmul.f32 v19, v0;
	v19 =	vnsel vm3, $0x3FFF, v13;
	v13 =	vld [tilespmem:s31+$0x20]  }
0x4a: {  	v18 =	vld.idx.msk [tilespmem:v2+s3+$0x0], $0xffff;
	v2 =	vadd.f32 v12, v1;
	v12 =	vmul.f32 v14, v0;
	v14 =	vmul.f32 v15, v0  }
0x4b: {  	vm4 =	vlt.s32 v5, $0x3FFF;
	v15 =	vmul.f32 v16, v0;
	v16 =	vld.idx.msk [tilespmem:v3+s3+$0x0], $0xffff;
	v3 =	vmul.f32 v17, v0  }
0x4c: {  	vm5 =	vlt.s32 v6, $0x3FFF;
	v5 =	vnsel vm4, $0x3FFF, v5;
	v9 =	vld.idx.msk [tilespmem:v9+s3+$0x0], $0xffff;
	v12 =	vadd.f32 v12, v1  }
0x4d: {  	v17 =	vld [tilespmem:s31+$0x30];
	v14 =	vadd.f32 v14, v1;
	v2 =	vtrunc.f32 v2;
	v3 =	vadd.f32 v3, v1  }
0x4e: {  	v4 =	vld.idx.msk [tilespmem:v4+s3+$0x0], $0xffff;
	v15 =	vadd.f32 v15, v1;
	v20 =	vcvt.f32.s32 v2;
	v12 =	vtrunc.f32 v12  }
0x4f: {  	v6 =	vnsel vm5, $0x3FFF, v6;
	v22 =	vld.idx.msk [tilespmem:v10+s3+$0x0], $0xffff;
	v14 =	vtrunc.f32 v14;
	v3 =	vtrunc.f32 v3  }
0x50: {  	vm1 =	vlt.s32 v8, $0x3FFF;
	v10 =	vld [tilespmem:s31+$0xFFFFFFE0];
	v15 =	vtrunc.f32 v15;
	v21 =	vcvt.f32.s32 v3  }
0x51: {  	v8 =	vnsel vm1, $0x3FFF, v8;
	v12 =	vcvt.f32.s32 v12;
	v3 =	vcvt.f32.s32 v14;
	v14 =	vld [tilespmem:s31+$0xFFFFFFF0]  }
0x52: {  	s28 =	simm.s32 $0xC0C0;
	vm1 =	vlt.s32 v20, $0x3FFF;
	v2 =	vcvt.f32.s32 v15;
	v15 =	vld [tilespmem:s31+$0x0];
	v17 =	vmul.f32 v17, v0  }
0x53: {  	v5 =	vld.idx.msk [tilespmem:v5+s3+$0x0], $0xffff;
	[tilespmem:s28+$0xFFFFFFC0] =	vst v9;
	v9 =	vadd.f32 v11, v1;
	v20 =	vnsel vm1, $0x3FFF, v20;
	vm2 =	vlt.s32 v21, $0x3FFF  }
0x54: {  	v6 =	vld.idx.msk [tilespmem:v6+s3+$0x0], $0xffff;
	v17 =	vadd.f32 v17, v1;
	v21 =	vnsel vm2, $0x3FFF, v21;
	vm2 =	vlt.s32 v12, $0x3FFF  }
0x55: {  	[tilespmem:s28+$0x30] =	vst v18;
	v10 =	vmul.f32 v10, v0;
	vm0 =	vlt.s32 v3, $0x3FFF;
	v18 =	vnsel vm2, $0x3FFF, v12;
	v12 =	vld [tilespmem:s31+$0xFFFFFFC0]  }
0x56: {  	v25 =	vld.idx.msk [tilespmem:v7+s3+$0x0], $0xffff;
	vm1 =	vlt.s32 v2, $0x3FFF;
	v11 =	vtrunc.f32 v17;
	v14 =	vmul.f32 v14, v0  }
0x57: {  	v8 =	vld.idx.msk [tilespmem:v8+s3+$0x0], $0xffff;
	[tilespmem:s28+$0xFFFFFFD0] =	vst v16;
	v16 =	vadd.f32 v10, v1;
	v10 =	vmul.f32 v15, v0;
	v15 =	vcvt.f32.s32 v11  }
0x58: {  	[tilespmem:s28+$0xFFFFFFE0] =	vst v4;
	v4 =	vld.idx.msk [tilespmem:v23+s3+$0x0], $0xffff;
	v11 =	vtrunc.f32 v9;
	v9 =	vadd.f32 v14, v1;
	v14 =	vmul.f32 v24, v0  }
0x59: {  	[tilespmem:s28+$0xFFFFFFF0] =	vst v5;
	v17 =	vmul.f32 v13, v0;
	v62 =	vadd.f32 v10, v1;
	vm2 =	vlt.s32 v15, $0x3FFF;
	v7 =	vld.idx.msk [tilespmem:v21+s3+$0x0], $0xffff  }
0x5a: {  	s26 =	simm.s32 $0xC4C0;
	[tilespmem:s28+$0x0] =	vst v6;
	v6 =	vld.idx.msk [tilespmem:v19+s3+$0x0], $0xffff;
	v10 =	vnsel vm2, $0x3FFF, v15;
	v12 =	vmul.f32 v12, v0;
	v63 =	vadd.f32 v14, v1  }
0x5b: {  	[tilespmem:s26+$0x30] =	vst v22;
	v5 =	vld.idx.msk [tilespmem:v20+s3+$0x0], $0xffff;
	v15 =	vtrunc.f32 v16;
	v16 =	vadd.f32 v17, v1;
	v13 =	vtrunc.f32 v9  }
0x5c: {  	s25 =	sshll.u32 s24, $0x1;
	s29 =	simm.s32 $0x10;
	s0 =	simm.s32 $0x4CC0;
	[tilespmem:s28+$0x10] =	vst v25;
	v14 =	vtrunc.f32 v62;
	v9 =	vld.idx.msk [tilespmem:v18+s3+$0x0], $0xffff;
	v17 =	vadd.f32 v12, v1;
	v12 =	vtrunc.f32 v63  }
.LBB2_3:
0x5d: {  	v18 =	vld [tilespmem:s0+$0x30];
	s29 =	sadd.s32 $0x8, s29;
	v11 =	vcvt.f32.s32 v11;
	v16 =	vtrunc.f32 v16;
	v19 =	vnsel vm0, $0x3FFF, v3;
	[tilespmem:s28+$0x20] =	vst v8;
	s28 =	smov.u32 s26  }
0x5e: {  	v15 =	vcvt.f32.s32 v15;
	v8 =	vld [tilespmem:s0+$0xFFFFFFD0];
	p1 =	slt.u32 s29, $0x78;
	v3 =	vtrunc.f32 v17;
	[tilespmem:s26+$0xFFFFFFC0] =	vst v7;
	v7 =	vnsel vm1, $0x3FFF, v2  }
0x5f: {  	v13 =	vcvt.f32.s32 v13;
	v17 =	vcvt.f32.s32 v3;
	vm2 =	vlt.s32 v11, $0x3FFF;
	v10 =	vld.idx.msk [tilespmem:v10+s3+$0x0], $0xffff;
	[tilespmem:s26+$0xFFFFFFD0] =	vst v4  }
0x60: {  	v14 =	vcvt.f32.s32 v14;
	vm3 =	vlt.s32 v15, $0x3FFF;
	v3 =	vcvt.f32.s32 v12;
	v4 =	vld [tilespmem:s0+$0xFFFFFFE0];
	[tilespmem:s26+$0xFFFFFFE0] =	vst v5  }
0x61: {  	v2 =	vcvt.f32.s32 v16;
	vm4 =	vlt.s32 v13, $0x3FFF;
	v5 =	vld [tilespmem:s0+$0xFFFFFFF0];
	vm1 =	vlt.s32 v17, $0x3FFF;
	[tilespmem:s26+$0xFFFFFFF0] =	vst v6  }
0x62: {  	vm5 =	vlt.s32 v14, $0x3FFF;
	vm0 =	vlt.s32 v3, $0x3FFF;
	v6 =	vld [tilespmem:s0+$0x0];
	v12 =	vmul.f32 v18, v0;
	[tilespmem:s26+$0x0] =	vst v9  }
0x63: {  	v16 =	vnsel vm1, $0x3FFF, v17;
	vm1 =	vlt.s32 v2, $0x3FFF;
	v8 =	vmul.f32 v8, v0;
	v9 =	vld [tilespmem:s0+$0x10]  }
0x64: {  	v15 =	vnsel vm3, $0x3FFF, v15;
	v18 =	vnsel vm2, $0x3FFF, v11;
	s26 =	sadd.s32 $0x400, s26;
	v17 =	vld [tilespmem:s0+$0x20];
	v12 =	vadd.f32 v12, v1  }
0x65: {  	v21 =	vnsel vm4, $0x3FFF, v13;
	v20 =	vld [tilespmem:s0+$0xFFFFFFC0];
	v11 =	vadd.f32 v8, v1;
	v4 =	vmul.f32 v4, v0;
	[tilespmem:s26+$0x30] =	vst v10  }
0x66: {  	v22 =	vnsel vm5, $0x3FFF, v14;
	v5 =	vmul.f32 v5, v0;
	v8 =	vtrunc.f32 v12;
	v19 =	vld.idx.msk [tilespmem:v19+s3+$0x0], $0xffff  }
0x67: {  	v12 =	vadd.f32 v4, v1;
	v4 =	vmul.f32 v6, v0;
	v6 =	vcvt.f32.s32 v8;
	v8 =	vld.idx.msk [tilespmem:v7+s3+$0x0], $0xffff  }
.Ltmp2:
0x68: {  	v11 =	vtrunc.f32 v11;
	v13 =	vadd.f32 v5, v1;
	v5 =	vmul.f32 v9, v0;
	v7 =	vld.idx.msk [tilespmem:v16+s3+$0x0], $0xffff;
	(pc) =	sbr.rel @p1 .LBB2_3-.Ltmp2, $4  }
0x69: {  	v9 =	vadd.f32 v4, v1;
	v14 =	vmul.f32 v17, v0;
	vm2 =	vlt.s32 v6, $0x3FFF;
	v4 =	vld.idx.msk [tilespmem:v18+s3+$0x0], $0xffff  }
0x6a: {  	v17 =	vmul.f32 v20, v0;
	v18 =	vadd.f32 v5, v1;
	v10 =	vnsel vm2, $0x3FFF, v6;
	v5 =	vld.idx.msk [tilespmem:v15+s3+$0x0], $0xffff  }
0x6b: {  	v15 =	vtrunc.f32 v12;
	v13 =	vtrunc.f32 v13;
	v16 =	vadd.f32 v14, v1;
	v6 =	vld.idx.msk [tilespmem:v21+s3+$0x0], $0xffff  }
0x6c: {  	s0 =	sadd.s32 $0x400, s0;
	v14 =	vtrunc.f32 v9;
	v17 =	vadd.f32 v17, v1;
	v12 =	vtrunc.f32 v18;
	v9 =	vld.idx.msk [tilespmem:v22+s3+$0x0], $0xffff;
	[tilespmem:s28+$0x10] =	vst v19  }
0x6d: {  	v11 =	vcvt.f32.s32 v11;
	v16 =	vtrunc.f32 v16  }
0x6e: {  	v3 =	vnsel vm0, $0x3FFF, v3;
	v13 =	vcvt.f32.s32 v13;
	v17 =	vtrunc.f32 v17  }
0x6f: {  	v2 =	vnsel vm1, $0x3FFF, v2;
	v17 =	vcvt.f32.s32 v17;
	vm1 =	vlt.s32 v11, $0x3FFF  }
0x70: {  	v15 =	vcvt.f32.s32 v15;
	v11 =	vnsel vm1, $0x3FFF, v11;
	vm1 =	vlt.s32 v13, $0x3FFF  }
0x71: {  	[tilespmem:s28+$0x20] =	vst v8;
	v8 =	vcvt.f32.s32 v14;
	vm0 =	vlt.s32 v17, $0x3FFF;
	v13 =	vnsel vm1, $0x3FFF, v13  }
0x72: {  	[tilespmem:s26+$0xFFFFFFC0] =	vst v7;
	v7 =	vld.idx.msk [tilespmem:v10+s3+$0x0], $0xffff;
	v10 =	vcvt.f32.s32 v12;
	v17 =	vnsel vm0, $0x3FFF, v17;
	vm0 =	vlt.s32 v15, $0x3FFF  }
0x73: {  	[tilespmem:s26+$0xFFFFFFD0] =	vst v4;
	v4 =	vcvt.f32.s32 v16;
	v3 =	vld.idx.msk [tilespmem:v3+s3+$0x0], $0xffff;
	v12 =	vnsel vm0, $0x3FFF, v15;
	vm0 =	vlt.s32 v8, $0x3FFF  }
0x74: {  	[tilespmem:s26+$0xFFFFFFE0] =	vst v5;
	vm1 =	vlt.s32 v10, $0x3FFF;
	v2 =	vld.idx.msk [tilespmem:v2+s3+$0x0], $0xffff;
	v5 =	vnsel vm0, $0x3FFF, v8  }
0x75: {  	[tilespmem:s26+$0x0] =	vst v9;
	vm0 =	vlt.s32 v4, $0x3FFF;
	v8 =	vnsel vm1, $0x3FFF, v10;
	v9 =	vld.idx.msk [tilespmem:v11+s3+$0x0], $0xffff  }
0x76: {  	s0 =	sadd.s32 $0x400, s26;
	[tilespmem:s26+$0xFFFFFFF0] =	vst v6;
	v4 =	vnsel vm0, $0x3FFF, v4;
	v10 =	vld.idx.msk [tilespmem:v13+s3+$0x0], $0xffff  }
0x77: {  	[tilespmem:s0+$0x30] =	vst v7;
	v6 =	vld.idx.msk [tilespmem:v17+s3+$0x0], $0xffff  }
0x78: {  	[tilespmem:s26+$0x10] =	vst v3;
	v7 =	vld.idx.msk [tilespmem:v12+s3+$0x0], $0xffff  }
0x79: {  	[tilespmem:s26+$0x20] =	vst v2;
	v3 =	vld.idx.msk [tilespmem:v5+s3+$0x0], $0xffff  }
0x7a: {  	v2 =	vld.idx.msk [tilespmem:v8+s3+$0x0], $0xffff;
	[tilespmem:s0+$0xFFFFFFD0] =	vst v9  }
0x7b: {  	v4 =	vld.idx.msk [tilespmem:v4+s3+$0x0], $0xffff;
	[tilespmem:s0+$0xFFFFFFF0] =	vst v10  }
0x7c: {  	[tilespmem:s0+$0xFFFFFFC0] =	vst v6  }
0x7d: {  	[tilespmem:s0+$0xFFFFFFE0] =	vst v7  }
0x7e: {  	[tilespmem:s0+$0x0] =	vst v3  }
0x7f: {  	[tilespmem:s0+$0x10] =	vst v2  }
0x80: {  	s31 =	simm.s32 $0x4170;
	[tilespmem:s0+$0x20] =	vst v4  }
0x81: {  	v2 =	vld [tilespmem:s31+$0x0]  }
0x82: {  	v3 =	vld [tilespmem:s31+$0xFFFFFFA0]  }
0x83: {  	v4 =	vld [tilespmem:s31+$0xFFFFFFB0]  }
0x84: {  	v5 =	vld [tilespmem:s31+$0xFFFFFFC0]  }
0x85: {  	v6 =	vld [tilespmem:s31+$0xFFFFFFD0]  }
0x86: {  	v7 =	vld [tilespmem:s31+$0xFFFFFFE0]  }
0x87: {  	v8 =	vld [tilespmem:s31+$0xFFFFFFF0]  }
0x88: {  	s30 =	simm.s32 $0x4570;
	v9 =	vld [tilespmem:s31+$0xFFFFFF90]  }
0x89: {  	v10 =	vld [tilespmem:s30+$0x0]  }
0x8a: {  	v11 =	vld [tilespmem:s30+$0xFFFFFFA0];
	v2 =	vmul.f32 v2, v0  }
0x8b: {  	v12 =	vld [tilespmem:s30+$0xFFFFFFB0];
	v3 =	vmul.f32 v3, v0;
	v4 =	vmul.f32 v4, v0  }
0x8c: {  	v13 =	vld [tilespmem:s30+$0xFFFFFFC0];
	v5 =	vmul.f32 v5, v0;
	v6 =	vmul.f32 v6, v0  }
0x8d: {  	v7 =	vmul.f32 v7, v0;
	v8 =	vmul.f32 v8, v0  }
0x8e: {  	v9 =	vmul.f32 v9, v0;
	v10 =	vmul.f32 v10, v0  }
0x8f: {  	v11 =	vmul.f32 v11, v0;
	v2 =	vadd.f32 v2, v1;
	v3 =	vadd.f32 v3, v1  }
0x90: {  	v12 =	vmul.f32 v12, v0;
	v4 =	vadd.f32 v4, v1;
	v5 =	vadd.f32 v5, v1  }
0x91: {  	v13 =	vmul.f32 v13, v0;
	v6 =	vadd.f32 v6, v1;
	v7 =	vadd.f32 v7, v1  }
0x92: {  	v8 =	vadd.f32 v8, v1;
	v9 =	vadd.f32 v9, v1;
	v2 =	vtrunc.f32 v2  }
0x93: {  	v10 =	vadd.f32 v10, v1;
	v3 =	vtrunc.f32 v3;
	v4 =	vtrunc.f32 v4  }
0x94: {  	v11 =	vadd.f32 v11, v1;
	v5 =	vtrunc.f32 v5;
	v6 =	vtrunc.f32 v6  }
0x95: {  	v13 =	vadd.f32 v13, v1;
	v7 =	vtrunc.f32 v7;
	v8 =	vtrunc.f32 v8  }
0x96: {  	v9 =	vtrunc.f32 v9;
	v10 =	vtrunc.f32 v10  }
0x97: {  	v11 =	vtrunc.f32 v11;
	v13 =	vtrunc.f32 v13  }
0x98: {  	v2 =	vcvt.f32.s32 v2;
	v3 =	vcvt.f32.s32 v3  }
0x99: {  	v4 =	vcvt.f32.s32 v4;
	v9 =	vcvt.f32.s32 v9  }
0x9a: {  	v5 =	vcvt.f32.s32 v5;
	v6 =	vcvt.f32.s32 v6  }
0x9b: {  	v14 =	vld [tilespmem:s30+$0xFFFFFFD0];
	v7 =	vcvt.f32.s32 v7;
	v8 =	vcvt.f32.s32 v8  }
0x9c: {  	v15 =	vld [tilespmem:s30+$0xFFFFFFE0];
	s31 =	simm.s32 $0x4970;
	v10 =	vcvt.f32.s32 v10;
	v11 =	vcvt.f32.s32 v11  }
0x9d: {  	v19 =	vld [tilespmem:s31+$0xFFFFFFA0];
	v13 =	vcvt.f32.s32 v13;
	vm0 =	vlt.s32 v2, $0x3FFF;
	vm2 =	vlt.s32 v3, $0x3FFF  }
0x9e: {  	v16 =	vld [tilespmem:s30+$0xFFFFFFF0];
	vm3 =	vlt.s32 v4, $0x3FFF;
	vm1 =	vlt.s32 v9, $0x3FFF;
	v2 =	vnsel vm0, $0x3FFF, v2  }
0x9f: {  	v17 =	vld [tilespmem:s30+$0xFFFFFF90];
	vm0 =	vlt.s32 v7, $0x3FFF;
	v9 =	vnsel vm1, $0x3FFF, v9;
	v3 =	vnsel vm2, $0x3FFF, v3  }
0xa0: {  	v4 =	vnsel vm3, $0x3FFF, v4;
	vm2 =	vlt.s32 v10, $0x3FFF;
	vm3 =	vlt.s32 v13, $0x3FFF  }
0xa1: {  	v24 =	vld [tilespmem:s31+$0xFFFFFFE0];
	v10 =	vnsel vm2, $0x3FFF, v10;
	v7 =	vnsel vm0, $0x3FFF, v7;
	vm0 =	vlt.s32 v11, $0x3FFF  }
0xa2: {  	v23 =	vnsel vm0, $0x3FFF, v11;
	v11 =	vmul.f32 v19, v0;
	v19 =	vnsel vm3, $0x3FFF, v13;
	v13 =	vld [tilespmem:s31+$0xFFFFFFF0]  }
0xa3: {  	v18 =	vld.idx.msk [tilespmem:v2+s3+$0x0], $0xffff;
	v2 =	vadd.f32 v12, v1;
	v12 =	vmul.f32 v14, v0;
	v14 =	vmul.f32 v15, v0  }
0xa4: {  	vm4 =	vlt.s32 v5, $0x3FFF;
	v15 =	vmul.f32 v16, v0;
	v16 =	vld.idx.msk [tilespmem:v3+s3+$0x0], $0xffff;
	v3 =	vmul.f32 v17, v0  }
0xa5: {  	vm5 =	vlt.s32 v6, $0x3FFF;
	v5 =	vnsel vm4, $0x3FFF, v5;
	v9 =	vld.idx.msk [tilespmem:v9+s3+$0x0], $0xffff;
	v12 =	vadd.f32 v12, v1  }
0xa6: {  	v17 =	vld [tilespmem:s31+$0x0];
	v14 =	vadd.f32 v14, v1;
	v2 =	vtrunc.f32 v2;
	v3 =	vadd.f32 v3, v1  }
0xa7: {  	v4 =	vld.idx.msk [tilespmem:v4+s3+$0x0], $0xffff;
	v15 =	vadd.f32 v15, v1;
	v20 =	vcvt.f32.s32 v2;
	v12 =	vtrunc.f32 v12  }
0xa8: {  	v6 =	vnsel vm5, $0x3FFF, v6;
	v22 =	vld.idx.msk [tilespmem:v10+s3+$0x0], $0xffff;
	v14 =	vtrunc.f32 v14;
	v3 =	vtrunc.f32 v3  }
0xa9: {  	vm1 =	vlt.s32 v8, $0x3FFF;
	v10 =	vld [tilespmem:s31+$0xFFFFFFB0];
	v15 =	vtrunc.f32 v15;
	v21 =	vcvt.f32.s32 v3  }
0xaa: {  	v11 =	vadd.f32 v11, v1;
	v12 =	vcvt.f32.s32 v12;
	v3 =	vcvt.f32.s32 v14;
	v14 =	vld [tilespmem:s31+$0xFFFFFFC0]  }
0xab: {  	v8 =	vnsel vm1, $0x3FFF, v8;
	v2 =	vcvt.f32.s32 v15;
	v15 =	vld [tilespmem:s31+$0xFFFFFFD0];
	v17 =	vmul.f32 v17, v0  }
0xac: {  	s28 =	simm.s32 $0xC170;
	v5 =	vld.idx.msk [tilespmem:v5+s3+$0x0], $0xffff;
	v11 =	vtrunc.f32 v11;
	vm1 =	vlt.s32 v20, $0x3FFF;
	vm2 =	vlt.s32 v21, $0x3FFF  }
0xad: {  	v6 =	vld.idx.msk [tilespmem:v6+s3+$0x0], $0xffff;
	[tilespmem:s28+$0x0] =	vst v18;
	v17 =	vadd.f32 v17, v1;
	v21 =	vnsel vm2, $0x3FFF, v21;
	vm2 =	vlt.s32 v12, $0x3FFF  }
0xae: {  	[tilespmem:s28+$0xFFFFFF90] =	vst v9;
	v20 =	vnsel vm1, $0x3FFF, v20;
	v10 =	vmul.f32 v10, v0;
	v18 =	vnsel vm2, $0x3FFF, v12;
	v12 =	vld [tilespmem:s31+$0xFFFFFF90]  }
0xaf: {  	v25 =	vld.idx.msk [tilespmem:v7+s3+$0x0], $0xffff;
	[tilespmem:s28+$0xFFFFFFA0] =	vst v16;
	vm0 =	vlt.s32 v3, $0x3FFF;
	v9 =	vtrunc.f32 v17;
	v14 =	vmul.f32 v14, v0  }
0xb0: {  	[tilespmem:s28+$0xFFFFFFB0] =	vst v4;
	v4 =	vld.idx.msk [tilespmem:v23+s3+$0x0], $0xffff;
	v16 =	vadd.f32 v10, v1;
	v10 =	vmul.f32 v15, v0;
	v15 =	vcvt.f32.s32 v9  }
0xb1: {  	vm1 =	vlt.s32 v2, $0x3FFF;
	v9 =	vld.idx.msk [tilespmem:v8+s3+$0x0], $0xffff;
	v8 =	vadd.f32 v14, v1;
	v14 =	vmul.f32 v24, v0  }
0xb2: {  	[tilespmem:s28+$0xFFFFFFC0] =	vst v5;
	v17 =	vmul.f32 v13, v0;
	v62 =	vadd.f32 v10, v1;
	vm2 =	vlt.s32 v15, $0x3FFF;
	v7 =	vld.idx.msk [tilespmem:v21+s3+$0x0], $0xffff  }
0xb3: {  	s26 =	simm.s32 $0xC570;
	[tilespmem:s28+$0xFFFFFFD0] =	vst v6;
	v6 =	vld.idx.msk [tilespmem:v19+s3+$0x0], $0xffff;
	v10 =	vnsel vm2, $0x3FFF, v15;
	v12 =	vmul.f32 v12, v0;
	v63 =	vadd.f32 v14, v1  }
0xb4: {  	[tilespmem:s26+$0x0] =	vst v22;
	v5 =	vld.idx.msk [tilespmem:v20+s3+$0x0], $0xffff;
	v15 =	vtrunc.f32 v16;
	v16 =	vadd.f32 v17, v1;
	v13 =	vtrunc.f32 v8  }
0xb5: {  	s29 =	simm.s32 $0x10;
	s0 =	simm.s32 $0x4D70;
	[tilespmem:s28+$0xFFFFFFE0] =	vst v25;
	v14 =	vtrunc.f32 v62;
	v8 =	vld.idx.msk [tilespmem:v18+s3+$0x0], $0xffff;
	v17 =	vadd.f32 v12, v1;
	v12 =	vtrunc.f32 v63  }
.LBB2_5:
0xb6: {  	v18 =	vld [tilespmem:s0+$0x0];
	s29 =	sadd.s32 $0x8, s29;
	v11 =	vcvt.f32.s32 v11;
	v16 =	vtrunc.f32 v16;
	v19 =	vnsel vm0, $0x3FFF, v3;
	[tilespmem:s28+$0xFFFFFFF0] =	vst v9;
	s28 =	smov.u32 s26  }
0xb7: {  	v15 =	vcvt.f32.s32 v15;
	v9 =	vld [tilespmem:s0+$0xFFFFFFA0];
	p1 =	slt.u32 s29, $0x78;
	v3 =	vtrunc.f32 v17;
	[tilespmem:s26+$0xFFFFFF90] =	vst v7;
	v7 =	vnsel vm1, $0x3FFF, v2  }
0xb8: {  	v13 =	vcvt.f32.s32 v13;
	v17 =	vcvt.f32.s32 v3;
	vm2 =	vlt.s32 v11, $0x3FFF;
	v10 =	vld.idx.msk [tilespmem:v10+s3+$0x0], $0xffff;
	[tilespmem:s26+$0xFFFFFFA0] =	vst v4  }
0xb9: {  	v14 =	vcvt.f32.s32 v14;
	vm3 =	vlt.s32 v15, $0x3FFF;
	v3 =	vcvt.f32.s32 v12;
	v4 =	vld [tilespmem:s0+$0xFFFFFFB0];
	[tilespmem:s26+$0xFFFFFFB0] =	vst v5  }
0xba: {  	v2 =	vcvt.f32.s32 v16;
	vm4 =	vlt.s32 v13, $0x3FFF;
	v5 =	vld [tilespmem:s0+$0xFFFFFFC0];
	vm1 =	vlt.s32 v17, $0x3FFF;
	[tilespmem:s26+$0xFFFFFFC0] =	vst v6  }
0xbb: {  	vm5 =	vlt.s32 v14, $0x3FFF;
	vm0 =	vlt.s32 v3, $0x3FFF;
	v6 =	vld [tilespmem:s0+$0xFFFFFFD0];
	v12 =	vmul.f32 v18, v0;
	[tilespmem:s26+$0xFFFFFFD0] =	vst v8  }
0xbc: {  	v17 =	vnsel vm1, $0x3FFF, v17;
	vm1 =	vlt.s32 v2, $0x3FFF;
	v8 =	vmul.f32 v9, v0;
	v16 =	vld [tilespmem:s0+$0xFFFFFFE0]  }
0xbd: {  	v15 =	vnsel vm3, $0x3FFF, v15;
	s26 =	sadd.s32 $0x400, s26;
	v18 =	vld [tilespmem:s0+$0xFFFFFFF0];
	v9 =	vadd.f32 v12, v1;
	v12 =	vnsel vm2, $0x3FFF, v11  }
0xbe: {  	v21 =	vnsel vm4, $0x3FFF, v13;
	v20 =	vld [tilespmem:s0+$0xFFFFFF90];
	v8 =	vadd.f32 v8, v1;
	v4 =	vmul.f32 v4, v0;
	[tilespmem:s26+$0x0] =	vst v10  }
0xbf: {  	v22 =	vnsel vm5, $0x3FFF, v14;
	v5 =	vmul.f32 v5, v0;
	v9 =	vtrunc.f32 v9;
	v19 =	vld.idx.msk [tilespmem:v19+s3+$0x0], $0xffff  }
0xc0: {  	v13 =	vadd.f32 v4, v1;
	v4 =	vmul.f32 v6, v0;
	v6 =	vcvt.f32.s32 v9;
	v9 =	vld.idx.msk [tilespmem:v7+s3+$0x0], $0xffff  }
.Ltmp3:
0xc1: {  	v11 =	vtrunc.f32 v8;
	v8 =	vadd.f32 v5, v1;
	v5 =	vmul.f32 v16, v0;
	v7 =	vld.idx.msk [tilespmem:v17+s3+$0x0], $0xffff;
	(pc) =	sbr.rel @p1 .LBB2_5-.Ltmp3, $4  }
0xc2: {  	v14 =	vadd.f32 v4, v1;
	v16 =	vmul.f32 v18, v0;
	vm2 =	vlt.s32 v6, $0x3FFF;
	v4 =	vld.idx.msk [tilespmem:v12+s3+$0x0], $0xffff  }
0xc3: {  	v12 =	vmul.f32 v20, v0;
	v18 =	vadd.f32 v5, v1;
	v10 =	vnsel vm2, $0x3FFF, v6;
	v5 =	vld.idx.msk [tilespmem:v15+s3+$0x0], $0xffff  }
0xc4: {  	v15 =	vtrunc.f32 v13;
	v13 =	vtrunc.f32 v8;
	v16 =	vadd.f32 v16, v1;
	v6 =	vld.idx.msk [tilespmem:v21+s3+$0x0], $0xffff  }
0xc5: {  	s0 =	sadd.s32 $0x400, s0;
	v14 =	vtrunc.f32 v14;
	v17 =	vadd.f32 v12, v1;
	v12 =	vtrunc.f32 v18;
	v8 =	vld.idx.msk [tilespmem:v22+s3+$0x0], $0xffff;
	[tilespmem:s28+$0xFFFFFFE0] =	vst v19  }
0xc6: {  	_ =	sdelay $0x1  }
0xc7: {  	v11 =	vcvt.f32.s32 v11;
	v16 =	vtrunc.f32 v16;
	v3 =	vnsel vm0, $0x3FFF, v3  }
0xc8: {  	v15 =	vcvt.f32.s32 v15;
	v2 =	vnsel vm1, $0x3FFF, v2;
	v13 =	vcvt.f32.s32 v13  }
0xc9: {  	[tilespmem:s26+$0xFFFFFF90] =	vst v7;
	v7 =	vld.idx.msk [tilespmem:v10+s3+$0x0], $0xffff;
	v10 =	vcvt.f32.s32 v12;
	v17 =	vtrunc.f32 v17;
	vm9 =	vlt.s32 v11, $0x3FFF  }
0xca: {  	[tilespmem:s26+$0xFFFFFFA0] =	vst v4;
	v4 =	vcvt.f32.s32 v16;
	vm10 =	vlt.s32 v15, $0x3FFF;
	v11 =	vnsel vm9, $0x3FFF, v11  }
0xcb: {  	v17 =	vcvt.f32.s32 v17;
	vm11 =	vlt.s32 v13, $0x3FFF;
	v12 =	vnsel vm10, $0x3FFF, v15  }
0xcc: {  	[tilespmem:s28+$0xFFFFFFF0] =	vst v9;
	v9 =	vcvt.f32.s32 v14;
	v13 =	vnsel vm11, $0x3FFF, v13;
	vm14 =	vlt.s32 v4, $0x3FFF  }
0xcd: {  	vm8 =	vlt.s32 v17, $0x3FFF;
	v4 =	vnsel vm14, $0x3FFF, v4;
	v3 =	vld.idx.msk [tilespmem:v3+s3+$0x0], $0xffff  }
0xce: {  	vm12 =	vlt.s32 v9, $0x3FFF;
	[tilespmem:s26+$0xFFFFFFB0] =	vst v5;
	v17 =	vnsel vm8, $0x3FFF, v17;
	v2 =	vld.idx.msk [tilespmem:v2+s3+$0x0], $0xffff  }
0xcf: {  	s0 =	sadd.s32 $0x400, s26;
	vm13 =	vlt.s32 v10, $0x3FFF;
	v5 =	vnsel vm12, $0x3FFF, v9;
	[tilespmem:s26+$0xFFFFFFD0] =	vst v8;
	v8 =	vld.idx.msk [tilespmem:v11+s3+$0x0], $0xffff  }
0xd0: {  	v9 =	vnsel vm13, $0x3FFF, v10;
	[tilespmem:s0+$0x0] =	vst v7;
	v7 =	vld.idx.msk [tilespmem:v12+s3+$0x0], $0xffff  }
0xd1: {  	[tilespmem:s26+$0xFFFFFFC0] =	vst v6;
	v10 =	vld.idx.msk [tilespmem:v13+s3+$0x0], $0xffff  }
0xd2: {  	v4 =	vld.idx.msk [tilespmem:v4+s3+$0x0], $0xffff;
	[tilespmem:s26+$0xFFFFFFE0] =	vst v3  }
0xd3: {  	v6 =	vld.idx.msk [tilespmem:v17+s3+$0x0], $0xffff;
	[tilespmem:s26+$0xFFFFFFF0] =	vst v2  }
0xd4: {  	v3 =	vld.idx.msk [tilespmem:v5+s3+$0x0], $0xffff;
	[tilespmem:s0+$0xFFFFFFA0] =	vst v8  }
0xd5: {  	v2 =	vld.idx.msk [tilespmem:v9+s3+$0x0], $0xffff;
	[tilespmem:s0+$0xFFFFFFB0] =	vst v7  }
0xd6: {  	[tilespmem:s0+$0xFFFFFFC0] =	vst v10  }
0xd7: {  	[tilespmem:s0+$0xFFFFFFF0] =	vst v4  }
0xd8: {  	[tilespmem:s0+$0xFFFFFF90] =	vst v6  }
0xd9: {  	[tilespmem:s0+$0xFFFFFFD0] =	vst v3  }
0xda: {  	s31 =	simm.s32 $0x41F0;
	[tilespmem:s0+$0xFFFFFFE0] =	vst v2  }
0xdb: {  	v2 =	vld [tilespmem:s31+$0x0]  }
0xdc: {  	v3 =	vld [tilespmem:s31+$0xFFFFFFA0]  }
0xdd: {  	v4 =	vld [tilespmem:s31+$0xFFFFFFB0]  }
0xde: {  	v5 =	vld [tilespmem:s31+$0xFFFFFFC0]  }
0xdf: {  	v6 =	vld [tilespmem:s31+$0xFFFFFFD0]  }
0xe0: {  	v7 =	vld [tilespmem:s31+$0xFFFFFFE0]  }
0xe1: {  	v8 =	vld [tilespmem:s31+$0xFFFFFFF0];
	v2 =	vmul.f32 v2, v0;
	v3 =	vmul.f32 v3, v0  }
0xe2: {  	v9 =	vld [tilespmem:s31+$0xFFFFFF90];
	v4 =	vmul.f32 v4, v0  }
0xe3: {  	v2 =	vadd.f32 v2, v1;
	v3 =	vadd.f32 v3, v1  }
0xe4: {  	v5 =	vmul.f32 v5, v0;
	v11 =	vadd.f32 v4, v1;
	v4 =	vmul.f32 v6, v0  }
0xe5: {  	p2 =	por $0x1, $0x1;
	v2 =	vtrunc.f32 v2;
	v10 =	vtrunc.f32 v3  }
.Ltmp4:
0xe6: {  	v3 =	vadd.f32 v5, v1;
	v5 =	vmul.f32 v7, v0;
	v7 =	vmul.f32 v8, v0;
	(pc) =	sbr.rel @!p2 .LBB2_7-.Ltmp4, $4  }
0xe7: {  	v6 =	vadd.f32 v4, v1;
	v8 =	vmul.f32 v9, v0;
	v2 =	vcvt.f32.s32 v2  }
0xe8: {  	v14 =	vtrunc.f32 v11;
	v5 =	vadd.f32 v5, v1;
	v13 =	vtrunc.f32 v3  }
0xe9: {  	p3 =	por $0x0, $0x0;
	v16 =	vadd.f32 v7, v1;
	v17 =	vadd.f32 v8, v1;
	vm15 =	vlt.s32 v2, $0x3FFF  }
0xea: {  	p1 =	por $0x0, $0x0;
	s26 =	simm.s32 $0xC1F0;
	s0 =	simm.s32 $0x45F0;
	v12 =	vtrunc.f32 v6;
	v4 =	vnsel vm15, $0x3FFF, v2;
	v11 =	vtrunc.f32 v5  }
0xeb: {  	v5 =	vld [tilespmem:s0+$0x0];
	v6 =	vcvt.f32.s32 v10  }
0xec: {  	v3 =	vtrunc.f32 v16;
	v7 =	vld [tilespmem:s0+$0xFFFFFFA0];
	v2 =	vtrunc.f32 v17  }
0xed: {  	v8 =	vcvt.f32.s32 v14;
	v10 =	vcvt.f32.s32 v13;
	v13 =	vld [tilespmem:s0+$0xFFFFFFB0]  }
0xee: {  	v12 =	vcvt.f32.s32 v12;
	v14 =	vld [tilespmem:s0+$0xFFFFFFD0];
	v9 =	vcvt.f32.s32 v2  }
0xef: {  	v17 =	vld [tilespmem:s0+$0xFFFFFF90];
	v2 =	vcvt.f32.s32 v11;
	v3 =	vcvt.f32.s32 v3;
	vm2 =	vlt.s32 v6, $0x3FFF  }
0xf0: {  	v11 =	vld [tilespmem:s0+$0xFFFFFFC0];
	vm3 =	vlt.s32 v8, $0x3FFF;
	vm4 =	vlt.s32 v10, $0x3FFF;
	vm5 =	vlt.s32 v12, $0x3FFF  }
0xf1: {  	vm1 =	vlt.s32 v9, $0x3FFF;
	vm0 =	vlt.s32 v2, $0x3FFF;
	v6 =	vnsel vm2, $0x3FFF, v6  }
0xf2: {  	v15 =	vld [tilespmem:s0+$0xFFFFFFE0];
	v8 =	vnsel vm3, $0x3FFF, v8;
	v5 =	vmul.f32 v5, v0;
	v7 =	vmul.f32 v7, v0  }
0xf3: {  	v16 =	vld [tilespmem:s0+$0xFFFFFFF0];
	v19 =	vnsel vm5, $0x3FFF, v12;
	v9 =	vnsel vm1, $0x3FFF, v9;
	v13 =	vmul.f32 v13, v0  }
0xf4: {  	v12 =	vld.idx.msk [tilespmem:v4+s3+$0x0], $0xffff;
	v4 =	vmul.f32 v14, v0;
	v5 =	vadd.f32 v5, v1;
	v7 =	vadd.f32 v7, v1  }
0xf5: {  	v18 =	vnsel vm4, $0x3FFF, v10;
	v17 =	vmul.f32 v17, v0;
	v11 =	vmul.f32 v11, v0  }
0xf6: {  	p4 =	por $0x1, $0x1;
	v13 =	vadd.f32 v13, v1;
	v5 =	vtrunc.f32 v5;
	v10 =	vtrunc.f32 v7  }
.Ltmp5:
0xf7: {  	v17 =	vadd.f32 v17, v1;
	v6 =	vld.idx.msk [tilespmem:v6+s3+$0x0], $0xffff;
	v7 =	vmul.f32 v15, v0;
	v14 =	vcvt.f32.s32 v5;
	(pc) =	sbr.rel @!p4 .LBB2_9-.Ltmp5, $4  }
0xf8: {  	vm1 =	vlt.s32 v3, $0x3FFF;
	v11 =	vadd.f32 v11, v1;
	v5 =	vld.idx.msk [tilespmem:v9+s3+$0x0], $0xffff;
	v9 =	vadd.f32 v4, v1  }
0xf9: {  	v15 =	vmul.f32 v16, v0;
	v20 =	vadd.f32 v7, v1;
	v7 =	vld.idx.msk [tilespmem:v8+s3+$0x0], $0xffff;
	vm2 =	vlt.s32 v14, $0x3FFF  }
0xfa: {  	[tilespmem:s26+$0x0] =	vst v12;
	v8 =	vld.idx.msk [tilespmem:v18+s3+$0x0], $0xffff;
	v12 =	vtrunc.f32 v9;
	v4 =	vnsel vm2, $0x3FFF, v14;
	v14 =	vtrunc.f32 v13  }
0xfb: {  	p3 =	por $0x1, $0x1;
	s0 =	simm.s32 $0x49F0;
	v16 =	vadd.f32 v15, v1;
	v9 =	vld.idx.msk [tilespmem:v19+s3+$0x0], $0xffff;
	v13 =	vtrunc.f32 v11;
	v11 =	vtrunc.f32 v20  }
0xfc: {  	_ =	sdelay $0x1  }
0xfd: {  	v15 =	vld [tilespmem:s0+$0x0];
	v10 =	vcvt.f32.s32 v10  }
0xfe: {  	v18 =	vnsel vm0, $0x3FFF, v2;
	v19 =	vld [tilespmem:s0+$0xFFFFFFA0];
	v2 =	vtrunc.f32 v17;
	v14 =	vcvt.f32.s32 v14  }
0xff: {  	v13 =	vcvt.f32.s32 v13;
	v21 =	vld.idx.msk [tilespmem:v4+s3+$0x0], $0xffff;
	v12 =	vcvt.f32.s32 v12  }
0x100: {  	v17 =	vnsel vm1, $0x3FFF, v3;
	v4 =	vld [tilespmem:s0+$0xFFFFFFB0];
	v16 =	vtrunc.f32 v16;
	v20 =	vcvt.f32.s32 v2  }
0x101: {  	v23 =	vld [tilespmem:s0+$0xFFFFFFE0];
	v2 =	vcvt.f32.s32 v11;
	vm1 =	vlt.s32 v10, $0x3FFF;
	vm2 =	vlt.s32 v14, $0x3FFF  }
0x102: {  	v11 =	vld [tilespmem:s0+$0xFFFFFFC0];
	vm3 =	vlt.s32 v13, $0x3FFF;
	v3 =	vcvt.f32.s32 v16;
	vm4 =	vlt.s32 v12, $0x3FFF  }
0x103: {  	v16 =	vld [tilespmem:s0+$0xFFFFFFD0];
	vm0 =	vlt.s32 v20, $0x3FFF;
	v22 =	vnsel vm1, $0x3FFF, v10;
	v15 =	vmul.f32 v15, v0  }
0x104: {  	v24 =	vld [tilespmem:s0+$0xFFFFFFF0];
	v14 =	vnsel vm2, $0x3FFF, v14;
	v25 =	vnsel vm3, $0x3FFF, v13;
	v26 =	vnsel vm4, $0x3FFF, v12  }
0x105: {  	[tilespmem:s26+$0xFFFFFFA0] =	vst v6;
	v12 =	vld [tilespmem:s0+$0xFFFFFF90];
	v20 =	vnsel vm0, $0x3FFF, v20;
	v19 =	vmul.f32 v19, v0;
	v10 =	vadd.f32 v15, v1  }
0x106: {  	[tilespmem:s26+$0xFFFFFFB0] =	vst v7;
	vm0 =	vlt.s32 v2, $0x3FFF;
	v4 =	vmul.f32 v4, v0;
	v7 =	vmul.f32 v23, v0  }
0x107: {  	[tilespmem:s26+$0xFFFFFF90] =	vst v5;
	v18 =	vld.idx.msk [tilespmem:v18+s3+$0x0], $0xffff;
	v11 =	vmul.f32 v11, v0;
	v5 =	vadd.f32 v19, v1;
	v10 =	vtrunc.f32 v10  }
0x108: {  	p5 =	por $0x1, $0x1;
	[tilespmem:s26+$0xFFFFFFC0] =	vst v8;
	v13 =	vadd.f32 v4, v1;
	v4 =	vmul.f32 v16, v0;
	v15 =	vld.idx.msk [tilespmem:v17+s3+$0x0], $0xffff;
	v16 =	vcvt.f32.s32 v10  }
.Ltmp6:
0x109: {  	v8 =	vmul.f32 v24, v0;
	v63 =	vadd.f32 v7, v1;
	v11 =	vadd.f32 v11, v1;
	v6 =	vld.idx.msk [tilespmem:v22+s3+$0x0], $0xffff;
	(pc) =	sbr.rel @!p5 .LBB2_11-.Ltmp6, $4  }
0x10a: {  	[tilespmem:s26+$0xFFFFFFD0] =	vst v9;
	v9 =	vmul.f32 v12, v0;
	v10 =	vtrunc.f32 v5;
	v5 =	vld.idx.msk [tilespmem:v20+s3+$0x0], $0xffff;
	vm2 =	vlt.s32 v16, $0x3FFF  }
0x10b: {  	s28 =	simm.s32 $0xC5F0;
	v7 =	vld.idx.msk [tilespmem:v14+s3+$0x0], $0xffff;
	v19 =	vadd.f32 v4, v1;
	v14 =	vtrunc.f32 v13;
	v4 =	vnsel vm2, $0x3FFF, v16  }
0x10c: {  	s30 =	simm.s32 $0x10;
	[tilespmem:s28+$0x0] =	vst v21;
	v13 =	vtrunc.f32 v11;
	v17 =	vadd.f32 v9, v1;
	v9 =	vld.idx.msk [tilespmem:v26+s3+$0x0], $0xffff;
	v16 =	vadd.f32 v8, v1  }
0x10d: {  	s31 =	simm.s32 $0x4DF0;
	p4 =	por $0x1, $0x1;
	s29 =	simm.s32 $0xC1F0;
	vm1 =	vlt.s32 v3, $0x3FFF;
	v11 =	vtrunc.f32 v63;
	[tilespmem:s26+$0xFFFFFFE0] =	vst v18;
	v12 =	vtrunc.f32 v19;
	v8 =	vld.idx.msk [tilespmem:v25+s3+$0x0], $0xffff  }
.LBB2_12:
0x10e: {  	v18 =	vld [tilespmem:s31+$0x0];
	s30 =	sadd.s32 $0x8, s30;
	v10 =	vcvt.f32.s32 v10;
	v16 =	vtrunc.f32 v16;
	v19 =	vnsel vm0, $0x3FFF, v2;
	[tilespmem:s29+$0xFFFFFFF0] =	vst v15;
	s29 =	smov.u32 s28  }
0x10f: {  	v14 =	vcvt.f32.s32 v14;
	v15 =	vld [tilespmem:s31+$0xFFFFFFA0];
	p5 =	slt.u32 s30, $0x78;
	v2 =	vtrunc.f32 v17;
	[tilespmem:s28+$0xFFFFFF90] =	vst v5;
	v5 =	vnsel vm1, $0x3FFF, v3  }
0x110: {  	v13 =	vcvt.f32.s32 v13;
	v17 =	vcvt.f32.s32 v2;
	vm2 =	vlt.s32 v10, $0x3FFF;
	v4 =	vld.idx.msk [tilespmem:v4+s3+$0x0], $0xffff;
	[tilespmem:s28+$0xFFFFFFA0] =	vst v6  }
0x111: {  	v12 =	vcvt.f32.s32 v12;
	vm3 =	vlt.s32 v14, $0x3FFF;
	v2 =	vcvt.f32.s32 v11;
	v6 =	vld [tilespmem:s31+$0xFFFFFFB0];
	[tilespmem:s28+$0xFFFFFFB0] =	vst v7  }
0x112: {  	v3 =	vcvt.f32.s32 v16;
	vm4 =	vlt.s32 v13, $0x3FFF;
	v7 =	vld [tilespmem:s31+$0xFFFFFFC0];
	vm1 =	vlt.s32 v17, $0x3FFF;
	[tilespmem:s28+$0xFFFFFFC0] =	vst v8  }
0x113: {  	vm5 =	vlt.s32 v12, $0x3FFF;
	vm0 =	vlt.s32 v2, $0x3FFF;
	v8 =	vld [tilespmem:s31+$0xFFFFFFD0];
	v11 =	vmul.f32 v18, v0;
	[tilespmem:s28+$0xFFFFFFD0] =	vst v9  }
0x114: {  	v17 =	vnsel vm1, $0x3FFF, v17;
	vm1 =	vlt.s32 v3, $0x3FFF;
	v9 =	vmul.f32 v15, v0;
	v16 =	vld [tilespmem:s31+$0xFFFFFFE0]  }
0x115: {  	v20 =	vnsel vm2, $0x3FFF, v10;
	v14 =	vnsel vm3, $0x3FFF, v14;
	s28 =	sadd.s32 $0x400, s28;
	v18 =	vld [tilespmem:s31+$0xFFFFFFF0];
	v11 =	vadd.f32 v11, v1  }
0x116: {  	v22 =	vnsel vm4, $0x3FFF, v13;
	v21 =	vld [tilespmem:s31+$0xFFFFFF90];
	v9 =	vadd.f32 v9, v1;
	v6 =	vmul.f32 v6, v0;
	[tilespmem:s28+$0x0] =	vst v4  }
0x117: {  	v23 =	vnsel vm5, $0x3FFF, v12;
	v4 =	vmul.f32 v7, v0;
	v7 =	vtrunc.f32 v11;
	v19 =	vld.idx.msk [tilespmem:v19+s3+$0x0], $0xffff  }
0x118: {  	v11 =	vadd.f32 v6, v1;
	v6 =	vmul.f32 v8, v0;
	v7 =	vcvt.f32.s32 v7;
	v15 =	vld.idx.msk [tilespmem:v5+s3+$0x0], $0xffff  }
.Ltmp7:
0x119: {  	v10 =	vtrunc.f32 v9;
	v8 =	vadd.f32 v4, v1;
	v4 =	vmul.f32 v16, v0;
	v5 =	vld.idx.msk [tilespmem:v17+s3+$0x0], $0xffff;
	(pc) =	sbr.rel @p5 .LBB2_12-.Ltmp7, $4  }
0x11a: {  	v9 =	vadd.f32 v6, v1;
	v12 =	vmul.f32 v18, v0;
	vm2 =	vlt.s32 v7, $0x3FFF;
	v6 =	vld.idx.msk [tilespmem:v20+s3+$0x0], $0xffff  }
0x11b: {  	v17 =	vmul.f32 v21, v0;
	v18 =	vadd.f32 v4, v1;
	v4 =	vnsel vm2, $0x3FFF, v7;
	v7 =	vld.idx.msk [tilespmem:v14+s3+$0x0], $0xffff  }
0x11c: {  	v14 =	vtrunc.f32 v11;
	v13 =	vtrunc.f32 v8;
	v16 =	vadd.f32 v12, v1;
	v8 =	vld.idx.msk [tilespmem:v22+s3+$0x0], $0xffff  }
0x11d: {  	s31 =	sadd.s32 $0x400, s31;
	v12 =	vtrunc.f32 v9;
	v17 =	vadd.f32 v17, v1;
	v11 =	vtrunc.f32 v18;
	v9 =	vld.idx.msk [tilespmem:v23+s3+$0x0], $0xffff;
	[tilespmem:s29+$0xFFFFFFE0] =	vst v19  }
.LBB2_13:
0x11e: {  	v2 =	vnsel @p3 vm0, $0x3FFF, v2;
	v10 =	vcvt.f32.s32 v10  }
0x11f: {  	v3 =	vnsel @p3 vm1, $0x3FFF, v3;
	v14 =	vcvt.f32.s32 v14;
	v13 =	vcvt.f32.s32 v13  }
0x120: {  	v12 =	vcvt.f32.s32 v12;
	v17 =	vtrunc.f32 v17;
	vm9 =	vlt.s32 v10, $0x3FFF  }
0x121: {  	v17 =	vcvt.f32.s32 v17;
	vm10 =	vlt.s32 v14, $0x3FFF;
	v10 =	vnsel vm9, $0x3FFF, v10  }
0x122: {  	v4 =	vld.idx.msk [tilespmem:v4+s3+$0x0], $0xffff;
	[tilespmem:s28+$0xFFFFFF90] =	vst @p3 v5;
	v5 =	vcvt.f32.s32 v11;
	vm11 =	vlt.s32 v13, $0x3FFF;
	v11 =	vnsel vm10, $0x3FFF, v14  }
0x123: {  	v16 =	vtrunc.f32 v16;
	[tilespmem:s29+$0xFFFFFFF0] =	vst @p4 v15;
	v13 =	vnsel vm11, $0x3FFF, v13;
	vm8 =	vlt.s32 v17, $0x3FFF;
	v2 =	vld.idx.msk @p3 [tilespmem:v2+s3+$0x0], $0xffff  }
0x124: {  	[tilespmem:s28+$0xFFFFFFA0] =	vst @p3 v6;
	v6 =	vcvt.f32.s32 v16;
	vm12 =	vlt.s32 v12, $0x3FFF;
	v17 =	vnsel vm8, $0x3FFF, v17;
	v3 =	vld.idx.msk @p3 [tilespmem:v3+s3+$0x0], $0xffff  }
0x125: {  	s0 =	sadd.s32 @p3 $0x400, s28;
	[tilespmem:s28+$0xFFFFFFB0] =	vst @p3 v7;
	vm13 =	vlt.s32 v5, $0x3FFF;
	v7 =	vnsel vm12, $0x3FFF, v12  }
0x126: {  	s26 =	smov.u32 @p3 s0;
	vm14 =	vlt.s32 v6, $0x3FFF;
	v5 =	vnsel vm13, $0x3FFF, v5;
	[tilespmem:s28+$0xFFFFFFD0] =	vst @p3 v9;
	v9 =	vld.idx.msk [tilespmem:v10+s3+$0x0], $0xffff  }
0x127: {  	v6 =	vnsel vm14, $0x3FFF, v6;
	[tilespmem:s26+$0x0] =	vst v4;
	v4 =	vld.idx.msk [tilespmem:v11+s3+$0x0], $0xffff  }
0x128: {  	s0 =	smov.u32 @p3 s28;
	[tilespmem:s28+$0xFFFFFFC0] =	vst @p3 v8;
	v10 =	vld.idx.msk [tilespmem:v13+s3+$0x0], $0xffff  }
0x129: {  	v8 =	vld.idx.msk [tilespmem:v17+s3+$0x0], $0xffff;
	[tilespmem:s0+$0xFFFFFFE0] =	vst @p3 v2;
	v2 =	vpsel p3, v3, v0;
	s0 =	smov.u32 @p3 s0  }
0x12a: {  	v3 =	vld.idx.msk [tilespmem:v7+s3+$0x0], $0xffff;
	[tilespmem:s0+$0xFFFFFFF0] =	vst @p3 v2  }
0x12b: {  	v2 =	vld.idx.msk [tilespmem:v5+s3+$0x0], $0xffff;
	[tilespmem:s26+$0xFFFFFFA0] =	vst v9  }
0x12c: {  	v5 =	vld.idx.msk [tilespmem:v6+s3+$0x0], $0xffff;
	[tilespmem:s26+$0xFFFFFFB0] =	vst v4  }
0x12d: {  	[tilespmem:s26+$0xFFFFFFC0] =	vst v10  }
0x12e: {  	[tilespmem:s26+$0xFFFFFF90] =	vst v8  }
0x12f: {  	[tilespmem:s26+$0xFFFFFFD0] =	vst v3  }
0x130: {  	[tilespmem:s26+$0xFFFFFFE0] =	vst v2  }
0x131: {  	s31 =	simm.s32 $0x4270;
	[tilespmem:s26+$0xFFFFFFF0] =	vst v5  }
0x132: {  	v2 =	vld [tilespmem:s31+$0x0]  }
0x133: {  	v3 =	vld [tilespmem:s31+$0xFFFFFFA0]  }
0x134: {  	v4 =	vld [tilespmem:s31+$0xFFFFFFB0]  }
0x135: {  	v5 =	vld [tilespmem:s31+$0xFFFFFFC0]  }
0x136: {  	v6 =	vld [tilespmem:s31+$0xFFFFFFD0]  }
0x137: {  	v7 =	vld [tilespmem:s31+$0xFFFFFFE0]  }
0x138: {  	v8 =	vld [tilespmem:s31+$0xFFFFFFF0];
	v2 =	vmul.f32 v2, v0;
	v3 =	vmul.f32 v3, v0  }
0x139: {  	v9 =	vld [tilespmem:s31+$0xFFFFFF90];
	v4 =	vmul.f32 v4, v0  }
0x13a: {  	v2 =	vadd.f32 v2, v1;
	v3 =	vadd.f32 v3, v1  }
0x13b: {  	v5 =	vmul.f32 v5, v0;
	v11 =	vadd.f32 v4, v1;
	v4 =	vmul.f32 v6, v0  }
0x13c: {  	v2 =	vtrunc.f32 v2;
	v10 =	vtrunc.f32 v3  }
.Ltmp8:
0x13d: {  	v3 =	vadd.f32 v5, v1;
	v5 =	vmul.f32 v7, v0;
	v7 =	vmul.f32 v8, v0;
	(pc) =	sbr.rel @!p2 .LBB2_14-.Ltmp8, $4  }
0x13e: {  	v6 =	vadd.f32 v4, v1;
	v8 =	vmul.f32 v9, v0;
	v2 =	vcvt.f32.s32 v2  }
0x13f: {  	v14 =	vtrunc.f32 v11;
	v5 =	vadd.f32 v5, v1;
	v12 =	vtrunc.f32 v3  }
0x140: {  	v16 =	vadd.f32 v7, v1;
	v17 =	vadd.f32 v8, v1;
	vm15 =	vlt.s32 v2, $0x3FFF  }
0x141: {  	s0 =	simm.s32 $0x4670;
	s26 =	simm.s32 $0xC270;
	v13 =	vtrunc.f32 v6;
	v4 =	vnsel vm15, $0x3FFF, v2;
	v11 =	vtrunc.f32 v5  }
0x142: {  	v5 =	vld [tilespmem:s0+$0x0];
	v6 =	vcvt.f32.s32 v10  }
0x143: {  	v3 =	vtrunc.f32 v16;
	v7 =	vld [tilespmem:s0+$0xFFFFFFA0];
	v2 =	vtrunc.f32 v17  }
0x144: {  	v8 =	vcvt.f32.s32 v14;
	v10 =	vcvt.f32.s32 v12;
	v12 =	vld [tilespmem:s0+$0xFFFFFFB0]  }
0x145: {  	v13 =	vcvt.f32.s32 v13;
	v14 =	vld [tilespmem:s0+$0xFFFFFFD0];
	v9 =	vcvt.f32.s32 v2  }
0x146: {  	v17 =	vld [tilespmem:s0+$0xFFFFFF90];
	v2 =	vcvt.f32.s32 v11;
	v3 =	vcvt.f32.s32 v3;
	vm2 =	vlt.s32 v6, $0x3FFF  }
0x147: {  	v11 =	vld [tilespmem:s0+$0xFFFFFFC0];
	vm3 =	vlt.s32 v8, $0x3FFF;
	vm4 =	vlt.s32 v10, $0x3FFF;
	vm5 =	vlt.s32 v13, $0x3FFF  }
0x148: {  	vm1 =	vlt.s32 v9, $0x3FFF;
	vm0 =	vlt.s32 v2, $0x3FFF;
	v6 =	vnsel vm2, $0x3FFF, v6  }
0x149: {  	v15 =	vld [tilespmem:s0+$0xFFFFFFE0];
	v8 =	vnsel vm3, $0x3FFF, v8;
	v5 =	vmul.f32 v5, v0;
	v7 =	vmul.f32 v7, v0  }
0x14a: {  	v16 =	vld [tilespmem:s0+$0xFFFFFFF0];
	v19 =	vnsel vm5, $0x3FFF, v13;
	v9 =	vnsel vm1, $0x3FFF, v9;
	v12 =	vmul.f32 v12, v0  }
0x14b: {  	v13 =	vld.idx.msk [tilespmem:v4+s3+$0x0], $0xffff;
	v4 =	vmul.f32 v14, v0;
	v5 =	vadd.f32 v5, v1;
	v7 =	vadd.f32 v7, v1  }
0x14c: {  	v18 =	vnsel vm4, $0x3FFF, v10;
	v17 =	vmul.f32 v17, v0;
	v11 =	vmul.f32 v11, v0  }
0x14d: {  	p3 =	por $0x1, $0x1;
	v12 =	vadd.f32 v12, v1;
	v5 =	vtrunc.f32 v5;
	v10 =	vtrunc.f32 v7  }
.Ltmp9:
0x14e: {  	v17 =	vadd.f32 v17, v1;
	v6 =	vld.idx.msk [tilespmem:v6+s3+$0x0], $0xffff;
	v7 =	vmul.f32 v15, v0;
	v14 =	vcvt.f32.s32 v5;
	(pc) =	sbr.rel @!p3 .LBB2_16-.Ltmp9, $4  }
0x14f: {  	vm1 =	vlt.s32 v3, $0x3FFF;
	v11 =	vadd.f32 v11, v1;
	v5 =	vld.idx.msk [tilespmem:v9+s3+$0x0], $0xffff;
	v9 =	vadd.f32 v4, v1  }
0x150: {  	v15 =	vmul.f32 v16, v0;
	v20 =	vadd.f32 v7, v1;
	v7 =	vld.idx.msk [tilespmem:v8+s3+$0x0], $0xffff;
	vm2 =	vlt.s32 v14, $0x3FFF  }
0x151: {  	[tilespmem:s26+$0x0] =	vst v13;
	v8 =	vld.idx.msk [tilespmem:v18+s3+$0x0], $0xffff;
	v13 =	vtrunc.f32 v9;
	v4 =	vnsel vm2, $0x3FFF, v14;
	v14 =	vtrunc.f32 v12  }
0x152: {  	p2 =	por $0x1, $0x1;
	s0 =	simm.s32 $0x4A70;
	v16 =	vadd.f32 v15, v1;
	v9 =	vld.idx.msk [tilespmem:v19+s3+$0x0], $0xffff;
	v12 =	vtrunc.f32 v11;
	v11 =	vtrunc.f32 v20  }
0x153: {  	_ =	sdelay $0x1  }
0x154: {  	v15 =	vld [tilespmem:s0+$0x0];
	v10 =	vcvt.f32.s32 v10  }
0x155: {  	v18 =	vnsel vm0, $0x3FFF, v2;
	v19 =	vld [tilespmem:s0+$0xFFFFFFA0];
	v2 =	vtrunc.f32 v17;
	v14 =	vcvt.f32.s32 v14  }
0x156: {  	v12 =	vcvt.f32.s32 v12;
	v21 =	vld.idx.msk [tilespmem:v4+s3+$0x0], $0xffff;
	v13 =	vcvt.f32.s32 v13  }
0x157: {  	v17 =	vnsel vm1, $0x3FFF, v3;
	v4 =	vld [tilespmem:s0+$0xFFFFFFB0];
	v16 =	vtrunc.f32 v16;
	v20 =	vcvt.f32.s32 v2  }
0x158: {  	v23 =	vld [tilespmem:s0+$0xFFFFFFE0];
	v2 =	vcvt.f32.s32 v11;
	vm1 =	vlt.s32 v10, $0x3FFF;
	vm2 =	vlt.s32 v14, $0x3FFF  }
0x159: {  	v11 =	vld [tilespmem:s0+$0xFFFFFFC0];
	vm3 =	vlt.s32 v12, $0x3FFF;
	v3 =	vcvt.f32.s32 v16;
	vm4 =	vlt.s32 v13, $0x3FFF  }
0x15a: {  	v16 =	vld [tilespmem:s0+$0xFFFFFFD0];
	vm0 =	vlt.s32 v20, $0x3FFF;
	v22 =	vnsel vm1, $0x3FFF, v10;
	v15 =	vmul.f32 v15, v0  }
0x15b: {  	v24 =	vld [tilespmem:s0+$0xFFFFFFF0];
	v14 =	vnsel vm2, $0x3FFF, v14;
	v25 =	vnsel vm3, $0x3FFF, v12;
	v26 =	vnsel vm4, $0x3FFF, v13  }
0x15c: {  	[tilespmem:s26+$0xFFFFFFA0] =	vst v6;
	v12 =	vld [tilespmem:s0+$0xFFFFFF90];
	v20 =	vnsel vm0, $0x3FFF, v20;
	v19 =	vmul.f32 v19, v0;
	v10 =	vadd.f32 v15, v1  }
0x15d: {  	[tilespmem:s26+$0xFFFFFFB0] =	vst v7;
	vm0 =	vlt.s32 v2, $0x3FFF;
	v4 =	vmul.f32 v4, v0;
	v7 =	vmul.f32 v23, v0  }
0x15e: {  	[tilespmem:s26+$0xFFFFFF90] =	vst v5;
	v18 =	vld.idx.msk [tilespmem:v18+s3+$0x0], $0xffff;
	v11 =	vmul.f32 v11, v0;
	v5 =	vadd.f32 v19, v1;
	v10 =	vtrunc.f32 v10  }
0x15f: {  	p3 =	por $0x1, $0x1;
	[tilespmem:s26+$0xFFFFFFC0] =	vst v8;
	v13 =	vadd.f32 v4, v1;
	v4 =	vmul.f32 v16, v0;
	v15 =	vld.idx.msk [tilespmem:v17+s3+$0x0], $0xffff;
	v16 =	vcvt.f32.s32 v10  }
.Ltmp10:
0x160: {  	v8 =	vmul.f32 v24, v0;
	v63 =	vadd.f32 v7, v1;
	v11 =	vadd.f32 v11, v1;
	v6 =	vld.idx.msk [tilespmem:v22+s3+$0x0], $0xffff;
	(pc) =	sbr.rel @!p3 .LBB2_18-.Ltmp10, $4  }
0x161: {  	[tilespmem:s26+$0xFFFFFFD0] =	vst v9;
	v9 =	vmul.f32 v12, v0;
	v10 =	vtrunc.f32 v5;
	v5 =	vld.idx.msk [tilespmem:v20+s3+$0x0], $0xffff;
	vm2 =	vlt.s32 v16, $0x3FFF  }
0x162: {  	s28 =	simm.s32 $0xC670;
	v7 =	vld.idx.msk [tilespmem:v14+s3+$0x0], $0xffff;
	v19 =	vadd.f32 v4, v1;
	v14 =	vtrunc.f32 v13;
	v4 =	vnsel vm2, $0x3FFF, v16  }
0x163: {  	s30 =	simm.s32 $0x10;
	[tilespmem:s28+$0x0] =	vst v21;
	v12 =	vtrunc.f32 v11;
	v17 =	vadd.f32 v9, v1;
	v9 =	vld.idx.msk [tilespmem:v26+s3+$0x0], $0xffff;
	v16 =	vadd.f32 v8, v1  }
0x164: {  	s31 =	simm.s32 $0x4E70;
	p1 =	por $0x1, $0x1;
	s29 =	simm.s32 $0xC270;
	vm1 =	vlt.s32 v3, $0x3FFF;
	v11 =	vtrunc.f32 v63;
	[tilespmem:s26+$0xFFFFFFE0] =	vst v18;
	v13 =	vtrunc.f32 v19;
	v8 =	vld.idx.msk [tilespmem:v25+s3+$0x0], $0xffff  }
.LBB2_19:
0x165: {  	v18 =	vld [tilespmem:s31+$0x0];
	s30 =	sadd.s32 $0x8, s30;
	v10 =	vcvt.f32.s32 v10;
	v16 =	vtrunc.f32 v16;
	v19 =	vnsel vm0, $0x3FFF, v2;
	[tilespmem:s29+$0xFFFFFFF0] =	vst v15;
	s29 =	smov.u32 s28  }
0x166: {  	v14 =	vcvt.f32.s32 v14;
	v15 =	vld [tilespmem:s31+$0xFFFFFFA0];
	p3 =	slt.u32 s30, $0x78;
	v2 =	vtrunc.f32 v17;
	[tilespmem:s28+$0xFFFFFF90] =	vst v5;
	v5 =	vnsel vm1, $0x3FFF, v3  }
0x167: {  	v12 =	vcvt.f32.s32 v12;
	v17 =	vcvt.f32.s32 v2;
	vm2 =	vlt.s32 v10, $0x3FFF;
	v4 =	vld.idx.msk [tilespmem:v4+s3+$0x0], $0xffff;
	[tilespmem:s28+$0xFFFFFFA0] =	vst v6  }
0x168: {  	v13 =	vcvt.f32.s32 v13;
	vm3 =	vlt.s32 v14, $0x3FFF;
	v2 =	vcvt.f32.s32 v11;
	v6 =	vld [tilespmem:s31+$0xFFFFFFB0];
	[tilespmem:s28+$0xFFFFFFB0] =	vst v7  }
0x169: {  	v3 =	vcvt.f32.s32 v16;
	vm4 =	vlt.s32 v12, $0x3FFF;
	v7 =	vld [tilespmem:s31+$0xFFFFFFC0];
	vm1 =	vlt.s32 v17, $0x3FFF;
	[tilespmem:s28+$0xFFFFFFC0] =	vst v8  }
0x16a: {  	vm5 =	vlt.s32 v13, $0x3FFF;
	vm0 =	vlt.s32 v2, $0x3FFF;
	v8 =	vld [tilespmem:s31+$0xFFFFFFD0];
	v11 =	vmul.f32 v18, v0;
	[tilespmem:s28+$0xFFFFFFD0] =	vst v9  }
0x16b: {  	v17 =	vnsel vm1, $0x3FFF, v17;
	vm1 =	vlt.s32 v3, $0x3FFF;
	v9 =	vmul.f32 v15, v0;
	v16 =	vld [tilespmem:s31+$0xFFFFFFE0]  }
0x16c: {  	v20 =	vnsel vm2, $0x3FFF, v10;
	v14 =	vnsel vm3, $0x3FFF, v14;
	s28 =	sadd.s32 $0x400, s28;
	v18 =	vld [tilespmem:s31+$0xFFFFFFF0];
	v11 =	vadd.f32 v11, v1  }
0x16d: {  	v22 =	vnsel vm4, $0x3FFF, v12;
	v21 =	vld [tilespmem:s31+$0xFFFFFF90];
	v9 =	vadd.f32 v9, v1;
	v6 =	vmul.f32 v6, v0;
	[tilespmem:s28+$0x0] =	vst v4  }
0x16e: {  	v23 =	vnsel vm5, $0x3FFF, v13;
	v4 =	vmul.f32 v7, v0;
	v7 =	vtrunc.f32 v11;
	v19 =	vld.idx.msk [tilespmem:v19+s3+$0x0], $0xffff  }
0x16f: {  	v11 =	vadd.f32 v6, v1;
	v6 =	vmul.f32 v8, v0;
	v7 =	vcvt.f32.s32 v7;
	v15 =	vld.idx.msk [tilespmem:v5+s3+$0x0], $0xffff  }
.Ltmp11:
0x170: {  	v10 =	vtrunc.f32 v9;
	v8 =	vadd.f32 v4, v1;
	v4 =	vmul.f32 v16, v0;
	v5 =	vld.idx.msk [tilespmem:v17+s3+$0x0], $0xffff;
	(pc) =	sbr.rel @p3 .LBB2_19-.Ltmp11, $4  }
0x171: {  	v9 =	vadd.f32 v6, v1;
	v13 =	vmul.f32 v18, v0;
	vm2 =	vlt.s32 v7, $0x3FFF;
	v6 =	vld.idx.msk [tilespmem:v20+s3+$0x0], $0xffff  }
0x172: {  	v17 =	vmul.f32 v21, v0;
	v18 =	vadd.f32 v4, v1;
	v4 =	vnsel vm2, $0x3FFF, v7;
	v7 =	vld.idx.msk [tilespmem:v14+s3+$0x0], $0xffff  }
0x173: {  	v14 =	vtrunc.f32 v11;
	v12 =	vtrunc.f32 v8;
	v16 =	vadd.f32 v13, v1;
	v8 =	vld.idx.msk [tilespmem:v22+s3+$0x0], $0xffff  }
0x174: {  	s31 =	sadd.s32 $0x400, s31;
	v13 =	vtrunc.f32 v9;
	v17 =	vadd.f32 v17, v1;
	v11 =	vtrunc.f32 v18;
	v9 =	vld.idx.msk [tilespmem:v23+s3+$0x0], $0xffff;
	[tilespmem:s29+$0xFFFFFFE0] =	vst v19  }
.LBB2_20:
0x175: {  	v2 =	vnsel @p2 vm0, $0x3FFF, v2;
	v10 =	vcvt.f32.s32 v10  }
0x176: {  	v3 =	vnsel @p2 vm1, $0x3FFF, v3;
	v14 =	vcvt.f32.s32 v14;
	v12 =	vcvt.f32.s32 v12  }
0x177: {  	v13 =	vcvt.f32.s32 v13;
	v17 =	vtrunc.f32 v17;
	vm9 =	vlt.s32 v10, $0x3FFF  }
0x178: {  	v17 =	vcvt.f32.s32 v17;
	vm10 =	vlt.s32 v14, $0x3FFF;
	v10 =	vnsel vm9, $0x3FFF, v10  }
0x179: {  	v4 =	vld.idx.msk [tilespmem:v4+s3+$0x0], $0xffff;
	[tilespmem:s28+$0xFFFFFF90] =	vst @p2 v5;
	v5 =	vcvt.f32.s32 v11;
	vm11 =	vlt.s32 v12, $0x3FFF;
	v11 =	vnsel vm10, $0x3FFF, v14  }
0x17a: {  	v16 =	vtrunc.f32 v16;
	[tilespmem:s29+$0xFFFFFFF0] =	vst @p1 v15;
	v12 =	vnsel vm11, $0x3FFF, v12;
	vm8 =	vlt.s32 v17, $0x3FFF;
	v2 =	vld.idx.msk @p2 [tilespmem:v2+s3+$0x0], $0xffff  }
0x17b: {  	[tilespmem:s28+$0xFFFFFFA0] =	vst @p2 v6;
	v6 =	vcvt.f32.s32 v16;
	vm12 =	vlt.s32 v13, $0x3FFF;
	v17 =	vnsel vm8, $0x3FFF, v17;
	v3 =	vld.idx.msk @p2 [tilespmem:v3+s3+$0x0], $0xffff  }
0x17c: {  	s0 =	sadd.s32 @p2 $0x400, s28;
	[tilespmem:s28+$0xFFFFFFB0] =	vst @p2 v7;
	vm13 =	vlt.s32 v5, $0x3FFF;
	v7 =	vnsel vm12, $0x3FFF, v13  }
0x17d: {  	s26 =	smov.u32 @p2 s0;
	vm14 =	vlt.s32 v6, $0x3FFF;
	v5 =	vnsel vm13, $0x3FFF, v5;
	[tilespmem:s28+$0xFFFFFFD0] =	vst @p2 v9;
	v9 =	vld.idx.msk [tilespmem:v10+s3+$0x0], $0xffff  }
0x17e: {  	v6 =	vnsel vm14, $0x3FFF, v6;
	[tilespmem:s26+$0x0] =	vst v4;
	v4 =	vld.idx.msk [tilespmem:v11+s3+$0x0], $0xffff  }
0x17f: {  	s0 =	smov.u32 @p2 s28;
	[tilespmem:s28+$0xFFFFFFC0] =	vst @p2 v8;
	v10 =	vld.idx.msk [tilespmem:v12+s3+$0x0], $0xffff  }
0x180: {  	v8 =	vld.idx.msk [tilespmem:v17+s3+$0x0], $0xffff;
	[tilespmem:s0+$0xFFFFFFE0] =	vst @p2 v2;
	v2 =	vpsel p2, v3, v0;
	s0 =	smov.u32 @p2 s0  }
0x181: {  	v3 =	vld.idx.msk [tilespmem:v7+s3+$0x0], $0xffff;
	[tilespmem:s0+$0xFFFFFFF0] =	vst @p2 v2  }
0x182: {  	v2 =	vld.idx.msk [tilespmem:v5+s3+$0x0], $0xffff;
	[tilespmem:s26+$0xFFFFFFA0] =	vst v9  }
0x183: {  	v5 =	vld.idx.msk [tilespmem:v6+s3+$0x0], $0xffff;
	[tilespmem:s26+$0xFFFFFFB0] =	vst v4  }
0x184: {  	[tilespmem:s26+$0xFFFFFFC0] =	vst v10  }
0x185: {  	[tilespmem:s26+$0xFFFFFF90] =	vst v8  }
0x186: {  	[tilespmem:s26+$0xFFFFFFD0] =	vst v3  }
0x187: {  	[tilespmem:s26+$0xFFFFFFE0] =	vst v2  }
0x188: {  	s31 =	simm.s32 $0x42F0;
	[tilespmem:s26+$0xFFFFFFF0] =	vst v5  }
0x189: {  	v2 =	vld [tilespmem:s31+$0x0]  }
0x18a: {  	v3 =	vld [tilespmem:s31+$0xFFFFFFA0]  }
0x18b: {  	v4 =	vld [tilespmem:s31+$0xFFFFFFB0]  }
0x18c: {  	v5 =	vld [tilespmem:s31+$0xFFFFFFC0]  }
0x18d: {  	v6 =	vld [tilespmem:s31+$0xFFFFFFD0]  }
0x18e: {  	v7 =	vld [tilespmem:s31+$0xFFFFFFE0]  }
0x18f: {  	v8 =	vld [tilespmem:s31+$0xFFFFFFF0];
	v2 =	vmul.f32 v2, v0;
	v3 =	vmul.f32 v3, v0  }
0x190: {  	v9 =	vld [tilespmem:s31+$0xFFFFFF90];
	v4 =	vmul.f32 v4, v0  }
0x191: {  	v2 =	vadd.f32 v2, v1;
	v3 =	vadd.f32 v3, v1  }
0x192: {  	v5 =	vmul.f32 v5, v0;
	v11 =	vadd.f32 v4, v1;
	v4 =	vmul.f32 v6, v0  }
0x193: {  	p2 =	por $0x1, $0x1;
	v2 =	vtrunc.f32 v2;
	v10 =	vtrunc.f32 v3  }
.Ltmp12:
0x194: {  	v3 =	vadd.f32 v5, v1;
	v5 =	vmul.f32 v7, v0;
	v7 =	vmul.f32 v8, v0;
	(pc) =	sbr.rel @!p2 .LBB2_21-.Ltmp12, $4  }
0x195: {  	v6 =	vadd.f32 v4, v1;
	v8 =	vmul.f32 v9, v0;
	v2 =	vcvt.f32.s32 v2  }
0x196: {  	v14 =	vtrunc.f32 v11;
	v5 =	vadd.f32 v5, v1;
	v13 =	vtrunc.f32 v3  }
0x197: {  	p3 =	por $0x0, $0x0;
	v16 =	vadd.f32 v7, v1;
	v17 =	vadd.f32 v8, v1;
	vm15 =	vlt.s32 v2, $0x3FFF  }
0x198: {  	p1 =	por $0x0, $0x0;
	s0 =	simm.s32 $0x46F0;
	s26 =	simm.s32 $0xC2F0;
	v12 =	vtrunc.f32 v6;
	v4 =	vnsel vm15, $0x3FFF, v2;
	v11 =	vtrunc.f32 v5  }
0x199: {  	v5 =	vld [tilespmem:s0+$0x0];
	v6 =	vcvt.f32.s32 v10  }
0x19a: {  	v3 =	vtrunc.f32 v16;
	v7 =	vld [tilespmem:s0+$0xFFFFFFA0];
	v2 =	vtrunc.f32 v17  }
0x19b: {  	v8 =	vcvt.f32.s32 v14;
	v10 =	vcvt.f32.s32 v13;
	v13 =	vld [tilespmem:s0+$0xFFFFFFB0]  }
0x19c: {  	v12 =	vcvt.f32.s32 v12;
	v14 =	vld [tilespmem:s0+$0xFFFFFFD0];
	v9 =	vcvt.f32.s32 v2  }
0x19d: {  	v17 =	vld [tilespmem:s0+$0xFFFFFF90];
	v2 =	vcvt.f32.s32 v11;
	v3 =	vcvt.f32.s32 v3;
	vm2 =	vlt.s32 v6, $0x3FFF  }
0x19e: {  	v11 =	vld [tilespmem:s0+$0xFFFFFFC0];
	vm3 =	vlt.s32 v8, $0x3FFF;
	vm4 =	vlt.s32 v10, $0x3FFF;
	vm5 =	vlt.s32 v12, $0x3FFF  }
0x19f: {  	vm1 =	vlt.s32 v9, $0x3FFF;
	vm0 =	vlt.s32 v2, $0x3FFF;
	v6 =	vnsel vm2, $0x3FFF, v6  }
0x1a0: {  	v15 =	vld [tilespmem:s0+$0xFFFFFFE0];
	v8 =	vnsel vm3, $0x3FFF, v8;
	v5 =	vmul.f32 v5, v0;
	v7 =	vmul.f32 v7, v0  }
0x1a1: {  	v16 =	vld [tilespmem:s0+$0xFFFFFFF0];
	v19 =	vnsel vm5, $0x3FFF, v12;
	v9 =	vnsel vm1, $0x3FFF, v9;
	v13 =	vmul.f32 v13, v0  }
0x1a2: {  	v12 =	vld.idx.msk [tilespmem:v4+s3+$0x0], $0xffff;
	v4 =	vmul.f32 v14, v0;
	v5 =	vadd.f32 v5, v1;
	v7 =	vadd.f32 v7, v1  }
0x1a3: {  	v18 =	vnsel vm4, $0x3FFF, v10;
	v17 =	vmul.f32 v17, v0;
	v11 =	vmul.f32 v11, v0  }
0x1a4: {  	p4 =	por $0x1, $0x1;
	v13 =	vadd.f32 v13, v1;
	v5 =	vtrunc.f32 v5;
	v10 =	vtrunc.f32 v7  }
.Ltmp13:
0x1a5: {  	v17 =	vadd.f32 v17, v1;
	v6 =	vld.idx.msk [tilespmem:v6+s3+$0x0], $0xffff;
	v7 =	vmul.f32 v15, v0;
	v14 =	vcvt.f32.s32 v5;
	(pc) =	sbr.rel @!p4 .LBB2_23-.Ltmp13, $4  }
0x1a6: {  	vm1 =	vlt.s32 v3, $0x3FFF;
	v11 =	vadd.f32 v11, v1;
	v5 =	vld.idx.msk [tilespmem:v9+s3+$0x0], $0xffff;
	v9 =	vadd.f32 v4, v1  }
0x1a7: {  	v15 =	vmul.f32 v16, v0;
	v20 =	vadd.f32 v7, v1;
	v7 =	vld.idx.msk [tilespmem:v8+s3+$0x0], $0xffff;
	vm2 =	vlt.s32 v14, $0x3FFF  }
0x1a8: {  	[tilespmem:s26+$0x0] =	vst v12;
	v8 =	vld.idx.msk [tilespmem:v18+s3+$0x0], $0xffff;
	v12 =	vtrunc.f32 v9;
	v4 =	vnsel vm2, $0x3FFF, v14;
	v14 =	vtrunc.f32 v13  }
0x1a9: {  	p3 =	por $0x1, $0x1;
	s0 =	simm.s32 $0x4AF0;
	v16 =	vadd.f32 v15, v1;
	v9 =	vld.idx.msk [tilespmem:v19+s3+$0x0], $0xffff;
	v13 =	vtrunc.f32 v11;
	v11 =	vtrunc.f32 v20  }
0x1aa: {  	_ =	sdelay $0x1  }
0x1ab: {  	v15 =	vld [tilespmem:s0+$0x0];
	v10 =	vcvt.f32.s32 v10  }
0x1ac: {  	v18 =	vnsel vm0, $0x3FFF, v2;
	v19 =	vld [tilespmem:s0+$0xFFFFFFA0];
	v2 =	vtrunc.f32 v17;
	v14 =	vcvt.f32.s32 v14  }
0x1ad: {  	v13 =	vcvt.f32.s32 v13;
	v21 =	vld.idx.msk [tilespmem:v4+s3+$0x0], $0xffff;
	v12 =	vcvt.f32.s32 v12  }
0x1ae: {  	v17 =	vnsel vm1, $0x3FFF, v3;
	v4 =	vld [tilespmem:s0+$0xFFFFFFB0];
	v16 =	vtrunc.f32 v16;
	v20 =	vcvt.f32.s32 v2  }
0x1af: {  	v23 =	vld [tilespmem:s0+$0xFFFFFFE0];
	v2 =	vcvt.f32.s32 v11;
	vm1 =	vlt.s32 v10, $0x3FFF;
	vm2 =	vlt.s32 v14, $0x3FFF  }
0x1b0: {  	v11 =	vld [tilespmem:s0+$0xFFFFFFC0];
	vm3 =	vlt.s32 v13, $0x3FFF;
	v3 =	vcvt.f32.s32 v16;
	vm4 =	vlt.s32 v12, $0x3FFF  }
0x1b1: {  	v16 =	vld [tilespmem:s0+$0xFFFFFFD0];
	vm0 =	vlt.s32 v20, $0x3FFF;
	v22 =	vnsel vm1, $0x3FFF, v10;
	v15 =	vmul.f32 v15, v0  }
0x1b2: {  	v24 =	vld [tilespmem:s0+$0xFFFFFFF0];
	v14 =	vnsel vm2, $0x3FFF, v14;
	v25 =	vnsel vm3, $0x3FFF, v13;
	v26 =	vnsel vm4, $0x3FFF, v12  }
0x1b3: {  	[tilespmem:s26+$0xFFFFFFA0] =	vst v6;
	v12 =	vld [tilespmem:s0+$0xFFFFFF90];
	v20 =	vnsel vm0, $0x3FFF, v20;
	v19 =	vmul.f32 v19, v0;
	v10 =	vadd.f32 v15, v1  }
0x1b4: {  	[tilespmem:s26+$0xFFFFFFB0] =	vst v7;
	vm0 =	vlt.s32 v2, $0x3FFF;
	v4 =	vmul.f32 v4, v0;
	v7 =	vmul.f32 v23, v0  }
0x1b5: {  	[tilespmem:s26+$0xFFFFFF90] =	vst v5;
	v18 =	vld.idx.msk [tilespmem:v18+s3+$0x0], $0xffff;
	v11 =	vmul.f32 v11, v0;
	v5 =	vadd.f32 v19, v1;
	v10 =	vtrunc.f32 v10  }
0x1b6: {  	p5 =	por $0x1, $0x1;
	[tilespmem:s26+$0xFFFFFFC0] =	vst v8;
	v13 =	vadd.f32 v4, v1;
	v4 =	vmul.f32 v16, v0;
	v15 =	vld.idx.msk [tilespmem:v17+s3+$0x0], $0xffff;
	v16 =	vcvt.f32.s32 v10  }
.Ltmp14:
0x1b7: {  	v8 =	vmul.f32 v24, v0;
	v63 =	vadd.f32 v7, v1;
	v11 =	vadd.f32 v11, v1;
	v6 =	vld.idx.msk [tilespmem:v22+s3+$0x0], $0xffff;
	(pc) =	sbr.rel @!p5 .LBB2_25-.Ltmp14, $4  }
0x1b8: {  	[tilespmem:s26+$0xFFFFFFD0] =	vst v9;
	v9 =	vmul.f32 v12, v0;
	v10 =	vtrunc.f32 v5;
	v5 =	vld.idx.msk [tilespmem:v20+s3+$0x0], $0xffff;
	vm2 =	vlt.s32 v16, $0x3FFF  }
0x1b9: {  	s28 =	simm.s32 $0xC6F0;
	v7 =	vld.idx.msk [tilespmem:v14+s3+$0x0], $0xffff;
	v19 =	vadd.f32 v4, v1;
	v14 =	vtrunc.f32 v13;
	v4 =	vnsel vm2, $0x3FFF, v16  }
0x1ba: {  	s30 =	simm.s32 $0x10;
	[tilespmem:s28+$0x0] =	vst v21;
	v13 =	vtrunc.f32 v11;
	v17 =	vadd.f32 v9, v1;
	v9 =	vld.idx.msk [tilespmem:v26+s3+$0x0], $0xffff;
	v16 =	vadd.f32 v8, v1  }
0x1bb: {  	s31 =	simm.s32 $0x4EF0;
	p4 =	por $0x1, $0x1;
	s29 =	simm.s32 $0xC2F0;
	vm1 =	vlt.s32 v3, $0x3FFF;
	v11 =	vtrunc.f32 v63;
	[tilespmem:s26+$0xFFFFFFE0] =	vst v18;
	v12 =	vtrunc.f32 v19;
	v8 =	vld.idx.msk [tilespmem:v25+s3+$0x0], $0xffff  }
.LBB2_26:
0x1bc: {  	v18 =	vld [tilespmem:s31+$0x0];
	s30 =	sadd.s32 $0x8, s30;
	v10 =	vcvt.f32.s32 v10;
	v16 =	vtrunc.f32 v16;
	v19 =	vnsel vm0, $0x3FFF, v2;
	[tilespmem:s29+$0xFFFFFFF0] =	vst v15;
	s29 =	smov.u32 s28  }
0x1bd: {  	v14 =	vcvt.f32.s32 v14;
	v15 =	vld [tilespmem:s31+$0xFFFFFFA0];
	p5 =	slt.u32 s30, $0x78;
	v2 =	vtrunc.f32 v17;
	[tilespmem:s28+$0xFFFFFF90] =	vst v5;
	v5 =	vnsel vm1, $0x3FFF, v3  }
0x1be: {  	v13 =	vcvt.f32.s32 v13;
	v17 =	vcvt.f32.s32 v2;
	vm2 =	vlt.s32 v10, $0x3FFF;
	v4 =	vld.idx.msk [tilespmem:v4+s3+$0x0], $0xffff;
	[tilespmem:s28+$0xFFFFFFA0] =	vst v6  }
0x1bf: {  	v12 =	vcvt.f32.s32 v12;
	vm3 =	vlt.s32 v14, $0x3FFF;
	v2 =	vcvt.f32.s32 v11;
	v6 =	vld [tilespmem:s31+$0xFFFFFFB0];
	[tilespmem:s28+$0xFFFFFFB0] =	vst v7  }
0x1c0: {  	v3 =	vcvt.f32.s32 v16;
	vm4 =	vlt.s32 v13, $0x3FFF;
	v7 =	vld [tilespmem:s31+$0xFFFFFFC0];
	vm1 =	vlt.s32 v17, $0x3FFF;
	[tilespmem:s28+$0xFFFFFFC0] =	vst v8  }
0x1c1: {  	vm5 =	vlt.s32 v12, $0x3FFF;
	vm0 =	vlt.s32 v2, $0x3FFF;
	v8 =	vld [tilespmem:s31+$0xFFFFFFD0];
	v11 =	vmul.f32 v18, v0;
	[tilespmem:s28+$0xFFFFFFD0] =	vst v9  }
0x1c2: {  	v17 =	vnsel vm1, $0x3FFF, v17;
	vm1 =	vlt.s32 v3, $0x3FFF;
	v9 =	vmul.f32 v15, v0;
	v16 =	vld [tilespmem:s31+$0xFFFFFFE0]  }
0x1c3: {  	v20 =	vnsel vm2, $0x3FFF, v10;
	v14 =	vnsel vm3, $0x3FFF, v14;
	s28 =	sadd.s32 $0x400, s28;
	v18 =	vld [tilespmem:s31+$0xFFFFFFF0];
	v11 =	vadd.f32 v11, v1  }
0x1c4: {  	v22 =	vnsel vm4, $0x3FFF, v13;
	v21 =	vld [tilespmem:s31+$0xFFFFFF90];
	v9 =	vadd.f32 v9, v1;
	v6 =	vmul.f32 v6, v0;
	[tilespmem:s28+$0x0] =	vst v4  }
0x1c5: {  	v23 =	vnsel vm5, $0x3FFF, v12;
	v4 =	vmul.f32 v7, v0;
	v7 =	vtrunc.f32 v11;
	v19 =	vld.idx.msk [tilespmem:v19+s3+$0x0], $0xffff  }
0x1c6: {  	v11 =	vadd.f32 v6, v1;
	v6 =	vmul.f32 v8, v0;
	v7 =	vcvt.f32.s32 v7;
	v15 =	vld.idx.msk [tilespmem:v5+s3+$0x0], $0xffff  }
.Ltmp15:
0x1c7: {  	v10 =	vtrunc.f32 v9;
	v8 =	vadd.f32 v4, v1;
	v4 =	vmul.f32 v16, v0;
	v5 =	vld.idx.msk [tilespmem:v17+s3+$0x0], $0xffff;
	(pc) =	sbr.rel @p5 .LBB2_26-.Ltmp15, $4  }
0x1c8: {  	v9 =	vadd.f32 v6, v1;
	v12 =	vmul.f32 v18, v0;
	vm2 =	vlt.s32 v7, $0x3FFF;
	v6 =	vld.idx.msk [tilespmem:v20+s3+$0x0], $0xffff  }
0x1c9: {  	v17 =	vmul.f32 v21, v0;
	v18 =	vadd.f32 v4, v1;
	v4 =	vnsel vm2, $0x3FFF, v7;
	v7 =	vld.idx.msk [tilespmem:v14+s3+$0x0], $0xffff  }
0x1ca: {  	v14 =	vtrunc.f32 v11;
	v13 =	vtrunc.f32 v8;
	v16 =	vadd.f32 v12, v1;
	v8 =	vld.idx.msk [tilespmem:v22+s3+$0x0], $0xffff  }
0x1cb: {  	s31 =	sadd.s32 $0x400, s31;
	v12 =	vtrunc.f32 v9;
	v17 =	vadd.f32 v17, v1;
	v11 =	vtrunc.f32 v18;
	v9 =	vld.idx.msk [tilespmem:v23+s3+$0x0], $0xffff;
	[tilespmem:s29+$0xFFFFFFE0] =	vst v19  }
.LBB2_27:
0x1cc: {  	v2 =	vnsel @p3 vm0, $0x3FFF, v2;
	v10 =	vcvt.f32.s32 v10  }
0x1cd: {  	v3 =	vnsel @p3 vm1, $0x3FFF, v3;
	v14 =	vcvt.f32.s32 v14;
	v13 =	vcvt.f32.s32 v13  }
0x1ce: {  	v12 =	vcvt.f32.s32 v12;
	v17 =	vtrunc.f32 v17;
	vm9 =	vlt.s32 v10, $0x3FFF  }
0x1cf: {  	v17 =	vcvt.f32.s32 v17;
	vm10 =	vlt.s32 v14, $0x3FFF;
	v10 =	vnsel vm9, $0x3FFF, v10  }
0x1d0: {  	v4 =	vld.idx.msk [tilespmem:v4+s3+$0x0], $0xffff;
	[tilespmem:s28+$0xFFFFFF90] =	vst @p3 v5;
	v5 =	vcvt.f32.s32 v11;
	vm11 =	vlt.s32 v13, $0x3FFF;
	v11 =	vnsel vm10, $0x3FFF, v14  }
0x1d1: {  	v16 =	vtrunc.f32 v16;
	[tilespmem:s29+$0xFFFFFFF0] =	vst @p4 v15;
	v13 =	vnsel vm11, $0x3FFF, v13;
	vm8 =	vlt.s32 v17, $0x3FFF;
	v2 =	vld.idx.msk @p3 [tilespmem:v2+s3+$0x0], $0xffff  }
0x1d2: {  	[tilespmem:s28+$0xFFFFFFA0] =	vst @p3 v6;
	v6 =	vcvt.f32.s32 v16;
	vm12 =	vlt.s32 v12, $0x3FFF;
	v17 =	vnsel vm8, $0x3FFF, v17;
	v3 =	vld.idx.msk @p3 [tilespmem:v3+s3+$0x0], $0xffff  }
0x1d3: {  	s0 =	sadd.s32 @p3 $0x400, s28;
	[tilespmem:s28+$0xFFFFFFB0] =	vst @p3 v7;
	vm13 =	vlt.s32 v5, $0x3FFF;
	v7 =	vnsel vm12, $0x3FFF, v12  }
0x1d4: {  	s26 =	smov.u32 @p3 s0;
	vm14 =	vlt.s32 v6, $0x3FFF;
	v5 =	vnsel vm13, $0x3FFF, v5;
	[tilespmem:s28+$0xFFFFFFD0] =	vst @p3 v9;
	v9 =	vld.idx.msk [tilespmem:v10+s3+$0x0], $0xffff  }
0x1d5: {  	v6 =	vnsel vm14, $0x3FFF, v6;
	[tilespmem:s26+$0x0] =	vst v4;
	v4 =	vld.idx.msk [tilespmem:v11+s3+$0x0], $0xffff  }
0x1d6: {  	s0 =	smov.u32 @p3 s28;
	[tilespmem:s28+$0xFFFFFFC0] =	vst @p3 v8;
	v10 =	vld.idx.msk [tilespmem:v13+s3+$0x0], $0xffff  }
0x1d7: {  	v8 =	vld.idx.msk [tilespmem:v17+s3+$0x0], $0xffff;
	[tilespmem:s0+$0xFFFFFFE0] =	vst @p3 v2;
	v2 =	vpsel p3, v3, v0;
	s0 =	smov.u32 @p3 s0  }
0x1d8: {  	v3 =	vld.idx.msk [tilespmem:v7+s3+$0x0], $0xffff;
	[tilespmem:s0+$0xFFFFFFF0] =	vst @p3 v2  }
0x1d9: {  	v2 =	vld.idx.msk [tilespmem:v5+s3+$0x0], $0xffff;
	[tilespmem:s26+$0xFFFFFFA0] =	vst v9  }
0x1da: {  	v5 =	vld.idx.msk [tilespmem:v6+s3+$0x0], $0xffff;
	[tilespmem:s26+$0xFFFFFFB0] =	vst v4  }
0x1db: {  	[tilespmem:s26+$0xFFFFFFC0] =	vst v10  }
0x1dc: {  	[tilespmem:s26+$0xFFFFFF90] =	vst v8  }
0x1dd: {  	[tilespmem:s26+$0xFFFFFFD0] =	vst v3  }
0x1de: {  	[tilespmem:s26+$0xFFFFFFE0] =	vst v2  }
0x1df: {  	s31 =	simm.s32 $0x4370;
	[tilespmem:s26+$0xFFFFFFF0] =	vst v5  }
0x1e0: {  	v2 =	vld [tilespmem:s31+$0x0]  }
0x1e1: {  	v3 =	vld [tilespmem:s31+$0xFFFFFFA0]  }
0x1e2: {  	v4 =	vld [tilespmem:s31+$0xFFFFFFB0]  }
0x1e3: {  	v5 =	vld [tilespmem:s31+$0xFFFFFFC0]  }
0x1e4: {  	v6 =	vld [tilespmem:s31+$0xFFFFFFD0]  }
0x1e5: {  	v7 =	vld [tilespmem:s31+$0xFFFFFFE0]  }
0x1e6: {  	v8 =	vld [tilespmem:s31+$0xFFFFFFF0];
	v2 =	vmul.f32 v2, v0;
	v3 =	vmul.f32 v3, v0  }
0x1e7: {  	v9 =	vld [tilespmem:s31+$0xFFFFFF90];
	v4 =	vmul.f32 v4, v0  }
0x1e8: {  	v2 =	vadd.f32 v2, v1;
	v3 =	vadd.f32 v3, v1  }
0x1e9: {  	v5 =	vmul.f32 v5, v0;
	v11 =	vadd.f32 v4, v1;
	v4 =	vmul.f32 v6, v0  }
0x1ea: {  	v2 =	vtrunc.f32 v2;
	v10 =	vtrunc.f32 v3  }
.Ltmp16:
0x1eb: {  	v3 =	vadd.f32 v5, v1;
	v5 =	vmul.f32 v7, v0;
	v7 =	vmul.f32 v8, v0;
	(pc) =	sbr.rel @!p2 .LBB2_28-.Ltmp16, $4  }
0x1ec: {  	v6 =	vadd.f32 v4, v1;
	v8 =	vmul.f32 v9, v0;
	v2 =	vcvt.f32.s32 v2  }
0x1ed: {  	v14 =	vtrunc.f32 v11;
	v5 =	vadd.f32 v5, v1;
	v12 =	vtrunc.f32 v3  }
0x1ee: {  	v16 =	vadd.f32 v7, v1;
	v17 =	vadd.f32 v8, v1;
	vm15 =	vlt.s32 v2, $0x3FFF  }
0x1ef: {  	s0 =	simm.s32 $0x4770;
	s26 =	simm.s32 $0xC370;
	v13 =	vtrunc.f32 v6;
	v4 =	vnsel vm15, $0x3FFF, v2;
	v11 =	vtrunc.f32 v5  }
0x1f0: {  	v5 =	vld [tilespmem:s0+$0x0];
	v6 =	vcvt.f32.s32 v10  }
0x1f1: {  	v3 =	vtrunc.f32 v16;
	v7 =	vld [tilespmem:s0+$0xFFFFFFA0];
	v2 =	vtrunc.f32 v17  }
0x1f2: {  	v8 =	vcvt.f32.s32 v14;
	v10 =	vcvt.f32.s32 v12;
	v12 =	vld [tilespmem:s0+$0xFFFFFFB0]  }
0x1f3: {  	v13 =	vcvt.f32.s32 v13;
	v14 =	vld [tilespmem:s0+$0xFFFFFFD0];
	v9 =	vcvt.f32.s32 v2  }
0x1f4: {  	v17 =	vld [tilespmem:s0+$0xFFFFFF90];
	v2 =	vcvt.f32.s32 v11;
	v3 =	vcvt.f32.s32 v3;
	vm2 =	vlt.s32 v6, $0x3FFF  }
0x1f5: {  	v11 =	vld [tilespmem:s0+$0xFFFFFFC0];
	vm3 =	vlt.s32 v8, $0x3FFF;
	vm4 =	vlt.s32 v10, $0x3FFF;
	vm5 =	vlt.s32 v13, $0x3FFF  }
0x1f6: {  	vm1 =	vlt.s32 v9, $0x3FFF;
	vm0 =	vlt.s32 v2, $0x3FFF;
	v6 =	vnsel vm2, $0x3FFF, v6  }
0x1f7: {  	v15 =	vld [tilespmem:s0+$0xFFFFFFE0];
	v8 =	vnsel vm3, $0x3FFF, v8;
	v5 =	vmul.f32 v5, v0;
	v7 =	vmul.f32 v7, v0  }
0x1f8: {  	v16 =	vld [tilespmem:s0+$0xFFFFFFF0];
	v19 =	vnsel vm5, $0x3FFF, v13;
	v9 =	vnsel vm1, $0x3FFF, v9;
	v12 =	vmul.f32 v12, v0  }
0x1f9: {  	v13 =	vld.idx.msk [tilespmem:v4+s3+$0x0], $0xffff;
	v4 =	vmul.f32 v14, v0;
	v5 =	vadd.f32 v5, v1;
	v7 =	vadd.f32 v7, v1  }
0x1fa: {  	v18 =	vnsel vm4, $0x3FFF, v10;
	v17 =	vmul.f32 v17, v0;
	v11 =	vmul.f32 v11, v0  }
0x1fb: {  	p3 =	por $0x1, $0x1;
	v12 =	vadd.f32 v12, v1;
	v5 =	vtrunc.f32 v5;
	v10 =	vtrunc.f32 v7  }
.Ltmp17:
0x1fc: {  	v17 =	vadd.f32 v17, v1;
	v6 =	vld.idx.msk [tilespmem:v6+s3+$0x0], $0xffff;
	v7 =	vmul.f32 v15, v0;
	v14 =	vcvt.f32.s32 v5;
	(pc) =	sbr.rel @!p3 .LBB2_30-.Ltmp17, $4  }
0x1fd: {  	vm1 =	vlt.s32 v3, $0x3FFF;
	v11 =	vadd.f32 v11, v1;
	v5 =	vld.idx.msk [tilespmem:v9+s3+$0x0], $0xffff;
	v9 =	vadd.f32 v4, v1  }
0x1fe: {  	v15 =	vmul.f32 v16, v0;
	v20 =	vadd.f32 v7, v1;
	v7 =	vld.idx.msk [tilespmem:v8+s3+$0x0], $0xffff;
	vm2 =	vlt.s32 v14, $0x3FFF  }
0x1ff: {  	[tilespmem:s26+$0x0] =	vst v13;
	v8 =	vld.idx.msk [tilespmem:v18+s3+$0x0], $0xffff;
	v13 =	vtrunc.f32 v9;
	v4 =	vnsel vm2, $0x3FFF, v14;
	v14 =	vtrunc.f32 v12  }
0x200: {  	p2 =	por $0x1, $0x1;
	s0 =	simm.s32 $0x4B70;
	v16 =	vadd.f32 v15, v1;
	v9 =	vld.idx.msk [tilespmem:v19+s3+$0x0], $0xffff;
	v12 =	vtrunc.f32 v11;
	v11 =	vtrunc.f32 v20  }
0x201: {  	_ =	sdelay $0x1  }
0x202: {  	v15 =	vld [tilespmem:s0+$0x0];
	v10 =	vcvt.f32.s32 v10  }
0x203: {  	v18 =	vnsel vm0, $0x3FFF, v2;
	v19 =	vld [tilespmem:s0+$0xFFFFFFA0];
	v2 =	vtrunc.f32 v17;
	v14 =	vcvt.f32.s32 v14  }
0x204: {  	v12 =	vcvt.f32.s32 v12;
	v21 =	vld.idx.msk [tilespmem:v4+s3+$0x0], $0xffff;
	v13 =	vcvt.f32.s32 v13  }
0x205: {  	v17 =	vnsel vm1, $0x3FFF, v3;
	v4 =	vld [tilespmem:s0+$0xFFFFFFB0];
	v16 =	vtrunc.f32 v16;
	v20 =	vcvt.f32.s32 v2  }
0x206: {  	v23 =	vld [tilespmem:s0+$0xFFFFFFE0];
	v2 =	vcvt.f32.s32 v11;
	vm1 =	vlt.s32 v10, $0x3FFF;
	vm2 =	vlt.s32 v14, $0x3FFF  }
0x207: {  	v11 =	vld [tilespmem:s0+$0xFFFFFFC0];
	vm3 =	vlt.s32 v12, $0x3FFF;
	v3 =	vcvt.f32.s32 v16;
	vm4 =	vlt.s32 v13, $0x3FFF  }
0x208: {  	v16 =	vld [tilespmem:s0+$0xFFFFFFD0];
	vm0 =	vlt.s32 v20, $0x3FFF;
	v22 =	vnsel vm1, $0x3FFF, v10;
	v15 =	vmul.f32 v15, v0  }
0x209: {  	v24 =	vld [tilespmem:s0+$0xFFFFFFF0];
	v14 =	vnsel vm2, $0x3FFF, v14;
	v25 =	vnsel vm3, $0x3FFF, v12;
	v26 =	vnsel vm4, $0x3FFF, v13  }
0x20a: {  	[tilespmem:s26+$0xFFFFFFA0] =	vst v6;
	v12 =	vld [tilespmem:s0+$0xFFFFFF90];
	v20 =	vnsel vm0, $0x3FFF, v20;
	v19 =	vmul.f32 v19, v0;
	v10 =	vadd.f32 v15, v1  }
0x20b: {  	[tilespmem:s26+$0xFFFFFFB0] =	vst v7;
	vm0 =	vlt.s32 v2, $0x3FFF;
	v4 =	vmul.f32 v4, v0;
	v7 =	vmul.f32 v23, v0  }
0x20c: {  	[tilespmem:s26+$0xFFFFFF90] =	vst v5;
	v18 =	vld.idx.msk [tilespmem:v18+s3+$0x0], $0xffff;
	v11 =	vmul.f32 v11, v0;
	v5 =	vadd.f32 v19, v1;
	v10 =	vtrunc.f32 v10  }
0x20d: {  	p3 =	por $0x1, $0x1;
	[tilespmem:s26+$0xFFFFFFC0] =	vst v8;
	v13 =	vadd.f32 v4, v1;
	v4 =	vmul.f32 v16, v0;
	v15 =	vld.idx.msk [tilespmem:v17+s3+$0x0], $0xffff;
	v16 =	vcvt.f32.s32 v10  }
.Ltmp18:
0x20e: {  	v8 =	vmul.f32 v24, v0;
	v63 =	vadd.f32 v7, v1;
	v11 =	vadd.f32 v11, v1;
	v6 =	vld.idx.msk [tilespmem:v22+s3+$0x0], $0xffff;
	(pc) =	sbr.rel @!p3 .LBB2_32-.Ltmp18, $4  }
0x20f: {  	[tilespmem:s26+$0xFFFFFFD0] =	vst v9;
	v9 =	vmul.f32 v12, v0;
	v10 =	vtrunc.f32 v5;
	v5 =	vld.idx.msk [tilespmem:v20+s3+$0x0], $0xffff;
	vm2 =	vlt.s32 v16, $0x3FFF  }
0x210: {  	s28 =	simm.s32 $0xC770;
	v7 =	vld.idx.msk [tilespmem:v14+s3+$0x0], $0xffff;
	v19 =	vadd.f32 v4, v1;
	v14 =	vtrunc.f32 v13;
	v4 =	vnsel vm2, $0x3FFF, v16  }
0x211: {  	s30 =	simm.s32 $0x10;
	[tilespmem:s28+$0x0] =	vst v21;
	v12 =	vtrunc.f32 v11;
	v17 =	vadd.f32 v9, v1;
	v9 =	vld.idx.msk [tilespmem:v26+s3+$0x0], $0xffff;
	v16 =	vadd.f32 v8, v1  }
0x212: {  	s31 =	simm.s32 $0x4F70;
	p1 =	por $0x1, $0x1;
	s29 =	simm.s32 $0xC370;
	vm1 =	vlt.s32 v3, $0x3FFF;
	v11 =	vtrunc.f32 v63;
	[tilespmem:s26+$0xFFFFFFE0] =	vst v18;
	v13 =	vtrunc.f32 v19;
	v8 =	vld.idx.msk [tilespmem:v25+s3+$0x0], $0xffff  }
.LBB2_33:
0x213: {  	v18 =	vld [tilespmem:s31+$0x0];
	s30 =	sadd.s32 $0x8, s30;
	v10 =	vcvt.f32.s32 v10;
	v16 =	vtrunc.f32 v16;
	v19 =	vnsel vm0, $0x3FFF, v2;
	[tilespmem:s29+$0xFFFFFFF0] =	vst v15;
	s29 =	smov.u32 s28  }
0x214: {  	v14 =	vcvt.f32.s32 v14;
	v15 =	vld [tilespmem:s31+$0xFFFFFFA0];
	p3 =	slt.u32 s30, $0x78;
	v2 =	vtrunc.f32 v17;
	[tilespmem:s28+$0xFFFFFF90] =	vst v5;
	v5 =	vnsel vm1, $0x3FFF, v3  }
0x215: {  	v12 =	vcvt.f32.s32 v12;
	v17 =	vcvt.f32.s32 v2;
	vm2 =	vlt.s32 v10, $0x3FFF;
	v4 =	vld.idx.msk [tilespmem:v4+s3+$0x0], $0xffff;
	[tilespmem:s28+$0xFFFFFFA0] =	vst v6  }
0x216: {  	v13 =	vcvt.f32.s32 v13;
	vm3 =	vlt.s32 v14, $0x3FFF;
	v2 =	vcvt.f32.s32 v11;
	v6 =	vld [tilespmem:s31+$0xFFFFFFB0];
	[tilespmem:s28+$0xFFFFFFB0] =	vst v7  }
0x217: {  	v3 =	vcvt.f32.s32 v16;
	vm4 =	vlt.s32 v12, $0x3FFF;
	v7 =	vld [tilespmem:s31+$0xFFFFFFC0];
	vm1 =	vlt.s32 v17, $0x3FFF;
	[tilespmem:s28+$0xFFFFFFC0] =	vst v8  }
0x218: {  	vm5 =	vlt.s32 v13, $0x3FFF;
	vm0 =	vlt.s32 v2, $0x3FFF;
	v8 =	vld [tilespmem:s31+$0xFFFFFFD0];
	v11 =	vmul.f32 v18, v0;
	[tilespmem:s28+$0xFFFFFFD0] =	vst v9  }
0x219: {  	v17 =	vnsel vm1, $0x3FFF, v17;
	vm1 =	vlt.s32 v3, $0x3FFF;
	v9 =	vmul.f32 v15, v0;
	v16 =	vld [tilespmem:s31+$0xFFFFFFE0]  }
0x21a: {  	v20 =	vnsel vm2, $0x3FFF, v10;
	v14 =	vnsel vm3, $0x3FFF, v14;
	s28 =	sadd.s32 $0x400, s28;
	v18 =	vld [tilespmem:s31+$0xFFFFFFF0];
	v11 =	vadd.f32 v11, v1  }
0x21b: {  	v22 =	vnsel vm4, $0x3FFF, v12;
	v21 =	vld [tilespmem:s31+$0xFFFFFF90];
	v9 =	vadd.f32 v9, v1;
	v6 =	vmul.f32 v6, v0;
	[tilespmem:s28+$0x0] =	vst v4  }
0x21c: {  	v23 =	vnsel vm5, $0x3FFF, v13;
	v4 =	vmul.f32 v7, v0;
	v7 =	vtrunc.f32 v11;
	v19 =	vld.idx.msk [tilespmem:v19+s3+$0x0], $0xffff  }
0x21d: {  	v11 =	vadd.f32 v6, v1;
	v6 =	vmul.f32 v8, v0;
	v7 =	vcvt.f32.s32 v7;
	v15 =	vld.idx.msk [tilespmem:v5+s3+$0x0], $0xffff  }
.Ltmp19:
0x21e: {  	v10 =	vtrunc.f32 v9;
	v8 =	vadd.f32 v4, v1;
	v4 =	vmul.f32 v16, v0;
	v5 =	vld.idx.msk [tilespmem:v17+s3+$0x0], $0xffff;
	(pc) =	sbr.rel @p3 .LBB2_33-.Ltmp19, $4  }
0x21f: {  	v9 =	vadd.f32 v6, v1;
	v13 =	vmul.f32 v18, v0;
	vm2 =	vlt.s32 v7, $0x3FFF;
	v6 =	vld.idx.msk [tilespmem:v20+s3+$0x0], $0xffff  }
0x220: {  	v17 =	vmul.f32 v21, v0;
	v18 =	vadd.f32 v4, v1;
	v4 =	vnsel vm2, $0x3FFF, v7;
	v7 =	vld.idx.msk [tilespmem:v14+s3+$0x0], $0xffff  }
0x221: {  	v14 =	vtrunc.f32 v11;
	v12 =	vtrunc.f32 v8;
	v16 =	vadd.f32 v13, v1;
	v8 =	vld.idx.msk [tilespmem:v22+s3+$0x0], $0xffff  }
0x222: {  	s31 =	sadd.s32 $0x400, s31;
	v13 =	vtrunc.f32 v9;
	v17 =	vadd.f32 v17, v1;
	v11 =	vtrunc.f32 v18;
	v9 =	vld.idx.msk [tilespmem:v23+s3+$0x0], $0xffff;
	[tilespmem:s29+$0xFFFFFFE0] =	vst v19  }
.LBB2_34:
0x223: {  	v2 =	vnsel @p2 vm0, $0x3FFF, v2;
	v10 =	vcvt.f32.s32 v10  }
0x224: {  	v3 =	vnsel @p2 vm1, $0x3FFF, v3;
	v14 =	vcvt.f32.s32 v14;
	v12 =	vcvt.f32.s32 v12  }
0x225: {  	v13 =	vcvt.f32.s32 v13;
	v17 =	vtrunc.f32 v17;
	vm9 =	vlt.s32 v10, $0x3FFF  }
0x226: {  	v17 =	vcvt.f32.s32 v17;
	vm10 =	vlt.s32 v14, $0x3FFF;
	v10 =	vnsel vm9, $0x3FFF, v10  }
0x227: {  	v4 =	vld.idx.msk [tilespmem:v4+s3+$0x0], $0xffff;
	[tilespmem:s28+$0xFFFFFF90] =	vst @p2 v5;
	v5 =	vcvt.f32.s32 v11;
	vm11 =	vlt.s32 v12, $0x3FFF;
	v11 =	vnsel vm10, $0x3FFF, v14  }
0x228: {  	v16 =	vtrunc.f32 v16;
	[tilespmem:s29+$0xFFFFFFF0] =	vst @p1 v15;
	v12 =	vnsel vm11, $0x3FFF, v12;
	vm8 =	vlt.s32 v17, $0x3FFF;
	v2 =	vld.idx.msk @p2 [tilespmem:v2+s3+$0x0], $0xffff  }
0x229: {  	[tilespmem:s28+$0xFFFFFFA0] =	vst @p2 v6;
	v6 =	vcvt.f32.s32 v16;
	vm12 =	vlt.s32 v13, $0x3FFF;
	v17 =	vnsel vm8, $0x3FFF, v17;
	v3 =	vld.idx.msk @p2 [tilespmem:v3+s3+$0x0], $0xffff  }
0x22a: {  	s0 =	sadd.s32 @p2 $0x400, s28;
	[tilespmem:s28+$0xFFFFFFB0] =	vst @p2 v7;
	vm13 =	vlt.s32 v5, $0x3FFF;
	v7 =	vnsel vm12, $0x3FFF, v13  }
0x22b: {  	s26 =	smov.u32 @p2 s0;
	vm14 =	vlt.s32 v6, $0x3FFF;
	v5 =	vnsel vm13, $0x3FFF, v5;
	[tilespmem:s28+$0xFFFFFFD0] =	vst @p2 v9;
	v9 =	vld.idx.msk [tilespmem:v10+s3+$0x0], $0xffff  }
0x22c: {  	v6 =	vnsel vm14, $0x3FFF, v6;
	[tilespmem:s26+$0x0] =	vst v4;
	v4 =	vld.idx.msk [tilespmem:v11+s3+$0x0], $0xffff  }
0x22d: {  	s0 =	smov.u32 @p2 s28;
	[tilespmem:s28+$0xFFFFFFC0] =	vst @p2 v8;
	v10 =	vld.idx.msk [tilespmem:v12+s3+$0x0], $0xffff  }
0x22e: {  	v8 =	vld.idx.msk [tilespmem:v17+s3+$0x0], $0xffff;
	[tilespmem:s0+$0xFFFFFFE0] =	vst @p2 v2;
	v2 =	vpsel p2, v3, v0;
	s0 =	smov.u32 @p2 s0  }
0x22f: {  	v3 =	vld.idx.msk [tilespmem:v7+s3+$0x0], $0xffff;
	[tilespmem:s0+$0xFFFFFFF0] =	vst @p2 v2  }
0x230: {  	v2 =	vld.idx.msk [tilespmem:v5+s3+$0x0], $0xffff;
	[tilespmem:s26+$0xFFFFFFA0] =	vst v9  }
0x231: {  	v5 =	vld.idx.msk [tilespmem:v6+s3+$0x0], $0xffff;
	[tilespmem:s26+$0xFFFFFFB0] =	vst v4  }
0x232: {  	[tilespmem:s26+$0xFFFFFFC0] =	vst v10  }
0x233: {  	[tilespmem:s26+$0xFFFFFF90] =	vst v8  }
0x234: {  	[tilespmem:s26+$0xFFFFFFD0] =	vst v3  }
0x235: {  	[tilespmem:s26+$0xFFFFFFE0] =	vst v2  }
0x236: {  	s31 =	simm.s32 $0x43F0;
	[tilespmem:s26+$0xFFFFFFF0] =	vst v5  }
0x237: {  	v2 =	vld [tilespmem:s31+$0x0]  }
0x238: {  	v3 =	vld [tilespmem:s31+$0xFFFFFFA0]  }
0x239: {  	v4 =	vld [tilespmem:s31+$0xFFFFFFB0]  }
0x23a: {  	v5 =	vld [tilespmem:s31+$0xFFFFFFC0]  }
0x23b: {  	v6 =	vld [tilespmem:s31+$0xFFFFFFD0]  }
0x23c: {  	v7 =	vld [tilespmem:s31+$0xFFFFFFE0]  }
0x23d: {  	v8 =	vld [tilespmem:s31+$0xFFFFFFF0];
	v2 =	vmul.f32 v2, v0;
	v3 =	vmul.f32 v3, v0  }
0x23e: {  	v9 =	vld [tilespmem:s31+$0xFFFFFF90];
	v4 =	vmul.f32 v4, v0  }
0x23f: {  	v2 =	vadd.f32 v2, v1;
	v3 =	vadd.f32 v3, v1  }
0x240: {  	v5 =	vmul.f32 v5, v0;
	v11 =	vadd.f32 v4, v1;
	v4 =	vmul.f32 v6, v0  }
0x241: {  	p2 =	por $0x1, $0x1;
	v2 =	vtrunc.f32 v2;
	v10 =	vtrunc.f32 v3  }
.Ltmp20:
0x242: {  	v3 =	vadd.f32 v5, v1;
	v5 =	vmul.f32 v7, v0;
	v7 =	vmul.f32 v8, v0;
	(pc) =	sbr.rel @!p2 .LBB2_35-.Ltmp20, $4  }
0x243: {  	v6 =	vadd.f32 v4, v1;
	v8 =	vmul.f32 v9, v0;
	v2 =	vcvt.f32.s32 v2  }
0x244: {  	v14 =	vtrunc.f32 v11;
	v5 =	vadd.f32 v5, v1;
	v13 =	vtrunc.f32 v3  }
0x245: {  	p3 =	por $0x0, $0x0;
	v16 =	vadd.f32 v7, v1;
	v17 =	vadd.f32 v8, v1;
	vm15 =	vlt.s32 v2, $0x3FFF  }
0x246: {  	p1 =	por $0x0, $0x0;
	s0 =	simm.s32 $0x47F0;
	s26 =	simm.s32 $0xC3F0;
	v12 =	vtrunc.f32 v6;
	v4 =	vnsel vm15, $0x3FFF, v2;
	v11 =	vtrunc.f32 v5  }
0x247: {  	v5 =	vld [tilespmem:s0+$0x0];
	v6 =	vcvt.f32.s32 v10  }
0x248: {  	v3 =	vtrunc.f32 v16;
	v7 =	vld [tilespmem:s0+$0xFFFFFFA0];
	v2 =	vtrunc.f32 v17  }
0x249: {  	v8 =	vcvt.f32.s32 v14;
	v10 =	vcvt.f32.s32 v13;
	v13 =	vld [tilespmem:s0+$0xFFFFFFB0]  }
0x24a: {  	v12 =	vcvt.f32.s32 v12;
	v14 =	vld [tilespmem:s0+$0xFFFFFFD0];
	v9 =	vcvt.f32.s32 v2  }
0x24b: {  	v17 =	vld [tilespmem:s0+$0xFFFFFF90];
	v2 =	vcvt.f32.s32 v11;
	v3 =	vcvt.f32.s32 v3;
	vm2 =	vlt.s32 v6, $0x3FFF  }
0x24c: {  	v11 =	vld [tilespmem:s0+$0xFFFFFFC0];
	vm3 =	vlt.s32 v8, $0x3FFF;
	vm4 =	vlt.s32 v10, $0x3FFF;
	vm5 =	vlt.s32 v12, $0x3FFF  }
0x24d: {  	vm1 =	vlt.s32 v9, $0x3FFF;
	vm0 =	vlt.s32 v2, $0x3FFF;
	v6 =	vnsel vm2, $0x3FFF, v6  }
0x24e: {  	v15 =	vld [tilespmem:s0+$0xFFFFFFE0];
	v8 =	vnsel vm3, $0x3FFF, v8;
	v5 =	vmul.f32 v5, v0;
	v7 =	vmul.f32 v7, v0  }
0x24f: {  	v16 =	vld [tilespmem:s0+$0xFFFFFFF0];
	v19 =	vnsel vm5, $0x3FFF, v12;
	v9 =	vnsel vm1, $0x3FFF, v9;
	v13 =	vmul.f32 v13, v0  }
0x250: {  	v12 =	vld.idx.msk [tilespmem:v4+s3+$0x0], $0xffff;
	v4 =	vmul.f32 v14, v0;
	v5 =	vadd.f32 v5, v1;
	v7 =	vadd.f32 v7, v1  }
0x251: {  	v18 =	vnsel vm4, $0x3FFF, v10;
	v17 =	vmul.f32 v17, v0;
	v11 =	vmul.f32 v11, v0  }
0x252: {  	p4 =	por $0x1, $0x1;
	v13 =	vadd.f32 v13, v1;
	v5 =	vtrunc.f32 v5;
	v10 =	vtrunc.f32 v7  }
.Ltmp21:
0x253: {  	v17 =	vadd.f32 v17, v1;
	v6 =	vld.idx.msk [tilespmem:v6+s3+$0x0], $0xffff;
	v7 =	vmul.f32 v15, v0;
	v14 =	vcvt.f32.s32 v5;
	(pc) =	sbr.rel @!p4 .LBB2_37-.Ltmp21, $4  }
0x254: {  	vm1 =	vlt.s32 v3, $0x3FFF;
	v11 =	vadd.f32 v11, v1;
	v5 =	vld.idx.msk [tilespmem:v9+s3+$0x0], $0xffff;
	v9 =	vadd.f32 v4, v1  }
0x255: {  	v15 =	vmul.f32 v16, v0;
	v20 =	vadd.f32 v7, v1;
	v7 =	vld.idx.msk [tilespmem:v8+s3+$0x0], $0xffff;
	vm2 =	vlt.s32 v14, $0x3FFF  }
0x256: {  	[tilespmem:s26+$0x0] =	vst v12;
	v8 =	vld.idx.msk [tilespmem:v18+s3+$0x0], $0xffff;
	v12 =	vtrunc.f32 v9;
	v4 =	vnsel vm2, $0x3FFF, v14;
	v14 =	vtrunc.f32 v13  }
0x257: {  	p3 =	por $0x1, $0x1;
	s0 =	simm.s32 $0x4BF0;
	v16 =	vadd.f32 v15, v1;
	v9 =	vld.idx.msk [tilespmem:v19+s3+$0x0], $0xffff;
	v13 =	vtrunc.f32 v11;
	v11 =	vtrunc.f32 v20  }
0x258: {  	_ =	sdelay $0x1  }
0x259: {  	v15 =	vld [tilespmem:s0+$0x0];
	v10 =	vcvt.f32.s32 v10  }
0x25a: {  	v18 =	vnsel vm0, $0x3FFF, v2;
	v19 =	vld [tilespmem:s0+$0xFFFFFFA0];
	v2 =	vtrunc.f32 v17;
	v14 =	vcvt.f32.s32 v14  }
0x25b: {  	v13 =	vcvt.f32.s32 v13;
	v21 =	vld.idx.msk [tilespmem:v4+s3+$0x0], $0xffff;
	v12 =	vcvt.f32.s32 v12  }
0x25c: {  	v17 =	vnsel vm1, $0x3FFF, v3;
	v4 =	vld [tilespmem:s0+$0xFFFFFFB0];
	v16 =	vtrunc.f32 v16;
	v20 =	vcvt.f32.s32 v2  }
0x25d: {  	v23 =	vld [tilespmem:s0+$0xFFFFFFE0];
	v2 =	vcvt.f32.s32 v11;
	vm1 =	vlt.s32 v10, $0x3FFF;
	vm2 =	vlt.s32 v14, $0x3FFF  }
0x25e: {  	v11 =	vld [tilespmem:s0+$0xFFFFFFC0];
	vm3 =	vlt.s32 v13, $0x3FFF;
	v3 =	vcvt.f32.s32 v16;
	vm4 =	vlt.s32 v12, $0x3FFF  }
0x25f: {  	v16 =	vld [tilespmem:s0+$0xFFFFFFD0];
	vm0 =	vlt.s32 v20, $0x3FFF;
	v22 =	vnsel vm1, $0x3FFF, v10;
	v15 =	vmul.f32 v15, v0  }
0x260: {  	v24 =	vld [tilespmem:s0+$0xFFFFFFF0];
	v14 =	vnsel vm2, $0x3FFF, v14;
	v25 =	vnsel vm3, $0x3FFF, v13;
	v26 =	vnsel vm4, $0x3FFF, v12  }
0x261: {  	[tilespmem:s26+$0xFFFFFFA0] =	vst v6;
	v12 =	vld [tilespmem:s0+$0xFFFFFF90];
	v20 =	vnsel vm0, $0x3FFF, v20;
	v19 =	vmul.f32 v19, v0;
	v10 =	vadd.f32 v15, v1  }
0x262: {  	[tilespmem:s26+$0xFFFFFFB0] =	vst v7;
	vm0 =	vlt.s32 v2, $0x3FFF;
	v4 =	vmul.f32 v4, v0;
	v7 =	vmul.f32 v23, v0  }
0x263: {  	[tilespmem:s26+$0xFFFFFF90] =	vst v5;
	v18 =	vld.idx.msk [tilespmem:v18+s3+$0x0], $0xffff;
	v11 =	vmul.f32 v11, v0;
	v5 =	vadd.f32 v19, v1;
	v10 =	vtrunc.f32 v10  }
0x264: {  	p5 =	por $0x1, $0x1;
	[tilespmem:s26+$0xFFFFFFC0] =	vst v8;
	v13 =	vadd.f32 v4, v1;
	v4 =	vmul.f32 v16, v0;
	v15 =	vld.idx.msk [tilespmem:v17+s3+$0x0], $0xffff;
	v16 =	vcvt.f32.s32 v10  }
.Ltmp22:
0x265: {  	v8 =	vmul.f32 v24, v0;
	v63 =	vadd.f32 v7, v1;
	v11 =	vadd.f32 v11, v1;
	v6 =	vld.idx.msk [tilespmem:v22+s3+$0x0], $0xffff;
	(pc) =	sbr.rel @!p5 .LBB2_39-.Ltmp22, $4  }
0x266: {  	[tilespmem:s26+$0xFFFFFFD0] =	vst v9;
	v9 =	vmul.f32 v12, v0;
	v10 =	vtrunc.f32 v5;
	v5 =	vld.idx.msk [tilespmem:v20+s3+$0x0], $0xffff;
	vm2 =	vlt.s32 v16, $0x3FFF  }
0x267: {  	s28 =	simm.s32 $0xC7F0;
	v7 =	vld.idx.msk [tilespmem:v14+s3+$0x0], $0xffff;
	v19 =	vadd.f32 v4, v1;
	v14 =	vtrunc.f32 v13;
	v4 =	vnsel vm2, $0x3FFF, v16  }
0x268: {  	s30 =	simm.s32 $0x10;
	[tilespmem:s28+$0x0] =	vst v21;
	v13 =	vtrunc.f32 v11;
	v17 =	vadd.f32 v9, v1;
	v9 =	vld.idx.msk [tilespmem:v26+s3+$0x0], $0xffff;
	v16 =	vadd.f32 v8, v1  }
0x269: {  	s31 =	simm.s32 $0x4FF0;
	p4 =	por $0x1, $0x1;
	s29 =	simm.s32 $0xC3F0;
	vm1 =	vlt.s32 v3, $0x3FFF;
	v11 =	vtrunc.f32 v63;
	[tilespmem:s26+$0xFFFFFFE0] =	vst v18;
	v12 =	vtrunc.f32 v19;
	v8 =	vld.idx.msk [tilespmem:v25+s3+$0x0], $0xffff  }
.LBB2_40:
0x26a: {  	v18 =	vld [tilespmem:s31+$0x0];
	s30 =	sadd.s32 $0x8, s30;
	v10 =	vcvt.f32.s32 v10;
	v16 =	vtrunc.f32 v16;
	v19 =	vnsel vm0, $0x3FFF, v2;
	[tilespmem:s29+$0xFFFFFFF0] =	vst v15;
	s29 =	smov.u32 s28  }
0x26b: {  	v14 =	vcvt.f32.s32 v14;
	v15 =	vld [tilespmem:s31+$0xFFFFFFA0];
	p5 =	slt.u32 s30, $0x78;
	v2 =	vtrunc.f32 v17;
	[tilespmem:s28+$0xFFFFFF90] =	vst v5;
	v5 =	vnsel vm1, $0x3FFF, v3  }
0x26c: {  	v13 =	vcvt.f32.s32 v13;
	v17 =	vcvt.f32.s32 v2;
	vm2 =	vlt.s32 v10, $0x3FFF;
	v4 =	vld.idx.msk [tilespmem:v4+s3+$0x0], $0xffff;
	[tilespmem:s28+$0xFFFFFFA0] =	vst v6  }
0x26d: {  	v12 =	vcvt.f32.s32 v12;
	vm3 =	vlt.s32 v14, $0x3FFF;
	v2 =	vcvt.f32.s32 v11;
	v6 =	vld [tilespmem:s31+$0xFFFFFFB0];
	[tilespmem:s28+$0xFFFFFFB0] =	vst v7  }
0x26e: {  	v3 =	vcvt.f32.s32 v16;
	vm4 =	vlt.s32 v13, $0x3FFF;
	v7 =	vld [tilespmem:s31+$0xFFFFFFC0];
	vm1 =	vlt.s32 v17, $0x3FFF;
	[tilespmem:s28+$0xFFFFFFC0] =	vst v8  }
0x26f: {  	vm5 =	vlt.s32 v12, $0x3FFF;
	vm0 =	vlt.s32 v2, $0x3FFF;
	v8 =	vld [tilespmem:s31+$0xFFFFFFD0];
	v11 =	vmul.f32 v18, v0;
	[tilespmem:s28+$0xFFFFFFD0] =	vst v9  }
0x270: {  	v17 =	vnsel vm1, $0x3FFF, v17;
	vm1 =	vlt.s32 v3, $0x3FFF;
	v9 =	vmul.f32 v15, v0;
	v16 =	vld [tilespmem:s31+$0xFFFFFFE0]  }
0x271: {  	v20 =	vnsel vm2, $0x3FFF, v10;
	v14 =	vnsel vm3, $0x3FFF, v14;
	s28 =	sadd.s32 $0x400, s28;
	v18 =	vld [tilespmem:s31+$0xFFFFFFF0];
	v11 =	vadd.f32 v11, v1  }
0x272: {  	v22 =	vnsel vm4, $0x3FFF, v13;
	v21 =	vld [tilespmem:s31+$0xFFFFFF90];
	v9 =	vadd.f32 v9, v1;
	v6 =	vmul.f32 v6, v0;
	[tilespmem:s28+$0x0] =	vst v4  }
0x273: {  	v23 =	vnsel vm5, $0x3FFF, v12;
	v4 =	vmul.f32 v7, v0;
	v7 =	vtrunc.f32 v11;
	v19 =	vld.idx.msk [tilespmem:v19+s3+$0x0], $0xffff  }
0x274: {  	v11 =	vadd.f32 v6, v1;
	v6 =	vmul.f32 v8, v0;
	v7 =	vcvt.f32.s32 v7;
	v15 =	vld.idx.msk [tilespmem:v5+s3+$0x0], $0xffff  }
.Ltmp23:
0x275: {  	v10 =	vtrunc.f32 v9;
	v8 =	vadd.f32 v4, v1;
	v4 =	vmul.f32 v16, v0;
	v5 =	vld.idx.msk [tilespmem:v17+s3+$0x0], $0xffff;
	(pc) =	sbr.rel @p5 .LBB2_40-.Ltmp23, $4  }
0x276: {  	v9 =	vadd.f32 v6, v1;
	v12 =	vmul.f32 v18, v0;
	vm2 =	vlt.s32 v7, $0x3FFF;
	v6 =	vld.idx.msk [tilespmem:v20+s3+$0x0], $0xffff  }
0x277: {  	v17 =	vmul.f32 v21, v0;
	v18 =	vadd.f32 v4, v1;
	v4 =	vnsel vm2, $0x3FFF, v7;
	v7 =	vld.idx.msk [tilespmem:v14+s3+$0x0], $0xffff  }
0x278: {  	v14 =	vtrunc.f32 v11;
	v13 =	vtrunc.f32 v8;
	v16 =	vadd.f32 v12, v1;
	v8 =	vld.idx.msk [tilespmem:v22+s3+$0x0], $0xffff  }
0x279: {  	s31 =	sadd.s32 $0x400, s31;
	v12 =	vtrunc.f32 v9;
	v17 =	vadd.f32 v17, v1;
	v11 =	vtrunc.f32 v18;
	v9 =	vld.idx.msk [tilespmem:v23+s3+$0x0], $0xffff;
	[tilespmem:s29+$0xFFFFFFE0] =	vst v19  }
.LBB2_41:
0x27a: {  	v2 =	vnsel @p3 vm0, $0x3FFF, v2;
	v10 =	vcvt.f32.s32 v10  }
0x27b: {  	v3 =	vnsel @p3 vm1, $0x3FFF, v3;
	v14 =	vcvt.f32.s32 v14;
	v13 =	vcvt.f32.s32 v13  }
0x27c: {  	v12 =	vcvt.f32.s32 v12;
	v17 =	vtrunc.f32 v17;
	vm9 =	vlt.s32 v10, $0x3FFF  }
0x27d: {  	v17 =	vcvt.f32.s32 v17;
	vm10 =	vlt.s32 v14, $0x3FFF;
	v10 =	vnsel vm9, $0x3FFF, v10  }
0x27e: {  	v4 =	vld.idx.msk [tilespmem:v4+s3+$0x0], $0xffff;
	[tilespmem:s28+$0xFFFFFF90] =	vst @p3 v5;
	v5 =	vcvt.f32.s32 v11;
	vm11 =	vlt.s32 v13, $0x3FFF;
	v11 =	vnsel vm10, $0x3FFF, v14  }
0x27f: {  	v16 =	vtrunc.f32 v16;
	[tilespmem:s29+$0xFFFFFFF0] =	vst @p4 v15;
	v13 =	vnsel vm11, $0x3FFF, v13;
	vm8 =	vlt.s32 v17, $0x3FFF;
	v2 =	vld.idx.msk @p3 [tilespmem:v2+s3+$0x0], $0xffff  }
0x280: {  	[tilespmem:s28+$0xFFFFFFA0] =	vst @p3 v6;
	v6 =	vcvt.f32.s32 v16;
	vm12 =	vlt.s32 v12, $0x3FFF;
	v17 =	vnsel vm8, $0x3FFF, v17;
	v3 =	vld.idx.msk @p3 [tilespmem:v3+s3+$0x0], $0xffff  }
0x281: {  	s0 =	sadd.s32 @p3 $0x400, s28;
	[tilespmem:s28+$0xFFFFFFB0] =	vst @p3 v7;
	vm13 =	vlt.s32 v5, $0x3FFF;
	v7 =	vnsel vm12, $0x3FFF, v12  }
0x282: {  	s26 =	smov.u32 @p3 s0;
	vm14 =	vlt.s32 v6, $0x3FFF;
	v5 =	vnsel vm13, $0x3FFF, v5;
	[tilespmem:s28+$0xFFFFFFD0] =	vst @p3 v9;
	v9 =	vld.idx.msk [tilespmem:v10+s3+$0x0], $0xffff  }
0x283: {  	v6 =	vnsel vm14, $0x3FFF, v6;
	[tilespmem:s26+$0x0] =	vst v4;
	v4 =	vld.idx.msk [tilespmem:v11+s3+$0x0], $0xffff  }
0x284: {  	s0 =	smov.u32 @p3 s28;
	[tilespmem:s28+$0xFFFFFFC0] =	vst @p3 v8;
	v10 =	vld.idx.msk [tilespmem:v13+s3+$0x0], $0xffff  }
0x285: {  	v8 =	vld.idx.msk [tilespmem:v17+s3+$0x0], $0xffff;
	[tilespmem:s0+$0xFFFFFFE0] =	vst @p3 v2;
	v2 =	vpsel p3, v3, v0;
	s0 =	smov.u32 @p3 s0  }
0x286: {  	v3 =	vld.idx.msk [tilespmem:v7+s3+$0x0], $0xffff;
	[tilespmem:s0+$0xFFFFFFF0] =	vst @p3 v2  }
0x287: {  	v2 =	vld.idx.msk [tilespmem:v5+s3+$0x0], $0xffff;
	[tilespmem:s26+$0xFFFFFFA0] =	vst v9  }
0x288: {  	v5 =	vld.idx.msk [tilespmem:v6+s3+$0x0], $0xffff;
	[tilespmem:s26+$0xFFFFFFB0] =	vst v4  }
0x289: {  	[tilespmem:s26+$0xFFFFFFC0] =	vst v10  }
0x28a: {  	[tilespmem:s26+$0xFFFFFF90] =	vst v8  }
0x28b: {  	[tilespmem:s26+$0xFFFFFFD0] =	vst v3  }
0x28c: {  	[tilespmem:s26+$0xFFFFFFE0] =	vst v2  }
0x28d: {  	s31 =	simm.s32 $0x4470;
	[tilespmem:s26+$0xFFFFFFF0] =	vst v5  }
0x28e: {  	v2 =	vld [tilespmem:s31+$0x0]  }
0x28f: {  	v3 =	vld [tilespmem:s31+$0xFFFFFFA0]  }
0x290: {  	v4 =	vld [tilespmem:s31+$0xFFFFFFB0]  }
0x291: {  	v5 =	vld [tilespmem:s31+$0xFFFFFFC0]  }
0x292: {  	v6 =	vld [tilespmem:s31+$0xFFFFFFD0]  }
0x293: {  	v7 =	vld [tilespmem:s31+$0xFFFFFFE0]  }
0x294: {  	v8 =	vld [tilespmem:s31+$0xFFFFFFF0];
	v2 =	vmul.f32 v2, v0;
	v3 =	vmul.f32 v3, v0  }
0x295: {  	v9 =	vld [tilespmem:s31+$0xFFFFFF90];
	v4 =	vmul.f32 v4, v0  }
0x296: {  	v2 =	vadd.f32 v2, v1;
	v3 =	vadd.f32 v3, v1  }
0x297: {  	v5 =	vmul.f32 v5, v0;
	v11 =	vadd.f32 v4, v1;
	v4 =	vmul.f32 v6, v0  }
0x298: {  	v2 =	vtrunc.f32 v2;
	v10 =	vtrunc.f32 v3  }
.Ltmp24:
0x299: {  	v3 =	vadd.f32 v5, v1;
	v5 =	vmul.f32 v7, v0;
	v7 =	vmul.f32 v8, v0;
	(pc) =	sbr.rel @!p2 .LBB2_42-.Ltmp24, $4  }
0x29a: {  	v6 =	vadd.f32 v4, v1;
	v8 =	vmul.f32 v9, v0;
	v2 =	vcvt.f32.s32 v2  }
0x29b: {  	v14 =	vtrunc.f32 v11;
	v5 =	vadd.f32 v5, v1;
	v12 =	vtrunc.f32 v3  }
0x29c: {  	v16 =	vadd.f32 v7, v1;
	v17 =	vadd.f32 v8, v1;
	vm15 =	vlt.s32 v2, $0x3FFF  }
0x29d: {  	s28 =	simm.s32 $0xC470;
	s0 =	simm.s32 $0x4870;
	v13 =	vtrunc.f32 v6;
	v4 =	vnsel vm15, $0x3FFF, v2;
	v11 =	vtrunc.f32 v5  }
0x29e: {  	v5 =	vld [tilespmem:s0+$0x0];
	v6 =	vcvt.f32.s32 v10  }
0x29f: {  	v3 =	vtrunc.f32 v16;
	v7 =	vld [tilespmem:s0+$0xFFFFFFA0];
	v2 =	vtrunc.f32 v17  }
0x2a0: {  	v8 =	vcvt.f32.s32 v14;
	v10 =	vcvt.f32.s32 v12;
	v12 =	vld [tilespmem:s0+$0xFFFFFFB0]  }
0x2a1: {  	v13 =	vcvt.f32.s32 v13;
	v14 =	vld [tilespmem:s0+$0xFFFFFFD0];
	v9 =	vcvt.f32.s32 v2  }
0x2a2: {  	v17 =	vld [tilespmem:s0+$0xFFFFFF90];
	v2 =	vcvt.f32.s32 v11;
	v3 =	vcvt.f32.s32 v3;
	vm2 =	vlt.s32 v6, $0x3FFF  }
0x2a3: {  	v11 =	vld [tilespmem:s0+$0xFFFFFFC0];
	vm3 =	vlt.s32 v8, $0x3FFF;
	vm4 =	vlt.s32 v10, $0x3FFF;
	vm5 =	vlt.s32 v13, $0x3FFF  }
0x2a4: {  	vm1 =	vlt.s32 v9, $0x3FFF;
	vm0 =	vlt.s32 v2, $0x3FFF;
	v6 =	vnsel vm2, $0x3FFF, v6  }
0x2a5: {  	v15 =	vld [tilespmem:s0+$0xFFFFFFE0];
	v8 =	vnsel vm3, $0x3FFF, v8;
	v5 =	vmul.f32 v5, v0;
	v7 =	vmul.f32 v7, v0  }
0x2a6: {  	v16 =	vld [tilespmem:s0+$0xFFFFFFF0];
	v19 =	vnsel vm5, $0x3FFF, v13;
	v9 =	vnsel vm1, $0x3FFF, v9;
	v12 =	vmul.f32 v12, v0  }
0x2a7: {  	v13 =	vld.idx.msk [tilespmem:v4+s3+$0x0], $0xffff;
	v4 =	vmul.f32 v14, v0;
	v5 =	vadd.f32 v5, v1;
	v7 =	vadd.f32 v7, v1  }
0x2a8: {  	v18 =	vnsel vm4, $0x3FFF, v10;
	v17 =	vmul.f32 v17, v0;
	v11 =	vmul.f32 v11, v0  }
0x2a9: {  	p3 =	por $0x1, $0x1;
	v12 =	vadd.f32 v12, v1;
	v5 =	vtrunc.f32 v5;
	v10 =	vtrunc.f32 v7  }
.Ltmp25:
0x2aa: {  	v17 =	vadd.f32 v17, v1;
	v6 =	vld.idx.msk [tilespmem:v6+s3+$0x0], $0xffff;
	v7 =	vmul.f32 v15, v0;
	v14 =	vcvt.f32.s32 v5;
	(pc) =	sbr.rel @!p3 .LBB2_44-.Ltmp25, $4  }
0x2ab: {  	vm1 =	vlt.s32 v3, $0x3FFF;
	v11 =	vadd.f32 v11, v1;
	v5 =	vld.idx.msk [tilespmem:v9+s3+$0x0], $0xffff;
	v9 =	vadd.f32 v4, v1  }
0x2ac: {  	v15 =	vmul.f32 v16, v0;
	v20 =	vadd.f32 v7, v1;
	v7 =	vld.idx.msk [tilespmem:v8+s3+$0x0], $0xffff;
	vm2 =	vlt.s32 v14, $0x3FFF  }
0x2ad: {  	[tilespmem:s28+$0x0] =	vst v13;
	v8 =	vld.idx.msk [tilespmem:v18+s3+$0x0], $0xffff;
	v13 =	vtrunc.f32 v9;
	v4 =	vnsel vm2, $0x3FFF, v14;
	v14 =	vtrunc.f32 v12  }
0x2ae: {  	p2 =	por $0x1, $0x1;
	s0 =	simm.s32 $0x4C70;
	v16 =	vadd.f32 v15, v1;
	v9 =	vld.idx.msk [tilespmem:v19+s3+$0x0], $0xffff;
	v12 =	vtrunc.f32 v11;
	v11 =	vtrunc.f32 v20  }
0x2af: {  	_ =	sdelay $0x1  }
0x2b0: {  	v15 =	vld [tilespmem:s0+$0x0];
	v10 =	vcvt.f32.s32 v10  }
0x2b1: {  	v18 =	vnsel vm0, $0x3FFF, v2;
	v19 =	vld [tilespmem:s0+$0xFFFFFFA0];
	v2 =	vtrunc.f32 v17;
	v14 =	vcvt.f32.s32 v14  }
0x2b2: {  	v12 =	vcvt.f32.s32 v12;
	v21 =	vld.idx.msk [tilespmem:v4+s3+$0x0], $0xffff;
	v13 =	vcvt.f32.s32 v13  }
0x2b3: {  	v17 =	vnsel vm1, $0x3FFF, v3;
	v4 =	vld [tilespmem:s0+$0xFFFFFFB0];
	v16 =	vtrunc.f32 v16;
	v20 =	vcvt.f32.s32 v2  }
0x2b4: {  	v23 =	vld [tilespmem:s0+$0xFFFFFFE0];
	v2 =	vcvt.f32.s32 v11;
	vm1 =	vlt.s32 v10, $0x3FFF;
	vm2 =	vlt.s32 v14, $0x3FFF  }
0x2b5: {  	v11 =	vld [tilespmem:s0+$0xFFFFFFC0];
	vm3 =	vlt.s32 v12, $0x3FFF;
	v3 =	vcvt.f32.s32 v16;
	vm4 =	vlt.s32 v13, $0x3FFF  }
0x2b6: {  	v16 =	vld [tilespmem:s0+$0xFFFFFFD0];
	vm0 =	vlt.s32 v20, $0x3FFF;
	v22 =	vnsel vm1, $0x3FFF, v10;
	v15 =	vmul.f32 v15, v0  }
0x2b7: {  	v24 =	vld [tilespmem:s0+$0xFFFFFFF0];
	v14 =	vnsel vm2, $0x3FFF, v14;
	v25 =	vnsel vm3, $0x3FFF, v12;
	v26 =	vnsel vm4, $0x3FFF, v13  }
0x2b8: {  	[tilespmem:s28+$0xFFFFFFA0] =	vst v6;
	v12 =	vld [tilespmem:s0+$0xFFFFFF90];
	v20 =	vnsel vm0, $0x3FFF, v20;
	v19 =	vmul.f32 v19, v0;
	v10 =	vadd.f32 v15, v1  }
0x2b9: {  	[tilespmem:s28+$0xFFFFFFB0] =	vst v7;
	vm0 =	vlt.s32 v2, $0x3FFF;
	v4 =	vmul.f32 v4, v0;
	v7 =	vmul.f32 v23, v0  }
0x2ba: {  	[tilespmem:s28+$0xFFFFFF90] =	vst v5;
	v18 =	vld.idx.msk [tilespmem:v18+s3+$0x0], $0xffff;
	v11 =	vmul.f32 v11, v0;
	v5 =	vadd.f32 v19, v1;
	v10 =	vtrunc.f32 v10  }
0x2bb: {  	p3 =	por $0x1, $0x1;
	[tilespmem:s28+$0xFFFFFFC0] =	vst v8;
	v13 =	vadd.f32 v4, v1;
	v4 =	vmul.f32 v16, v0;
	v15 =	vld.idx.msk [tilespmem:v17+s3+$0x0], $0xffff;
	v16 =	vcvt.f32.s32 v10  }
.Ltmp26:
0x2bc: {  	v8 =	vmul.f32 v24, v0;
	v63 =	vadd.f32 v7, v1;
	v11 =	vadd.f32 v11, v1;
	v6 =	vld.idx.msk [tilespmem:v22+s3+$0x0], $0xffff;
	(pc) =	sbr.rel @!p3 .LBB2_46-.Ltmp26, $4  }
0x2bd: {  	[tilespmem:s28+$0xFFFFFFD0] =	vst v9;
	v9 =	vmul.f32 v12, v0;
	v10 =	vtrunc.f32 v5;
	v5 =	vld.idx.msk [tilespmem:v20+s3+$0x0], $0xffff;
	vm2 =	vlt.s32 v16, $0x3FFF  }
0x2be: {  	s26 =	simm.s32 $0xC870;
	v7 =	vld.idx.msk [tilespmem:v14+s3+$0x0], $0xffff;
	v19 =	vadd.f32 v4, v1;
	v14 =	vtrunc.f32 v13;
	v4 =	vnsel vm2, $0x3FFF, v16  }
0x2bf: {  	s30 =	simm.s32 $0x10;
	[tilespmem:s26+$0x0] =	vst v21;
	v12 =	vtrunc.f32 v11;
	v17 =	vadd.f32 v9, v1;
	v9 =	vld.idx.msk [tilespmem:v26+s3+$0x0], $0xffff;
	v16 =	vadd.f32 v8, v1  }
0x2c0: {  	s31 =	simm.s32 $0x5070;
	p1 =	por $0x1, $0x1;
	s29 =	simm.s32 $0xC470;
	vm1 =	vlt.s32 v3, $0x3FFF;
	v11 =	vtrunc.f32 v63;
	[tilespmem:s28+$0xFFFFFFE0] =	vst v18;
	v13 =	vtrunc.f32 v19;
	v8 =	vld.idx.msk [tilespmem:v25+s3+$0x0], $0xffff  }
.LBB2_47:
0x2c1: {  	v18 =	vld [tilespmem:s31+$0x0];
	s30 =	sadd.s32 $0x8, s30;
	v10 =	vcvt.f32.s32 v10;
	v16 =	vtrunc.f32 v16;
	v19 =	vnsel vm0, $0x3FFF, v2;
	[tilespmem:s29+$0xFFFFFFF0] =	vst v15;
	s29 =	smov.u32 s26  }
0x2c2: {  	v14 =	vcvt.f32.s32 v14;
	v15 =	vld [tilespmem:s31+$0xFFFFFFA0];
	p3 =	slt.u32 s30, $0x78;
	v2 =	vtrunc.f32 v17;
	[tilespmem:s26+$0xFFFFFF90] =	vst v5;
	v5 =	vnsel vm1, $0x3FFF, v3  }
0x2c3: {  	v12 =	vcvt.f32.s32 v12;
	v17 =	vcvt.f32.s32 v2;
	vm2 =	vlt.s32 v10, $0x3FFF;
	v4 =	vld.idx.msk [tilespmem:v4+s3+$0x0], $0xffff;
	[tilespmem:s26+$0xFFFFFFA0] =	vst v6  }
0x2c4: {  	v13 =	vcvt.f32.s32 v13;
	vm3 =	vlt.s32 v14, $0x3FFF;
	v2 =	vcvt.f32.s32 v11;
	v6 =	vld [tilespmem:s31+$0xFFFFFFB0];
	[tilespmem:s26+$0xFFFFFFB0] =	vst v7  }
0x2c5: {  	v3 =	vcvt.f32.s32 v16;
	vm4 =	vlt.s32 v12, $0x3FFF;
	v7 =	vld [tilespmem:s31+$0xFFFFFFC0];
	vm1 =	vlt.s32 v17, $0x3FFF;
	[tilespmem:s26+$0xFFFFFFC0] =	vst v8  }
0x2c6: {  	vm5 =	vlt.s32 v13, $0x3FFF;
	vm0 =	vlt.s32 v2, $0x3FFF;
	v8 =	vld [tilespmem:s31+$0xFFFFFFD0];
	v11 =	vmul.f32 v18, v0;
	[tilespmem:s26+$0xFFFFFFD0] =	vst v9  }
0x2c7: {  	v17 =	vnsel vm1, $0x3FFF, v17;
	vm1 =	vlt.s32 v3, $0x3FFF;
	v9 =	vmul.f32 v15, v0;
	v16 =	vld [tilespmem:s31+$0xFFFFFFE0]  }
0x2c8: {  	v20 =	vnsel vm2, $0x3FFF, v10;
	v14 =	vnsel vm3, $0x3FFF, v14;
	s26 =	sadd.s32 $0x400, s26;
	v18 =	vld [tilespmem:s31+$0xFFFFFFF0];
	v11 =	vadd.f32 v11, v1  }
0x2c9: {  	v22 =	vnsel vm4, $0x3FFF, v12;
	v21 =	vld [tilespmem:s31+$0xFFFFFF90];
	v9 =	vadd.f32 v9, v1;
	v6 =	vmul.f32 v6, v0;
	[tilespmem:s26+$0x0] =	vst v4  }
0x2ca: {  	v23 =	vnsel vm5, $0x3FFF, v13;
	v4 =	vmul.f32 v7, v0;
	v7 =	vtrunc.f32 v11;
	v19 =	vld.idx.msk [tilespmem:v19+s3+$0x0], $0xffff  }
0x2cb: {  	v11 =	vadd.f32 v6, v1;
	v6 =	vmul.f32 v8, v0;
	v7 =	vcvt.f32.s32 v7;
	v15 =	vld.idx.msk [tilespmem:v5+s3+$0x0], $0xffff  }
.Ltmp27:
0x2cc: {  	v10 =	vtrunc.f32 v9;
	v8 =	vadd.f32 v4, v1;
	v4 =	vmul.f32 v16, v0;
	v5 =	vld.idx.msk [tilespmem:v17+s3+$0x0], $0xffff;
	(pc) =	sbr.rel @p3 .LBB2_47-.Ltmp27, $4  }
0x2cd: {  	v9 =	vadd.f32 v6, v1;
	v13 =	vmul.f32 v18, v0;
	vm2 =	vlt.s32 v7, $0x3FFF;
	v6 =	vld.idx.msk [tilespmem:v20+s3+$0x0], $0xffff  }
0x2ce: {  	v17 =	vmul.f32 v21, v0;
	v18 =	vadd.f32 v4, v1;
	v4 =	vnsel vm2, $0x3FFF, v7;
	v7 =	vld.idx.msk [tilespmem:v14+s3+$0x0], $0xffff  }
0x2cf: {  	v14 =	vtrunc.f32 v11;
	v12 =	vtrunc.f32 v8;
	v16 =	vadd.f32 v13, v1;
	v8 =	vld.idx.msk [tilespmem:v22+s3+$0x0], $0xffff  }
0x2d0: {  	s31 =	sadd.s32 $0x400, s31;
	v13 =	vtrunc.f32 v9;
	v17 =	vadd.f32 v17, v1;
	v11 =	vtrunc.f32 v18;
	v9 =	vld.idx.msk [tilespmem:v23+s3+$0x0], $0xffff;
	[tilespmem:s29+$0xFFFFFFE0] =	vst v19  }
.LBB2_48:
0x2d1: {  	v2 =	vnsel @p2 vm0, $0x3FFF, v2;
	v10 =	vcvt.f32.s32 v10  }
0x2d2: {  	v3 =	vnsel @p2 vm1, $0x3FFF, v3;
	v16 =	vtrunc.f32 v16;
	v14 =	vcvt.f32.s32 v14  }
0x2d3: {  	v12 =	vcvt.f32.s32 v12;
	v17 =	vtrunc.f32 v17;
	vm10 =	vlt.s32 v10, $0x3FFF  }
0x2d4: {  	v57 =	vcvt.f32.s32 v16;
	vm11 =	vlt.s32 v14, $0x3FFF;
	v10 =	vnsel vm10, $0x3FFF, v10  }
0x2d5: {  	[tilespmem:s29+$0xFFFFFFF0] =	vst @p1 v15;
	v4 =	vld.idx.msk [tilespmem:v4+s3+$0x0], $0xffff;
	v17 =	vcvt.f32.s32 v17;
	vm12 =	vlt.s32 v12, $0x3FFF;
	v56 =	vnsel vm11, $0x3FFF, v14  }
0x2d6: {  	v13 =	vcvt.f32.s32 v13;
	[tilespmem:s26+$0xFFFFFF90] =	vst @p2 v5;
	v12 =	vnsel vm12, $0x3FFF, v12;
	vm15 =	vlt.s32 v57, $0x3FFF;
	v2 =	vld.idx.msk @p2 [tilespmem:v2+s3+$0x0], $0xffff  }
0x2d7: {  	v55 =	vcvt.f32.s32 v11;
	[tilespmem:s26+$0xFFFFFFA0] =	vst @p2 v6;
	vm9 =	vlt.s32 v17, $0x3FFF;
	v6 =	vnsel vm15, $0x3FFF, v57;
	v3 =	vld.idx.msk @p2 [tilespmem:v3+s3+$0x0], $0xffff  }
0x2d8: {  	vm13 =	vlt.s32 v13, $0x3FFF;
	[tilespmem:s26+$0xFFFFFFB0] =	vst @p2 v7;
	v17 =	vnsel vm9, $0x3FFF, v17  }
0x2d9: {  	s0 =	sadd.s32 @p2 $0x400, s26;
	vm14 =	vlt.s32 v55, $0x3FFF;
	v58 =	vnsel vm13, $0x3FFF, v13;
	[tilespmem:s26+$0xFFFFFFC0] =	vst @p2 v8;
	v60 =	vld.idx.msk [tilespmem:v10+s3+$0x0], $0xffff  }
0x2da: {  	s28 =	smov.u32 @p2 s0;
	v5 =	vnsel vm14, $0x3FFF, v55;
	[tilespmem:s26+$0xFFFFFFD0] =	vst @p2 v9;
	v61 =	vld.idx.msk [tilespmem:v56+s3+$0x0], $0xffff  }
0x2db: {  	s0 =	smov.u32 @p2 s26;
	[tilespmem:s28+$0x0] =	vst v4;
	v62 =	vld.idx.msk [tilespmem:v12+s3+$0x0], $0xffff  }
0x2dc: {  	v63 =	vld.idx.msk [tilespmem:v6+s3+$0x0], $0xffff;
	[tilespmem:s0+$0xFFFFFFE0] =	vst @p2 v2;
	v2 =	vpsel p2, v3, v0;
	s0 =	smov.u32 @p2 s0  }
0x2dd: {  	v59 =	vld.idx.msk [tilespmem:v17+s3+$0x0], $0xffff;
	[tilespmem:s0+$0xFFFFFFF0] =	vst @p2 v2  }
0x2de: {  	v3 =	vld.idx.msk [tilespmem:v58+s3+$0x0], $0xffff;
	[tilespmem:s28+$0xFFFFFFA0] =	vst v60  }
0x2df: {  	v2 =	vld.idx.msk [tilespmem:v5+s3+$0x0], $0xffff;
	[tilespmem:s28+$0xFFFFFFB0] =	vst v61  }
0x2e0: {  	p1 =	sne.s32 s24, $0xF;
	[tilespmem:s28+$0xFFFFFFC0] =	vst v62  }
.Ltmp28:
0x2e1: {  	[tilespmem:s28+$0xFFFFFFF0] =	vst v63;
	(pc) =	sbr.rel @p1 .LBB2_50-.Ltmp28, $4  }
0x2e2: {  	[tilespmem:s28+$0xFFFFFF90] =	vst v59  }
0x2e3: {  	s26 =	sshll.u32 s24, $0xC;
	[tilespmem:s28+$0xFFFFFFD0] =	vst v3  }
0x2e4: {  	s31 =	sadd.s32 s26, s8;
	[tilespmem:s28+$0xFFFFFFE0] =	vst v2  }
0x2e5: {  	[hbm4b:s31+s3] =	stream.linear.scatter [tilespmem:s18], [sflag:$0x3], $0x4000, $0x38;
	[tilespmem:$0x14080] =	vst v63  }
.Ltmp29:
0x2e6: {  	(pc) =	sbr.rel .LBB2_51-.Ltmp29, $4  }
0x2e7: {  	_ = 	snop  }
0x2e8: {  	_ =	swait.ge [sflag:s19], $0x4000  }
0x2e9: {  	[sflag:s19] =	ssyncset.done $0x0  }
0x2ea: {  	[sflag:s19] =	ssyncadd.s32 $0xFFFFC000  }
.LBB2_50:
0x2eb: {  	s0 =	sadd.s32 s25, s9  }
0x2ec: {  	s0 =	sshll.u32 s0, $0xB  }
0x2ed: {  	s0 =	sand.u32 $0x1FFFF000, s0  }
.Ltmp30:
0x2ee: {  	s0 =	sadd.s32 s1, s0;
	(pc) =	sbr.rel @p0 .LBB2_52-.Ltmp30, $4  }
0x2ef: {  	[tilespmem:s15], [sflag:$0x1] =	stream.linear.gather [hbm4b:s0+s3], $0x4000, $0x38;
	[tilespmem:$0x14080] =	vst v63  }
0x2f0: {  	_ =	swait.ge [sflag:s19], $0x4000  }
0x2f1: {  	[sflag:s19] =	ssyncset.done $0x0  }
0x2f2: {  	[sflag:s19] =	ssyncadd.s32 $0xFFFFC000  }
.LBB2_51:
0x2f3: {  	_ =	swait.ge [sflag:s20], $0x4000  }
0x2f4: {  	[sflag:s20] =	ssyncset.done $0x0  }
0x2f5: {  	[sflag:s20] =	ssyncadd.s32 $0xFFFFC000  }
.LBB2_52:
0x2f6: {  	s0 =	simm.s32 $0x80C0  }
0x2f7: {  	v2 =	vld [tilespmem:s0+$0x30]  }
0x2f8: {  	v3 =	vld [tilespmem:s0+$0xFFFFFFD0]  }
0x2f9: {  	v4 =	vld [tilespmem:s0+$0xFFFFFFE0]  }
0x2fa: {  	v5 =	vld [tilespmem:s0+$0xFFFFFFF0]  }
0x2fb: {  	v6 =	vld [tilespmem:s0+$0x0]  }
0x2fc: {  	v7 =	vld [tilespmem:s0+$0x10]  }
0x2fd: {  	v8 =	vld [tilespmem:s0+$0x20]  }
0x2fe: {  	s31 =	simm.s32 $0x84C0;
	v9 =	vld [tilespmem:s0+$0xFFFFFFC0]  }
0x2ff: {  	v10 =	vld [tilespmem:s31+$0x30]  }
0x300: {  	v11 =	vld [tilespmem:s31+$0xFFFFFFD0];
	v2 =	vmul.f32 v2, v0  }
0x301: {  	v12 =	vld [tilespmem:s31+$0xFFFFFFE0];
	v3 =	vmul.f32 v3, v0;
	v4 =	vmul.f32 v4, v0  }
0x302: {  	v13 =	vld [tilespmem:s31+$0xFFFFFFF0];
	v5 =	vmul.f32 v5, v0;
	v6 =	vmul.f32 v6, v0  }
0x303: {  	v7 =	vmul.f32 v7, v0;
	v8 =	vmul.f32 v8, v0  }
0x304: {  	v9 =	vmul.f32 v9, v0;
	v10 =	vmul.f32 v10, v0  }
0x305: {  	v11 =	vmul.f32 v11, v0;
	v2 =	vadd.f32 v2, v1;
	v3 =	vadd.f32 v3, v1  }
0x306: {  	v12 =	vmul.f32 v12, v0;
	v4 =	vadd.f32 v4, v1;
	v5 =	vadd.f32 v5, v1  }
0x307: {  	v13 =	vmul.f32 v13, v0;
	v6 =	vadd.f32 v6, v1;
	v7 =	vadd.f32 v7, v1  }
0x308: {  	v8 =	vadd.f32 v8, v1;
	v9 =	vadd.f32 v9, v1;
	v2 =	vtrunc.f32 v2  }
0x309: {  	v10 =	vadd.f32 v10, v1;
	v3 =	vtrunc.f32 v3;
	v4 =	vtrunc.f32 v4  }
0x30a: {  	v11 =	vadd.f32 v11, v1;
	v5 =	vtrunc.f32 v5;
	v6 =	vtrunc.f32 v6  }
0x30b: {  	v13 =	vadd.f32 v13, v1;
	v7 =	vtrunc.f32 v7;
	v8 =	vtrunc.f32 v8  }
0x30c: {  	v9 =	vtrunc.f32 v9;
	v10 =	vtrunc.f32 v10  }
0x30d: {  	v11 =	vtrunc.f32 v11;
	v13 =	vtrunc.f32 v13  }
0x30e: {  	v2 =	vcvt.f32.s32 v2;
	v3 =	vcvt.f32.s32 v3  }
0x30f: {  	v14 =	vld [tilespmem:s31+$0x0];
	v4 =	vcvt.f32.s32 v4;
	v9 =	vcvt.f32.s32 v9  }
0x310: {  	v15 =	vld [tilespmem:s31+$0x10];
	v5 =	vcvt.f32.s32 v5;
	v6 =	vcvt.f32.s32 v6  }
0x311: {  	v16 =	vld [tilespmem:s31+$0x20];
	v7 =	vcvt.f32.s32 v7;
	v8 =	vcvt.f32.s32 v8  }
0x312: {  	v17 =	vld [tilespmem:s31+$0xFFFFFFC0];
	s31 =	simm.s32 $0x88C0;
	v10 =	vcvt.f32.s32 v10;
	v11 =	vcvt.f32.s32 v11  }
0x313: {  	v19 =	vld [tilespmem:s31+$0xFFFFFFD0];
	v13 =	vcvt.f32.s32 v13;
	vm0 =	vlt.s32 v2, $0x3FFF;
	vm2 =	vlt.s32 v3, $0x3FFF  }
0x314: {  	vm3 =	vlt.s32 v4, $0x3FFF;
	vm1 =	vlt.s32 v9, $0x3FFF;
	v2 =	vnsel vm0, $0x3FFF, v2  }
0x315: {  	vm0 =	vlt.s32 v7, $0x3FFF;
	v9 =	vnsel vm1, $0x3FFF, v9;
	v3 =	vnsel vm2, $0x3FFF, v3  }
0x316: {  	v4 =	vnsel vm3, $0x3FFF, v4;
	vm2 =	vlt.s32 v10, $0x3FFF;
	vm3 =	vlt.s32 v13, $0x3FFF  }
0x317: {  	v24 =	vld [tilespmem:s31+$0x10];
	v10 =	vnsel vm2, $0x3FFF, v10;
	v7 =	vnsel vm0, $0x3FFF, v7;
	vm0 =	vlt.s32 v11, $0x3FFF  }
0x318: {  	v23 =	vnsel vm0, $0x3FFF, v11;
	v11 =	vmul.f32 v19, v0;
	v19 =	vnsel vm3, $0x3FFF, v13;
	v13 =	vld [tilespmem:s31+$0x20]  }
0x319: {  	v18 =	vld.idx.msk [tilespmem:v2+s3+$0x0], $0xffff;
	v2 =	vadd.f32 v12, v1;
	v12 =	vmul.f32 v14, v0;
	v14 =	vmul.f32 v15, v0  }
0x31a: {  	vm4 =	vlt.s32 v5, $0x3FFF;
	v15 =	vmul.f32 v16, v0;
	v16 =	vld.idx.msk [tilespmem:v3+s3+$0x0], $0xffff;
	v3 =	vmul.f32 v17, v0  }
0x31b: {  	vm5 =	vlt.s32 v6, $0x3FFF;
	v5 =	vnsel vm4, $0x3FFF, v5;
	v9 =	vld.idx.msk [tilespmem:v9+s3+$0x0], $0xffff;
	v12 =	vadd.f32 v12, v1  }
0x31c: {  	v17 =	vld [tilespmem:s31+$0x30];
	v14 =	vadd.f32 v14, v1;
	v2 =	vtrunc.f32 v2;
	v3 =	vadd.f32 v3, v1  }
0x31d: {  	v4 =	vld.idx.msk [tilespmem:v4+s3+$0x0], $0xffff;
	v15 =	vadd.f32 v15, v1;
	v20 =	vcvt.f32.s32 v2;
	v12 =	vtrunc.f32 v12  }
0x31e: {  	v6 =	vnsel vm5, $0x3FFF, v6;
	v22 =	vld.idx.msk [tilespmem:v10+s3+$0x0], $0xffff;
	v14 =	vtrunc.f32 v14;
	v3 =	vtrunc.f32 v3  }
0x31f: {  	vm1 =	vlt.s32 v8, $0x3FFF;
	v10 =	vld [tilespmem:s31+$0xFFFFFFE0];
	v15 =	vtrunc.f32 v15;
	v21 =	vcvt.f32.s32 v3  }
0x320: {  	v11 =	vadd.f32 v11, v1;
	v12 =	vcvt.f32.s32 v12;
	v3 =	vcvt.f32.s32 v14;
	v14 =	vld [tilespmem:s31+$0xFFFFFFF0]  }
0x321: {  	v8 =	vnsel vm1, $0x3FFF, v8;
	v2 =	vcvt.f32.s32 v15;
	v15 =	vld [tilespmem:s31+$0x0];
	v17 =	vmul.f32 v17, v0  }
0x322: {  	s29 =	simm.s32 $0x100C0;
	v5 =	vld.idx.msk [tilespmem:v5+s3+$0x0], $0xffff;
	v11 =	vtrunc.f32 v11;
	vm1 =	vlt.s32 v20, $0x3FFF;
	vm2 =	vlt.s32 v21, $0x3FFF  }
0x323: {  	v6 =	vld.idx.msk [tilespmem:v6+s3+$0x0], $0xffff;
	[tilespmem:s29+$0x30] =	vst v18;
	v17 =	vadd.f32 v17, v1;
	v21 =	vnsel vm2, $0x3FFF, v21;
	vm2 =	vlt.s32 v12, $0x3FFF  }
0x324: {  	[tilespmem:s29+$0xFFFFFFC0] =	vst v9;
	v20 =	vnsel vm1, $0x3FFF, v20;
	v10 =	vmul.f32 v10, v0;
	v18 =	vnsel vm2, $0x3FFF, v12;
	v12 =	vld [tilespmem:s31+$0xFFFFFFC0]  }
0x325: {  	v25 =	vld.idx.msk [tilespmem:v7+s3+$0x0], $0xffff;
	[tilespmem:s29+$0xFFFFFFD0] =	vst v16;
	vm0 =	vlt.s32 v3, $0x3FFF;
	v9 =	vtrunc.f32 v17;
	v14 =	vmul.f32 v14, v0  }
0x326: {  	[tilespmem:s29+$0xFFFFFFE0] =	vst v4;
	v4 =	vld.idx.msk [tilespmem:v23+s3+$0x0], $0xffff;
	v16 =	vadd.f32 v10, v1;
	v10 =	vmul.f32 v15, v0;
	v15 =	vcvt.f32.s32 v9  }
0x327: {  	vm1 =	vlt.s32 v2, $0x3FFF;
	v9 =	vld.idx.msk [tilespmem:v8+s3+$0x0], $0xffff;
	v8 =	vadd.f32 v14, v1;
	v14 =	vmul.f32 v24, v0  }
0x328: {  	[tilespmem:s29+$0xFFFFFFF0] =	vst v5;
	v17 =	vmul.f32 v13, v0;
	v62 =	vadd.f32 v10, v1;
	vm2 =	vlt.s32 v15, $0x3FFF;
	v7 =	vld.idx.msk [tilespmem:v21+s3+$0x0], $0xffff  }
0x329: {  	s28 =	simm.s32 $0x104C0;
	[tilespmem:s29+$0x0] =	vst v6;
	v6 =	vld.idx.msk [tilespmem:v19+s3+$0x0], $0xffff;
	v10 =	vnsel vm2, $0x3FFF, v15;
	v12 =	vmul.f32 v12, v0;
	v63 =	vadd.f32 v14, v1  }
0x32a: {  	[tilespmem:s28+$0x30] =	vst v22;
	v5 =	vld.idx.msk [tilespmem:v20+s3+$0x0], $0xffff;
	v15 =	vtrunc.f32 v16;
	v16 =	vadd.f32 v17, v1;
	v13 =	vtrunc.f32 v8  }
0x32b: {  	s30 =	simm.s32 $0x10;
	s0 =	simm.s32 $0x8CC0;
	[tilespmem:s29+$0x10] =	vst v25;
	v14 =	vtrunc.f32 v62;
	v8 =	vld.idx.msk [tilespmem:v18+s3+$0x0], $0xffff;
	v17 =	vadd.f32 v12, v1;
	v12 =	vtrunc.f32 v63  }
.LBB2_53:
0x32c: {  	v18 =	vld [tilespmem:s0+$0x30];
	s30 =	sadd.s32 $0x8, s30;
	v11 =	vcvt.f32.s32 v11;
	v16 =	vtrunc.f32 v16;
	v19 =	vnsel vm0, $0x3FFF, v3;
	[tilespmem:s29+$0x20] =	vst v9;
	s29 =	smov.u32 s28  }
0x32d: {  	v15 =	vcvt.f32.s32 v15;
	v9 =	vld [tilespmem:s0+$0xFFFFFFD0];
	p0 =	slt.u32 s30, $0x78;
	v3 =	vtrunc.f32 v17;
	[tilespmem:s28+$0xFFFFFFC0] =	vst v7;
	v7 =	vnsel vm1, $0x3FFF, v2  }
0x32e: {  	v13 =	vcvt.f32.s32 v13;
	v17 =	vcvt.f32.s32 v3;
	vm2 =	vlt.s32 v11, $0x3FFF;
	v10 =	vld.idx.msk [tilespmem:v10+s3+$0x0], $0xffff;
	[tilespmem:s28+$0xFFFFFFD0] =	vst v4  }
0x32f: {  	v14 =	vcvt.f32.s32 v14;
	vm3 =	vlt.s32 v15, $0x3FFF;
	v3 =	vcvt.f32.s32 v12;
	v4 =	vld [tilespmem:s0+$0xFFFFFFE0];
	[tilespmem:s28+$0xFFFFFFE0] =	vst v5  }
0x330: {  	v2 =	vcvt.f32.s32 v16;
	vm4 =	vlt.s32 v13, $0x3FFF;
	v5 =	vld [tilespmem:s0+$0xFFFFFFF0];
	vm1 =	vlt.s32 v17, $0x3FFF;
	[tilespmem:s28+$0xFFFFFFF0] =	vst v6  }
0x331: {  	vm5 =	vlt.s32 v14, $0x3FFF;
	vm0 =	vlt.s32 v3, $0x3FFF;
	v6 =	vld [tilespmem:s0+$0x0];
	v12 =	vmul.f32 v18, v0;
	[tilespmem:s28+$0x0] =	vst v8  }
0x332: {  	v17 =	vnsel vm1, $0x3FFF, v17;
	vm1 =	vlt.s32 v2, $0x3FFF;
	v8 =	vmul.f32 v9, v0;
	v16 =	vld [tilespmem:s0+$0x10]  }
0x333: {  	v15 =	vnsel vm3, $0x3FFF, v15;
	s28 =	sadd.s32 $0x400, s28;
	v18 =	vld [tilespmem:s0+$0x20];
	v9 =	vadd.f32 v12, v1;
	v12 =	vnsel vm2, $0x3FFF, v11  }
0x334: {  	v21 =	vnsel vm4, $0x3FFF, v13;
	v20 =	vld [tilespmem:s0+$0xFFFFFFC0];
	v8 =	vadd.f32 v8, v1;
	v4 =	vmul.f32 v4, v0;
	[tilespmem:s28+$0x30] =	vst v10  }
0x335: {  	v22 =	vnsel vm5, $0x3FFF, v14;
	v5 =	vmul.f32 v5, v0;
	v9 =	vtrunc.f32 v9;
	v19 =	vld.idx.msk [tilespmem:v19+s3+$0x0], $0xffff  }
0x336: {  	v13 =	vadd.f32 v4, v1;
	v4 =	vmul.f32 v6, v0;
	v6 =	vcvt.f32.s32 v9;
	v9 =	vld.idx.msk [tilespmem:v7+s3+$0x0], $0xffff  }
.Ltmp31:
0x337: {  	v11 =	vtrunc.f32 v8;
	v8 =	vadd.f32 v5, v1;
	v5 =	vmul.f32 v16, v0;
	v7 =	vld.idx.msk [tilespmem:v17+s3+$0x0], $0xffff;
	(pc) =	sbr.rel @p0 .LBB2_53-.Ltmp31, $4  }
0x338: {  	v14 =	vadd.f32 v4, v1;
	v16 =	vmul.f32 v18, v0;
	vm2 =	vlt.s32 v6, $0x3FFF;
	v4 =	vld.idx.msk [tilespmem:v12+s3+$0x0], $0xffff  }
0x339: {  	v12 =	vmul.f32 v20, v0;
	v18 =	vadd.f32 v5, v1;
	v10 =	vnsel vm2, $0x3FFF, v6;
	v5 =	vld.idx.msk [tilespmem:v15+s3+$0x0], $0xffff  }
0x33a: {  	v15 =	vtrunc.f32 v13;
	v13 =	vtrunc.f32 v8;
	v16 =	vadd.f32 v16, v1;
	v6 =	vld.idx.msk [tilespmem:v21+s3+$0x0], $0xffff  }
0x33b: {  	s0 =	sadd.s32 $0x400, s0;
	v14 =	vtrunc.f32 v14;
	v17 =	vadd.f32 v12, v1;
	v12 =	vtrunc.f32 v18;
	v8 =	vld.idx.msk [tilespmem:v22+s3+$0x0], $0xffff;
	[tilespmem:s29+$0x10] =	vst v19  }
0x33c: {  	v11 =	vcvt.f32.s32 v11;
	v16 =	vtrunc.f32 v16  }
0x33d: {  	v3 =	vnsel vm0, $0x3FFF, v3;
	v13 =	vcvt.f32.s32 v13;
	v17 =	vtrunc.f32 v17  }
0x33e: {  	v2 =	vnsel vm1, $0x3FFF, v2;
	v17 =	vcvt.f32.s32 v17;
	vm1 =	vlt.s32 v11, $0x3FFF  }
0x33f: {  	v15 =	vcvt.f32.s32 v15;
	v11 =	vnsel vm1, $0x3FFF, v11;
	vm1 =	vlt.s32 v13, $0x3FFF  }
0x340: {  	[tilespmem:s29+$0x20] =	vst v9;
	v9 =	vcvt.f32.s32 v14;
	vm0 =	vlt.s32 v17, $0x3FFF;
	v13 =	vnsel vm1, $0x3FFF, v13  }
0x341: {  	[tilespmem:s28+$0xFFFFFFC0] =	vst v7;
	v7 =	vld.idx.msk [tilespmem:v10+s3+$0x0], $0xffff;
	v10 =	vcvt.f32.s32 v12;
	v17 =	vnsel vm0, $0x3FFF, v17;
	vm0 =	vlt.s32 v15, $0x3FFF  }
0x342: {  	[tilespmem:s28+$0xFFFFFFD0] =	vst v4;
	v4 =	vcvt.f32.s32 v16;
	v3 =	vld.idx.msk [tilespmem:v3+s3+$0x0], $0xffff;
	v12 =	vnsel vm0, $0x3FFF, v15;
	vm0 =	vlt.s32 v9, $0x3FFF  }
0x343: {  	[tilespmem:s28+$0xFFFFFFE0] =	vst v5;
	vm1 =	vlt.s32 v10, $0x3FFF;
	v2 =	vld.idx.msk [tilespmem:v2+s3+$0x0], $0xffff;
	v5 =	vnsel vm0, $0x3FFF, v9  }
0x344: {  	[tilespmem:s28+$0x0] =	vst v8;
	vm0 =	vlt.s32 v4, $0x3FFF;
	v9 =	vnsel vm1, $0x3FFF, v10;
	v8 =	vld.idx.msk [tilespmem:v11+s3+$0x0], $0xffff  }
0x345: {  	s0 =	sadd.s32 $0x400, s28;
	[tilespmem:s28+$0xFFFFFFF0] =	vst v6;
	v4 =	vnsel vm0, $0x3FFF, v4;
	v10 =	vld.idx.msk [tilespmem:v13+s3+$0x0], $0xffff  }
0x346: {  	[tilespmem:s0+$0x30] =	vst v7;
	v6 =	vld.idx.msk [tilespmem:v17+s3+$0x0], $0xffff  }
0x347: {  	[tilespmem:s28+$0x10] =	vst v3;
	v7 =	vld.idx.msk [tilespmem:v12+s3+$0x0], $0xffff  }
0x348: {  	[tilespmem:s28+$0x20] =	vst v2;
	v3 =	vld.idx.msk [tilespmem:v5+s3+$0x0], $0xffff  }
0x349: {  	v2 =	vld.idx.msk [tilespmem:v9+s3+$0x0], $0xffff;
	[tilespmem:s0+$0xFFFFFFD0] =	vst v8  }
0x34a: {  	v4 =	vld.idx.msk [tilespmem:v4+s3+$0x0], $0xffff;
	[tilespmem:s0+$0xFFFFFFF0] =	vst v10  }
0x34b: {  	[tilespmem:s0+$0xFFFFFFC0] =	vst v6  }
0x34c: {  	[tilespmem:s0+$0xFFFFFFE0] =	vst v7  }
0x34d: {  	[tilespmem:s0+$0x0] =	vst v3  }
0x34e: {  	[tilespmem:s0+$0x10] =	vst v2  }
0x34f: {  	s28 =	simm.s32 $0x8170;
	[tilespmem:s0+$0x20] =	vst v4  }
0x350: {  	v2 =	vld [tilespmem:s28+$0x0]  }
0x351: {  	v3 =	vld [tilespmem:s28+$0xFFFFFFA0]  }
0x352: {  	v4 =	vld [tilespmem:s28+$0xFFFFFFB0]  }
0x353: {  	v5 =	vld [tilespmem:s28+$0xFFFFFFC0]  }
0x354: {  	v6 =	vld [tilespmem:s28+$0xFFFFFFD0]  }
0x355: {  	v7 =	vld [tilespmem:s28+$0xFFFFFFE0]  }
0x356: {  	v8 =	vld [tilespmem:s28+$0xFFFFFFF0]  }
0x357: {  	s31 =	simm.s32 $0x8570;
	v9 =	vld [tilespmem:s28+$0xFFFFFF90]  }
0x358: {  	v10 =	vld [tilespmem:s31+$0x0]  }
0x359: {  	v11 =	vld [tilespmem:s31+$0xFFFFFFA0];
	v2 =	vmul.f32 v2, v0  }
0x35a: {  	v12 =	vld [tilespmem:s31+$0xFFFFFFB0];
	v3 =	vmul.f32 v3, v0;
	v4 =	vmul.f32 v4, v0  }
0x35b: {  	v13 =	vld [tilespmem:s31+$0xFFFFFFC0];
	v5 =	vmul.f32 v5, v0;
	v6 =	vmul.f32 v6, v0  }
0x35c: {  	v7 =	vmul.f32 v7, v0;
	v8 =	vmul.f32 v8, v0  }
0x35d: {  	v9 =	vmul.f32 v9, v0;
	v10 =	vmul.f32 v10, v0  }
0x35e: {  	v11 =	vmul.f32 v11, v0;
	v2 =	vadd.f32 v2, v1;
	v3 =	vadd.f32 v3, v1  }
0x35f: {  	v12 =	vmul.f32 v12, v0;
	v4 =	vadd.f32 v4, v1;
	v5 =	vadd.f32 v5, v1  }
0x360: {  	v13 =	vmul.f32 v13, v0;
	v6 =	vadd.f32 v6, v1;
	v7 =	vadd.f32 v7, v1  }
0x361: {  	v8 =	vadd.f32 v8, v1;
	v9 =	vadd.f32 v9, v1;
	v2 =	vtrunc.f32 v2  }
0x362: {  	v10 =	vadd.f32 v10, v1;
	v3 =	vtrunc.f32 v3;
	v4 =	vtrunc.f32 v4  }
0x363: {  	v11 =	vadd.f32 v11, v1;
	v5 =	vtrunc.f32 v5;
	v6 =	vtrunc.f32 v6  }
0x364: {  	v13 =	vadd.f32 v13, v1;
	v7 =	vtrunc.f32 v7;
	v8 =	vtrunc.f32 v8  }
0x365: {  	v9 =	vtrunc.f32 v9;
	v10 =	vtrunc.f32 v10  }
0x366: {  	v11 =	vtrunc.f32 v11;
	v13 =	vtrunc.f32 v13  }
0x367: {  	v2 =	vcvt.f32.s32 v2;
	v3 =	vcvt.f32.s32 v3  }
0x368: {  	v14 =	vld [tilespmem:s31+$0xFFFFFFD0];
	v4 =	vcvt.f32.s32 v4;
	v9 =	vcvt.f32.s32 v9  }
0x369: {  	v15 =	vld [tilespmem:s31+$0xFFFFFFE0];
	v5 =	vcvt.f32.s32 v5;
	v6 =	vcvt.f32.s32 v6  }
0x36a: {  	v16 =	vld [tilespmem:s31+$0xFFFFFFF0];
	v7 =	vcvt.f32.s32 v7;
	v8 =	vcvt.f32.s32 v8  }
0x36b: {  	v17 =	vld [tilespmem:s31+$0xFFFFFF90];
	s31 =	simm.s32 $0x8970;
	v10 =	vcvt.f32.s32 v10;
	v11 =	vcvt.f32.s32 v11  }
0x36c: {  	v19 =	vld [tilespmem:s31+$0xFFFFFFA0];
	v13 =	vcvt.f32.s32 v13;
	vm0 =	vlt.s32 v2, $0x3FFF;
	vm2 =	vlt.s32 v3, $0x3FFF  }
0x36d: {  	vm3 =	vlt.s32 v4, $0x3FFF;
	vm1 =	vlt.s32 v9, $0x3FFF;
	v2 =	vnsel vm0, $0x3FFF, v2  }
0x36e: {  	vm0 =	vlt.s32 v7, $0x3FFF;
	v9 =	vnsel vm1, $0x3FFF, v9;
	v3 =	vnsel vm2, $0x3FFF, v3  }
0x36f: {  	v4 =	vnsel vm3, $0x3FFF, v4;
	vm2 =	vlt.s32 v10, $0x3FFF;
	vm3 =	vlt.s32 v13, $0x3FFF  }
0x370: {  	v24 =	vld [tilespmem:s31+$0xFFFFFFE0];
	v10 =	vnsel vm2, $0x3FFF, v10;
	v7 =	vnsel vm0, $0x3FFF, v7;
	vm0 =	vlt.s32 v11, $0x3FFF  }
0x371: {  	v23 =	vnsel vm0, $0x3FFF, v11;
	v11 =	vmul.f32 v19, v0;
	v19 =	vnsel vm3, $0x3FFF, v13;
	v13 =	vld [tilespmem:s31+$0xFFFFFFF0]  }
0x372: {  	v18 =	vld.idx.msk [tilespmem:v2+s3+$0x0], $0xffff;
	v2 =	vadd.f32 v12, v1;
	v12 =	vmul.f32 v14, v0;
	v14 =	vmul.f32 v15, v0  }
0x373: {  	vm4 =	vlt.s32 v5, $0x3FFF;
	v15 =	vmul.f32 v16, v0;
	v16 =	vld.idx.msk [tilespmem:v3+s3+$0x0], $0xffff;
	v3 =	vmul.f32 v17, v0  }
0x374: {  	vm5 =	vlt.s32 v6, $0x3FFF;
	v5 =	vnsel vm4, $0x3FFF, v5;
	v9 =	vld.idx.msk [tilespmem:v9+s3+$0x0], $0xffff;
	v12 =	vadd.f32 v12, v1  }
0x375: {  	v17 =	vld [tilespmem:s31+$0x0];
	v14 =	vadd.f32 v14, v1;
	v2 =	vtrunc.f32 v2;
	v3 =	vadd.f32 v3, v1  }
0x376: {  	v4 =	vld.idx.msk [tilespmem:v4+s3+$0x0], $0xffff;
	v15 =	vadd.f32 v15, v1;
	v20 =	vcvt.f32.s32 v2;
	v12 =	vtrunc.f32 v12  }
0x377: {  	v6 =	vnsel vm5, $0x3FFF, v6;
	v22 =	vld.idx.msk [tilespmem:v10+s3+$0x0], $0xffff;
	v14 =	vtrunc.f32 v14;
	v3 =	vtrunc.f32 v3  }
0x378: {  	vm1 =	vlt.s32 v8, $0x3FFF;
	v10 =	vld [tilespmem:s31+$0xFFFFFFB0];
	v15 =	vtrunc.f32 v15;
	v21 =	vcvt.f32.s32 v3  }
0x379: {  	v11 =	vadd.f32 v11, v1;
	v12 =	vcvt.f32.s32 v12;
	v3 =	vcvt.f32.s32 v14;
	v14 =	vld [tilespmem:s31+$0xFFFFFFC0]  }
0x37a: {  	v8 =	vnsel vm1, $0x3FFF, v8;
	v2 =	vcvt.f32.s32 v15;
	v15 =	vld [tilespmem:s31+$0xFFFFFFD0];
	v17 =	vmul.f32 v17, v0  }
0x37b: {  	s29 =	simm.s32 $0x10170;
	v5 =	vld.idx.msk [tilespmem:v5+s3+$0x0], $0xffff;
	v11 =	vtrunc.f32 v11;
	vm1 =	vlt.s32 v20, $0x3FFF;
	vm2 =	vlt.s32 v21, $0x3FFF  }
0x37c: {  	v6 =	vld.idx.msk [tilespmem:v6+s3+$0x0], $0xffff;
	[tilespmem:s29+$0x0] =	vst v18;
	v17 =	vadd.f32 v17, v1;
	v21 =	vnsel vm2, $0x3FFF, v21;
	vm2 =	vlt.s32 v12, $0x3FFF  }
0x37d: {  	[tilespmem:s29+$0xFFFFFF90] =	vst v9;
	v20 =	vnsel vm1, $0x3FFF, v20;
	v10 =	vmul.f32 v10, v0;
	v18 =	vnsel vm2, $0x3FFF, v12;
	v12 =	vld [tilespmem:s31+$0xFFFFFF90]  }
0x37e: {  	v25 =	vld.idx.msk [tilespmem:v7+s3+$0x0], $0xffff;
	[tilespmem:s29+$0xFFFFFFA0] =	vst v16;
	vm0 =	vlt.s32 v3, $0x3FFF;
	v9 =	vtrunc.f32 v17;
	v14 =	vmul.f32 v14, v0  }
0x37f: {  	[tilespmem:s29+$0xFFFFFFB0] =	vst v4;
	v4 =	vld.idx.msk [tilespmem:v23+s3+$0x0], $0xffff;
	v16 =	vadd.f32 v10, v1;
	v10 =	vmul.f32 v15, v0;
	v15 =	vcvt.f32.s32 v9  }
0x380: {  	vm1 =	vlt.s32 v2, $0x3FFF;
	v9 =	vld.idx.msk [tilespmem:v8+s3+$0x0], $0xffff;
	v8 =	vadd.f32 v14, v1;
	v14 =	vmul.f32 v24, v0  }
0x381: {  	[tilespmem:s29+$0xFFFFFFC0] =	vst v5;
	v17 =	vmul.f32 v13, v0;
	v62 =	vadd.f32 v10, v1;
	vm2 =	vlt.s32 v15, $0x3FFF;
	v7 =	vld.idx.msk [tilespmem:v21+s3+$0x0], $0xffff  }
0x382: {  	s28 =	simm.s32 $0x10570;
	[tilespmem:s29+$0xFFFFFFD0] =	vst v6;
	v6 =	vld.idx.msk [tilespmem:v19+s3+$0x0], $0xffff;
	v10 =	vnsel vm2, $0x3FFF, v15;
	v12 =	vmul.f32 v12, v0;
	v63 =	vadd.f32 v14, v1  }
0x383: {  	[tilespmem:s28+$0x0] =	vst v22;
	v5 =	vld.idx.msk [tilespmem:v20+s3+$0x0], $0xffff;
	v15 =	vtrunc.f32 v16;
	v16 =	vadd.f32 v17, v1;
	v13 =	vtrunc.f32 v8  }
0x384: {  	s30 =	simm.s32 $0x10;
	s0 =	simm.s32 $0x8D70;
	[tilespmem:s29+$0xFFFFFFE0] =	vst v25;
	v14 =	vtrunc.f32 v62;
	v8 =	vld.idx.msk [tilespmem:v18+s3+$0x0], $0xffff;
	v17 =	vadd.f32 v12, v1;
	v12 =	vtrunc.f32 v63  }
.LBB2_55:
0x385: {  	v18 =	vld [tilespmem:s0+$0x0];
	s30 =	sadd.s32 $0x8, s30;
	v11 =	vcvt.f32.s32 v11;
	v16 =	vtrunc.f32 v16;
	v19 =	vnsel vm0, $0x3FFF, v3;
	[tilespmem:s29+$0xFFFFFFF0] =	vst v9;
	s29 =	smov.u32 s28  }
0x386: {  	v15 =	vcvt.f32.s32 v15;
	v9 =	vld [tilespmem:s0+$0xFFFFFFA0];
	p0 =	slt.u32 s30, $0x78;
	v3 =	vtrunc.f32 v17;
	[tilespmem:s28+$0xFFFFFF90] =	vst v7;
	v7 =	vnsel vm1, $0x3FFF, v2  }
0x387: {  	v13 =	vcvt.f32.s32 v13;
	v17 =	vcvt.f32.s32 v3;
	vm2 =	vlt.s32 v11, $0x3FFF;
	v10 =	vld.idx.msk [tilespmem:v10+s3+$0x0], $0xffff;
	[tilespmem:s28+$0xFFFFFFA0] =	vst v4  }
0x388: {  	v14 =	vcvt.f32.s32 v14;
	vm3 =	vlt.s32 v15, $0x3FFF;
	v3 =	vcvt.f32.s32 v12;
	v4 =	vld [tilespmem:s0+$0xFFFFFFB0];
	[tilespmem:s28+$0xFFFFFFB0] =	vst v5  }
0x389: {  	v2 =	vcvt.f32.s32 v16;
	vm4 =	vlt.s32 v13, $0x3FFF;
	v5 =	vld [tilespmem:s0+$0xFFFFFFC0];
	vm1 =	vlt.s32 v17, $0x3FFF;
	[tilespmem:s28+$0xFFFFFFC0] =	vst v6  }
0x38a: {  	vm5 =	vlt.s32 v14, $0x3FFF;
	vm0 =	vlt.s32 v3, $0x3FFF;
	v6 =	vld [tilespmem:s0+$0xFFFFFFD0];
	v12 =	vmul.f32 v18, v0;
	[tilespmem:s28+$0xFFFFFFD0] =	vst v8  }
0x38b: {  	v17 =	vnsel vm1, $0x3FFF, v17;
	vm1 =	vlt.s32 v2, $0x3FFF;
	v8 =	vmul.f32 v9, v0;
	v16 =	vld [tilespmem:s0+$0xFFFFFFE0]  }
0x38c: {  	v15 =	vnsel vm3, $0x3FFF, v15;
	s28 =	sadd.s32 $0x400, s28;
	v18 =	vld [tilespmem:s0+$0xFFFFFFF0];
	v9 =	vadd.f32 v12, v1;
	v12 =	vnsel vm2, $0x3FFF, v11  }
0x38d: {  	v21 =	vnsel vm4, $0x3FFF, v13;
	v20 =	vld [tilespmem:s0+$0xFFFFFF90];
	v8 =	vadd.f32 v8, v1;
	v4 =	vmul.f32 v4, v0;
	[tilespmem:s28+$0x0] =	vst v10  }
0x38e: {  	v22 =	vnsel vm5, $0x3FFF, v14;
	v5 =	vmul.f32 v5, v0;
	v9 =	vtrunc.f32 v9;
	v19 =	vld.idx.msk [tilespmem:v19+s3+$0x0], $0xffff  }
0x38f: {  	v13 =	vadd.f32 v4, v1;
	v4 =	vmul.f32 v6, v0;
	v6 =	vcvt.f32.s32 v9;
	v9 =	vld.idx.msk [tilespmem:v7+s3+$0x0], $0xffff  }
.Ltmp32:
0x390: {  	v11 =	vtrunc.f32 v8;
	v8 =	vadd.f32 v5, v1;
	v5 =	vmul.f32 v16, v0;
	v7 =	vld.idx.msk [tilespmem:v17+s3+$0x0], $0xffff;
	(pc) =	sbr.rel @p0 .LBB2_55-.Ltmp32, $4  }
0x391: {  	v14 =	vadd.f32 v4, v1;
	v16 =	vmul.f32 v18, v0;
	vm2 =	vlt.s32 v6, $0x3FFF;
	v4 =	vld.idx.msk [tilespmem:v12+s3+$0x0], $0xffff  }
0x392: {  	v12 =	vmul.f32 v20, v0;
	v18 =	vadd.f32 v5, v1;
	v10 =	vnsel vm2, $0x3FFF, v6;
	v5 =	vld.idx.msk [tilespmem:v15+s3+$0x0], $0xffff  }
0x393: {  	v15 =	vtrunc.f32 v13;
	v13 =	vtrunc.f32 v8;
	v16 =	vadd.f32 v16, v1;
	v6 =	vld.idx.msk [tilespmem:v21+s3+$0x0], $0xffff  }
0x394: {  	s0 =	sadd.s32 $0x400, s0;
	v14 =	vtrunc.f32 v14;
	v17 =	vadd.f32 v12, v1;
	v12 =	vtrunc.f32 v18;
	v8 =	vld.idx.msk [tilespmem:v22+s3+$0x0], $0xffff;
	[tilespmem:s29+$0xFFFFFFE0] =	vst v19  }
0x395: {  	_ =	sdelay $0x1  }
0x396: {  	v11 =	vcvt.f32.s32 v11;
	v16 =	vtrunc.f32 v16;
	v3 =	vnsel vm0, $0x3FFF, v3  }
0x397: {  	v15 =	vcvt.f32.s32 v15;
	v2 =	vnsel vm1, $0x3FFF, v2;
	v13 =	vcvt.f32.s32 v13  }
0x398: {  	[tilespmem:s28+$0xFFFFFF90] =	vst v7;
	v7 =	vld.idx.msk [tilespmem:v10+s3+$0x0], $0xffff;
	v10 =	vcvt.f32.s32 v12;
	v17 =	vtrunc.f32 v17;
	vm9 =	vlt.s32 v11, $0x3FFF  }
0x399: {  	[tilespmem:s28+$0xFFFFFFA0] =	vst v4;
	v4 =	vcvt.f32.s32 v16;
	vm10 =	vlt.s32 v15, $0x3FFF;
	v11 =	vnsel vm9, $0x3FFF, v11  }
0x39a: {  	v17 =	vcvt.f32.s32 v17;
	vm11 =	vlt.s32 v13, $0x3FFF;
	v12 =	vnsel vm10, $0x3FFF, v15  }
0x39b: {  	[tilespmem:s29+$0xFFFFFFF0] =	vst v9;
	v9 =	vcvt.f32.s32 v14;
	v13 =	vnsel vm11, $0x3FFF, v13;
	vm14 =	vlt.s32 v4, $0x3FFF  }
0x39c: {  	vm8 =	vlt.s32 v17, $0x3FFF;
	v4 =	vnsel vm14, $0x3FFF, v4;
	v3 =	vld.idx.msk [tilespmem:v3+s3+$0x0], $0xffff  }
0x39d: {  	vm12 =	vlt.s32 v9, $0x3FFF;
	[tilespmem:s28+$0xFFFFFFB0] =	vst v5;
	v17 =	vnsel vm8, $0x3FFF, v17;
	v2 =	vld.idx.msk [tilespmem:v2+s3+$0x0], $0xffff  }
0x39e: {  	s0 =	sadd.s32 $0x400, s28;
	vm13 =	vlt.s32 v10, $0x3FFF;
	v5 =	vnsel vm12, $0x3FFF, v9;
	[tilespmem:s28+$0xFFFFFFD0] =	vst v8;
	v8 =	vld.idx.msk [tilespmem:v11+s3+$0x0], $0xffff  }
0x39f: {  	v9 =	vnsel vm13, $0x3FFF, v10;
	[tilespmem:s0+$0x0] =	vst v7;
	v7 =	vld.idx.msk [tilespmem:v12+s3+$0x0], $0xffff  }
0x3a0: {  	[tilespmem:s28+$0xFFFFFFC0] =	vst v6;
	v10 =	vld.idx.msk [tilespmem:v13+s3+$0x0], $0xffff  }
0x3a1: {  	v4 =	vld.idx.msk [tilespmem:v4+s3+$0x0], $0xffff;
	[tilespmem:s28+$0xFFFFFFE0] =	vst v3  }
0x3a2: {  	v6 =	vld.idx.msk [tilespmem:v17+s3+$0x0], $0xffff;
	[tilespmem:s28+$0xFFFFFFF0] =	vst v2  }
0x3a3: {  	v3 =	vld.idx.msk [tilespmem:v5+s3+$0x0], $0xffff;
	[tilespmem:s0+$0xFFFFFFA0] =	vst v8  }
0x3a4: {  	v2 =	vld.idx.msk [tilespmem:v9+s3+$0x0], $0xffff;
	[tilespmem:s0+$0xFFFFFFB0] =	vst v7  }
0x3a5: {  	[tilespmem:s0+$0xFFFFFFC0] =	vst v10  }
0x3a6: {  	[tilespmem:s0+$0xFFFFFFF0] =	vst v4  }
0x3a7: {  	[tilespmem:s0+$0xFFFFFF90] =	vst v6  }
0x3a8: {  	[tilespmem:s0+$0xFFFFFFD0] =	vst v3  }
0x3a9: {  	s28 =	simm.s32 $0x81F0;
	[tilespmem:s0+$0xFFFFFFE0] =	vst v2  }
0x3aa: {  	v2 =	vld [tilespmem:s28+$0x0]  }
0x3ab: {  	v3 =	vld [tilespmem:s28+$0xFFFFFFA0]  }
0x3ac: {  	v4 =	vld [tilespmem:s28+$0xFFFFFFB0]  }
0x3ad: {  	v5 =	vld [tilespmem:s28+$0xFFFFFFC0]  }
0x3ae: {  	v6 =	vld [tilespmem:s28+$0xFFFFFFD0]  }
0x3af: {  	v7 =	vld [tilespmem:s28+$0xFFFFFFE0]  }
0x3b0: {  	v8 =	vld [tilespmem:s28+$0xFFFFFFF0];
	v2 =	vmul.f32 v2, v0;
	v3 =	vmul.f32 v3, v0  }
0x3b1: {  	v9 =	vld [tilespmem:s28+$0xFFFFFF90];
	v4 =	vmul.f32 v4, v0  }
0x3b2: {  	v2 =	vadd.f32 v2, v1;
	v3 =	vadd.f32 v3, v1  }
0x3b3: {  	v5 =	vmul.f32 v5, v0;
	v11 =	vadd.f32 v4, v1;
	v4 =	vmul.f32 v6, v0  }
0x3b4: {  	p1 =	por $0x1, $0x1;
	v2 =	vtrunc.f32 v2;
	v10 =	vtrunc.f32 v3  }
.Ltmp33:
0x3b5: {  	v3 =	vadd.f32 v5, v1;
	v5 =	vmul.f32 v7, v0;
	v7 =	vmul.f32 v8, v0;
	(pc) =	sbr.rel @!p1 .LBB2_57-.Ltmp33, $4  }
0x3b6: {  	v6 =	vadd.f32 v4, v1;
	v8 =	vmul.f32 v9, v0;
	v2 =	vcvt.f32.s32 v2  }
0x3b7: {  	v14 =	vtrunc.f32 v11;
	v5 =	vadd.f32 v5, v1;
	v13 =	vtrunc.f32 v3  }
0x3b8: {  	p2 =	por $0x0, $0x0;
	v16 =	vadd.f32 v7, v1;
	v17 =	vadd.f32 v8, v1;
	vm15 =	vlt.s32 v2, $0x3FFF  }
0x3b9: {  	p0 =	por $0x0, $0x0;
	s0 =	simm.s32 $0x85F0;
	s28 =	simm.s32 $0x101F0;
	v12 =	vtrunc.f32 v6;
	v4 =	vnsel vm15, $0x3FFF, v2;
	v11 =	vtrunc.f32 v5  }
0x3ba: {  	v5 =	vld [tilespmem:s0+$0x0];
	v6 =	vcvt.f32.s32 v10  }
0x3bb: {  	v3 =	vtrunc.f32 v16;
	v7 =	vld [tilespmem:s0+$0xFFFFFFA0];
	v2 =	vtrunc.f32 v17  }
0x3bc: {  	v8 =	vcvt.f32.s32 v14;
	v10 =	vcvt.f32.s32 v13;
	v13 =	vld [tilespmem:s0+$0xFFFFFFB0]  }
0x3bd: {  	v12 =	vcvt.f32.s32 v12;
	v14 =	vld [tilespmem:s0+$0xFFFFFFD0];
	v9 =	vcvt.f32.s32 v2  }
0x3be: {  	v17 =	vld [tilespmem:s0+$0xFFFFFF90];
	v2 =	vcvt.f32.s32 v11;
	v3 =	vcvt.f32.s32 v3;
	vm2 =	vlt.s32 v6, $0x3FFF  }
0x3bf: {  	v11 =	vld [tilespmem:s0+$0xFFFFFFC0];
	vm3 =	vlt.s32 v8, $0x3FFF;
	vm4 =	vlt.s32 v10, $0x3FFF;
	vm5 =	vlt.s32 v12, $0x3FFF  }
0x3c0: {  	vm1 =	vlt.s32 v9, $0x3FFF;
	vm0 =	vlt.s32 v2, $0x3FFF;
	v6 =	vnsel vm2, $0x3FFF, v6  }
0x3c1: {  	v15 =	vld [tilespmem:s0+$0xFFFFFFE0];
	v8 =	vnsel vm3, $0x3FFF, v8;
	v5 =	vmul.f32 v5, v0;
	v7 =	vmul.f32 v7, v0  }
0x3c2: {  	v16 =	vld [tilespmem:s0+$0xFFFFFFF0];
	v19 =	vnsel vm5, $0x3FFF, v12;
	v9 =	vnsel vm1, $0x3FFF, v9;
	v13 =	vmul.f32 v13, v0  }
0x3c3: {  	v12 =	vld.idx.msk [tilespmem:v4+s3+$0x0], $0xffff;
	v4 =	vmul.f32 v14, v0;
	v5 =	vadd.f32 v5, v1;
	v7 =	vadd.f32 v7, v1  }
0x3c4: {  	v18 =	vnsel vm4, $0x3FFF, v10;
	v17 =	vmul.f32 v17, v0;
	v11 =	vmul.f32 v11, v0  }
0x3c5: {  	p3 =	por $0x1, $0x1;
	v13 =	vadd.f32 v13, v1;
	v5 =	vtrunc.f32 v5;
	v10 =	vtrunc.f32 v7  }
.Ltmp34:
0x3c6: {  	v17 =	vadd.f32 v17, v1;
	v6 =	vld.idx.msk [tilespmem:v6+s3+$0x0], $0xffff;
	v7 =	vmul.f32 v15, v0;
	v14 =	vcvt.f32.s32 v5;
	(pc) =	sbr.rel @!p3 .LBB2_59-.Ltmp34, $4  }
0x3c7: {  	vm1 =	vlt.s32 v3, $0x3FFF;
	v11 =	vadd.f32 v11, v1;
	v5 =	vld.idx.msk [tilespmem:v9+s3+$0x0], $0xffff;
	v9 =	vadd.f32 v4, v1  }
0x3c8: {  	v15 =	vmul.f32 v16, v0;
	v20 =	vadd.f32 v7, v1;
	v7 =	vld.idx.msk [tilespmem:v8+s3+$0x0], $0xffff;
	vm2 =	vlt.s32 v14, $0x3FFF  }
0x3c9: {  	[tilespmem:s28+$0x0] =	vst v12;
	v8 =	vld.idx.msk [tilespmem:v18+s3+$0x0], $0xffff;
	v12 =	vtrunc.f32 v9;
	v4 =	vnsel vm2, $0x3FFF, v14;
	v14 =	vtrunc.f32 v13  }
0x3ca: {  	p2 =	por $0x1, $0x1;
	s0 =	simm.s32 $0x89F0;
	v16 =	vadd.f32 v15, v1;
	v9 =	vld.idx.msk [tilespmem:v19+s3+$0x0], $0xffff;
	v13 =	vtrunc.f32 v11;
	v11 =	vtrunc.f32 v20  }
0x3cb: {  	_ =	sdelay $0x1  }
0x3cc: {  	v15 =	vld [tilespmem:s0+$0x0];
	v10 =	vcvt.f32.s32 v10  }
0x3cd: {  	v18 =	vnsel vm0, $0x3FFF, v2;
	v19 =	vld [tilespmem:s0+$0xFFFFFFA0];
	v2 =	vtrunc.f32 v17;
	v14 =	vcvt.f32.s32 v14  }
0x3ce: {  	v13 =	vcvt.f32.s32 v13;
	v21 =	vld.idx.msk [tilespmem:v4+s3+$0x0], $0xffff;
	v12 =	vcvt.f32.s32 v12  }
0x3cf: {  	v17 =	vnsel vm1, $0x3FFF, v3;
	v4 =	vld [tilespmem:s0+$0xFFFFFFB0];
	v16 =	vtrunc.f32 v16;
	v20 =	vcvt.f32.s32 v2  }
0x3d0: {  	v23 =	vld [tilespmem:s0+$0xFFFFFFE0];
	v2 =	vcvt.f32.s32 v11;
	vm1 =	vlt.s32 v10, $0x3FFF;
	vm2 =	vlt.s32 v14, $0x3FFF  }
0x3d1: {  	v11 =	vld [tilespmem:s0+$0xFFFFFFC0];
	vm3 =	vlt.s32 v13, $0x3FFF;
	v3 =	vcvt.f32.s32 v16;
	vm4 =	vlt.s32 v12, $0x3FFF  }
0x3d2: {  	v16 =	vld [tilespmem:s0+$0xFFFFFFD0];
	vm0 =	vlt.s32 v20, $0x3FFF;
	v22 =	vnsel vm1, $0x3FFF, v10;
	v15 =	vmul.f32 v15, v0  }
0x3d3: {  	v24 =	vld [tilespmem:s0+$0xFFFFFFF0];
	v14 =	vnsel vm2, $0x3FFF, v14;
	v25 =	vnsel vm3, $0x3FFF, v13;
	v26 =	vnsel vm4, $0x3FFF, v12  }
0x3d4: {  	[tilespmem:s28+$0xFFFFFFA0] =	vst v6;
	v12 =	vld [tilespmem:s0+$0xFFFFFF90];
	v20 =	vnsel vm0, $0x3FFF, v20;
	v19 =	vmul.f32 v19, v0;
	v10 =	vadd.f32 v15, v1  }
0x3d5: {  	[tilespmem:s28+$0xFFFFFFB0] =	vst v7;
	vm0 =	vlt.s32 v2, $0x3FFF;
	v4 =	vmul.f32 v4, v0;
	v7 =	vmul.f32 v23, v0  }
0x3d6: {  	[tilespmem:s28+$0xFFFFFF90] =	vst v5;
	v18 =	vld.idx.msk [tilespmem:v18+s3+$0x0], $0xffff;
	v11 =	vmul.f32 v11, v0;
	v5 =	vadd.f32 v19, v1;
	v10 =	vtrunc.f32 v10  }
0x3d7: {  	p4 =	por $0x1, $0x1;
	[tilespmem:s28+$0xFFFFFFC0] =	vst v8;
	v13 =	vadd.f32 v4, v1;
	v4 =	vmul.f32 v16, v0;
	v15 =	vld.idx.msk [tilespmem:v17+s3+$0x0], $0xffff;
	v16 =	vcvt.f32.s32 v10  }
.Ltmp35:
0x3d8: {  	v8 =	vmul.f32 v24, v0;
	v63 =	vadd.f32 v7, v1;
	v11 =	vadd.f32 v11, v1;
	v6 =	vld.idx.msk [tilespmem:v22+s3+$0x0], $0xffff;
	(pc) =	sbr.rel @!p4 .LBB2_61-.Ltmp35, $4  }
0x3d9: {  	[tilespmem:s28+$0xFFFFFFD0] =	vst v9;
	v9 =	vmul.f32 v12, v0;
	v10 =	vtrunc.f32 v5;
	v5 =	vld.idx.msk [tilespmem:v20+s3+$0x0], $0xffff;
	vm2 =	vlt.s32 v16, $0x3FFF  }
0x3da: {  	s29 =	simm.s32 $0x105F0;
	v7 =	vld.idx.msk [tilespmem:v14+s3+$0x0], $0xffff;
	v19 =	vadd.f32 v4, v1;
	v14 =	vtrunc.f32 v13;
	v4 =	vnsel vm2, $0x3FFF, v16  }
0x3db: {  	s31 =	simm.s32 $0x10;
	[tilespmem:s29+$0x0] =	vst v21;
	v13 =	vtrunc.f32 v11;
	v17 =	vadd.f32 v9, v1;
	v9 =	vld.idx.msk [tilespmem:v26+s3+$0x0], $0xffff;
	v16 =	vadd.f32 v8, v1  }
0x3dc: {  	p3 =	por $0x1, $0x1;
	s30 =	simm.s32 $0x101F0;
	s0 =	simm.s32 $0x8DF0;
	vm1 =	vlt.s32 v3, $0x3FFF;
	v11 =	vtrunc.f32 v63;
	[tilespmem:s28+$0xFFFFFFE0] =	vst v18;
	v12 =	vtrunc.f32 v19;
	v8 =	vld.idx.msk [tilespmem:v25+s3+$0x0], $0xffff  }
.LBB2_62:
0x3dd: {  	v18 =	vld [tilespmem:s0+$0x0];
	s31 =	sadd.s32 $0x8, s31;
	v10 =	vcvt.f32.s32 v10;
	v16 =	vtrunc.f32 v16;
	v19 =	vnsel vm0, $0x3FFF, v2;
	[tilespmem:s30+$0xFFFFFFF0] =	vst v15;
	s30 =	smov.u32 s29  }
0x3de: {  	v14 =	vcvt.f32.s32 v14;
	v15 =	vld [tilespmem:s0+$0xFFFFFFA0];
	p4 =	slt.u32 s31, $0x78;
	v2 =	vtrunc.f32 v17;
	[tilespmem:s29+$0xFFFFFF90] =	vst v5;
	v5 =	vnsel vm1, $0x3FFF, v3  }
0x3df: {  	v13 =	vcvt.f32.s32 v13;
	v17 =	vcvt.f32.s32 v2;
	vm2 =	vlt.s32 v10, $0x3FFF;
	v4 =	vld.idx.msk [tilespmem:v4+s3+$0x0], $0xffff;
	[tilespmem:s29+$0xFFFFFFA0] =	vst v6  }
0x3e0: {  	v12 =	vcvt.f32.s32 v12;
	vm3 =	vlt.s32 v14, $0x3FFF;
	v2 =	vcvt.f32.s32 v11;
	v6 =	vld [tilespmem:s0+$0xFFFFFFB0];
	[tilespmem:s29+$0xFFFFFFB0] =	vst v7  }
0x3e1: {  	v3 =	vcvt.f32.s32 v16;
	vm4 =	vlt.s32 v13, $0x3FFF;
	v7 =	vld [tilespmem:s0+$0xFFFFFFC0];
	vm1 =	vlt.s32 v17, $0x3FFF;
	[tilespmem:s29+$0xFFFFFFC0] =	vst v8  }
0x3e2: {  	vm5 =	vlt.s32 v12, $0x3FFF;
	vm0 =	vlt.s32 v2, $0x3FFF;
	v8 =	vld [tilespmem:s0+$0xFFFFFFD0];
	v11 =	vmul.f32 v18, v0;
	[tilespmem:s29+$0xFFFFFFD0] =	vst v9  }
0x3e3: {  	v17 =	vnsel vm1, $0x3FFF, v17;
	vm1 =	vlt.s32 v3, $0x3FFF;
	v9 =	vmul.f32 v15, v0;
	v16 =	vld [tilespmem:s0+$0xFFFFFFE0]  }
0x3e4: {  	v20 =	vnsel vm2, $0x3FFF, v10;
	v14 =	vnsel vm3, $0x3FFF, v14;
	s29 =	sadd.s32 $0x400, s29;
	v18 =	vld [tilespmem:s0+$0xFFFFFFF0];
	v11 =	vadd.f32 v11, v1  }
0x3e5: {  	v22 =	vnsel vm4, $0x3FFF, v13;
	v21 =	vld [tilespmem:s0+$0xFFFFFF90];
	v9 =	vadd.f32 v9, v1;
	v6 =	vmul.f32 v6, v0;
	[tilespmem:s29+$0x0] =	vst v4  }
0x3e6: {  	v23 =	vnsel vm5, $0x3FFF, v12;
	v4 =	vmul.f32 v7, v0;
	v7 =	vtrunc.f32 v11;
	v19 =	vld.idx.msk [tilespmem:v19+s3+$0x0], $0xffff  }
0x3e7: {  	v11 =	vadd.f32 v6, v1;
	v6 =	vmul.f32 v8, v0;
	v7 =	vcvt.f32.s32 v7;
	v15 =	vld.idx.msk [tilespmem:v5+s3+$0x0], $0xffff  }
.Ltmp36:
0x3e8: {  	v10 =	vtrunc.f32 v9;
	v8 =	vadd.f32 v4, v1;
	v4 =	vmul.f32 v16, v0;
	v5 =	vld.idx.msk [tilespmem:v17+s3+$0x0], $0xffff;
	(pc) =	sbr.rel @p4 .LBB2_62-.Ltmp36, $4  }
0x3e9: {  	v9 =	vadd.f32 v6, v1;
	v12 =	vmul.f32 v18, v0;
	vm2 =	vlt.s32 v7, $0x3FFF;
	v6 =	vld.idx.msk [tilespmem:v20+s3+$0x0], $0xffff  }
0x3ea: {  	v17 =	vmul.f32 v21, v0;
	v18 =	vadd.f32 v4, v1;
	v4 =	vnsel vm2, $0x3FFF, v7;
	v7 =	vld.idx.msk [tilespmem:v14+s3+$0x0], $0xffff  }
0x3eb: {  	v14 =	vtrunc.f32 v11;
	v13 =	vtrunc.f32 v8;
	v16 =	vadd.f32 v12, v1;
	v8 =	vld.idx.msk [tilespmem:v22+s3+$0x0], $0xffff  }
0x3ec: {  	s0 =	sadd.s32 $0x400, s0;
	v12 =	vtrunc.f32 v9;
	v17 =	vadd.f32 v17, v1;
	v11 =	vtrunc.f32 v18;
	v9 =	vld.idx.msk [tilespmem:v23+s3+$0x0], $0xffff;
	[tilespmem:s30+$0xFFFFFFE0] =	vst v19  }
.LBB2_63:
0x3ed: {  	v2 =	vnsel @p2 vm0, $0x3FFF, v2;
	v10 =	vcvt.f32.s32 v10  }
0x3ee: {  	v3 =	vnsel @p2 vm1, $0x3FFF, v3;
	v14 =	vcvt.f32.s32 v14;
	v13 =	vcvt.f32.s32 v13  }
0x3ef: {  	v12 =	vcvt.f32.s32 v12;
	v17 =	vtrunc.f32 v17;
	vm9 =	vlt.s32 v10, $0x3FFF  }
0x3f0: {  	v17 =	vcvt.f32.s32 v17;
	vm10 =	vlt.s32 v14, $0x3FFF;
	v10 =	vnsel vm9, $0x3FFF, v10  }
0x3f1: {  	v4 =	vld.idx.msk [tilespmem:v4+s3+$0x0], $0xffff;
	[tilespmem:s29+$0xFFFFFF90] =	vst @p2 v5;
	v5 =	vcvt.f32.s32 v11;
	vm11 =	vlt.s32 v13, $0x3FFF;
	v11 =	vnsel vm10, $0x3FFF, v14  }
0x3f2: {  	v16 =	vtrunc.f32 v16;
	[tilespmem:s30+$0xFFFFFFF0] =	vst @p3 v15;
	v13 =	vnsel vm11, $0x3FFF, v13;
	vm8 =	vlt.s32 v17, $0x3FFF;
	v2 =	vld.idx.msk @p2 [tilespmem:v2+s3+$0x0], $0xffff  }
0x3f3: {  	[tilespmem:s29+$0xFFFFFFA0] =	vst @p2 v6;
	v6 =	vcvt.f32.s32 v16;
	vm12 =	vlt.s32 v12, $0x3FFF;
	v17 =	vnsel vm8, $0x3FFF, v17;
	v3 =	vld.idx.msk @p2 [tilespmem:v3+s3+$0x0], $0xffff  }
0x3f4: {  	s0 =	sadd.s32 @p2 $0x400, s29;
	[tilespmem:s29+$0xFFFFFFB0] =	vst @p2 v7;
	vm13 =	vlt.s32 v5, $0x3FFF;
	v7 =	vnsel vm12, $0x3FFF, v12  }
0x3f5: {  	s28 =	smov.u32 @p2 s0;
	vm14 =	vlt.s32 v6, $0x3FFF;
	v5 =	vnsel vm13, $0x3FFF, v5;
	[tilespmem:s29+$0xFFFFFFD0] =	vst @p2 v9;
	v9 =	vld.idx.msk [tilespmem:v10+s3+$0x0], $0xffff  }
0x3f6: {  	v6 =	vnsel vm14, $0x3FFF, v6;
	[tilespmem:s28+$0x0] =	vst v4;
	v4 =	vld.idx.msk [tilespmem:v11+s3+$0x0], $0xffff  }
0x3f7: {  	s0 =	smov.u32 @p2 s29;
	[tilespmem:s29+$0xFFFFFFC0] =	vst @p2 v8;
	v10 =	vld.idx.msk [tilespmem:v13+s3+$0x0], $0xffff  }
0x3f8: {  	v8 =	vld.idx.msk [tilespmem:v17+s3+$0x0], $0xffff;
	[tilespmem:s0+$0xFFFFFFE0] =	vst @p2 v2;
	v2 =	vpsel p2, v3, v0;
	s0 =	smov.u32 @p2 s0  }
0x3f9: {  	v3 =	vld.idx.msk [tilespmem:v7+s3+$0x0], $0xffff;
	[tilespmem:s0+$0xFFFFFFF0] =	vst @p2 v2  }
0x3fa: {  	v2 =	vld.idx.msk [tilespmem:v5+s3+$0x0], $0xffff;
	[tilespmem:s28+$0xFFFFFFA0] =	vst v9  }
0x3fb: {  	v5 =	vld.idx.msk [tilespmem:v6+s3+$0x0], $0xffff;
	[tilespmem:s28+$0xFFFFFFB0] =	vst v4  }
0x3fc: {  	[tilespmem:s28+$0xFFFFFFC0] =	vst v10  }
0x3fd: {  	[tilespmem:s28+$0xFFFFFF90] =	vst v8  }
0x3fe: {  	[tilespmem:s28+$0xFFFFFFD0] =	vst v3  }
0x3ff: {  	[tilespmem:s28+$0xFFFFFFE0] =	vst v2  }
0x400: {  	s31 =	simm.s32 $0x8270;
	[tilespmem:s28+$0xFFFFFFF0] =	vst v5  }
0x401: {  	v2 =	vld [tilespmem:s31+$0x0]  }
0x402: {  	v3 =	vld [tilespmem:s31+$0xFFFFFFA0]  }
0x403: {  	v4 =	vld [tilespmem:s31+$0xFFFFFFB0]  }
0x404: {  	v5 =	vld [tilespmem:s31+$0xFFFFFFC0]  }
0x405: {  	v6 =	vld [tilespmem:s31+$0xFFFFFFD0]  }
0x406: {  	v7 =	vld [tilespmem:s31+$0xFFFFFFE0]  }
0x407: {  	v8 =	vld [tilespmem:s31+$0xFFFFFFF0];
	v2 =	vmul.f32 v2, v0;
	v3 =	vmul.f32 v3, v0  }
0x408: {  	v9 =	vld [tilespmem:s31+$0xFFFFFF90];
	v4 =	vmul.f32 v4, v0  }
0x409: {  	v2 =	vadd.f32 v2, v1;
	v3 =	vadd.f32 v3, v1  }
0x40a: {  	v5 =	vmul.f32 v5, v0;
	v11 =	vadd.f32 v4, v1;
	v4 =	vmul.f32 v6, v0  }
0x40b: {  	v2 =	vtrunc.f32 v2;
	v10 =	vtrunc.f32 v3  }
.Ltmp37:
0x40c: {  	v3 =	vadd.f32 v5, v1;
	v5 =	vmul.f32 v7, v0;
	v7 =	vmul.f32 v8, v0;
	(pc) =	sbr.rel @!p1 .LBB2_64-.Ltmp37, $4  }
0x40d: {  	v6 =	vadd.f32 v4, v1;
	v8 =	vmul.f32 v9, v0;
	v2 =	vcvt.f32.s32 v2  }
0x40e: {  	v14 =	vtrunc.f32 v11;
	v5 =	vadd.f32 v5, v1;
	v12 =	vtrunc.f32 v3  }
0x40f: {  	v16 =	vadd.f32 v7, v1;
	v17 =	vadd.f32 v8, v1;
	vm15 =	vlt.s32 v2, $0x3FFF  }
0x410: {  	s0 =	simm.s32 $0x8670;
	s28 =	simm.s32 $0x10270;
	v13 =	vtrunc.f32 v6;
	v4 =	vnsel vm15, $0x3FFF, v2;
	v11 =	vtrunc.f32 v5  }
0x411: {  	v5 =	vld [tilespmem:s0+$0x0];
	v6 =	vcvt.f32.s32 v10  }
0x412: {  	v3 =	vtrunc.f32 v16;
	v7 =	vld [tilespmem:s0+$0xFFFFFFA0];
	v2 =	vtrunc.f32 v17  }
0x413: {  	v8 =	vcvt.f32.s32 v14;
	v10 =	vcvt.f32.s32 v12;
	v12 =	vld [tilespmem:s0+$0xFFFFFFB0]  }
0x414: {  	v13 =	vcvt.f32.s32 v13;
	v14 =	vld [tilespmem:s0+$0xFFFFFFD0];
	v9 =	vcvt.f32.s32 v2  }
0x415: {  	v17 =	vld [tilespmem:s0+$0xFFFFFF90];
	v2 =	vcvt.f32.s32 v11;
	v3 =	vcvt.f32.s32 v3;
	vm2 =	vlt.s32 v6, $0x3FFF  }
0x416: {  	v11 =	vld [tilespmem:s0+$0xFFFFFFC0];
	vm3 =	vlt.s32 v8, $0x3FFF;
	vm4 =	vlt.s32 v10, $0x3FFF;
	vm5 =	vlt.s32 v13, $0x3FFF  }
0x417: {  	vm1 =	vlt.s32 v9, $0x3FFF;
	vm0 =	vlt.s32 v2, $0x3FFF;
	v6 =	vnsel vm2, $0x3FFF, v6  }
0x418: {  	v15 =	vld [tilespmem:s0+$0xFFFFFFE0];
	v8 =	vnsel vm3, $0x3FFF, v8;
	v5 =	vmul.f32 v5, v0;
	v7 =	vmul.f32 v7, v0  }
0x419: {  	v16 =	vld [tilespmem:s0+$0xFFFFFFF0];
	v19 =	vnsel vm5, $0x3FFF, v13;
	v9 =	vnsel vm1, $0x3FFF, v9;
	v12 =	vmul.f32 v12, v0  }
0x41a: {  	v13 =	vld.idx.msk [tilespmem:v4+s3+$0x0], $0xffff;
	v4 =	vmul.f32 v14, v0;
	v5 =	vadd.f32 v5, v1;
	v7 =	vadd.f32 v7, v1  }
0x41b: {  	v18 =	vnsel vm4, $0x3FFF, v10;
	v17 =	vmul.f32 v17, v0;
	v11 =	vmul.f32 v11, v0  }
0x41c: {  	p2 =	por $0x1, $0x1;
	v12 =	vadd.f32 v12, v1;
	v5 =	vtrunc.f32 v5;
	v10 =	vtrunc.f32 v7  }
.Ltmp38:
0x41d: {  	v17 =	vadd.f32 v17, v1;
	v6 =	vld.idx.msk [tilespmem:v6+s3+$0x0], $0xffff;
	v7 =	vmul.f32 v15, v0;
	v14 =	vcvt.f32.s32 v5;
	(pc) =	sbr.rel @!p2 .LBB2_66-.Ltmp38, $4  }
0x41e: {  	vm1 =	vlt.s32 v3, $0x3FFF;
	v11 =	vadd.f32 v11, v1;
	v5 =	vld.idx.msk [tilespmem:v9+s3+$0x0], $0xffff;
	v9 =	vadd.f32 v4, v1  }
0x41f: {  	v15 =	vmul.f32 v16, v0;
	v20 =	vadd.f32 v7, v1;
	v7 =	vld.idx.msk [tilespmem:v8+s3+$0x0], $0xffff;
	vm2 =	vlt.s32 v14, $0x3FFF  }
0x420: {  	[tilespmem:s28+$0x0] =	vst v13;
	v8 =	vld.idx.msk [tilespmem:v18+s3+$0x0], $0xffff;
	v13 =	vtrunc.f32 v9;
	v4 =	vnsel vm2, $0x3FFF, v14;
	v14 =	vtrunc.f32 v12  }
0x421: {  	p1 =	por $0x1, $0x1;
	s0 =	simm.s32 $0x8A70;
	v16 =	vadd.f32 v15, v1;
	v9 =	vld.idx.msk [tilespmem:v19+s3+$0x0], $0xffff;
	v12 =	vtrunc.f32 v11;
	v11 =	vtrunc.f32 v20  }
0x422: {  	_ =	sdelay $0x1  }
0x423: {  	v15 =	vld [tilespmem:s0+$0x0];
	v10 =	vcvt.f32.s32 v10  }
0x424: {  	v18 =	vnsel vm0, $0x3FFF, v2;
	v19 =	vld [tilespmem:s0+$0xFFFFFFA0];
	v2 =	vtrunc.f32 v17;
	v14 =	vcvt.f32.s32 v14  }
0x425: {  	v12 =	vcvt.f32.s32 v12;
	v21 =	vld.idx.msk [tilespmem:v4+s3+$0x0], $0xffff;
	v13 =	vcvt.f32.s32 v13  }
0x426: {  	v17 =	vnsel vm1, $0x3FFF, v3;
	v4 =	vld [tilespmem:s0+$0xFFFFFFB0];
	v16 =	vtrunc.f32 v16;
	v20 =	vcvt.f32.s32 v2  }
0x427: {  	v23 =	vld [tilespmem:s0+$0xFFFFFFE0];
	v2 =	vcvt.f32.s32 v11;
	vm1 =	vlt.s32 v10, $0x3FFF;
	vm2 =	vlt.s32 v14, $0x3FFF  }
0x428: {  	v11 =	vld [tilespmem:s0+$0xFFFFFFC0];
	vm3 =	vlt.s32 v12, $0x3FFF;
	v3 =	vcvt.f32.s32 v16;
	vm4 =	vlt.s32 v13, $0x3FFF  }
0x429: {  	v16 =	vld [tilespmem:s0+$0xFFFFFFD0];
	vm0 =	vlt.s32 v20, $0x3FFF;
	v22 =	vnsel vm1, $0x3FFF, v10;
	v15 =	vmul.f32 v15, v0  }
0x42a: {  	v24 =	vld [tilespmem:s0+$0xFFFFFFF0];
	v14 =	vnsel vm2, $0x3FFF, v14;
	v25 =	vnsel vm3, $0x3FFF, v12;
	v26 =	vnsel vm4, $0x3FFF, v13  }
0x42b: {  	[tilespmem:s28+$0xFFFFFFA0] =	vst v6;
	v12 =	vld [tilespmem:s0+$0xFFFFFF90];
	v20 =	vnsel vm0, $0x3FFF, v20;
	v19 =	vmul.f32 v19, v0;
	v10 =	vadd.f32 v15, v1  }
0x42c: {  	[tilespmem:s28+$0xFFFFFFB0] =	vst v7;
	vm0 =	vlt.s32 v2, $0x3FFF;
	v4 =	vmul.f32 v4, v0;
	v7 =	vmul.f32 v23, v0  }
0x42d: {  	[tilespmem:s28+$0xFFFFFF90] =	vst v5;
	v18 =	vld.idx.msk [tilespmem:v18+s3+$0x0], $0xffff;
	v11 =	vmul.f32 v11, v0;
	v5 =	vadd.f32 v19, v1;
	v10 =	vtrunc.f32 v10  }
0x42e: {  	p2 =	por $0x1, $0x1;
	[tilespmem:s28+$0xFFFFFFC0] =	vst v8;
	v13 =	vadd.f32 v4, v1;
	v4 =	vmul.f32 v16, v0;
	v15 =	vld.idx.msk [tilespmem:v17+s3+$0x0], $0xffff;
	v16 =	vcvt.f32.s32 v10  }
.Ltmp39:
0x42f: {  	v8 =	vmul.f32 v24, v0;
	v63 =	vadd.f32 v7, v1;
	v11 =	vadd.f32 v11, v1;
	v6 =	vld.idx.msk [tilespmem:v22+s3+$0x0], $0xffff;
	(pc) =	sbr.rel @!p2 .LBB2_68-.Ltmp39, $4  }
0x430: {  	[tilespmem:s28+$0xFFFFFFD0] =	vst v9;
	v9 =	vmul.f32 v12, v0;
	v10 =	vtrunc.f32 v5;
	v5 =	vld.idx.msk [tilespmem:v20+s3+$0x0], $0xffff;
	vm2 =	vlt.s32 v16, $0x3FFF  }
0x431: {  	s29 =	simm.s32 $0x10670;
	v7 =	vld.idx.msk [tilespmem:v14+s3+$0x0], $0xffff;
	v19 =	vadd.f32 v4, v1;
	v14 =	vtrunc.f32 v13;
	v4 =	vnsel vm2, $0x3FFF, v16  }
0x432: {  	s31 =	simm.s32 $0x10;
	[tilespmem:s29+$0x0] =	vst v21;
	v12 =	vtrunc.f32 v11;
	v17 =	vadd.f32 v9, v1;
	v9 =	vld.idx.msk [tilespmem:v26+s3+$0x0], $0xffff;
	v16 =	vadd.f32 v8, v1  }
0x433: {  	p0 =	por $0x1, $0x1;
	s30 =	simm.s32 $0x10270;
	s0 =	simm.s32 $0x8E70;
	vm1 =	vlt.s32 v3, $0x3FFF;
	v11 =	vtrunc.f32 v63;
	[tilespmem:s28+$0xFFFFFFE0] =	vst v18;
	v13 =	vtrunc.f32 v19;
	v8 =	vld.idx.msk [tilespmem:v25+s3+$0x0], $0xffff  }
.LBB2_69:
0x434: {  	v18 =	vld [tilespmem:s0+$0x0];
	s31 =	sadd.s32 $0x8, s31;
	v10 =	vcvt.f32.s32 v10;
	v16 =	vtrunc.f32 v16;
	v19 =	vnsel vm0, $0x3FFF, v2;
	[tilespmem:s30+$0xFFFFFFF0] =	vst v15;
	s30 =	smov.u32 s29  }
0x435: {  	v14 =	vcvt.f32.s32 v14;
	v15 =	vld [tilespmem:s0+$0xFFFFFFA0];
	p2 =	slt.u32 s31, $0x78;
	v2 =	vtrunc.f32 v17;
	[tilespmem:s29+$0xFFFFFF90] =	vst v5;
	v5 =	vnsel vm1, $0x3FFF, v3  }
0x436: {  	v12 =	vcvt.f32.s32 v12;
	v17 =	vcvt.f32.s32 v2;
	vm2 =	vlt.s32 v10, $0x3FFF;
	v4 =	vld.idx.msk [tilespmem:v4+s3+$0x0], $0xffff;
	[tilespmem:s29+$0xFFFFFFA0] =	vst v6  }
0x437: {  	v13 =	vcvt.f32.s32 v13;
	vm3 =	vlt.s32 v14, $0x3FFF;
	v2 =	vcvt.f32.s32 v11;
	v6 =	vld [tilespmem:s0+$0xFFFFFFB0];
	[tilespmem:s29+$0xFFFFFFB0] =	vst v7  }
0x438: {  	v3 =	vcvt.f32.s32 v16;
	vm4 =	vlt.s32 v12, $0x3FFF;
	v7 =	vld [tilespmem:s0+$0xFFFFFFC0];
	vm1 =	vlt.s32 v17, $0x3FFF;
	[tilespmem:s29+$0xFFFFFFC0] =	vst v8  }
0x439: {  	vm5 =	vlt.s32 v13, $0x3FFF;
	vm0 =	vlt.s32 v2, $0x3FFF;
	v8 =	vld [tilespmem:s0+$0xFFFFFFD0];
	v11 =	vmul.f32 v18, v0;
	[tilespmem:s29+$0xFFFFFFD0] =	vst v9  }
0x43a: {  	v17 =	vnsel vm1, $0x3FFF, v17;
	vm1 =	vlt.s32 v3, $0x3FFF;
	v9 =	vmul.f32 v15, v0;
	v16 =	vld [tilespmem:s0+$0xFFFFFFE0]  }
0x43b: {  	v20 =	vnsel vm2, $0x3FFF, v10;
	v14 =	vnsel vm3, $0x3FFF, v14;
	s29 =	sadd.s32 $0x400, s29;
	v18 =	vld [tilespmem:s0+$0xFFFFFFF0];
	v11 =	vadd.f32 v11, v1  }
0x43c: {  	v22 =	vnsel vm4, $0x3FFF, v12;
	v21 =	vld [tilespmem:s0+$0xFFFFFF90];
	v9 =	vadd.f32 v9, v1;
	v6 =	vmul.f32 v6, v0;
	[tilespmem:s29+$0x0] =	vst v4  }
0x43d: {  	v23 =	vnsel vm5, $0x3FFF, v13;
	v4 =	vmul.f32 v7, v0;
	v7 =	vtrunc.f32 v11;
	v19 =	vld.idx.msk [tilespmem:v19+s3+$0x0], $0xffff  }
0x43e: {  	v11 =	vadd.f32 v6, v1;
	v6 =	vmul.f32 v8, v0;
	v7 =	vcvt.f32.s32 v7;
	v15 =	vld.idx.msk [tilespmem:v5+s3+$0x0], $0xffff  }
.Ltmp40:
0x43f: {  	v10 =	vtrunc.f32 v9;
	v8 =	vadd.f32 v4, v1;
	v4 =	vmul.f32 v16, v0;
	v5 =	vld.idx.msk [tilespmem:v17+s3+$0x0], $0xffff;
	(pc) =	sbr.rel @p2 .LBB2_69-.Ltmp40, $4  }
0x440: {  	v9 =	vadd.f32 v6, v1;
	v13 =	vmul.f32 v18, v0;
	vm2 =	vlt.s32 v7, $0x3FFF;
	v6 =	vld.idx.msk [tilespmem:v20+s3+$0x0], $0xffff  }
0x441: {  	v17 =	vmul.f32 v21, v0;
	v18 =	vadd.f32 v4, v1;
	v4 =	vnsel vm2, $0x3FFF, v7;
	v7 =	vld.idx.msk [tilespmem:v14+s3+$0x0], $0xffff  }
0x442: {  	v14 =	vtrunc.f32 v11;
	v12 =	vtrunc.f32 v8;
	v16 =	vadd.f32 v13, v1;
	v8 =	vld.idx.msk [tilespmem:v22+s3+$0x0], $0xffff  }
0x443: {  	s0 =	sadd.s32 $0x400, s0;
	v13 =	vtrunc.f32 v9;
	v17 =	vadd.f32 v17, v1;
	v11 =	vtrunc.f32 v18;
	v9 =	vld.idx.msk [tilespmem:v23+s3+$0x0], $0xffff;
	[tilespmem:s30+$0xFFFFFFE0] =	vst v19  }
.LBB2_70:
0x444: {  	v2 =	vnsel @p1 vm0, $0x3FFF, v2;
	v10 =	vcvt.f32.s32 v10  }
0x445: {  	v3 =	vnsel @p1 vm1, $0x3FFF, v3;
	v14 =	vcvt.f32.s32 v14;
	v12 =	vcvt.f32.s32 v12  }
0x446: {  	v13 =	vcvt.f32.s32 v13;
	v17 =	vtrunc.f32 v17;
	vm9 =	vlt.s32 v10, $0x3FFF  }
0x447: {  	v17 =	vcvt.f32.s32 v17;
	vm10 =	vlt.s32 v14, $0x3FFF;
	v10 =	vnsel vm9, $0x3FFF, v10  }
0x448: {  	v4 =	vld.idx.msk [tilespmem:v4+s3+$0x0], $0xffff;
	[tilespmem:s29+$0xFFFFFF90] =	vst @p1 v5;
	v5 =	vcvt.f32.s32 v11;
	vm11 =	vlt.s32 v12, $0x3FFF;
	v11 =	vnsel vm10, $0x3FFF, v14  }
0x449: {  	v16 =	vtrunc.f32 v16;
	[tilespmem:s30+$0xFFFFFFF0] =	vst @p0 v15;
	v12 =	vnsel vm11, $0x3FFF, v12;
	vm8 =	vlt.s32 v17, $0x3FFF;
	v2 =	vld.idx.msk @p1 [tilespmem:v2+s3+$0x0], $0xffff  }
0x44a: {  	[tilespmem:s29+$0xFFFFFFA0] =	vst @p1 v6;
	v6 =	vcvt.f32.s32 v16;
	vm12 =	vlt.s32 v13, $0x3FFF;
	v17 =	vnsel vm8, $0x3FFF, v17;
	v3 =	vld.idx.msk @p1 [tilespmem:v3+s3+$0x0], $0xffff  }
0x44b: {  	s0 =	sadd.s32 @p1 $0x400, s29;
	[tilespmem:s29+$0xFFFFFFB0] =	vst @p1 v7;
	vm13 =	vlt.s32 v5, $0x3FFF;
	v7 =	vnsel vm12, $0x3FFF, v13  }
0x44c: {  	s28 =	smov.u32 @p1 s0;
	vm14 =	vlt.s32 v6, $0x3FFF;
	v5 =	vnsel vm13, $0x3FFF, v5;
	[tilespmem:s29+$0xFFFFFFD0] =	vst @p1 v9;
	v9 =	vld.idx.msk [tilespmem:v10+s3+$0x0], $0xffff  }
0x44d: {  	v6 =	vnsel vm14, $0x3FFF, v6;
	[tilespmem:s28+$0x0] =	vst v4;
	v4 =	vld.idx.msk [tilespmem:v11+s3+$0x0], $0xffff  }
0x44e: {  	s0 =	smov.u32 @p1 s29;
	[tilespmem:s29+$0xFFFFFFC0] =	vst @p1 v8;
	v10 =	vld.idx.msk [tilespmem:v12+s3+$0x0], $0xffff  }
0x44f: {  	v8 =	vld.idx.msk [tilespmem:v17+s3+$0x0], $0xffff;
	[tilespmem:s0+$0xFFFFFFE0] =	vst @p1 v2;
	v2 =	vpsel p1, v3, v0;
	s0 =	smov.u32 @p1 s0  }
0x450: {  	v3 =	vld.idx.msk [tilespmem:v7+s3+$0x0], $0xffff;
	[tilespmem:s0+$0xFFFFFFF0] =	vst @p1 v2  }
0x451: {  	v2 =	vld.idx.msk [tilespmem:v5+s3+$0x0], $0xffff;
	[tilespmem:s28+$0xFFFFFFA0] =	vst v9  }
0x452: {  	v5 =	vld.idx.msk [tilespmem:v6+s3+$0x0], $0xffff;
	[tilespmem:s28+$0xFFFFFFB0] =	vst v4  }
0x453: {  	[tilespmem:s28+$0xFFFFFFC0] =	vst v10  }
0x454: {  	[tilespmem:s28+$0xFFFFFF90] =	vst v8  }
0x455: {  	[tilespmem:s28+$0xFFFFFFD0] =	vst v3  }
0x456: {  	[tilespmem:s28+$0xFFFFFFE0] =	vst v2  }
0x457: {  	s31 =	simm.s32 $0x82F0;
	[tilespmem:s28+$0xFFFFFFF0] =	vst v5  }
0x458: {  	v2 =	vld [tilespmem:s31+$0x0]  }
0x459: {  	v3 =	vld [tilespmem:s31+$0xFFFFFFA0]  }
0x45a: {  	v4 =	vld [tilespmem:s31+$0xFFFFFFB0]  }
0x45b: {  	v5 =	vld [tilespmem:s31+$0xFFFFFFC0]  }
0x45c: {  	v6 =	vld [tilespmem:s31+$0xFFFFFFD0]  }
0x45d: {  	v7 =	vld [tilespmem:s31+$0xFFFFFFE0]  }
0x45e: {  	v8 =	vld [tilespmem:s31+$0xFFFFFFF0];
	v2 =	vmul.f32 v2, v0;
	v3 =	vmul.f32 v3, v0  }
0x45f: {  	v9 =	vld [tilespmem:s31+$0xFFFFFF90];
	v4 =	vmul.f32 v4, v0  }
0x460: {  	v2 =	vadd.f32 v2, v1;
	v3 =	vadd.f32 v3, v1  }
0x461: {  	v5 =	vmul.f32 v5, v0;
	v11 =	vadd.f32 v4, v1;
	v4 =	vmul.f32 v6, v0  }
0x462: {  	p1 =	por $0x1, $0x1;
	v2 =	vtrunc.f32 v2;
	v10 =	vtrunc.f32 v3  }
.Ltmp41:
0x463: {  	v3 =	vadd.f32 v5, v1;
	v5 =	vmul.f32 v7, v0;
	v7 =	vmul.f32 v8, v0;
	(pc) =	sbr.rel @!p1 .LBB2_71-.Ltmp41, $4  }
0x464: {  	v6 =	vadd.f32 v4, v1;
	v8 =	vmul.f32 v9, v0;
	v2 =	vcvt.f32.s32 v2  }
0x465: {  	v14 =	vtrunc.f32 v11;
	v5 =	vadd.f32 v5, v1;
	v13 =	vtrunc.f32 v3  }
0x466: {  	p2 =	por $0x0, $0x0;
	v16 =	vadd.f32 v7, v1;
	v17 =	vadd.f32 v8, v1;
	vm15 =	vlt.s32 v2, $0x3FFF  }
0x467: {  	p0 =	por $0x0, $0x0;
	s0 =	simm.s32 $0x86F0;
	s28 =	simm.s32 $0x102F0;
	v12 =	vtrunc.f32 v6;
	v4 =	vnsel vm15, $0x3FFF, v2;
	v11 =	vtrunc.f32 v5  }
0x468: {  	v5 =	vld [tilespmem:s0+$0x0];
	v6 =	vcvt.f32.s32 v10  }
0x469: {  	v3 =	vtrunc.f32 v16;
	v7 =	vld [tilespmem:s0+$0xFFFFFFA0];
	v2 =	vtrunc.f32 v17  }
0x46a: {  	v8 =	vcvt.f32.s32 v14;
	v10 =	vcvt.f32.s32 v13;
	v13 =	vld [tilespmem:s0+$0xFFFFFFB0]  }
0x46b: {  	v12 =	vcvt.f32.s32 v12;
	v14 =	vld [tilespmem:s0+$0xFFFFFFD0];
	v9 =	vcvt.f32.s32 v2  }
0x46c: {  	v17 =	vld [tilespmem:s0+$0xFFFFFF90];
	v2 =	vcvt.f32.s32 v11;
	v3 =	vcvt.f32.s32 v3;
	vm2 =	vlt.s32 v6, $0x3FFF  }
0x46d: {  	v11 =	vld [tilespmem:s0+$0xFFFFFFC0];
	vm3 =	vlt.s32 v8, $0x3FFF;
	vm4 =	vlt.s32 v10, $0x3FFF;
	vm5 =	vlt.s32 v12, $0x3FFF  }
0x46e: {  	vm1 =	vlt.s32 v9, $0x3FFF;
	vm0 =	vlt.s32 v2, $0x3FFF;
	v6 =	vnsel vm2, $0x3FFF, v6  }
0x46f: {  	v15 =	vld [tilespmem:s0+$0xFFFFFFE0];
	v8 =	vnsel vm3, $0x3FFF, v8;
	v5 =	vmul.f32 v5, v0;
	v7 =	vmul.f32 v7, v0  }
0x470: {  	v16 =	vld [tilespmem:s0+$0xFFFFFFF0];
	v19 =	vnsel vm5, $0x3FFF, v12;
	v9 =	vnsel vm1, $0x3FFF, v9;
	v13 =	vmul.f32 v13, v0  }
0x471: {  	v12 =	vld.idx.msk [tilespmem:v4+s3+$0x0], $0xffff;
	v4 =	vmul.f32 v14, v0;
	v5 =	vadd.f32 v5, v1;
	v7 =	vadd.f32 v7, v1  }
0x472: {  	v18 =	vnsel vm4, $0x3FFF, v10;
	v17 =	vmul.f32 v17, v0;
	v11 =	vmul.f32 v11, v0  }
0x473: {  	p3 =	por $0x1, $0x1;
	v13 =	vadd.f32 v13, v1;
	v5 =	vtrunc.f32 v5;
	v10 =	vtrunc.f32 v7  }
.Ltmp42:
0x474: {  	v17 =	vadd.f32 v17, v1;
	v6 =	vld.idx.msk [tilespmem:v6+s3+$0x0], $0xffff;
	v7 =	vmul.f32 v15, v0;
	v14 =	vcvt.f32.s32 v5;
	(pc) =	sbr.rel @!p3 .LBB2_73-.Ltmp42, $4  }
0x475: {  	vm1 =	vlt.s32 v3, $0x3FFF;
	v11 =	vadd.f32 v11, v1;
	v5 =	vld.idx.msk [tilespmem:v9+s3+$0x0], $0xffff;
	v9 =	vadd.f32 v4, v1  }
0x476: {  	v15 =	vmul.f32 v16, v0;
	v20 =	vadd.f32 v7, v1;
	v7 =	vld.idx.msk [tilespmem:v8+s3+$0x0], $0xffff;
	vm2 =	vlt.s32 v14, $0x3FFF  }
0x477: {  	[tilespmem:s28+$0x0] =	vst v12;
	v8 =	vld.idx.msk [tilespmem:v18+s3+$0x0], $0xffff;
	v12 =	vtrunc.f32 v9;
	v4 =	vnsel vm2, $0x3FFF, v14;
	v14 =	vtrunc.f32 v13  }
0x478: {  	p2 =	por $0x1, $0x1;
	s0 =	simm.s32 $0x8AF0;
	v16 =	vadd.f32 v15, v1;
	v9 =	vld.idx.msk [tilespmem:v19+s3+$0x0], $0xffff;
	v13 =	vtrunc.f32 v11;
	v11 =	vtrunc.f32 v20  }
0x479: {  	_ =	sdelay $0x1  }
0x47a: {  	v15 =	vld [tilespmem:s0+$0x0];
	v10 =	vcvt.f32.s32 v10  }
0x47b: {  	v18 =	vnsel vm0, $0x3FFF, v2;
	v19 =	vld [tilespmem:s0+$0xFFFFFFA0];
	v2 =	vtrunc.f32 v17;
	v14 =	vcvt.f32.s32 v14  }
0x47c: {  	v13 =	vcvt.f32.s32 v13;
	v21 =	vld.idx.msk [tilespmem:v4+s3+$0x0], $0xffff;
	v12 =	vcvt.f32.s32 v12  }
0x47d: {  	v17 =	vnsel vm1, $0x3FFF, v3;
	v4 =	vld [tilespmem:s0+$0xFFFFFFB0];
	v16 =	vtrunc.f32 v16;
	v20 =	vcvt.f32.s32 v2  }
0x47e: {  	v23 =	vld [tilespmem:s0+$0xFFFFFFE0];
	v2 =	vcvt.f32.s32 v11;
	vm1 =	vlt.s32 v10, $0x3FFF;
	vm2 =	vlt.s32 v14, $0x3FFF  }
0x47f: {  	v11 =	vld [tilespmem:s0+$0xFFFFFFC0];
	vm3 =	vlt.s32 v13, $0x3FFF;
	v3 =	vcvt.f32.s32 v16;
	vm4 =	vlt.s32 v12, $0x3FFF  }
0x480: {  	v16 =	vld [tilespmem:s0+$0xFFFFFFD0];
	vm0 =	vlt.s32 v20, $0x3FFF;
	v22 =	vnsel vm1, $0x3FFF, v10;
	v15 =	vmul.f32 v15, v0  }
0x481: {  	v24 =	vld [tilespmem:s0+$0xFFFFFFF0];
	v14 =	vnsel vm2, $0x3FFF, v14;
	v25 =	vnsel vm3, $0x3FFF, v13;
	v26 =	vnsel vm4, $0x3FFF, v12  }
0x482: {  	[tilespmem:s28+$0xFFFFFFA0] =	vst v6;
	v12 =	vld [tilespmem:s0+$0xFFFFFF90];
	v20 =	vnsel vm0, $0x3FFF, v20;
	v19 =	vmul.f32 v19, v0;
	v10 =	vadd.f32 v15, v1  }
0x483: {  	[tilespmem:s28+$0xFFFFFFB0] =	vst v7;
	vm0 =	vlt.s32 v2, $0x3FFF;
	v4 =	vmul.f32 v4, v0;
	v7 =	vmul.f32 v23, v0  }
0x484: {  	[tilespmem:s28+$0xFFFFFF90] =	vst v5;
	v18 =	vld.idx.msk [tilespmem:v18+s3+$0x0], $0xffff;
	v11 =	vmul.f32 v11, v0;
	v5 =	vadd.f32 v19, v1;
	v10 =	vtrunc.f32 v10  }
0x485: {  	p4 =	por $0x1, $0x1;
	[tilespmem:s28+$0xFFFFFFC0] =	vst v8;
	v13 =	vadd.f32 v4, v1;
	v4 =	vmul.f32 v16, v0;
	v15 =	vld.idx.msk [tilespmem:v17+s3+$0x0], $0xffff;
	v16 =	vcvt.f32.s32 v10  }
.Ltmp43:
0x486: {  	v8 =	vmul.f32 v24, v0;
	v63 =	vadd.f32 v7, v1;
	v11 =	vadd.f32 v11, v1;
	v6 =	vld.idx.msk [tilespmem:v22+s3+$0x0], $0xffff;
	(pc) =	sbr.rel @!p4 .LBB2_75-.Ltmp43, $4  }
0x487: {  	[tilespmem:s28+$0xFFFFFFD0] =	vst v9;
	v9 =	vmul.f32 v12, v0;
	v10 =	vtrunc.f32 v5;
	v5 =	vld.idx.msk [tilespmem:v20+s3+$0x0], $0xffff;
	vm2 =	vlt.s32 v16, $0x3FFF  }
0x488: {  	s29 =	simm.s32 $0x106F0;
	v7 =	vld.idx.msk [tilespmem:v14+s3+$0x0], $0xffff;
	v19 =	vadd.f32 v4, v1;
	v14 =	vtrunc.f32 v13;
	v4 =	vnsel vm2, $0x3FFF, v16  }
0x489: {  	s31 =	simm.s32 $0x10;
	[tilespmem:s29+$0x0] =	vst v21;
	v13 =	vtrunc.f32 v11;
	v17 =	vadd.f32 v9, v1;
	v9 =	vld.idx.msk [tilespmem:v26+s3+$0x0], $0xffff;
	v16 =	vadd.f32 v8, v1  }
0x48a: {  	p3 =	por $0x1, $0x1;
	s30 =	simm.s32 $0x102F0;
	s0 =	simm.s32 $0x8EF0;
	vm1 =	vlt.s32 v3, $0x3FFF;
	v11 =	vtrunc.f32 v63;
	[tilespmem:s28+$0xFFFFFFE0] =	vst v18;
	v12 =	vtrunc.f32 v19;
	v8 =	vld.idx.msk [tilespmem:v25+s3+$0x0], $0xffff  }
.LBB2_76:
0x48b: {  	v18 =	vld [tilespmem:s0+$0x0];
	s31 =	sadd.s32 $0x8, s31;
	v10 =	vcvt.f32.s32 v10;
	v16 =	vtrunc.f32 v16;
	v19 =	vnsel vm0, $0x3FFF, v2;
	[tilespmem:s30+$0xFFFFFFF0] =	vst v15;
	s30 =	smov.u32 s29  }
0x48c: {  	v14 =	vcvt.f32.s32 v14;
	v15 =	vld [tilespmem:s0+$0xFFFFFFA0];
	p4 =	slt.u32 s31, $0x78;
	v2 =	vtrunc.f32 v17;
	[tilespmem:s29+$0xFFFFFF90] =	vst v5;
	v5 =	vnsel vm1, $0x3FFF, v3  }
0x48d: {  	v13 =	vcvt.f32.s32 v13;
	v17 =	vcvt.f32.s32 v2;
	vm2 =	vlt.s32 v10, $0x3FFF;
	v4 =	vld.idx.msk [tilespmem:v4+s3+$0x0], $0xffff;
	[tilespmem:s29+$0xFFFFFFA0] =	vst v6  }
0x48e: {  	v12 =	vcvt.f32.s32 v12;
	vm3 =	vlt.s32 v14, $0x3FFF;
	v2 =	vcvt.f32.s32 v11;
	v6 =	vld [tilespmem:s0+$0xFFFFFFB0];
	[tilespmem:s29+$0xFFFFFFB0] =	vst v7  }
0x48f: {  	v3 =	vcvt.f32.s32 v16;
	vm4 =	vlt.s32 v13, $0x3FFF;
	v7 =	vld [tilespmem:s0+$0xFFFFFFC0];
	vm1 =	vlt.s32 v17, $0x3FFF;
	[tilespmem:s29+$0xFFFFFFC0] =	vst v8  }
0x490: {  	vm5 =	vlt.s32 v12, $0x3FFF;
	vm0 =	vlt.s32 v2, $0x3FFF;
	v8 =	vld [tilespmem:s0+$0xFFFFFFD0];
	v11 =	vmul.f32 v18, v0;
	[tilespmem:s29+$0xFFFFFFD0] =	vst v9  }
0x491: {  	v17 =	vnsel vm1, $0x3FFF, v17;
	vm1 =	vlt.s32 v3, $0x3FFF;
	v9 =	vmul.f32 v15, v0;
	v16 =	vld [tilespmem:s0+$0xFFFFFFE0]  }
0x492: {  	v20 =	vnsel vm2, $0x3FFF, v10;
	v14 =	vnsel vm3, $0x3FFF, v14;
	s29 =	sadd.s32 $0x400, s29;
	v18 =	vld [tilespmem:s0+$0xFFFFFFF0];
	v11 =	vadd.f32 v11, v1  }
0x493: {  	v22 =	vnsel vm4, $0x3FFF, v13;
	v21 =	vld [tilespmem:s0+$0xFFFFFF90];
	v9 =	vadd.f32 v9, v1;
	v6 =	vmul.f32 v6, v0;
	[tilespmem:s29+$0x0] =	vst v4  }
0x494: {  	v23 =	vnsel vm5, $0x3FFF, v12;
	v4 =	vmul.f32 v7, v0;
	v7 =	vtrunc.f32 v11;
	v19 =	vld.idx.msk [tilespmem:v19+s3+$0x0], $0xffff  }
0x495: {  	v11 =	vadd.f32 v6, v1;
	v6 =	vmul.f32 v8, v0;
	v7 =	vcvt.f32.s32 v7;
	v15 =	vld.idx.msk [tilespmem:v5+s3+$0x0], $0xffff  }
.Ltmp44:
0x496: {  	v10 =	vtrunc.f32 v9;
	v8 =	vadd.f32 v4, v1;
	v4 =	vmul.f32 v16, v0;
	v5 =	vld.idx.msk [tilespmem:v17+s3+$0x0], $0xffff;
	(pc) =	sbr.rel @p4 .LBB2_76-.Ltmp44, $4  }
0x497: {  	v9 =	vadd.f32 v6, v1;
	v12 =	vmul.f32 v18, v0;
	vm2 =	vlt.s32 v7, $0x3FFF;
	v6 =	vld.idx.msk [tilespmem:v20+s3+$0x0], $0xffff  }
0x498: {  	v17 =	vmul.f32 v21, v0;
	v18 =	vadd.f32 v4, v1;
	v4 =	vnsel vm2, $0x3FFF, v7;
	v7 =	vld.idx.msk [tilespmem:v14+s3+$0x0], $0xffff  }
0x499: {  	v14 =	vtrunc.f32 v11;
	v13 =	vtrunc.f32 v8;
	v16 =	vadd.f32 v12, v1;
	v8 =	vld.idx.msk [tilespmem:v22+s3+$0x0], $0xffff  }
0x49a: {  	s0 =	sadd.s32 $0x400, s0;
	v12 =	vtrunc.f32 v9;
	v17 =	vadd.f32 v17, v1;
	v11 =	vtrunc.f32 v18;
	v9 =	vld.idx.msk [tilespmem:v23+s3+$0x0], $0xffff;
	[tilespmem:s30+$0xFFFFFFE0] =	vst v19  }
.LBB2_77:
0x49b: {  	v2 =	vnsel @p2 vm0, $0x3FFF, v2;
	v10 =	vcvt.f32.s32 v10  }
0x49c: {  	v3 =	vnsel @p2 vm1, $0x3FFF, v3;
	v14 =	vcvt.f32.s32 v14;
	v13 =	vcvt.f32.s32 v13  }
0x49d: {  	v12 =	vcvt.f32.s32 v12;
	v17 =	vtrunc.f32 v17;
	vm9 =	vlt.s32 v10, $0x3FFF  }
0x49e: {  	v17 =	vcvt.f32.s32 v17;
	vm10 =	vlt.s32 v14, $0x3FFF;
	v10 =	vnsel vm9, $0x3FFF, v10  }
0x49f: {  	v4 =	vld.idx.msk [tilespmem:v4+s3+$0x0], $0xffff;
	[tilespmem:s29+$0xFFFFFF90] =	vst @p2 v5;
	v5 =	vcvt.f32.s32 v11;
	vm11 =	vlt.s32 v13, $0x3FFF;
	v11 =	vnsel vm10, $0x3FFF, v14  }
0x4a0: {  	v16 =	vtrunc.f32 v16;
	[tilespmem:s30+$0xFFFFFFF0] =	vst @p3 v15;
	v13 =	vnsel vm11, $0x3FFF, v13;
	vm8 =	vlt.s32 v17, $0x3FFF;
	v2 =	vld.idx.msk @p2 [tilespmem:v2+s3+$0x0], $0xffff  }
0x4a1: {  	[tilespmem:s29+$0xFFFFFFA0] =	vst @p2 v6;
	v6 =	vcvt.f32.s32 v16;
	vm12 =	vlt.s32 v12, $0x3FFF;
	v17 =	vnsel vm8, $0x3FFF, v17;
	v3 =	vld.idx.msk @p2 [tilespmem:v3+s3+$0x0], $0xffff  }
0x4a2: {  	s0 =	sadd.s32 @p2 $0x400, s29;
	[tilespmem:s29+$0xFFFFFFB0] =	vst @p2 v7;
	vm13 =	vlt.s32 v5, $0x3FFF;
	v7 =	vnsel vm12, $0x3FFF, v12  }
0x4a3: {  	s28 =	smov.u32 @p2 s0;
	vm14 =	vlt.s32 v6, $0x3FFF;
	v5 =	vnsel vm13, $0x3FFF, v5;
	[tilespmem:s29+$0xFFFFFFD0] =	vst @p2 v9;
	v9 =	vld.idx.msk [tilespmem:v10+s3+$0x0], $0xffff  }
0x4a4: {  	v6 =	vnsel vm14, $0x3FFF, v6;
	[tilespmem:s28+$0x0] =	vst v4;
	v4 =	vld.idx.msk [tilespmem:v11+s3+$0x0], $0xffff  }
0x4a5: {  	s0 =	smov.u32 @p2 s29;
	[tilespmem:s29+$0xFFFFFFC0] =	vst @p2 v8;
	v10 =	vld.idx.msk [tilespmem:v13+s3+$0x0], $0xffff  }
0x4a6: {  	v8 =	vld.idx.msk [tilespmem:v17+s3+$0x0], $0xffff;
	[tilespmem:s0+$0xFFFFFFE0] =	vst @p2 v2;
	v2 =	vpsel p2, v3, v0;
	s0 =	smov.u32 @p2 s0  }
0x4a7: {  	v3 =	vld.idx.msk [tilespmem:v7+s3+$0x0], $0xffff;
	[tilespmem:s0+$0xFFFFFFF0] =	vst @p2 v2  }
0x4a8: {  	v2 =	vld.idx.msk [tilespmem:v5+s3+$0x0], $0xffff;
	[tilespmem:s28+$0xFFFFFFA0] =	vst v9  }
0x4a9: {  	v5 =	vld.idx.msk [tilespmem:v6+s3+$0x0], $0xffff;
	[tilespmem:s28+$0xFFFFFFB0] =	vst v4  }
0x4aa: {  	[tilespmem:s28+$0xFFFFFFC0] =	vst v10  }
0x4ab: {  	[tilespmem:s28+$0xFFFFFF90] =	vst v8  }
0x4ac: {  	[tilespmem:s28+$0xFFFFFFD0] =	vst v3  }
0x4ad: {  	[tilespmem:s28+$0xFFFFFFE0] =	vst v2  }
0x4ae: {  	s31 =	simm.s32 $0x8370;
	[tilespmem:s28+$0xFFFFFFF0] =	vst v5  }
0x4af: {  	v2 =	vld [tilespmem:s31+$0x0]  }
0x4b0: {  	v3 =	vld [tilespmem:s31+$0xFFFFFFA0]  }
0x4b1: {  	v4 =	vld [tilespmem:s31+$0xFFFFFFB0]  }
0x4b2: {  	v5 =	vld [tilespmem:s31+$0xFFFFFFC0]  }
0x4b3: {  	v6 =	vld [tilespmem:s31+$0xFFFFFFD0]  }
0x4b4: {  	v7 =	vld [tilespmem:s31+$0xFFFFFFE0]  }
0x4b5: {  	v8 =	vld [tilespmem:s31+$0xFFFFFFF0];
	v2 =	vmul.f32 v2, v0;
	v3 =	vmul.f32 v3, v0  }
0x4b6: {  	v9 =	vld [tilespmem:s31+$0xFFFFFF90];
	v4 =	vmul.f32 v4, v0  }
0x4b7: {  	v2 =	vadd.f32 v2, v1;
	v3 =	vadd.f32 v3, v1  }
0x4b8: {  	v5 =	vmul.f32 v5, v0;
	v11 =	vadd.f32 v4, v1;
	v4 =	vmul.f32 v6, v0  }
0x4b9: {  	v2 =	vtrunc.f32 v2;
	v10 =	vtrunc.f32 v3  }
.Ltmp45:
0x4ba: {  	v3 =	vadd.f32 v5, v1;
	v5 =	vmul.f32 v7, v0;
	v7 =	vmul.f32 v8, v0;
	(pc) =	sbr.rel @!p1 .LBB2_78-.Ltmp45, $4  }
0x4bb: {  	v6 =	vadd.f32 v4, v1;
	v8 =	vmul.f32 v9, v0;
	v2 =	vcvt.f32.s32 v2  }
0x4bc: {  	v14 =	vtrunc.f32 v11;
	v5 =	vadd.f32 v5, v1;
	v12 =	vtrunc.f32 v3  }
0x4bd: {  	v16 =	vadd.f32 v7, v1;
	v17 =	vadd.f32 v8, v1;
	vm15 =	vlt.s32 v2, $0x3FFF  }
0x4be: {  	s0 =	simm.s32 $0x8770;
	s28 =	simm.s32 $0x10370;
	v13 =	vtrunc.f32 v6;
	v4 =	vnsel vm15, $0x3FFF, v2;
	v11 =	vtrunc.f32 v5  }
0x4bf: {  	v5 =	vld [tilespmem:s0+$0x0];
	v6 =	vcvt.f32.s32 v10  }
0x4c0: {  	v3 =	vtrunc.f32 v16;
	v7 =	vld [tilespmem:s0+$0xFFFFFFA0];
	v2 =	vtrunc.f32 v17  }
0x4c1: {  	v8 =	vcvt.f32.s32 v14;
	v10 =	vcvt.f32.s32 v12;
	v12 =	vld [tilespmem:s0+$0xFFFFFFB0]  }
0x4c2: {  	v13 =	vcvt.f32.s32 v13;
	v14 =	vld [tilespmem:s0+$0xFFFFFFD0];
	v9 =	vcvt.f32.s32 v2  }
0x4c3: {  	v17 =	vld [tilespmem:s0+$0xFFFFFF90];
	v2 =	vcvt.f32.s32 v11;
	v3 =	vcvt.f32.s32 v3;
	vm2 =	vlt.s32 v6, $0x3FFF  }
0x4c4: {  	v11 =	vld [tilespmem:s0+$0xFFFFFFC0];
	vm3 =	vlt.s32 v8, $0x3FFF;
	vm4 =	vlt.s32 v10, $0x3FFF;
	vm5 =	vlt.s32 v13, $0x3FFF  }
0x4c5: {  	vm1 =	vlt.s32 v9, $0x3FFF;
	vm0 =	vlt.s32 v2, $0x3FFF;
	v6 =	vnsel vm2, $0x3FFF, v6  }
0x4c6: {  	v15 =	vld [tilespmem:s0+$0xFFFFFFE0];
	v8 =	vnsel vm3, $0x3FFF, v8;
	v5 =	vmul.f32 v5, v0;
	v7 =	vmul.f32 v7, v0  }
0x4c7: {  	v16 =	vld [tilespmem:s0+$0xFFFFFFF0];
	v19 =	vnsel vm5, $0x3FFF, v13;
	v9 =	vnsel vm1, $0x3FFF, v9;
	v12 =	vmul.f32 v12, v0  }
0x4c8: {  	v13 =	vld.idx.msk [tilespmem:v4+s3+$0x0], $0xffff;
	v4 =	vmul.f32 v14, v0;
	v5 =	vadd.f32 v5, v1;
	v7 =	vadd.f32 v7, v1  }
0x4c9: {  	v18 =	vnsel vm4, $0x3FFF, v10;
	v17 =	vmul.f32 v17, v0;
	v11 =	vmul.f32 v11, v0  }
0x4ca: {  	p2 =	por $0x1, $0x1;
	v12 =	vadd.f32 v12, v1;
	v5 =	vtrunc.f32 v5;
	v10 =	vtrunc.f32 v7  }
.Ltmp46:
0x4cb: {  	v17 =	vadd.f32 v17, v1;
	v6 =	vld.idx.msk [tilespmem:v6+s3+$0x0], $0xffff;
	v7 =	vmul.f32 v15, v0;
	v14 =	vcvt.f32.s32 v5;
	(pc) =	sbr.rel @!p2 .LBB2_80-.Ltmp46, $4  }
0x4cc: {  	vm1 =	vlt.s32 v3, $0x3FFF;
	v11 =	vadd.f32 v11, v1;
	v5 =	vld.idx.msk [tilespmem:v9+s3+$0x0], $0xffff;
	v9 =	vadd.f32 v4, v1  }
0x4cd: {  	v15 =	vmul.f32 v16, v0;
	v20 =	vadd.f32 v7, v1;
	v7 =	vld.idx.msk [tilespmem:v8+s3+$0x0], $0xffff;
	vm2 =	vlt.s32 v14, $0x3FFF  }
0x4ce: {  	[tilespmem:s28+$0x0] =	vst v13;
	v8 =	vld.idx.msk [tilespmem:v18+s3+$0x0], $0xffff;
	v13 =	vtrunc.f32 v9;
	v4 =	vnsel vm2, $0x3FFF, v14;
	v14 =	vtrunc.f32 v12  }
0x4cf: {  	p1 =	por $0x1, $0x1;
	s0 =	simm.s32 $0x8B70;
	v16 =	vadd.f32 v15, v1;
	v9 =	vld.idx.msk [tilespmem:v19+s3+$0x0], $0xffff;
	v12 =	vtrunc.f32 v11;
	v11 =	vtrunc.f32 v20  }
0x4d0: {  	_ =	sdelay $0x1  }
0x4d1: {  	v15 =	vld [tilespmem:s0+$0x0];
	v10 =	vcvt.f32.s32 v10  }
0x4d2: {  	v18 =	vnsel vm0, $0x3FFF, v2;
	v19 =	vld [tilespmem:s0+$0xFFFFFFA0];
	v2 =	vtrunc.f32 v17;
	v14 =	vcvt.f32.s32 v14  }
0x4d3: {  	v12 =	vcvt.f32.s32 v12;
	v21 =	vld.idx.msk [tilespmem:v4+s3+$0x0], $0xffff;
	v13 =	vcvt.f32.s32 v13  }
0x4d4: {  	v17 =	vnsel vm1, $0x3FFF, v3;
	v4 =	vld [tilespmem:s0+$0xFFFFFFB0];
	v16 =	vtrunc.f32 v16;
	v20 =	vcvt.f32.s32 v2  }
0x4d5: {  	v23 =	vld [tilespmem:s0+$0xFFFFFFE0];
	v2 =	vcvt.f32.s32 v11;
	vm1 =	vlt.s32 v10, $0x3FFF;
	vm2 =	vlt.s32 v14, $0x3FFF  }
0x4d6: {  	v11 =	vld [tilespmem:s0+$0xFFFFFFC0];
	vm3 =	vlt.s32 v12, $0x3FFF;
	v3 =	vcvt.f32.s32 v16;
	vm4 =	vlt.s32 v13, $0x3FFF  }
0x4d7: {  	v16 =	vld [tilespmem:s0+$0xFFFFFFD0];
	vm0 =	vlt.s32 v20, $0x3FFF;
	v22 =	vnsel vm1, $0x3FFF, v10;
	v15 =	vmul.f32 v15, v0  }
0x4d8: {  	v24 =	vld [tilespmem:s0+$0xFFFFFFF0];
	v14 =	vnsel vm2, $0x3FFF, v14;
	v25 =	vnsel vm3, $0x3FFF, v12;
	v26 =	vnsel vm4, $0x3FFF, v13  }
0x4d9: {  	[tilespmem:s28+$0xFFFFFFA0] =	vst v6;
	v12 =	vld [tilespmem:s0+$0xFFFFFF90];
	v20 =	vnsel vm0, $0x3FFF, v20;
	v19 =	vmul.f32 v19, v0;
	v10 =	vadd.f32 v15, v1  }
0x4da: {  	[tilespmem:s28+$0xFFFFFFB0] =	vst v7;
	vm0 =	vlt.s32 v2, $0x3FFF;
	v4 =	vmul.f32 v4, v0;
	v7 =	vmul.f32 v23, v0  }
0x4db: {  	[tilespmem:s28+$0xFFFFFF90] =	vst v5;
	v18 =	vld.idx.msk [tilespmem:v18+s3+$0x0], $0xffff;
	v11 =	vmul.f32 v11, v0;
	v5 =	vadd.f32 v19, v1;
	v10 =	vtrunc.f32 v10  }
0x4dc: {  	p2 =	por $0x1, $0x1;
	[tilespmem:s28+$0xFFFFFFC0] =	vst v8;
	v13 =	vadd.f32 v4, v1;
	v4 =	vmul.f32 v16, v0;
	v15 =	vld.idx.msk [tilespmem:v17+s3+$0x0], $0xffff;
	v16 =	vcvt.f32.s32 v10  }
.Ltmp47:
0x4dd: {  	v8 =	vmul.f32 v24, v0;
	v63 =	vadd.f32 v7, v1;
	v11 =	vadd.f32 v11, v1;
	v6 =	vld.idx.msk [tilespmem:v22+s3+$0x0], $0xffff;
	(pc) =	sbr.rel @!p2 .LBB2_82-.Ltmp47, $4  }
0x4de: {  	[tilespmem:s28+$0xFFFFFFD0] =	vst v9;
	v9 =	vmul.f32 v12, v0;
	v10 =	vtrunc.f32 v5;
	v5 =	vld.idx.msk [tilespmem:v20+s3+$0x0], $0xffff;
	vm2 =	vlt.s32 v16, $0x3FFF  }
0x4df: {  	s29 =	simm.s32 $0x10770;
	v7 =	vld.idx.msk [tilespmem:v14+s3+$0x0], $0xffff;
	v19 =	vadd.f32 v4, v1;
	v14 =	vtrunc.f32 v13;
	v4 =	vnsel vm2, $0x3FFF, v16  }
0x4e0: {  	s31 =	simm.s32 $0x10;
	[tilespmem:s29+$0x0] =	vst v21;
	v12 =	vtrunc.f32 v11;
	v17 =	vadd.f32 v9, v1;
	v9 =	vld.idx.msk [tilespmem:v26+s3+$0x0], $0xffff;
	v16 =	vadd.f32 v8, v1  }
0x4e1: {  	p0 =	por $0x1, $0x1;
	s30 =	simm.s32 $0x10370;
	s0 =	simm.s32 $0x8F70;
	vm1 =	vlt.s32 v3, $0x3FFF;
	v11 =	vtrunc.f32 v63;
	[tilespmem:s28+$0xFFFFFFE0] =	vst v18;
	v13 =	vtrunc.f32 v19;
	v8 =	vld.idx.msk [tilespmem:v25+s3+$0x0], $0xffff  }
.LBB2_83:
0x4e2: {  	v18 =	vld [tilespmem:s0+$0x0];
	s31 =	sadd.s32 $0x8, s31;
	v10 =	vcvt.f32.s32 v10;
	v16 =	vtrunc.f32 v16;
	v19 =	vnsel vm0, $0x3FFF, v2;
	[tilespmem:s30+$0xFFFFFFF0] =	vst v15;
	s30 =	smov.u32 s29  }
0x4e3: {  	v14 =	vcvt.f32.s32 v14;
	v15 =	vld [tilespmem:s0+$0xFFFFFFA0];
	p2 =	slt.u32 s31, $0x78;
	v2 =	vtrunc.f32 v17;
	[tilespmem:s29+$0xFFFFFF90] =	vst v5;
	v5 =	vnsel vm1, $0x3FFF, v3  }
0x4e4: {  	v12 =	vcvt.f32.s32 v12;
	v17 =	vcvt.f32.s32 v2;
	vm2 =	vlt.s32 v10, $0x3FFF;
	v4 =	vld.idx.msk [tilespmem:v4+s3+$0x0], $0xffff;
	[tilespmem:s29+$0xFFFFFFA0] =	vst v6  }
0x4e5: {  	v13 =	vcvt.f32.s32 v13;
	vm3 =	vlt.s32 v14, $0x3FFF;
	v2 =	vcvt.f32.s32 v11;
	v6 =	vld [tilespmem:s0+$0xFFFFFFB0];
	[tilespmem:s29+$0xFFFFFFB0] =	vst v7  }
0x4e6: {  	v3 =	vcvt.f32.s32 v16;
	vm4 =	vlt.s32 v12, $0x3FFF;
	v7 =	vld [tilespmem:s0+$0xFFFFFFC0];
	vm1 =	vlt.s32 v17, $0x3FFF;
	[tilespmem:s29+$0xFFFFFFC0] =	vst v8  }
0x4e7: {  	vm5 =	vlt.s32 v13, $0x3FFF;
	vm0 =	vlt.s32 v2, $0x3FFF;
	v8 =	vld [tilespmem:s0+$0xFFFFFFD0];
	v11 =	vmul.f32 v18, v0;
	[tilespmem:s29+$0xFFFFFFD0] =	vst v9  }
0x4e8: {  	v17 =	vnsel vm1, $0x3FFF, v17;
	vm1 =	vlt.s32 v3, $0x3FFF;
	v9 =	vmul.f32 v15, v0;
	v16 =	vld [tilespmem:s0+$0xFFFFFFE0]  }
0x4e9: {  	v20 =	vnsel vm2, $0x3FFF, v10;
	v14 =	vnsel vm3, $0x3FFF, v14;
	s29 =	sadd.s32 $0x400, s29;
	v18 =	vld [tilespmem:s0+$0xFFFFFFF0];
	v11 =	vadd.f32 v11, v1  }
0x4ea: {  	v22 =	vnsel vm4, $0x3FFF, v12;
	v21 =	vld [tilespmem:s0+$0xFFFFFF90];
	v9 =	vadd.f32 v9, v1;
	v6 =	vmul.f32 v6, v0;
	[tilespmem:s29+$0x0] =	vst v4  }
0x4eb: {  	v23 =	vnsel vm5, $0x3FFF, v13;
	v4 =	vmul.f32 v7, v0;
	v7 =	vtrunc.f32 v11;
	v19 =	vld.idx.msk [tilespmem:v19+s3+$0x0], $0xffff  }
0x4ec: {  	v11 =	vadd.f32 v6, v1;
	v6 =	vmul.f32 v8, v0;
	v7 =	vcvt.f32.s32 v7;
	v15 =	vld.idx.msk [tilespmem:v5+s3+$0x0], $0xffff  }
.Ltmp48:
0x4ed: {  	v10 =	vtrunc.f32 v9;
	v8 =	vadd.f32 v4, v1;
	v4 =	vmul.f32 v16, v0;
	v5 =	vld.idx.msk [tilespmem:v17+s3+$0x0], $0xffff;
	(pc) =	sbr.rel @p2 .LBB2_83-.Ltmp48, $4  }
0x4ee: {  	v9 =	vadd.f32 v6, v1;
	v13 =	vmul.f32 v18, v0;
	vm2 =	vlt.s32 v7, $0x3FFF;
	v6 =	vld.idx.msk [tilespmem:v20+s3+$0x0], $0xffff  }
0x4ef: {  	v17 =	vmul.f32 v21, v0;
	v18 =	vadd.f32 v4, v1;
	v4 =	vnsel vm2, $0x3FFF, v7;
	v7 =	vld.idx.msk [tilespmem:v14+s3+$0x0], $0xffff  }
0x4f0: {  	v14 =	vtrunc.f32 v11;
	v12 =	vtrunc.f32 v8;
	v16 =	vadd.f32 v13, v1;
	v8 =	vld.idx.msk [tilespmem:v22+s3+$0x0], $0xffff  }
0x4f1: {  	s0 =	sadd.s32 $0x400, s0;
	v13 =	vtrunc.f32 v9;
	v17 =	vadd.f32 v17, v1;
	v11 =	vtrunc.f32 v18;
	v9 =	vld.idx.msk [tilespmem:v23+s3+$0x0], $0xffff;
	[tilespmem:s30+$0xFFFFFFE0] =	vst v19  }
.LBB2_84:
0x4f2: {  	v2 =	vnsel @p1 vm0, $0x3FFF, v2;
	v10 =	vcvt.f32.s32 v10  }
0x4f3: {  	v3 =	vnsel @p1 vm1, $0x3FFF, v3;
	v14 =	vcvt.f32.s32 v14;
	v12 =	vcvt.f32.s32 v12  }
0x4f4: {  	v13 =	vcvt.f32.s32 v13;
	v17 =	vtrunc.f32 v17;
	vm9 =	vlt.s32 v10, $0x3FFF  }
0x4f5: {  	v17 =	vcvt.f32.s32 v17;
	vm10 =	vlt.s32 v14, $0x3FFF;
	v10 =	vnsel vm9, $0x3FFF, v10  }
0x4f6: {  	v4 =	vld.idx.msk [tilespmem:v4+s3+$0x0], $0xffff;
	[tilespmem:s29+$0xFFFFFF90] =	vst @p1 v5;
	v5 =	vcvt.f32.s32 v11;
	vm11 =	vlt.s32 v12, $0x3FFF;
	v11 =	vnsel vm10, $0x3FFF, v14  }
0x4f7: {  	v16 =	vtrunc.f32 v16;
	[tilespmem:s30+$0xFFFFFFF0] =	vst @p0 v15;
	v12 =	vnsel vm11, $0x3FFF, v12;
	vm8 =	vlt.s32 v17, $0x3FFF;
	v2 =	vld.idx.msk @p1 [tilespmem:v2+s3+$0x0], $0xffff  }
0x4f8: {  	[tilespmem:s29+$0xFFFFFFA0] =	vst @p1 v6;
	v6 =	vcvt.f32.s32 v16;
	vm12 =	vlt.s32 v13, $0x3FFF;
	v17 =	vnsel vm8, $0x3FFF, v17;
	v3 =	vld.idx.msk @p1 [tilespmem:v3+s3+$0x0], $0xffff  }
0x4f9: {  	s0 =	sadd.s32 @p1 $0x400, s29;
	[tilespmem:s29+$0xFFFFFFB0] =	vst @p1 v7;
	vm13 =	vlt.s32 v5, $0x3FFF;
	v7 =	vnsel vm12, $0x3FFF, v13  }
0x4fa: {  	s28 =	smov.u32 @p1 s0;
	vm14 =	vlt.s32 v6, $0x3FFF;
	v5 =	vnsel vm13, $0x3FFF, v5;
	[tilespmem:s29+$0xFFFFFFD0] =	vst @p1 v9;
	v9 =	vld.idx.msk [tilespmem:v10+s3+$0x0], $0xffff  }
0x4fb: {  	v6 =	vnsel vm14, $0x3FFF, v6;
	[tilespmem:s28+$0x0] =	vst v4;
	v4 =	vld.idx.msk [tilespmem:v11+s3+$0x0], $0xffff  }
0x4fc: {  	s0 =	smov.u32 @p1 s29;
	[tilespmem:s29+$0xFFFFFFC0] =	vst @p1 v8;
	v10 =	vld.idx.msk [tilespmem:v12+s3+$0x0], $0xffff  }
0x4fd: {  	v8 =	vld.idx.msk [tilespmem:v17+s3+$0x0], $0xffff;
	[tilespmem:s0+$0xFFFFFFE0] =	vst @p1 v2;
	v2 =	vpsel p1, v3, v0;
	s0 =	smov.u32 @p1 s0  }
0x4fe: {  	v3 =	vld.idx.msk [tilespmem:v7+s3+$0x0], $0xffff;
	[tilespmem:s0+$0xFFFFFFF0] =	vst @p1 v2  }
0x4ff: {  	v2 =	vld.idx.msk [tilespmem:v5+s3+$0x0], $0xffff;
	[tilespmem:s28+$0xFFFFFFA0] =	vst v9  }
0x500: {  	v5 =	vld.idx.msk [tilespmem:v6+s3+$0x0], $0xffff;
	[tilespmem:s28+$0xFFFFFFB0] =	vst v4  }
0x501: {  	[tilespmem:s28+$0xFFFFFFC0] =	vst v10  }
0x502: {  	[tilespmem:s28+$0xFFFFFF90] =	vst v8  }
0x503: {  	[tilespmem:s28+$0xFFFFFFD0] =	vst v3  }
0x504: {  	[tilespmem:s28+$0xFFFFFFE0] =	vst v2  }
0x505: {  	s31 =	simm.s32 $0x83F0;
	[tilespmem:s28+$0xFFFFFFF0] =	vst v5  }
0x506: {  	v2 =	vld [tilespmem:s31+$0x0]  }
0x507: {  	v3 =	vld [tilespmem:s31+$0xFFFFFFA0]  }
0x508: {  	v4 =	vld [tilespmem:s31+$0xFFFFFFB0]  }
0x509: {  	v5 =	vld [tilespmem:s31+$0xFFFFFFC0]  }
0x50a: {  	v6 =	vld [tilespmem:s31+$0xFFFFFFD0]  }
0x50b: {  	v7 =	vld [tilespmem:s31+$0xFFFFFFE0]  }
0x50c: {  	v8 =	vld [tilespmem:s31+$0xFFFFFFF0];
	v2 =	vmul.f32 v2, v0;
	v3 =	vmul.f32 v3, v0  }
0x50d: {  	v9 =	vld [tilespmem:s31+$0xFFFFFF90];
	v4 =	vmul.f32 v4, v0  }
0x50e: {  	v2 =	vadd.f32 v2, v1;
	v3 =	vadd.f32 v3, v1  }
0x50f: {  	v5 =	vmul.f32 v5, v0;
	v11 =	vadd.f32 v4, v1;
	v4 =	vmul.f32 v6, v0  }
0x510: {  	p1 =	por $0x1, $0x1;
	v2 =	vtrunc.f32 v2;
	v10 =	vtrunc.f32 v3  }
.Ltmp49:
0x511: {  	v3 =	vadd.f32 v5, v1;
	v5 =	vmul.f32 v7, v0;
	v7 =	vmul.f32 v8, v0;
	(pc) =	sbr.rel @!p1 .LBB2_85-.Ltmp49, $4  }
0x512: {  	v6 =	vadd.f32 v4, v1;
	v8 =	vmul.f32 v9, v0;
	v2 =	vcvt.f32.s32 v2  }
0x513: {  	v14 =	vtrunc.f32 v11;
	v5 =	vadd.f32 v5, v1;
	v13 =	vtrunc.f32 v3  }
0x514: {  	p2 =	por $0x0, $0x0;
	v16 =	vadd.f32 v7, v1;
	v17 =	vadd.f32 v8, v1;
	vm15 =	vlt.s32 v2, $0x3FFF  }
0x515: {  	p0 =	por $0x0, $0x0;
	s0 =	simm.s32 $0x87F0;
	s28 =	simm.s32 $0x103F0;
	v12 =	vtrunc.f32 v6;
	v4 =	vnsel vm15, $0x3FFF, v2;
	v11 =	vtrunc.f32 v5  }
0x516: {  	v5 =	vld [tilespmem:s0+$0x0];
	v6 =	vcvt.f32.s32 v10  }
0x517: {  	v3 =	vtrunc.f32 v16;
	v7 =	vld [tilespmem:s0+$0xFFFFFFA0];
	v2 =	vtrunc.f32 v17  }
0x518: {  	v8 =	vcvt.f32.s32 v14;
	v10 =	vcvt.f32.s32 v13;
	v13 =	vld [tilespmem:s0+$0xFFFFFFB0]  }
0x519: {  	v12 =	vcvt.f32.s32 v12;
	v14 =	vld [tilespmem:s0+$0xFFFFFFD0];
	v9 =	vcvt.f32.s32 v2  }
0x51a: {  	v17 =	vld [tilespmem:s0+$0xFFFFFF90];
	v2 =	vcvt.f32.s32 v11;
	v3 =	vcvt.f32.s32 v3;
	vm2 =	vlt.s32 v6, $0x3FFF  }
0x51b: {  	v11 =	vld [tilespmem:s0+$0xFFFFFFC0];
	vm3 =	vlt.s32 v8, $0x3FFF;
	vm4 =	vlt.s32 v10, $0x3FFF;
	vm5 =	vlt.s32 v12, $0x3FFF  }
0x51c: {  	vm1 =	vlt.s32 v9, $0x3FFF;
	vm0 =	vlt.s32 v2, $0x3FFF;
	v6 =	vnsel vm2, $0x3FFF, v6  }
0x51d: {  	v15 =	vld [tilespmem:s0+$0xFFFFFFE0];
	v8 =	vnsel vm3, $0x3FFF, v8;
	v5 =	vmul.f32 v5, v0;
	v7 =	vmul.f32 v7, v0  }
0x51e: {  	v16 =	vld [tilespmem:s0+$0xFFFFFFF0];
	v19 =	vnsel vm5, $0x3FFF, v12;
	v9 =	vnsel vm1, $0x3FFF, v9;
	v13 =	vmul.f32 v13, v0  }
0x51f: {  	v12 =	vld.idx.msk [tilespmem:v4+s3+$0x0], $0xffff;
	v4 =	vmul.f32 v14, v0;
	v5 =	vadd.f32 v5, v1;
	v7 =	vadd.f32 v7, v1  }
0x520: {  	v18 =	vnsel vm4, $0x3FFF, v10;
	v17 =	vmul.f32 v17, v0;
	v11 =	vmul.f32 v11, v0  }
0x521: {  	p3 =	por $0x1, $0x1;
	v13 =	vadd.f32 v13, v1;
	v5 =	vtrunc.f32 v5;
	v10 =	vtrunc.f32 v7  }
.Ltmp50:
0x522: {  	v17 =	vadd.f32 v17, v1;
	v6 =	vld.idx.msk [tilespmem:v6+s3+$0x0], $0xffff;
	v7 =	vmul.f32 v15, v0;
	v14 =	vcvt.f32.s32 v5;
	(pc) =	sbr.rel @!p3 .LBB2_87-.Ltmp50, $4  }
0x523: {  	vm1 =	vlt.s32 v3, $0x3FFF;
	v11 =	vadd.f32 v11, v1;
	v5 =	vld.idx.msk [tilespmem:v9+s3+$0x0], $0xffff;
	v9 =	vadd.f32 v4, v1  }
0x524: {  	v15 =	vmul.f32 v16, v0;
	v20 =	vadd.f32 v7, v1;
	v7 =	vld.idx.msk [tilespmem:v8+s3+$0x0], $0xffff;
	vm2 =	vlt.s32 v14, $0x3FFF  }
0x525: {  	[tilespmem:s28+$0x0] =	vst v12;
	v8 =	vld.idx.msk [tilespmem:v18+s3+$0x0], $0xffff;
	v12 =	vtrunc.f32 v9;
	v4 =	vnsel vm2, $0x3FFF, v14;
	v14 =	vtrunc.f32 v13  }
0x526: {  	p2 =	por $0x1, $0x1;
	s0 =	simm.s32 $0x8BF0;
	v16 =	vadd.f32 v15, v1;
	v9 =	vld.idx.msk [tilespmem:v19+s3+$0x0], $0xffff;
	v13 =	vtrunc.f32 v11;
	v11 =	vtrunc.f32 v20  }
0x527: {  	_ =	sdelay $0x1  }
0x528: {  	v15 =	vld [tilespmem:s0+$0x0];
	v10 =	vcvt.f32.s32 v10  }
0x529: {  	v18 =	vnsel vm0, $0x3FFF, v2;
	v19 =	vld [tilespmem:s0+$0xFFFFFFA0];
	v2 =	vtrunc.f32 v17;
	v14 =	vcvt.f32.s32 v14  }
0x52a: {  	v13 =	vcvt.f32.s32 v13;
	v21 =	vld.idx.msk [tilespmem:v4+s3+$0x0], $0xffff;
	v12 =	vcvt.f32.s32 v12  }
0x52b: {  	v17 =	vnsel vm1, $0x3FFF, v3;
	v4 =	vld [tilespmem:s0+$0xFFFFFFB0];
	v16 =	vtrunc.f32 v16;
	v20 =	vcvt.f32.s32 v2  }
0x52c: {  	v23 =	vld [tilespmem:s0+$0xFFFFFFE0];
	v2 =	vcvt.f32.s32 v11;
	vm1 =	vlt.s32 v10, $0x3FFF;
	vm2 =	vlt.s32 v14, $0x3FFF  }
0x52d: {  	v11 =	vld [tilespmem:s0+$0xFFFFFFC0];
	vm3 =	vlt.s32 v13, $0x3FFF;
	v3 =	vcvt.f32.s32 v16;
	vm4 =	vlt.s32 v12, $0x3FFF  }
0x52e: {  	v16 =	vld [tilespmem:s0+$0xFFFFFFD0];
	vm0 =	vlt.s32 v20, $0x3FFF;
	v22 =	vnsel vm1, $0x3FFF, v10;
	v15 =	vmul.f32 v15, v0  }
0x52f: {  	v24 =	vld [tilespmem:s0+$0xFFFFFFF0];
	v14 =	vnsel vm2, $0x3FFF, v14;
	v25 =	vnsel vm3, $0x3FFF, v13;
	v26 =	vnsel vm4, $0x3FFF, v12  }
0x530: {  	[tilespmem:s28+$0xFFFFFFA0] =	vst v6;
	v12 =	vld [tilespmem:s0+$0xFFFFFF90];
	v20 =	vnsel vm0, $0x3FFF, v20;
	v19 =	vmul.f32 v19, v0;
	v10 =	vadd.f32 v15, v1  }
0x531: {  	[tilespmem:s28+$0xFFFFFFB0] =	vst v7;
	vm0 =	vlt.s32 v2, $0x3FFF;
	v4 =	vmul.f32 v4, v0;
	v7 =	vmul.f32 v23, v0  }
0x532: {  	[tilespmem:s28+$0xFFFFFF90] =	vst v5;
	v18 =	vld.idx.msk [tilespmem:v18+s3+$0x0], $0xffff;
	v11 =	vmul.f32 v11, v0;
	v5 =	vadd.f32 v19, v1;
	v10 =	vtrunc.f32 v10  }
0x533: {  	p4 =	por $0x1, $0x1;
	[tilespmem:s28+$0xFFFFFFC0] =	vst v8;
	v13 =	vadd.f32 v4, v1;
	v4 =	vmul.f32 v16, v0;
	v15 =	vld.idx.msk [tilespmem:v17+s3+$0x0], $0xffff;
	v16 =	vcvt.f32.s32 v10  }
.Ltmp51:
0x534: {  	v8 =	vmul.f32 v24, v0;
	v63 =	vadd.f32 v7, v1;
	v11 =	vadd.f32 v11, v1;
	v6 =	vld.idx.msk [tilespmem:v22+s3+$0x0], $0xffff;
	(pc) =	sbr.rel @!p4 .LBB2_89-.Ltmp51, $4  }
0x535: {  	[tilespmem:s28+$0xFFFFFFD0] =	vst v9;
	v9 =	vmul.f32 v12, v0;
	v10 =	vtrunc.f32 v5;
	v5 =	vld.idx.msk [tilespmem:v20+s3+$0x0], $0xffff;
	vm2 =	vlt.s32 v16, $0x3FFF  }
0x536: {  	s29 =	simm.s32 $0x107F0;
	v7 =	vld.idx.msk [tilespmem:v14+s3+$0x0], $0xffff;
	v19 =	vadd.f32 v4, v1;
	v14 =	vtrunc.f32 v13;
	v4 =	vnsel vm2, $0x3FFF, v16  }
0x537: {  	s31 =	simm.s32 $0x10;
	[tilespmem:s29+$0x0] =	vst v21;
	v13 =	vtrunc.f32 v11;
	v17 =	vadd.f32 v9, v1;
	v9 =	vld.idx.msk [tilespmem:v26+s3+$0x0], $0xffff;
	v16 =	vadd.f32 v8, v1  }
0x538: {  	p3 =	por $0x1, $0x1;
	s30 =	simm.s32 $0x103F0;
	s0 =	simm.s32 $0x8FF0;
	vm1 =	vlt.s32 v3, $0x3FFF;
	v11 =	vtrunc.f32 v63;
	[tilespmem:s28+$0xFFFFFFE0] =	vst v18;
	v12 =	vtrunc.f32 v19;
	v8 =	vld.idx.msk [tilespmem:v25+s3+$0x0], $0xffff  }
.LBB2_90:
0x539: {  	v18 =	vld [tilespmem:s0+$0x0];
	s31 =	sadd.s32 $0x8, s31;
	v10 =	vcvt.f32.s32 v10;
	v16 =	vtrunc.f32 v16;
	v19 =	vnsel vm0, $0x3FFF, v2;
	[tilespmem:s30+$0xFFFFFFF0] =	vst v15;
	s30 =	smov.u32 s29  }
0x53a: {  	v14 =	vcvt.f32.s32 v14;
	v15 =	vld [tilespmem:s0+$0xFFFFFFA0];
	p4 =	slt.u32 s31, $0x78;
	v2 =	vtrunc.f32 v17;
	[tilespmem:s29+$0xFFFFFF90] =	vst v5;
	v5 =	vnsel vm1, $0x3FFF, v3  }
0x53b: {  	v13 =	vcvt.f32.s32 v13;
	v17 =	vcvt.f32.s32 v2;
	vm2 =	vlt.s32 v10, $0x3FFF;
	v4 =	vld.idx.msk [tilespmem:v4+s3+$0x0], $0xffff;
	[tilespmem:s29+$0xFFFFFFA0] =	vst v6  }
0x53c: {  	v12 =	vcvt.f32.s32 v12;
	vm3 =	vlt.s32 v14, $0x3FFF;
	v2 =	vcvt.f32.s32 v11;
	v6 =	vld [tilespmem:s0+$0xFFFFFFB0];
	[tilespmem:s29+$0xFFFFFFB0] =	vst v7  }
0x53d: {  	v3 =	vcvt.f32.s32 v16;
	vm4 =	vlt.s32 v13, $0x3FFF;
	v7 =	vld [tilespmem:s0+$0xFFFFFFC0];
	vm1 =	vlt.s32 v17, $0x3FFF;
	[tilespmem:s29+$0xFFFFFFC0] =	vst v8  }
0x53e: {  	vm5 =	vlt.s32 v12, $0x3FFF;
	vm0 =	vlt.s32 v2, $0x3FFF;
	v8 =	vld [tilespmem:s0+$0xFFFFFFD0];
	v11 =	vmul.f32 v18, v0;
	[tilespmem:s29+$0xFFFFFFD0] =	vst v9  }
0x53f: {  	v17 =	vnsel vm1, $0x3FFF, v17;
	vm1 =	vlt.s32 v3, $0x3FFF;
	v9 =	vmul.f32 v15, v0;
	v16 =	vld [tilespmem:s0+$0xFFFFFFE0]  }
0x540: {  	v20 =	vnsel vm2, $0x3FFF, v10;
	v14 =	vnsel vm3, $0x3FFF, v14;
	s29 =	sadd.s32 $0x400, s29;
	v18 =	vld [tilespmem:s0+$0xFFFFFFF0];
	v11 =	vadd.f32 v11, v1  }
0x541: {  	v22 =	vnsel vm4, $0x3FFF, v13;
	v21 =	vld [tilespmem:s0+$0xFFFFFF90];
	v9 =	vadd.f32 v9, v1;
	v6 =	vmul.f32 v6, v0;
	[tilespmem:s29+$0x0] =	vst v4  }
0x542: {  	v23 =	vnsel vm5, $0x3FFF, v12;
	v4 =	vmul.f32 v7, v0;
	v7 =	vtrunc.f32 v11;
	v19 =	vld.idx.msk [tilespmem:v19+s3+$0x0], $0xffff  }
0x543: {  	v11 =	vadd.f32 v6, v1;
	v6 =	vmul.f32 v8, v0;
	v7 =	vcvt.f32.s32 v7;
	v15 =	vld.idx.msk [tilespmem:v5+s3+$0x0], $0xffff  }
.Ltmp52:
0x544: {  	v10 =	vtrunc.f32 v9;
	v8 =	vadd.f32 v4, v1;
	v4 =	vmul.f32 v16, v0;
	v5 =	vld.idx.msk [tilespmem:v17+s3+$0x0], $0xffff;
	(pc) =	sbr.rel @p4 .LBB2_90-.Ltmp52, $4  }
0x545: {  	v9 =	vadd.f32 v6, v1;
	v12 =	vmul.f32 v18, v0;
	vm2 =	vlt.s32 v7, $0x3FFF;
	v6 =	vld.idx.msk [tilespmem:v20+s3+$0x0], $0xffff  }
0x546: {  	v17 =	vmul.f32 v21, v0;
	v18 =	vadd.f32 v4, v1;
	v4 =	vnsel vm2, $0x3FFF, v7;
	v7 =	vld.idx.msk [tilespmem:v14+s3+$0x0], $0xffff  }
0x547: {  	v14 =	vtrunc.f32 v11;
	v13 =	vtrunc.f32 v8;
	v16 =	vadd.f32 v12, v1;
	v8 =	vld.idx.msk [tilespmem:v22+s3+$0x0], $0xffff  }
0x548: {  	s0 =	sadd.s32 $0x400, s0;
	v12 =	vtrunc.f32 v9;
	v17 =	vadd.f32 v17, v1;
	v11 =	vtrunc.f32 v18;
	v9 =	vld.idx.msk [tilespmem:v23+s3+$0x0], $0xffff;
	[tilespmem:s30+$0xFFFFFFE0] =	vst v19  }
.LBB2_91:
0x549: {  	v2 =	vnsel @p2 vm0, $0x3FFF, v2;
	v10 =	vcvt.f32.s32 v10  }
0x54a: {  	v3 =	vnsel @p2 vm1, $0x3FFF, v3;
	v14 =	vcvt.f32.s32 v14;
	v13 =	vcvt.f32.s32 v13  }
0x54b: {  	v12 =	vcvt.f32.s32 v12;
	v17 =	vtrunc.f32 v17;
	vm9 =	vlt.s32 v10, $0x3FFF  }
0x54c: {  	v17 =	vcvt.f32.s32 v17;
	vm10 =	vlt.s32 v14, $0x3FFF;
	v10 =	vnsel vm9, $0x3FFF, v10  }
0x54d: {  	v4 =	vld.idx.msk [tilespmem:v4+s3+$0x0], $0xffff;
	[tilespmem:s29+$0xFFFFFF90] =	vst @p2 v5;
	v5 =	vcvt.f32.s32 v11;
	vm11 =	vlt.s32 v13, $0x3FFF;
	v11 =	vnsel vm10, $0x3FFF, v14  }
0x54e: {  	v16 =	vtrunc.f32 v16;
	[tilespmem:s30+$0xFFFFFFF0] =	vst @p3 v15;
	v13 =	vnsel vm11, $0x3FFF, v13;
	vm8 =	vlt.s32 v17, $0x3FFF;
	v2 =	vld.idx.msk @p2 [tilespmem:v2+s3+$0x0], $0xffff  }
0x54f: {  	[tilespmem:s29+$0xFFFFFFA0] =	vst @p2 v6;
	v6 =	vcvt.f32.s32 v16;
	vm12 =	vlt.s32 v12, $0x3FFF;
	v17 =	vnsel vm8, $0x3FFF, v17;
	v3 =	vld.idx.msk @p2 [tilespmem:v3+s3+$0x0], $0xffff  }
0x550: {  	s0 =	sadd.s32 @p2 $0x400, s29;
	[tilespmem:s29+$0xFFFFFFB0] =	vst @p2 v7;
	vm13 =	vlt.s32 v5, $0x3FFF;
	v7 =	vnsel vm12, $0x3FFF, v12  }
0x551: {  	s28 =	smov.u32 @p2 s0;
	vm14 =	vlt.s32 v6, $0x3FFF;
	v5 =	vnsel vm13, $0x3FFF, v5;
	[tilespmem:s29+$0xFFFFFFD0] =	vst @p2 v9;
	v9 =	vld.idx.msk [tilespmem:v10+s3+$0x0], $0xffff  }
0x552: {  	v6 =	vnsel vm14, $0x3FFF, v6;
	[tilespmem:s28+$0x0] =	vst v4;
	v4 =	vld.idx.msk [tilespmem:v11+s3+$0x0], $0xffff  }
0x553: {  	s0 =	smov.u32 @p2 s29;
	[tilespmem:s29+$0xFFFFFFC0] =	vst @p2 v8;
	v10 =	vld.idx.msk [tilespmem:v13+s3+$0x0], $0xffff  }
0x554: {  	v8 =	vld.idx.msk [tilespmem:v17+s3+$0x0], $0xffff;
	[tilespmem:s0+$0xFFFFFFE0] =	vst @p2 v2;
	v2 =	vpsel p2, v3, v0;
	s0 =	smov.u32 @p2 s0  }
0x555: {  	v3 =	vld.idx.msk [tilespmem:v7+s3+$0x0], $0xffff;
	[tilespmem:s0+$0xFFFFFFF0] =	vst @p2 v2  }
0x556: {  	v2 =	vld.idx.msk [tilespmem:v5+s3+$0x0], $0xffff;
	[tilespmem:s28+$0xFFFFFFA0] =	vst v9  }
0x557: {  	v5 =	vld.idx.msk [tilespmem:v6+s3+$0x0], $0xffff;
	[tilespmem:s28+$0xFFFFFFB0] =	vst v4  }
0x558: {  	[tilespmem:s28+$0xFFFFFFC0] =	vst v10  }
0x559: {  	[tilespmem:s28+$0xFFFFFF90] =	vst v8  }
0x55a: {  	[tilespmem:s28+$0xFFFFFFD0] =	vst v3  }
0x55b: {  	[tilespmem:s28+$0xFFFFFFE0] =	vst v2  }
0x55c: {  	s31 =	simm.s32 $0x8470;
	[tilespmem:s28+$0xFFFFFFF0] =	vst v5  }
0x55d: {  	v2 =	vld [tilespmem:s31+$0x0]  }
0x55e: {  	v3 =	vld [tilespmem:s31+$0xFFFFFFA0]  }
0x55f: {  	v4 =	vld [tilespmem:s31+$0xFFFFFFB0]  }
0x560: {  	v5 =	vld [tilespmem:s31+$0xFFFFFFC0]  }
0x561: {  	v6 =	vld [tilespmem:s31+$0xFFFFFFD0]  }
0x562: {  	v7 =	vld [tilespmem:s31+$0xFFFFFFE0]  }
0x563: {  	v8 =	vld [tilespmem:s31+$0xFFFFFFF0];
	v2 =	vmul.f32 v2, v0;
	v3 =	vmul.f32 v3, v0  }
0x564: {  	v9 =	vld [tilespmem:s31+$0xFFFFFF90];
	v4 =	vmul.f32 v4, v0  }
0x565: {  	v2 =	vadd.f32 v2, v1;
	v3 =	vadd.f32 v3, v1  }
0x566: {  	v5 =	vmul.f32 v5, v0;
	v11 =	vadd.f32 v4, v1;
	v4 =	vmul.f32 v6, v0  }
0x567: {  	v2 =	vtrunc.f32 v2;
	v10 =	vtrunc.f32 v3  }
.Ltmp53:
0x568: {  	v3 =	vadd.f32 v5, v1;
	v5 =	vmul.f32 v7, v0;
	v7 =	vmul.f32 v8, v0;
	(pc) =	sbr.rel @!p1 .LBB2_92-.Ltmp53, $4  }
0x569: {  	v6 =	vadd.f32 v4, v1;
	v8 =	vmul.f32 v9, v0;
	v2 =	vcvt.f32.s32 v2  }
0x56a: {  	v14 =	vtrunc.f32 v11;
	v5 =	vadd.f32 v5, v1;
	v12 =	vtrunc.f32 v3  }
0x56b: {  	v16 =	vadd.f32 v7, v1;
	v17 =	vadd.f32 v8, v1;
	vm15 =	vlt.s32 v2, $0x3FFF  }
0x56c: {  	s0 =	simm.s32 $0x8870;
	s28 =	simm.s32 $0x10470;
	v13 =	vtrunc.f32 v6;
	v4 =	vnsel vm15, $0x3FFF, v2;
	v11 =	vtrunc.f32 v5  }
0x56d: {  	v5 =	vld [tilespmem:s0+$0x0];
	v6 =	vcvt.f32.s32 v10  }
0x56e: {  	v3 =	vtrunc.f32 v16;
	v7 =	vld [tilespmem:s0+$0xFFFFFFA0];
	v2 =	vtrunc.f32 v17  }
0x56f: {  	v8 =	vcvt.f32.s32 v14;
	v10 =	vcvt.f32.s32 v12;
	v12 =	vld [tilespmem:s0+$0xFFFFFFB0]  }
0x570: {  	v13 =	vcvt.f32.s32 v13;
	v14 =	vld [tilespmem:s0+$0xFFFFFFD0];
	v9 =	vcvt.f32.s32 v2  }
0x571: {  	v17 =	vld [tilespmem:s0+$0xFFFFFF90];
	v2 =	vcvt.f32.s32 v11;
	v3 =	vcvt.f32.s32 v3;
	vm2 =	vlt.s32 v6, $0x3FFF  }
0x572: {  	v11 =	vld [tilespmem:s0+$0xFFFFFFC0];
	vm3 =	vlt.s32 v8, $0x3FFF;
	vm4 =	vlt.s32 v10, $0x3FFF;
	vm5 =	vlt.s32 v13, $0x3FFF  }
0x573: {  	vm1 =	vlt.s32 v9, $0x3FFF;
	vm0 =	vlt.s32 v2, $0x3FFF;
	v6 =	vnsel vm2, $0x3FFF, v6  }
0x574: {  	v15 =	vld [tilespmem:s0+$0xFFFFFFE0];
	v8 =	vnsel vm3, $0x3FFF, v8;
	v5 =	vmul.f32 v5, v0;
	v7 =	vmul.f32 v7, v0  }
0x575: {  	v16 =	vld [tilespmem:s0+$0xFFFFFFF0];
	v19 =	vnsel vm5, $0x3FFF, v13;
	v9 =	vnsel vm1, $0x3FFF, v9;
	v12 =	vmul.f32 v12, v0  }
0x576: {  	v13 =	vld.idx.msk [tilespmem:v4+s3+$0x0], $0xffff;
	v4 =	vmul.f32 v14, v0;
	v5 =	vadd.f32 v5, v1;
	v7 =	vadd.f32 v7, v1  }
0x577: {  	v18 =	vnsel vm4, $0x3FFF, v10;
	v17 =	vmul.f32 v17, v0;
	v11 =	vmul.f32 v11, v0  }
0x578: {  	p2 =	por $0x1, $0x1;
	v12 =	vadd.f32 v12, v1;
	v5 =	vtrunc.f32 v5;
	v10 =	vtrunc.f32 v7  }
.Ltmp54:
0x579: {  	v17 =	vadd.f32 v17, v1;
	v6 =	vld.idx.msk [tilespmem:v6+s3+$0x0], $0xffff;
	v7 =	vmul.f32 v15, v0;
	v14 =	vcvt.f32.s32 v5;
	(pc) =	sbr.rel @!p2 .LBB2_94-.Ltmp54, $4  }
0x57a: {  	vm1 =	vlt.s32 v3, $0x3FFF;
	v11 =	vadd.f32 v11, v1;
	v5 =	vld.idx.msk [tilespmem:v9+s3+$0x0], $0xffff;
	v9 =	vadd.f32 v4, v1  }
0x57b: {  	v15 =	vmul.f32 v16, v0;
	v20 =	vadd.f32 v7, v1;
	v7 =	vld.idx.msk [tilespmem:v8+s3+$0x0], $0xffff;
	vm2 =	vlt.s32 v14, $0x3FFF  }
0x57c: {  	[tilespmem:s28+$0x0] =	vst v13;
	v8 =	vld.idx.msk [tilespmem:v18+s3+$0x0], $0xffff;
	v13 =	vtrunc.f32 v9;
	v4 =	vnsel vm2, $0x3FFF, v14;
	v14 =	vtrunc.f32 v12  }
0x57d: {  	p1 =	por $0x1, $0x1;
	s0 =	simm.s32 $0x8C70;
	v16 =	vadd.f32 v15, v1;
	v9 =	vld.idx.msk [tilespmem:v19+s3+$0x0], $0xffff;
	v12 =	vtrunc.f32 v11;
	v11 =	vtrunc.f32 v20  }
0x57e: {  	_ =	sdelay $0x1  }
0x57f: {  	v15 =	vld [tilespmem:s0+$0x0];
	v10 =	vcvt.f32.s32 v10  }
0x580: {  	v18 =	vnsel vm0, $0x3FFF, v2;
	v19 =	vld [tilespmem:s0+$0xFFFFFFA0];
	v2 =	vtrunc.f32 v17;
	v14 =	vcvt.f32.s32 v14  }
0x581: {  	v12 =	vcvt.f32.s32 v12;
	v21 =	vld.idx.msk [tilespmem:v4+s3+$0x0], $0xffff;
	v13 =	vcvt.f32.s32 v13  }
0x582: {  	v17 =	vnsel vm1, $0x3FFF, v3;
	v4 =	vld [tilespmem:s0+$0xFFFFFFB0];
	v16 =	vtrunc.f32 v16;
	v20 =	vcvt.f32.s32 v2  }
0x583: {  	v23 =	vld [tilespmem:s0+$0xFFFFFFE0];
	v2 =	vcvt.f32.s32 v11;
	vm1 =	vlt.s32 v10, $0x3FFF;
	vm2 =	vlt.s32 v14, $0x3FFF  }
0x584: {  	v11 =	vld [tilespmem:s0+$0xFFFFFFC0];
	vm3 =	vlt.s32 v12, $0x3FFF;
	v3 =	vcvt.f32.s32 v16;
	vm4 =	vlt.s32 v13, $0x3FFF  }
0x585: {  	v16 =	vld [tilespmem:s0+$0xFFFFFFD0];
	vm0 =	vlt.s32 v20, $0x3FFF;
	v22 =	vnsel vm1, $0x3FFF, v10;
	v15 =	vmul.f32 v15, v0  }
0x586: {  	v24 =	vld [tilespmem:s0+$0xFFFFFFF0];
	v14 =	vnsel vm2, $0x3FFF, v14;
	v25 =	vnsel vm3, $0x3FFF, v12;
	v26 =	vnsel vm4, $0x3FFF, v13  }
0x587: {  	[tilespmem:s28+$0xFFFFFFA0] =	vst v6;
	v12 =	vld [tilespmem:s0+$0xFFFFFF90];
	v20 =	vnsel vm0, $0x3FFF, v20;
	v19 =	vmul.f32 v19, v0;
	v10 =	vadd.f32 v15, v1  }
0x588: {  	[tilespmem:s28+$0xFFFFFFB0] =	vst v7;
	vm0 =	vlt.s32 v2, $0x3FFF;
	v4 =	vmul.f32 v4, v0;
	v7 =	vmul.f32 v23, v0  }
0x589: {  	[tilespmem:s28+$0xFFFFFF90] =	vst v5;
	v18 =	vld.idx.msk [tilespmem:v18+s3+$0x0], $0xffff;
	v11 =	vmul.f32 v11, v0;
	v5 =	vadd.f32 v19, v1;
	v10 =	vtrunc.f32 v10  }
0x58a: {  	p2 =	por $0x1, $0x1;
	[tilespmem:s28+$0xFFFFFFC0] =	vst v8;
	v13 =	vadd.f32 v4, v1;
	v4 =	vmul.f32 v16, v0;
	v15 =	vld.idx.msk [tilespmem:v17+s3+$0x0], $0xffff;
	v16 =	vcvt.f32.s32 v10  }
.Ltmp55:
0x58b: {  	v8 =	vmul.f32 v24, v0;
	v63 =	vadd.f32 v7, v1;
	v11 =	vadd.f32 v11, v1;
	v6 =	vld.idx.msk [tilespmem:v22+s3+$0x0], $0xffff;
	(pc) =	sbr.rel @!p2 .LBB2_96-.Ltmp55, $4  }
0x58c: {  	[tilespmem:s28+$0xFFFFFFD0] =	vst v9;
	v9 =	vmul.f32 v12, v0;
	v10 =	vtrunc.f32 v5;
	v5 =	vld.idx.msk [tilespmem:v20+s3+$0x0], $0xffff;
	vm2 =	vlt.s32 v16, $0x3FFF  }
0x58d: {  	s29 =	simm.s32 $0x10870;
	v7 =	vld.idx.msk [tilespmem:v14+s3+$0x0], $0xffff;
	v19 =	vadd.f32 v4, v1;
	v14 =	vtrunc.f32 v13;
	v4 =	vnsel vm2, $0x3FFF, v16  }
0x58e: {  	s31 =	simm.s32 $0x10;
	[tilespmem:s29+$0x0] =	vst v21;
	v12 =	vtrunc.f32 v11;
	v17 =	vadd.f32 v9, v1;
	v9 =	vld.idx.msk [tilespmem:v26+s3+$0x0], $0xffff;
	v16 =	vadd.f32 v8, v1  }
0x58f: {  	p0 =	por $0x1, $0x1;
	s30 =	simm.s32 $0x10470;
	s0 =	simm.s32 $0x9070;
	vm1 =	vlt.s32 v3, $0x3FFF;
	v11 =	vtrunc.f32 v63;
	[tilespmem:s28+$0xFFFFFFE0] =	vst v18;
	v13 =	vtrunc.f32 v19;
	v8 =	vld.idx.msk [tilespmem:v25+s3+$0x0], $0xffff  }
.LBB2_97:
0x590: {  	v18 =	vld [tilespmem:s0+$0x0];
	s31 =	sadd.s32 $0x8, s31;
	v10 =	vcvt.f32.s32 v10;
	v16 =	vtrunc.f32 v16;
	v19 =	vnsel vm0, $0x3FFF, v2;
	[tilespmem:s30+$0xFFFFFFF0] =	vst v15;
	s30 =	smov.u32 s29  }
0x591: {  	v14 =	vcvt.f32.s32 v14;
	v15 =	vld [tilespmem:s0+$0xFFFFFFA0];
	p2 =	slt.u32 s31, $0x78;
	v2 =	vtrunc.f32 v17;
	[tilespmem:s29+$0xFFFFFF90] =	vst v5;
	v5 =	vnsel vm1, $0x3FFF, v3  }
0x592: {  	v12 =	vcvt.f32.s32 v12;
	v17 =	vcvt.f32.s32 v2;
	vm2 =	vlt.s32 v10, $0x3FFF;
	v4 =	vld.idx.msk [tilespmem:v4+s3+$0x0], $0xffff;
	[tilespmem:s29+$0xFFFFFFA0] =	vst v6  }
0x593: {  	v13 =	vcvt.f32.s32 v13;
	vm3 =	vlt.s32 v14, $0x3FFF;
	v2 =	vcvt.f32.s32 v11;
	v6 =	vld [tilespmem:s0+$0xFFFFFFB0];
	[tilespmem:s29+$0xFFFFFFB0] =	vst v7  }
0x594: {  	v3 =	vcvt.f32.s32 v16;
	vm4 =	vlt.s32 v12, $0x3FFF;
	v7 =	vld [tilespmem:s0+$0xFFFFFFC0];
	vm1 =	vlt.s32 v17, $0x3FFF;
	[tilespmem:s29+$0xFFFFFFC0] =	vst v8  }
0x595: {  	vm5 =	vlt.s32 v13, $0x3FFF;
	vm0 =	vlt.s32 v2, $0x3FFF;
	v8 =	vld [tilespmem:s0+$0xFFFFFFD0];
	v11 =	vmul.f32 v18, v0;
	[tilespmem:s29+$0xFFFFFFD0] =	vst v9  }
0x596: {  	v17 =	vnsel vm1, $0x3FFF, v17;
	vm1 =	vlt.s32 v3, $0x3FFF;
	v9 =	vmul.f32 v15, v0;
	v16 =	vld [tilespmem:s0+$0xFFFFFFE0]  }
0x597: {  	v20 =	vnsel vm2, $0x3FFF, v10;
	v14 =	vnsel vm3, $0x3FFF, v14;
	s29 =	sadd.s32 $0x400, s29;
	v18 =	vld [tilespmem:s0+$0xFFFFFFF0];
	v11 =	vadd.f32 v11, v1  }
0x598: {  	v22 =	vnsel vm4, $0x3FFF, v12;
	v21 =	vld [tilespmem:s0+$0xFFFFFF90];
	v9 =	vadd.f32 v9, v1;
	v6 =	vmul.f32 v6, v0;
	[tilespmem:s29+$0x0] =	vst v4  }
0x599: {  	v23 =	vnsel vm5, $0x3FFF, v13;
	v4 =	vmul.f32 v7, v0;
	v7 =	vtrunc.f32 v11;
	v19 =	vld.idx.msk [tilespmem:v19+s3+$0x0], $0xffff  }
0x59a: {  	v11 =	vadd.f32 v6, v1;
	v6 =	vmul.f32 v8, v0;
	v7 =	vcvt.f32.s32 v7;
	v15 =	vld.idx.msk [tilespmem:v5+s3+$0x0], $0xffff  }
.Ltmp56:
0x59b: {  	v10 =	vtrunc.f32 v9;
	v8 =	vadd.f32 v4, v1;
	v4 =	vmul.f32 v16, v0;
	v5 =	vld.idx.msk [tilespmem:v17+s3+$0x0], $0xffff;
	(pc) =	sbr.rel @p2 .LBB2_97-.Ltmp56, $4  }
0x59c: {  	v9 =	vadd.f32 v6, v1;
	v13 =	vmul.f32 v18, v0;
	vm2 =	vlt.s32 v7, $0x3FFF;
	v6 =	vld.idx.msk [tilespmem:v20+s3+$0x0], $0xffff  }
0x59d: {  	v17 =	vmul.f32 v21, v0;
	v18 =	vadd.f32 v4, v1;
	v4 =	vnsel vm2, $0x3FFF, v7;
	v7 =	vld.idx.msk [tilespmem:v14+s3+$0x0], $0xffff  }
0x59e: {  	v14 =	vtrunc.f32 v11;
	v12 =	vtrunc.f32 v8;
	v16 =	vadd.f32 v13, v1;
	v8 =	vld.idx.msk [tilespmem:v22+s3+$0x0], $0xffff  }
0x59f: {  	s0 =	sadd.s32 $0x400, s0;
	v13 =	vtrunc.f32 v9;
	v17 =	vadd.f32 v17, v1;
	v11 =	vtrunc.f32 v18;
	v9 =	vld.idx.msk [tilespmem:v23+s3+$0x0], $0xffff;
	[tilespmem:s30+$0xFFFFFFE0] =	vst v19  }
.LBB2_98:
0x5a0: {  	v2 =	vnsel @p1 vm0, $0x3FFF, v2;
	v10 =	vcvt.f32.s32 v10  }
0x5a1: {  	v3 =	vnsel @p1 vm1, $0x3FFF, v3;
	v16 =	vtrunc.f32 v16;
	v14 =	vcvt.f32.s32 v14  }
0x5a2: {  	v12 =	vcvt.f32.s32 v12;
	v17 =	vtrunc.f32 v17;
	vm10 =	vlt.s32 v10, $0x3FFF  }
0x5a3: {  	v57 =	vcvt.f32.s32 v16;
	vm11 =	vlt.s32 v14, $0x3FFF;
	v10 =	vnsel vm10, $0x3FFF, v10  }
0x5a4: {  	[tilespmem:s30+$0xFFFFFFF0] =	vst @p0 v15;
	v4 =	vld.idx.msk [tilespmem:v4+s3+$0x0], $0xffff;
	v17 =	vcvt.f32.s32 v17;
	vm12 =	vlt.s32 v12, $0x3FFF;
	v56 =	vnsel vm11, $0x3FFF, v14  }
0x5a5: {  	v13 =	vcvt.f32.s32 v13;
	[tilespmem:s29+$0xFFFFFF90] =	vst @p1 v5;
	v12 =	vnsel vm12, $0x3FFF, v12;
	vm15 =	vlt.s32 v57, $0x3FFF;
	v2 =	vld.idx.msk @p1 [tilespmem:v2+s3+$0x0], $0xffff  }
0x5a6: {  	v55 =	vcvt.f32.s32 v11;
	[tilespmem:s29+$0xFFFFFFA0] =	vst @p1 v6;
	vm9 =	vlt.s32 v17, $0x3FFF;
	v6 =	vnsel vm15, $0x3FFF, v57;
	v3 =	vld.idx.msk @p1 [tilespmem:v3+s3+$0x0], $0xffff  }
0x5a7: {  	vm13 =	vlt.s32 v13, $0x3FFF;
	[tilespmem:s29+$0xFFFFFFB0] =	vst @p1 v7;
	v17 =	vnsel vm9, $0x3FFF, v17  }
0x5a8: {  	s0 =	sadd.s32 @p1 $0x400, s29;
	vm14 =	vlt.s32 v55, $0x3FFF;
	v58 =	vnsel vm13, $0x3FFF, v13;
	[tilespmem:s29+$0xFFFFFFC0] =	vst @p1 v8;
	v60 =	vld.idx.msk [tilespmem:v10+s3+$0x0], $0xffff  }
0x5a9: {  	s28 =	smov.u32 @p1 s0;
	v5 =	vnsel vm14, $0x3FFF, v55;
	[tilespmem:s29+$0xFFFFFFD0] =	vst @p1 v9;
	v61 =	vld.idx.msk [tilespmem:v56+s3+$0x0], $0xffff  }
0x5aa: {  	s0 =	smov.u32 @p1 s29;
	[tilespmem:s28+$0x0] =	vst v4;
	v62 =	vld.idx.msk [tilespmem:v12+s3+$0x0], $0xffff  }
0x5ab: {  	v63 =	vld.idx.msk [tilespmem:v6+s3+$0x0], $0xffff;
	[tilespmem:s0+$0xFFFFFFE0] =	vst @p1 v2;
	v2 =	vpsel p1, v3, v0;
	s0 =	smov.u32 @p1 s0  }
0x5ac: {  	v59 =	vld.idx.msk [tilespmem:v17+s3+$0x0], $0xffff;
	[tilespmem:s0+$0xFFFFFFF0] =	vst @p1 v2  }
0x5ad: {  	v3 =	vld.idx.msk [tilespmem:v58+s3+$0x0], $0xffff;
	[tilespmem:s28+$0xFFFFFFA0] =	vst v60  }
0x5ae: {  	v2 =	vld.idx.msk [tilespmem:v5+s3+$0x0], $0xffff;
	[tilespmem:s28+$0xFFFFFFB0] =	vst v61  }
0x5af: {  	p0 =	seq.s32 s24, $0xF;
	[tilespmem:s28+$0xFFFFFFC0] =	vst v62  }
.Ltmp57:
0x5b0: {  	[tilespmem:s28+$0xFFFFFFF0] =	vst v63;
	(pc) =	sbr.rel @p0 .LBB2_100-.Ltmp57, $4  }
0x5b1: {  	[tilespmem:s28+$0xFFFFFF90] =	vst v59  }
0x5b2: {  	[tilespmem:s28+$0xFFFFFFD0] =	vst v3  }
0x5b3: {  	s31 =	sadd.s32 s12, s26;
	[tilespmem:s28+$0xFFFFFFE0] =	vst v2  }
0x5b4: {  	[hbm4b:s31+s3] =	stream.linear.scatter [tilespmem:s21], [sflag:$0x4], $0x4000, $0x38;
	[tilespmem:$0x14080] =	vst v63  }
.Ltmp58:
0x5b5: {  	(pc) =	sbr.rel .LBB2_2-.Ltmp58, $4  }
0x5b6: {  	s0 =	sadd.s32 s25, s10  }
0x5b7: {  	s0 =	sshll.u32 s0, $0xB  }
0x5b8: {  	s24 =	sadd.s32 $0x1, s24;
	s0 =	sadd.s32 s1, s0  }
0x5b9: {  	[tilespmem:s16], [sflag:$0x2] =	stream.linear.gather [hbm4b:s0+s3], $0x4000, $0x38;
	[tilespmem:$0x14080] =	vst v63  }
.LBB2_7:
.Ltmp59:
0x5ba: {  	(pc) =	sbr.rel .LBB2_13-.Ltmp59, $2  }
0x5bb: {  	_ =	sdelay $0x2  }
0x5bc: {  	s28 =	simm.s32 $0xC1F0;
	p4 =	por $0x0, $0x0  }
.LBB2_14:
.Ltmp60:
0x5bd: {  	(pc) =	sbr.rel .LBB2_20-.Ltmp60, $2  }
0x5be: {  	_ =	sdelay $0x2  }
0x5bf: {  	s28 =	simm.s32 $0xC270;
	p2 =	por $0x0, $0x0  }
.LBB2_21:
.Ltmp61:
0x5c0: {  	(pc) =	sbr.rel .LBB2_27-.Ltmp61, $2  }
0x5c1: {  	_ =	sdelay $0x2  }
0x5c2: {  	s28 =	simm.s32 $0xC2F0;
	p4 =	por $0x0, $0x0  }
.LBB2_28:
.Ltmp62:
0x5c3: {  	(pc) =	sbr.rel .LBB2_34-.Ltmp62, $2  }
0x5c4: {  	_ =	sdelay $0x2  }
0x5c5: {  	s28 =	simm.s32 $0xC370;
	p2 =	por $0x0, $0x0  }
.LBB2_35:
.Ltmp63:
0x5c6: {  	(pc) =	sbr.rel .LBB2_41-.Ltmp63, $2  }
0x5c7: {  	_ =	sdelay $0x2  }
0x5c8: {  	s28 =	simm.s32 $0xC3F0;
	p4 =	por $0x0, $0x0  }
.LBB2_42:
.Ltmp64:
0x5c9: {  	(pc) =	sbr.rel .LBB2_48-.Ltmp64, $2  }
0x5ca: {  	_ =	sdelay $0x2  }
0x5cb: {  	s26 =	simm.s32 $0xC470;
	p2 =	por $0x0, $0x0  }
.LBB2_57:
.Ltmp65:
0x5cc: {  	(pc) =	sbr.rel .LBB2_63-.Ltmp65, $2  }
0x5cd: {  	_ =	sdelay $0x2  }
0x5ce: {  	s29 =	simm.s32 $0x101F0;
	p3 =	por $0x0, $0x0  }
.LBB2_64:
.Ltmp66:
0x5cf: {  	(pc) =	sbr.rel .LBB2_70-.Ltmp66, $2  }
0x5d0: {  	_ =	sdelay $0x2  }
0x5d1: {  	s29 =	simm.s32 $0x10270;
	p1 =	por $0x0, $0x0  }
.LBB2_71:
.Ltmp67:
0x5d2: {  	(pc) =	sbr.rel .LBB2_77-.Ltmp67, $2  }
0x5d3: {  	_ =	sdelay $0x2  }
0x5d4: {  	s29 =	simm.s32 $0x102F0;
	p3 =	por $0x0, $0x0  }
.LBB2_78:
.Ltmp68:
0x5d5: {  	(pc) =	sbr.rel .LBB2_84-.Ltmp68, $2  }
0x5d6: {  	_ =	sdelay $0x2  }
0x5d7: {  	s29 =	simm.s32 $0x10370;
	p1 =	por $0x0, $0x0  }
.LBB2_85:
.Ltmp69:
0x5d8: {  	(pc) =	sbr.rel .LBB2_91-.Ltmp69, $2  }
0x5d9: {  	_ =	sdelay $0x2  }
0x5da: {  	s29 =	simm.s32 $0x103F0;
	p3 =	por $0x0, $0x0  }
.LBB2_92:
.Ltmp70:
0x5db: {  	(pc) =	sbr.rel .LBB2_98-.Ltmp70, $2  }
0x5dc: {  	_ =	sdelay $0x2  }
0x5dd: {  	s29 =	simm.s32 $0x10470;
	p1 =	por $0x0, $0x0  }
.LBB2_9:
.Ltmp71:
0x5de: {  	(pc) =	sbr.rel .LBB2_13-.Ltmp71, $2  }
0x5df: {  	_ =	sdelay $0x2  }
0x5e0: {  	s28 =	simm.s32 $0xC1F0;
	p4 =	por $0x0, $0x0  }
.LBB2_16:
.Ltmp72:
0x5e1: {  	(pc) =	sbr.rel .LBB2_20-.Ltmp72, $2  }
0x5e2: {  	_ =	sdelay $0x2  }
0x5e3: {  	s28 =	simm.s32 $0xC270  }
.LBB2_23:
.Ltmp73:
0x5e4: {  	(pc) =	sbr.rel .LBB2_27-.Ltmp73, $2  }
0x5e5: {  	_ =	sdelay $0x2  }
0x5e6: {  	s28 =	simm.s32 $0xC2F0;
	p4 =	por $0x0, $0x0  }
.LBB2_30:
.Ltmp74:
0x5e7: {  	(pc) =	sbr.rel .LBB2_34-.Ltmp74, $2  }
0x5e8: {  	_ =	sdelay $0x2  }
0x5e9: {  	s28 =	simm.s32 $0xC370  }
.LBB2_37:
.Ltmp75:
0x5ea: {  	(pc) =	sbr.rel .LBB2_41-.Ltmp75, $2  }
0x5eb: {  	_ =	sdelay $0x2  }
0x5ec: {  	s28 =	simm.s32 $0xC3F0;
	p4 =	por $0x0, $0x0  }
.LBB2_44:
.Ltmp76:
0x5ed: {  	(pc) =	sbr.rel .LBB2_48-.Ltmp76, $2  }
0x5ee: {  	_ =	sdelay $0x2  }
0x5ef: {  	s26 =	simm.s32 $0xC470  }
.LBB2_59:
.Ltmp77:
0x5f0: {  	(pc) =	sbr.rel .LBB2_63-.Ltmp77, $2  }
0x5f1: {  	_ =	sdelay $0x2  }
0x5f2: {  	s29 =	simm.s32 $0x101F0;
	p3 =	por $0x0, $0x0  }
.LBB2_66:
.Ltmp78:
0x5f3: {  	(pc) =	sbr.rel .LBB2_70-.Ltmp78, $2  }
0x5f4: {  	_ =	sdelay $0x2  }
0x5f5: {  	s29 =	simm.s32 $0x10270  }
.LBB2_73:
.Ltmp79:
0x5f6: {  	(pc) =	sbr.rel .LBB2_77-.Ltmp79, $2  }
0x5f7: {  	_ =	sdelay $0x2  }
0x5f8: {  	s29 =	simm.s32 $0x102F0;
	p3 =	por $0x0, $0x0  }
.LBB2_80:
.Ltmp80:
0x5f9: {  	(pc) =	sbr.rel .LBB2_84-.Ltmp80, $2  }
0x5fa: {  	_ =	sdelay $0x2  }
0x5fb: {  	s29 =	simm.s32 $0x10370  }
.LBB2_87:
.Ltmp81:
0x5fc: {  	(pc) =	sbr.rel .LBB2_91-.Ltmp81, $2  }
0x5fd: {  	_ =	sdelay $0x2  }
0x5fe: {  	s29 =	simm.s32 $0x103F0;
	p3 =	por $0x0, $0x0  }
.LBB2_94:
.Ltmp82:
0x5ff: {  	(pc) =	sbr.rel .LBB2_98-.Ltmp82, $2  }
0x600: {  	_ =	sdelay $0x2  }
0x601: {  	s29 =	simm.s32 $0x10470  }
.LBB2_11:
.Ltmp83:
0x602: {  	(pc) =	sbr.rel .LBB2_13-.Ltmp83, $2  }
0x603: {  	_ =	sdelay $0x2  }
0x604: {  	s29 =	simm.s32 $0xC1F0  }
.LBB2_18:
.Ltmp84:
0x605: {  	(pc) =	sbr.rel .LBB2_20-.Ltmp84, $2  }
0x606: {  	_ =	sdelay $0x2  }
0x607: {  	s29 =	simm.s32 $0xC270  }
.LBB2_25:
.Ltmp85:
0x608: {  	(pc) =	sbr.rel .LBB2_27-.Ltmp85, $2  }
0x609: {  	_ =	sdelay $0x2  }
0x60a: {  	s29 =	simm.s32 $0xC2F0  }
.LBB2_32:
.Ltmp86:
0x60b: {  	(pc) =	sbr.rel .LBB2_34-.Ltmp86, $2  }
0x60c: {  	_ =	sdelay $0x2  }
0x60d: {  	s29 =	simm.s32 $0xC370  }
.LBB2_39:
.Ltmp87:
0x60e: {  	(pc) =	sbr.rel .LBB2_41-.Ltmp87, $2  }
0x60f: {  	_ =	sdelay $0x2  }
0x610: {  	s29 =	simm.s32 $0xC3F0  }
.LBB2_46:
.Ltmp88:
0x611: {  	(pc) =	sbr.rel .LBB2_48-.Ltmp88, $2  }
0x612: {  	_ =	sdelay $0x2  }
0x613: {  	s29 =	simm.s32 $0xC470  }
.LBB2_61:
.Ltmp89:
0x614: {  	(pc) =	sbr.rel .LBB2_63-.Ltmp89, $2  }
0x615: {  	_ =	sdelay $0x2  }
0x616: {  	s30 =	simm.s32 $0x101F0  }
.LBB2_68:
.Ltmp90:
0x617: {  	(pc) =	sbr.rel .LBB2_70-.Ltmp90, $2  }
0x618: {  	_ =	sdelay $0x2  }
0x619: {  	s30 =	simm.s32 $0x10270  }
.LBB2_75:
.Ltmp91:
0x61a: {  	(pc) =	sbr.rel .LBB2_77-.Ltmp91, $2  }
0x61b: {  	_ =	sdelay $0x2  }
0x61c: {  	s30 =	simm.s32 $0x102F0  }
.LBB2_82:
.Ltmp92:
0x61d: {  	(pc) =	sbr.rel .LBB2_84-.Ltmp92, $2  }
0x61e: {  	_ =	sdelay $0x2  }
0x61f: {  	s30 =	simm.s32 $0x10370  }
.LBB2_89:
.Ltmp93:
0x620: {  	(pc) =	sbr.rel .LBB2_91-.Ltmp93, $2  }
0x621: {  	_ =	sdelay $0x2  }
0x622: {  	s30 =	simm.s32 $0x103F0  }
.LBB2_96:
.Ltmp94:
0x623: {  	(pc) =	sbr.rel .LBB2_98-.Ltmp94, $2  }
0x624: {  	_ =	sdelay $0x2  }
0x625: {  	s30 =	simm.s32 $0x10470  }
.LBB2_101:
0x626: {  	_ =	sfence.sel $0x180000  }
0x627: {  	[bflag:$0x0] =	sbarrier.arrive $0xFFFF  }
0x628: {  	_ =	strace $0x90000047  }
0x629: {  	[bflag:$0x2] =	sbarrier.arrive $0xFFFF  }
0x62a: {  	p0 =	sne.s32 s2, $0x0;
	s0 =	rddreg [dreg:$0x3]  }
0x62b: {  	s0 =	sadd.s32 @!p0 $0x100000, s0  }
0x62c: {  	[sflag:s0] =	ssyncadd.tile.s32 @!p0 $0x1;
	_ =	shalt  }
.Lfunc_end2:
_tile_overlayer_lowered:
.L_overlay_start_2:
0x62d: {  	(tag) =	ssettag $0x2  }
0x62e: {  	s0 =	rddreg [dreg:$0x0];
	s2 =	stileid.u32  }
0x62f: {  	s1 =	rddreg [dreg:$0x1];
	p0 =	sne.s32 s2, $0x0  }
0x630: {  	s3 =	rddreg [dreg:$0x2];
	[bflag:$0x3] =	sbarrier.arrive $0xFFFF;
	s2 =	simm.s32 @!p0 $0x1C05  }
0x631: {  	[timem:s3], [sflag:s2] =	dma.local @!p0 [hbm:s0], s1  }
0x632: {  	s0 =	simm.s32 @!p0 $0x5  }
0x633: {  	_ =	swait.ge @!p0 [sflag:s0], s1  }
0x634: {  	s1 =	ssub.s32 @!p0 $0x0, s1;
	[sflag:s0] =	ssyncset.done @!p0 $0x0  }
0x635: {  	[sflag:s0] =	ssyncadd.s32 @!p0 s1  }
0x636: {  	[bflag:$0x3] =	sbarrier.arrive $0xFFFF  }
0x637: {  	_ =	shalt  }

</sc_bundles>
